<compile_context>
chip_gen: v7x
topology: tpu7x:2x2x1
jax: 0.10.2.dev20260603
libtpu: 0.0.44.dev20260713+nightly
codegen_flags: <defaults>
</compile_context>

<pallas_src>
import functools

import jax
import jax.numpy as jnp
from jax import lax
from jax.experimental import pallas as pl
from jax.experimental.pallas import tpu as pltpu
from jax.experimental.pallas import tpu_sc as plsc

B = 16384
D = 128
NSEG = D // 16
NC = 2
NS = 16
NW = NC * NS
BPW = B // NW
CH = 128
NCH = BPW // CH

_mesh = plsc.VectorSubcoreMesh(
    core_axis_name="c", subcore_axis_name="s", num_cores=NC, num_subcores=NS
)


@functools.partial(
    pl.kernel,
    out_type=jax.ShapeDtypeStruct((B,), jnp.float32),
    mesh=_mesh,
    scratch_types=[
        pltpu.VMEM((NCH, CH), jnp.int32),
        pltpu.VMEM((NCH, CH), jnp.int32),
        pltpu.VMEM((2, CH, D), jnp.float32),
        pltpu.VMEM((2, CH, D), jnp.float32),
        pltpu.VMEM((BPW,), jnp.float32),
        pltpu.VMEM((BPW,), jnp.float32),
        pltpu.VMEM((BPW,), jnp.float32),
        pltpu.VMEM((CH, 17), jnp.float32),
        pltpu.SemaphoreType.DMA,
        pltpu.SemaphoreType.DMA,
        pltpu.SemaphoreType.DMA,
        pltpu.SemaphoreType.DMA,
        pltpu.SemaphoreType.DMA,
    ],
    compiler_params=pltpu.CompilerParams(needs_layout_passes=False),
)
def _mf_sc(user_h, item_h, uemb_h, iemb_h, ubias_h, ibias_h, out_h,
           uidx, iidx, urows, vrows, ubv, ibv, outv, accb,
           sem_u0, sem_u1, sem_v0, sem_v1, sem_b):
    cid = lax.axis_index("c")
    sid = lax.axis_index("s")
    wid = sid * NC + cid
    pltpu.sync_copy(user_h.at[wid], uidx)
    pltpu.sync_copy(item_h.at[wid], iidx)

    sem_u = [sem_u0, sem_u1]
    sem_v = [sem_v0, sem_v1]

    def fire(ch):
        buf = ch % 2
        du = pltpu.async_copy(uemb_h.at[uidx.at[ch]], urows.at[buf], sem_u[buf])
        dv = pltpu.async_copy(iemb_h.at[iidx.at[ch]], vrows.at[buf], sem_v[buf])
        return du, dv

    pending = fire(0)
    bias_dmas = []
    for ch in range(NCH):
        bias_dmas.append(pltpu.async_copy(
            ubias_h.at[uidx.at[ch]], ubv.at[pl.ds(ch * CH, CH)], sem_b))
        bias_dmas.append(pltpu.async_copy(
            ibias_h.at[iidx.at[ch]], ibv.at[pl.ds(ch * CH, CH)], sem_b))

    for ch in range(NCH):
        pending[0].wait()
        pending[1].wait()
        buf = ch % 2
        if ch + 1 < NCH:
            pending = fire(ch + 1)
        ub = urows.at[buf]
        vb = vrows.at[buf]
        lane = lax.iota(jnp.int32, 16)

        def row(r, carry, ub=ub, vb=vb):
            acc = ub[r, pl.ds(0, 16)] * vb[r, pl.ds(0, 16)]
            for s in range(1, NSEG):
                acc = acc + ub[r, pl.ds(s * 16, 16)] * vb[r, pl.ds(s * 16, 16)]
            accb[r, pl.ds(0, 16)] = acc
            return carry

        lax.fori_loop(0, CH, row, 0, unroll=4)

        if ch == 0:
            for d in bias_dmas:
                d.wait()

        def group(g, carry, ch=ch):
            rows16 = g * 16 + lane
            tot = plsc.load_gather(accb, [rows16, jnp.zeros((16,), jnp.int32)])
            for j in range(1, 16):
                tot = tot + plsc.load_gather(
                    accb, [rows16, jnp.full((16,), j, jnp.int32)])
            o = ch * CH + g * 16
            outv[pl.ds(o, 16)] = tot + ubv[pl.ds(o, 16)] + ibv[pl.ds(o, 16)]
            return carry

        lax.fori_loop(0, CH // 16, group, 0)

    pltpu.sync_copy(outv, out_h.at[pl.ds(wid * BPW, BPW)])


def kernel(user, item, user_emb, item_emb, user_bias, item_bias):
    u3 = user.reshape(NW, NCH, CH)
    i3 = item.reshape(NW, NCH, CH)
    return _mf_sc(u3, i3, user_emb, item_emb,
                  user_bias.reshape(-1), item_bias.reshape(-1))

# --- scband reference (transcript-rebuilt; emitter-appended) ---
"""Pipeline reference for scband-mf-29283087024465 (READ-ONLY COPY).

The authoritative reference and input builder live on the scoring server;
editing this copy changes nothing except your own understanding.
"""

import jax, jax.numpy as jnp
import numpy as np

NUM_USER = 100000
NUM_ITEM = 100000
LATENT_DIM = 128
BATCH = 16384


def setup_inputs(seed: int = 0) -> dict:
    key = jax.random.key(seed)
    k1, k2, k3, k4, k5, k6 = jax.random.split(key, 6)
    user = jax.random.randint(k1, (BATCH,), 0, NUM_USER, dtype=jnp.int64 if jax.config.jax_enable_x64 else jnp.int32).astype(jnp.int32)
    item = jax.random.randint(k2, (BATCH,), 0, NUM_ITEM, dtype=jnp.int64 if jax.config.jax_enable_x64 else jnp.int32).astype(jnp.int32)
    user_emb = jax.random.normal(k3, (NUM_USER, LATENT_DIM), dtype=jnp.float32) * 0.02
    item_emb = jax.random.normal(k4, (NUM_ITEM, LATENT_DIM), dtype=jnp.float32) * 0.02
    user_bias = jax.random.normal(k5, (NUM_USER, 1), dtype=jnp.float32) * 0.02
    item_bias = jax.random.normal(k6, (NUM_ITEM, 1), dtype=jnp.float32) * 0.02
    return {
        "user": user,
        "item": item,
        "user_emb": user_emb,
        "item_emb": item_emb,
        "user_bias": user_bias,
        "item_bias": item_bias,
    }


def reference(user, item, user_emb, item_emb, user_bias, item_bias):
    # MF.forward: (user_emb[user] * item_emb[item]).sum(axis=1)
    #             + user_bias[user].squeeze() + item_bias[item].squeeze()
    u = jnp.take(user_emb, user, axis=0)            # [B, D] gather
    v = jnp.take(item_emb, item, axis=0)            # [B, D] gather
    ub = jnp.take(user_bias, user, axis=0)          # [B, 1] gather
    ib = jnp.take(item_bias, item, axis=0)          # [B, 1] gather
    out = (u * v).sum(axis=1) + jnp.squeeze(ub, axis=-1) + jnp.squeeze(ib, axis=-1)
    return out

if __name__ == "__main__":
    import jax
    _d = setup_inputs()
    print(jax.jit(kernel)(*tuple(_d.values())))

</pallas_src>

<mosaic_0001>
#map = affine_map<(d0, d1) -> (0, 0, 0)>
#map1 = affine_map<(d0, d1) -> (0, 0)>
#map2 = affine_map<(d0, d1) -> (0)>
module attributes {stable_mosaic.version = 14 : i64} {
  func.func @_mf_sc(%arg0: i32, %arg1: i32, %arg2: memref<32x4x128xi32, #tpu.memory_space<hbm>>, %arg3: memref<32x4x128xi32, #tpu.memory_space<hbm>>, %arg4: memref<100000x128xf32, #tpu.memory_space<hbm>>, %arg5: memref<100000x128xf32, #tpu.memory_space<hbm>>, %arg6: memref<100000xf32, #tpu.memory_space<hbm>>, %arg7: memref<100000xf32, #tpu.memory_space<hbm>>, %arg8: memref<16384xf32, #tpu.memory_space<hbm>>, %arg9: memref<4x128xi32, #tpu.memory_space<vmem>>, %arg10: memref<4x128xi32, #tpu.memory_space<vmem>>, %arg11: memref<2x128x128xf32, #tpu.memory_space<vmem>>, %arg12: memref<2x128x128xf32, #tpu.memory_space<vmem>>, %arg13: memref<512xf32, #tpu.memory_space<vmem>>, %arg14: memref<512xf32, #tpu.memory_space<vmem>>, %arg15: memref<512xf32, #tpu.memory_space<vmem>>, %arg16: memref<128x17xf32, #tpu.memory_space<vmem>>, %arg17: memref<!tpu.dma_semaphore, #tpu.memory_space<semaphore_mem>>, %arg18: memref<!tpu.dma_semaphore, #tpu.memory_space<semaphore_mem>>, %arg19: memref<!tpu.dma_semaphore, #tpu.memory_space<semaphore_mem>>, %arg20: memref<!tpu.dma_semaphore, #tpu.memory_space<semaphore_mem>>, %arg21: memref<!tpu.dma_semaphore, #tpu.memory_space<semaphore_mem>>) attributes {dimension_semantics = [#tpu.dimension_semantics<core_parallel>, #tpu.dimension_semantics<subcore_parallel>], iteration_bounds = array<i64: 2, 16>, scalar_prefetch = 0 : i64, scratch_operands = 13 : i64, tpu.core_type = #tpu.core_type<sc_vector_subcore>, window_params = [{transform_indices = #map}, {transform_indices = #map}, {transform_indices = #map1}, {transform_indices = #map1}, {transform_indices = #map2}, {transform_indices = #map2}, {transform_indices = #map2}]} {
    %mul3A = arith.constant 2 : i32
    %mul3A_0 = arith.muli %arg1, %mul3A : i32
    %add3A = arith.addi %mul3A_0, %arg0 : i32
    "tpu.region"() ({
      %run_scoped3A = tpu.sem_alloc : memref<!tpu.dma_semaphore, #tpu.memory_space<semaphore_mem>>
      %dma_start3A_379 = arith.constant 0 : i32
      %dma_start3A_380 = arith.constant 0 : i32
      %dma_start3A_381 = tpu.memref_slice %arg2[%add3A, %dma_start3A_379, %dma_start3A_380] : memref<32x4x128xi32, #tpu.memory_space<hbm>> -> memref<1x4x128xi32, #tpu.memory_space<hbm>>
      %dma_start3A_382 = tpu.memref_squeeze %dma_start3A_381 : memref<1x4x128xi32, #tpu.memory_space<hbm>> -> memref<4x128xi32, #tpu.memory_space<hbm>>
      %dma_start3A_383 = arith.constant 0 : i32
      %dma_start3A_384 = arith.constant 0 : i32
      %dma_start3A_385 = tpu.memref_slice %arg2[%add3A, %dma_start3A_383, %dma_start3A_384] : memref<32x4x128xi32, #tpu.memory_space<hbm>> -> memref<1x4x128xi32, #tpu.memory_space<hbm>>
      %dma_start3A_386 = tpu.memref_squeeze %dma_start3A_385 : memref<1x4x128xi32, #tpu.memory_space<hbm>> -> memref<4x128xi32, #tpu.memory_space<hbm>>
      tpu.enqueue_dma source(%dma_start3A_386 : memref<4x128xi32, #tpu.memory_space<hbm>>) target(%arg9 : memref<4x128xi32, #tpu.memory_space<vmem>>) target_semaphore(%run_scoped3A : memref<!tpu.dma_semaphore, #tpu.memory_space<semaphore_mem>>)
      %dma_wait3A_387 = arith.constant 0 : i32
      %dma_wait3A_388 = arith.constant 0 : i32
      %dma_wait3A_389 = tpu.memref_slice %arg2[%add3A, %dma_wait3A_387, %dma_wait3A_388] : memref<32x4x128xi32, #tpu.memory_space<hbm>> -> memref<1x4x128xi32, #tpu.memory_space<hbm>>
      %dma_wait3A_390 = tpu.memref_squeeze %dma_wait3A_389 : memref<1x4x128xi32, #tpu.memory_space<hbm>> -> memref<4x128xi32, #tpu.memory_space<hbm>>
      %dma_wait3A_391 = arith.constant 0 : i32
      %dma_wait3A_392 = arith.constant 0 : i32
      %dma_wait3A_393 = tpu.memref_slice %arg2[%add3A, %dma_wait3A_391, %dma_wait3A_392] : memref<32x4x128xi32, #tpu.memory_space<hbm>> -> memref<1x4x128xi32, #tpu.memory_space<hbm>>
      %dma_wait3A_394 = tpu.memref_squeeze %dma_wait3A_393 : memref<1x4x128xi32, #tpu.memory_space<hbm>> -> memref<4x128xi32, #tpu.memory_space<hbm>>
      tpu.wait_dma2 semaphore(%run_scoped3A : memref<!tpu.dma_semaphore, #tpu.memory_space<semaphore_mem>>) src(%dma_wait3A_394 : memref<4x128xi32, #tpu.memory_space<hbm>>) dst(%arg9 : memref<4x128xi32, #tpu.memory_space<vmem>>)
      tpu.yield
    }) : () -> ()
    "tpu.region"() ({
      %run_scoped3A = tpu.sem_alloc : memref<!tpu.dma_semaphore, #tpu.memory_space<semaphore_mem>>
      %dma_start3A_379 = arith.constant 0 : i32
      %dma_start3A_380 = arith.constant 0 : i32
      %dma_start3A_381 = tpu.memref_slice %arg3[%add3A, %dma_start3A_379, %dma_start3A_380] : memref<32x4x128xi32, #tpu.memory_space<hbm>> -> memref<1x4x128xi32, #tpu.memory_space<hbm>>
      %dma_start3A_382 = tpu.memref_squeeze %dma_start3A_381 : memref<1x4x128xi32, #tpu.memory_space<hbm>> -> memref<4x128xi32, #tpu.memory_space<hbm>>
      %dma_start3A_383 = arith.constant 0 : i32
      %dma_start3A_384 = arith.constant 0 : i32
      %dma_start3A_385 = tpu.memref_slice %arg3[%add3A, %dma_start3A_383, %dma_start3A_384] : memref<32x4x128xi32, #tpu.memory_space<hbm>> -> memref<1x4x128xi32, #tpu.memory_space<hbm>>
      %dma_start3A_386 = tpu.memref_squeeze %dma_start3A_385 : memref<1x4x128xi32, #tpu.memory_space<hbm>> -> memref<4x128xi32, #tpu.memory_space<hbm>>
      tpu.enqueue_dma source(%dma_start3A_386 : memref<4x128xi32, #tpu.memory_space<hbm>>) target(%arg10 : memref<4x128xi32, #tpu.memory_space<vmem>>) target_semaphore(%run_scoped3A : memref<!tpu.dma_semaphore, #tpu.memory_space<semaphore_mem>>)
      %dma_wait3A_387 = arith.constant 0 : i32
      %dma_wait3A_388 = arith.constant 0 : i32
      %dma_wait3A_389 = tpu.memref_slice %arg3[%add3A, %dma_wait3A_387, %dma_wait3A_388] : memref<32x4x128xi32, #tpu.memory_space<hbm>> -> memref<1x4x128xi32, #tpu.memory_space<hbm>>
      %dma_wait3A_390 = tpu.memref_squeeze %dma_wait3A_389 : memref<1x4x128xi32, #tpu.memory_space<hbm>> -> memref<4x128xi32, #tpu.memory_space<hbm>>
      %dma_wait3A_391 = arith.constant 0 : i32
      %dma_wait3A_392 = arith.constant 0 : i32
      %dma_wait3A_393 = tpu.memref_slice %arg3[%add3A, %dma_wait3A_391, %dma_wait3A_392] : memref<32x4x128xi32, #tpu.memory_space<hbm>> -> memref<1x4x128xi32, #tpu.memory_space<hbm>>
      %dma_wait3A_394 = tpu.memref_squeeze %dma_wait3A_393 : memref<1x4x128xi32, #tpu.memory_space<hbm>> -> memref<4x128xi32, #tpu.memory_space<hbm>>
      tpu.wait_dma2 semaphore(%run_scoped3A : memref<!tpu.dma_semaphore, #tpu.memory_space<semaphore_mem>>) src(%dma_wait3A_394 : memref<4x128xi32, #tpu.memory_space<hbm>>) dst(%arg10 : memref<4x128xi32, #tpu.memory_space<vmem>>)
      tpu.yield
    }) : () -> ()
    %dma_start3A = arith.constant 0 : i32
    %dma_start3A_1 = arith.constant 0 : i32
    %dma_start3A_2 = arith.constant 0 : i32
    %dma_start3A_3 = arith.constant 0 : i32
    %dma_start3A_4 = tpu.memref_slice %arg11[%dma_start3A_1, %dma_start3A_2, %dma_start3A_3] : memref<2x128x128xf32, #tpu.memory_space<vmem>> -> memref<1x128x128xf32, #tpu.memory_space<vmem>>
    %dma_start3A_5 = tpu.memref_squeeze %dma_start3A_4 : memref<1x128x128xf32, #tpu.memory_space<vmem>> -> memref<128x128xf32, #tpu.memory_space<vmem>>
    %dma_start3A_6 = arith.constant 0 : i32
    %dma_start3A_7 = tpu.memref_slice %arg9[%dma_start3A, %dma_start3A_6] : memref<4x128xi32, #tpu.memory_space<vmem>> -> memref<1x128xi32, #tpu.memory_space<vmem>>
    %dma_start3A_8 = tpu.memref_squeeze %dma_start3A_7 : memref<1x128xi32, #tpu.memory_space<vmem>> -> memref<128xi32, #tpu.memory_space<vmem>>
    %dma_start3A_9 = arith.constant 0 : i32
    %dma_start3A_10 = arith.constant 0 : i32
    %dma_start3A_11 = tpu.memref_slice %arg4[%dma_start3A_9, %dma_start3A_10] : memref<100000x128xf32, #tpu.memory_space<hbm>> -> memref<100000x128xf32, #tpu.memory_space<hbm>>
    tpu.enqueue_indirect_dma source(%dma_start3A_11 : memref<100000x128xf32, #tpu.memory_space<hbm>>) target(%dma_start3A_5 : memref<128x128xf32, #tpu.memory_space<vmem>>) offsets(%dma_start3A_8 : memref<128xi32, #tpu.memory_space<vmem>>) semaphore(%arg17 : memref<!tpu.dma_semaphore, #tpu.memory_space<semaphore_mem>>)
    %dma_start3A_12 = arith.constant 0 : i32
    %dma_start3A_13 = arith.constant 0 : i32
    %dma_start3A_14 = arith.constant 0 : i32
    %dma_start3A_15 = arith.constant 0 : i32
    %dma_start3A_16 = tpu.memref_slice %arg12[%dma_start3A_13, %dma_start3A_14, %dma_start3A_15] : memref<2x128x128xf32, #tpu.memory_space<vmem>> -> memref<1x128x128xf32, #tpu.memory_space<vmem>>
    %dma_start3A_17 = tpu.memref_squeeze %dma_start3A_16 : memref<1x128x128xf32, #tpu.memory_space<vmem>> -> memref<128x128xf32, #tpu.memory_space<vmem>>
    %dma_start3A_18 = arith.constant 0 : i32
    %dma_start3A_19 = tpu.memref_slice %arg10[%dma_start3A_12, %dma_start3A_18] : memref<4x128xi32, #tpu.memory_space<vmem>> -> memref<1x128xi32, #tpu.memory_space<vmem>>
    %dma_start3A_20 = tpu.memref_squeeze %dma_start3A_19 : memref<1x128xi32, #tpu.memory_space<vmem>> -> memref<128xi32, #tpu.memory_space<vmem>>
    %dma_start3A_21 = arith.constant 0 : i32
    %dma_start3A_22 = arith.constant 0 : i32
    %dma_start3A_23 = tpu.memref_slice %arg5[%dma_start3A_21, %dma_start3A_22] : memref<100000x128xf32, #tpu.memory_space<hbm>> -> memref<100000x128xf32, #tpu.memory_space<hbm>>
    tpu.enqueue_indirect_dma source(%dma_start3A_23 : memref<100000x128xf32, #tpu.memory_space<hbm>>) target(%dma_start3A_17 : memref<128x128xf32, #tpu.memory_space<vmem>>) offsets(%dma_start3A_20 : memref<128xi32, #tpu.memory_space<vmem>>) semaphore(%arg19 : memref<!tpu.dma_semaphore, #tpu.memory_space<semaphore_mem>>)
    %dma_start3A_24 = arith.constant 0 : i32
    %dma_start3A_25 = arith.constant 0 : i32
    %dma_start3A_26 = tpu.memref_slice %arg13[%dma_start3A_25] : memref<512xf32, #tpu.memory_space<vmem>> -> memref<128xf32, #tpu.memory_space<vmem>>
    %dma_start3A_27 = arith.constant 0 : i32
    %dma_start3A_28 = tpu.memref_slice %arg9[%dma_start3A_24, %dma_start3A_27] : memref<4x128xi32, #tpu.memory_space<vmem>> -> memref<1x128xi32, #tpu.memory_space<vmem>>
    %dma_start3A_29 = tpu.memref_squeeze %dma_start3A_28 : memref<1x128xi32, #tpu.memory_space<vmem>> -> memref<128xi32, #tpu.memory_space<vmem>>
    %dma_start3A_30 = arith.constant 0 : i32
    %dma_start3A_31 = tpu.memref_slice %arg6[%dma_start3A_30] : memref<100000xf32, #tpu.memory_space<hbm>> -> memref<100000xf32, #tpu.memory_space<hbm>>
    tpu.enqueue_indirect_dma source(%dma_start3A_31 : memref<100000xf32, #tpu.memory_space<hbm>>) target(%dma_start3A_26 : memref<128xf32, #tpu.memory_space<vmem>>) offsets(%dma_start3A_29 : memref<128xi32, #tpu.memory_space<vmem>>) semaphore(%arg21 : memref<!tpu.dma_semaphore, #tpu.memory_space<semaphore_mem>>)
    %dma_start3A_32 = arith.constant 0 : i32
    %dma_start3A_33 = arith.constant 0 : i32
    %dma_start3A_34 = tpu.memref_slice %arg14[%dma_start3A_33] : memref<512xf32, #tpu.memory_space<vmem>> -> memref<128xf32, #tpu.memory_space<vmem>>
    %dma_start3A_35 = arith.constant 0 : i32
    %dma_start3A_36 = tpu.memref_slice %arg10[%dma_start3A_32, %dma_start3A_35] : memref<4x128xi32, #tpu.memory_space<vmem>> -> memref<1x128xi32, #tpu.memory_space<vmem>>
    %dma_start3A_37 = tpu.memref_squeeze %dma_start3A_36 : memref<1x128xi32, #tpu.memory_space<vmem>> -> memref<128xi32, #tpu.memory_space<vmem>>
    %dma_start3A_38 = arith.constant 0 : i32
    %dma_start3A_39 = tpu.memref_slice %arg7[%dma_start3A_38] : memref<100000xf32, #tpu.memory_space<hbm>> -> memref<100000xf32, #tpu.memory_space<hbm>>
    tpu.enqueue_indirect_dma source(%dma_start3A_39 : memref<100000xf32, #tpu.memory_space<hbm>>) target(%dma_start3A_34 : memref<128xf32, #tpu.memory_space<vmem>>) offsets(%dma_start3A_37 : memref<128xi32, #tpu.memory_space<vmem>>) semaphore(%arg21 : memref<!tpu.dma_semaphore, #tpu.memory_space<semaphore_mem>>)
    %dma_start3A_40 = arith.constant 1 : i32
    %dma_start3A_41 = arith.constant 128 : i32
    %dma_start3A_42 = tpu.memref_slice %arg13[%dma_start3A_41] : memref<512xf32, #tpu.memory_space<vmem>> -> memref<128xf32, #tpu.memory_space<vmem>>
    %dma_start3A_43 = arith.constant 0 : i32
    %dma_start3A_44 = tpu.memref_slice %arg9[%dma_start3A_40, %dma_start3A_43] : memref<4x128xi32, #tpu.memory_space<vmem>> -> memref<1x128xi32, #tpu.memory_space<vmem>>
    %dma_start3A_45 = tpu.memref_squeeze %dma_start3A_44 : memref<1x128xi32, #tpu.memory_space<vmem>> -> memref<128xi32, #tpu.memory_space<vmem>>
    %dma_start3A_46 = arith.constant 0 : i32
    %dma_start3A_47 = tpu.memref_slice %arg6[%dma_start3A_46] : memref<100000xf32, #tpu.memory_space<hbm>> -> memref<100000xf32, #tpu.memory_space<hbm>>
    tpu.enqueue_indirect_dma source(%dma_start3A_47 : memref<100000xf32, #tpu.memory_space<hbm>>) target(%dma_start3A_42 : memref<128xf32, #tpu.memory_space<vmem>>) offsets(%dma_start3A_45 : memref<128xi32, #tpu.memory_space<vmem>>) semaphore(%arg21 : memref<!tpu.dma_semaphore, #tpu.memory_space<semaphore_mem>>)
    %dma_start3A_48 = arith.constant 1 : i32
    %dma_start3A_49 = arith.constant 128 : i32
    %dma_start3A_50 = tpu.memref_slice %arg14[%dma_start3A_49] : memref<512xf32, #tpu.memory_space<vmem>> -> memref<128xf32, #tpu.memory_space<vmem>>
    %dma_start3A_51 = arith.constant 0 : i32
    %dma_start3A_52 = tpu.memref_slice %arg10[%dma_start3A_48, %dma_start3A_51] : memref<4x128xi32, #tpu.memory_space<vmem>> -> memref<1x128xi32, #tpu.memory_space<vmem>>
    %dma_start3A_53 = tpu.memref_squeeze %dma_start3A_52 : memref<1x128xi32, #tpu.memory_space<vmem>> -> memref<128xi32, #tpu.memory_space<vmem>>
    %dma_start3A_54 = arith.constant 0 : i32
    %dma_start3A_55 = tpu.memref_slice %arg7[%dma_start3A_54] : memref<100000xf32, #tpu.memory_space<hbm>> -> memref<100000xf32, #tpu.memory_space<hbm>>
    tpu.enqueue_indirect_dma source(%dma_start3A_55 : memref<100000xf32, #tpu.memory_space<hbm>>) target(%dma_start3A_50 : memref<128xf32, #tpu.memory_space<vmem>>) offsets(%dma_start3A_53 : memref<128xi32, #tpu.memory_space<vmem>>) semaphore(%arg21 : memref<!tpu.dma_semaphore, #tpu.memory_space<semaphore_mem>>)
    %dma_start3A_56 = arith.constant 2 : i32
    %dma_start3A_57 = arith.constant 256 : i32
    %dma_start3A_58 = tpu.memref_slice %arg13[%dma_start3A_57] : memref<512xf32, #tpu.memory_space<vmem>> -> memref<128xf32, #tpu.memory_space<vmem>>
    %dma_start3A_59 = arith.constant 0 : i32
    %dma_start3A_60 = tpu.memref_slice %arg9[%dma_start3A_56, %dma_start3A_59] : memref<4x128xi32, #tpu.memory_space<vmem>> -> memref<1x128xi32, #tpu.memory_space<vmem>>
    %dma_start3A_61 = tpu.memref_squeeze %dma_start3A_60 : memref<1x128xi32, #tpu.memory_space<vmem>> -> memref<128xi32, #tpu.memory_space<vmem>>
    %dma_start3A_62 = arith.constant 0 : i32
    %dma_start3A_63 = tpu.memref_slice %arg6[%dma_start3A_62] : memref<100000xf32, #tpu.memory_space<hbm>> -> memref<100000xf32, #tpu.memory_space<hbm>>
    tpu.enqueue_indirect_dma source(%dma_start3A_63 : memref<100000xf32, #tpu.memory_space<hbm>>) target(%dma_start3A_58 : memref<128xf32, #tpu.memory_space<vmem>>) offsets(%dma_start3A_61 : memref<128xi32, #tpu.memory_space<vmem>>) semaphore(%arg21 : memref<!tpu.dma_semaphore, #tpu.memory_space<semaphore_mem>>)
    %dma_start3A_64 = arith.constant 2 : i32
    %dma_start3A_65 = arith.constant 256 : i32
    %dma_start3A_66 = tpu.memref_slice %arg14[%dma_start3A_65] : memref<512xf32, #tpu.memory_space<vmem>> -> memref<128xf32, #tpu.memory_space<vmem>>
    %dma_start3A_67 = arith.constant 0 : i32
    %dma_start3A_68 = tpu.memref_slice %arg10[%dma_start3A_64, %dma_start3A_67] : memref<4x128xi32, #tpu.memory_space<vmem>> -> memref<1x128xi32, #tpu.memory_space<vmem>>
    %dma_start3A_69 = tpu.memref_squeeze %dma_start3A_68 : memref<1x128xi32, #tpu.memory_space<vmem>> -> memref<128xi32, #tpu.memory_space<vmem>>
    %dma_start3A_70 = arith.constant 0 : i32
    %dma_start3A_71 = tpu.memref_slice %arg7[%dma_start3A_70] : memref<100000xf32, #tpu.memory_space<hbm>> -> memref<100000xf32, #tpu.memory_space<hbm>>
    tpu.enqueue_indirect_dma source(%dma_start3A_71 : memref<100000xf32, #tpu.memory_space<hbm>>) target(%dma_start3A_66 : memref<128xf32, #tpu.memory_space<vmem>>) offsets(%dma_start3A_69 : memref<128xi32, #tpu.memory_space<vmem>>) semaphore(%arg21 : memref<!tpu.dma_semaphore, #tpu.memory_space<semaphore_mem>>)
    %dma_start3A_72 = arith.constant 3 : i32
    %dma_start3A_73 = arith.constant 384 : i32
    %dma_start3A_74 = tpu.memref_slice %arg13[%dma_start3A_73] : memref<512xf32, #tpu.memory_space<vmem>> -> memref<128xf32, #tpu.memory_space<vmem>>
    %dma_start3A_75 = arith.constant 0 : i32
    %dma_start3A_76 = tpu.memref_slice %arg9[%dma_start3A_72, %dma_start3A_75] : memref<4x128xi32, #tpu.memory_space<vmem>> -> memref<1x128xi32, #tpu.memory_space<vmem>>
    %dma_start3A_77 = tpu.memref_squeeze %dma_start3A_76 : memref<1x128xi32, #tpu.memory_space<vmem>> -> memref<128xi32, #tpu.memory_space<vmem>>
    %dma_start3A_78 = arith.constant 0 : i32
    %dma_start3A_79 = tpu.memref_slice %arg6[%dma_start3A_78] : memref<100000xf32, #tpu.memory_space<hbm>> -> memref<100000xf32, #tpu.memory_space<hbm>>
    tpu.enqueue_indirect_dma source(%dma_start3A_79 : memref<100000xf32, #tpu.memory_space<hbm>>) target(%dma_start3A_74 : memref<128xf32, #tpu.memory_space<vmem>>) offsets(%dma_start3A_77 : memref<128xi32, #tpu.memory_space<vmem>>) semaphore(%arg21 : memref<!tpu.dma_semaphore, #tpu.memory_space<semaphore_mem>>)
    %dma_start3A_80 = arith.constant 3 : i32
    %dma_start3A_81 = arith.constant 384 : i32
    %dma_start3A_82 = tpu.memref_slice %arg14[%dma_start3A_81] : memref<512xf32, #tpu.memory_space<vmem>> -> memref<128xf32, #tpu.memory_space<vmem>>
    %dma_start3A_83 = arith.constant 0 : i32
    %dma_start3A_84 = tpu.memref_slice %arg10[%dma_start3A_80, %dma_start3A_83] : memref<4x128xi32, #tpu.memory_space<vmem>> -> memref<1x128xi32, #tpu.memory_space<vmem>>
    %dma_start3A_85 = tpu.memref_squeeze %dma_start3A_84 : memref<1x128xi32, #tpu.memory_space<vmem>> -> memref<128xi32, #tpu.memory_space<vmem>>
    %dma_start3A_86 = arith.constant 0 : i32
    %dma_start3A_87 = tpu.memref_slice %arg7[%dma_start3A_86] : memref<100000xf32, #tpu.memory_space<hbm>> -> memref<100000xf32, #tpu.memory_space<hbm>>
    tpu.enqueue_indirect_dma source(%dma_start3A_87 : memref<100000xf32, #tpu.memory_space<hbm>>) target(%dma_start3A_82 : memref<128xf32, #tpu.memory_space<vmem>>) offsets(%dma_start3A_85 : memref<128xi32, #tpu.memory_space<vmem>>) semaphore(%arg21 : memref<!tpu.dma_semaphore, #tpu.memory_space<semaphore_mem>>)
    %dma_wait3A = arith.constant 0 : i32
    %dma_wait3A_88 = arith.constant 0 : i32
    %dma_wait3A_89 = arith.constant 0 : i32
    %dma_wait3A_90 = arith.constant 0 : i32
    %dma_wait3A_91 = tpu.memref_slice %arg11[%dma_wait3A_88, %dma_wait3A_89, %dma_wait3A_90] : memref<2x128x128xf32, #tpu.memory_space<vmem>> -> memref<1x128x128xf32, #tpu.memory_space<vmem>>
    %dma_wait3A_92 = tpu.memref_squeeze %dma_wait3A_91 : memref<1x128x128xf32, #tpu.memory_space<vmem>> -> memref<128x128xf32, #tpu.memory_space<vmem>>
    %dma_wait3A_93 = arith.constant 0 : i32
    %dma_wait3A_94 = tpu.memref_slice %arg9[%dma_wait3A, %dma_wait3A_93] : memref<4x128xi32, #tpu.memory_space<vmem>> -> memref<1x128xi32, #tpu.memory_space<vmem>>
    %dma_wait3A_95 = tpu.memref_squeeze %dma_wait3A_94 : memref<1x128xi32, #tpu.memory_space<vmem>> -> memref<128xi32, #tpu.memory_space<vmem>>
    %dma_wait3A_96 = arith.constant 0 : i32
    %dma_wait3A_97 = arith.constant 0 : i32
    %dma_wait3A_98 = tpu.memref_slice %arg4[%dma_wait3A_96, %dma_wait3A_97] : memref<100000x128xf32, #tpu.memory_space<hbm>> -> memref<100000x128xf32, #tpu.memory_space<hbm>>
    tpu.wait_indirect_dma semaphore(%arg17 : memref<!tpu.dma_semaphore, #tpu.memory_space<semaphore_mem>>) src(%dma_wait3A_98 : memref<100000x128xf32, #tpu.memory_space<hbm>>) dst(%dma_wait3A_92 : memref<128x128xf32, #tpu.memory_space<vmem>>)
    %dma_wait3A_99 = arith.constant 0 : i32
    %dma_wait3A_100 = arith.constant 0 : i32
    %dma_wait3A_101 = arith.constant 0 : i32
    %dma_wait3A_102 = arith.constant 0 : i32
    %dma_wait3A_103 = tpu.memref_slice %arg12[%dma_wait3A_100, %dma_wait3A_101, %dma_wait3A_102] : memref<2x128x128xf32, #tpu.memory_space<vmem>> -> memref<1x128x128xf32, #tpu.memory_space<vmem>>
    %dma_wait3A_104 = tpu.memref_squeeze %dma_wait3A_103 : memref<1x128x128xf32, #tpu.memory_space<vmem>> -> memref<128x128xf32, #tpu.memory_space<vmem>>
    %dma_wait3A_105 = arith.constant 0 : i32
    %dma_wait3A_106 = tpu.memref_slice %arg10[%dma_wait3A_99, %dma_wait3A_105] : memref<4x128xi32, #tpu.memory_space<vmem>> -> memref<1x128xi32, #tpu.memory_space<vmem>>
    %dma_wait3A_107 = tpu.memref_squeeze %dma_wait3A_106 : memref<1x128xi32, #tpu.memory_space<vmem>> -> memref<128xi32, #tpu.memory_space<vmem>>
    %dma_wait3A_108 = arith.constant 0 : i32
    %dma_wait3A_109 = arith.constant 0 : i32
    %dma_wait3A_110 = tpu.memref_slice %arg5[%dma_wait3A_108, %dma_wait3A_109] : memref<100000x128xf32, #tpu.memory_space<hbm>> -> memref<100000x128xf32, #tpu.memory_space<hbm>>
    tpu.wait_indirect_dma semaphore(%arg19 : memref<!tpu.dma_semaphore, #tpu.memory_space<semaphore_mem>>) src(%dma_wait3A_110 : memref<100000x128xf32, #tpu.memory_space<hbm>>) dst(%dma_wait3A_104 : memref<128x128xf32, #tpu.memory_space<vmem>>)
    %dma_start3A_111 = arith.constant 1 : i32
    %dma_start3A_112 = arith.constant 1 : i32
    %dma_start3A_113 = arith.constant 0 : i32
    %dma_start3A_114 = arith.constant 0 : i32
    %dma_start3A_115 = tpu.memref_slice %arg11[%dma_start3A_112, %dma_start3A_113, %dma_start3A_114] : memref<2x128x128xf32, #tpu.memory_space<vmem>> -> memref<1x128x128xf32, #tpu.memory_space<vmem>>
    %dma_start3A_116 = tpu.memref_squeeze %dma_start3A_115 : memref<1x128x128xf32, #tpu.memory_space<vmem>> -> memref<128x128xf32, #tpu.memory_space<vmem>>
    %dma_start3A_117 = arith.constant 0 : i32
    %dma_start3A_118 = tpu.memref_slice %arg9[%dma_start3A_111, %dma_start3A_117] : memref<4x128xi32, #tpu.memory_space<vmem>> -> memref<1x128xi32, #tpu.memory_space<vmem>>
    %dma_start3A_119 = tpu.memref_squeeze %dma_start3A_118 : memref<1x128xi32, #tpu.memory_space<vmem>> -> memref<128xi32, #tpu.memory_space<vmem>>
    %dma_start3A_120 = arith.constant 0 : i32
    %dma_start3A_121 = arith.constant 0 : i32
    %dma_start3A_122 = tpu.memref_slice %arg4[%dma_start3A_120, %dma_start3A_121] : memref<100000x128xf32, #tpu.memory_space<hbm>> -> memref<100000x128xf32, #tpu.memory_space<hbm>>
    tpu.enqueue_indirect_dma source(%dma_start3A_122 : memref<100000x128xf32, #tpu.memory_space<hbm>>) target(%dma_start3A_116 : memref<128x128xf32, #tpu.memory_space<vmem>>) offsets(%dma_start3A_119 : memref<128xi32, #tpu.memory_space<vmem>>) semaphore(%arg18 : memref<!tpu.dma_semaphore, #tpu.memory_space<semaphore_mem>>)
    %dma_start3A_123 = arith.constant 1 : i32
    %dma_start3A_124 = arith.constant 1 : i32
    %dma_start3A_125 = arith.constant 0 : i32
    %dma_start3A_126 = arith.constant 0 : i32
    %dma_start3A_127 = tpu.memref_slice %arg12[%dma_start3A_124, %dma_start3A_125, %dma_start3A_126] : memref<2x128x128xf32, #tpu.memory_space<vmem>> -> memref<1x128x128xf32, #tpu.memory_space<vmem>>
    %dma_start3A_128 = tpu.memref_squeeze %dma_start3A_127 : memref<1x128x128xf32, #tpu.memory_space<vmem>> -> memref<128x128xf32, #tpu.memory_space<vmem>>
    %dma_start3A_129 = arith.constant 0 : i32
    %dma_start3A_130 = tpu.memref_slice %arg10[%dma_start3A_123, %dma_start3A_129] : memref<4x128xi32, #tpu.memory_space<vmem>> -> memref<1x128xi32, #tpu.memory_space<vmem>>
    %dma_start3A_131 = tpu.memref_squeeze %dma_start3A_130 : memref<1x128xi32, #tpu.memory_space<vmem>> -> memref<128xi32, #tpu.memory_space<vmem>>
    %dma_start3A_132 = arith.constant 0 : i32
    %dma_start3A_133 = arith.constant 0 : i32
    %dma_start3A_134 = tpu.memref_slice %arg5[%dma_start3A_132, %dma_start3A_133] : memref<100000x128xf32, #tpu.memory_space<hbm>> -> memref<100000x128xf32, #tpu.memory_space<hbm>>
    tpu.enqueue_indirect_dma source(%dma_start3A_134 : memref<100000x128xf32, #tpu.memory_space<hbm>>) target(%dma_start3A_128 : memref<128x128xf32, #tpu.memory_space<vmem>>) offsets(%dma_start3A_131 : memref<128xi32, #tpu.memory_space<vmem>>) semaphore(%arg20 : memref<!tpu.dma_semaphore, #tpu.memory_space<semaphore_mem>>)
    %iota3A = tpu.iota {dimensions = array<i32: 0>} : vector<16xi32>
    %scan3A = arith.constant 0 : i32
    %scan3A_135 = arith.constant 0 : i32
    %scan3A_136 = arith.constant 0 : i32
    %scan3A_137 = arith.constant 0 : i32
    %scan3A_138 = arith.constant 128 : i32
    %scan3A_139 = arith.addi %scan3A_137, %scan3A_138 : i32
    %scan3A_140 = arith.constant 4 : i32
    scf.for %scan3A_379 = %scan3A_137 to %scan3A_139 step %scan3A_140  : i32 {
      %get3A = arith.constant 0 : i32
      %get3A_380 = arith.constant 0 : i32
      %get3A_381 = tpu.memref_slice %arg11[%scan3A_135, %get3A, %get3A_380] : memref<2x128x128xf32, #tpu.memory_space<vmem>> -> memref<1x128x128xf32, #tpu.memory_space<vmem>>
      %get3A_382 = tpu.memref_squeeze %get3A_381 : memref<1x128x128xf32, #tpu.memory_space<vmem>> -> memref<128x128xf32, #tpu.memory_space<vmem>>
      %get3A_383 = arith.index_cast %scan3A_379 : i32 to index
      %get3A_384 = arith.constant 0 : index
      %get3A_385 = tpu.vector_load %get3A_382[%get3A_383, %get3A_384] {strides = array<i32>} : memref<128x128xf32, #tpu.memory_space<vmem>>, vector<16xf32>,
      %get3A_386 = arith.constant 0 : i32
      %get3A_387 = arith.constant 0 : i32
      %get3A_388 = tpu.memref_slice %arg12[%scan3A_136, %get3A_386, %get3A_387] : memref<2x128x128xf32, #tpu.memory_space<vmem>> -> memref<1x128x128xf32, #tpu.memory_space<vmem>>
      %get3A_389 = tpu.memref_squeeze %get3A_388 : memref<1x128x128xf32, #tpu.memory_space<vmem>> -> memref<128x128xf32, #tpu.memory_space<vmem>>
      %get3A_390 = arith.index_cast %scan3A_379 : i32 to index
      %get3A_391 = arith.constant 0 : index
      %get3A_392 = tpu.vector_load %get3A_389[%get3A_390, %get3A_391] {strides = array<i32>} : memref<128x128xf32, #tpu.memory_space<vmem>>, vector<16xf32>,
      %mul3A_393 = arith.mulf %get3A_385, %get3A_392 : vector<16xf32>
      %get3A_394 = arith.constant 0 : i32
      %get3A_395 = arith.constant 0 : i32
      %get3A_396 = tpu.memref_slice %arg11[%scan3A_135, %get3A_394, %get3A_395] : memref<2x128x128xf32, #tpu.memory_space<vmem>> -> memref<1x128x128xf32, #tpu.memory_space<vmem>>
      %get3A_397 = tpu.memref_squeeze %get3A_396 : memref<1x128x128xf32, #tpu.memory_space<vmem>> -> memref<128x128xf32, #tpu.memory_space<vmem>>
      %get3A_398 = arith.index_cast %scan3A_379 : i32 to index
      %get3A_399 = arith.constant 16 : index
      %get3A_400 = tpu.vector_load %get3A_397[%get3A_398, %get3A_399] {strides = array<i32>} : memref<128x128xf32, #tpu.memory_space<vmem>>, vector<16xf32>,
      %get3A_401 = arith.constant 0 : i32
      %get3A_402 = arith.constant 0 : i32
      %get3A_403 = tpu.memref_slice %arg12[%scan3A_136, %get3A_401, %get3A_402] : memref<2x128x128xf32, #tpu.memory_space<vmem>> -> memref<1x128x128xf32, #tpu.memory_space<vmem>>
      %get3A_404 = tpu.memref_squeeze %get3A_403 : memref<1x128x128xf32, #tpu.memory_space<vmem>> -> memref<128x128xf32, #tpu.memory_space<vmem>>
      %get3A_405 = arith.index_cast %scan3A_379 : i32 to index
      %get3A_406 = arith.constant 16 : index
      %get3A_407 = tpu.vector_load %get3A_404[%get3A_405, %get3A_406] {strides = array<i32>} : memref<128x128xf32, #tpu.memory_space<vmem>>, vector<16xf32>,
      %mul3A_408 = arith.mulf %get3A_400, %get3A_407 : vector<16xf32>
      %add3A_409 = arith.addf %mul3A_393, %mul3A_408 : vector<16xf32>
      %get3A_410 = arith.constant 0 : i32
      %get3A_411 = arith.constant 0 : i32
      %get3A_412 = tpu.memref_slice %arg11[%scan3A_135, %get3A_410, %get3A_411] : memref<2x128x128xf32, #tpu.memory_space<vmem>> -> memref<1x128x128xf32, #tpu.memory_space<vmem>>
      %get3A_413 = tpu.memref_squeeze %get3A_412 : memref<1x128x128xf32, #tpu.memory_space<vmem>> -> memref<128x128xf32, #tpu.memory_space<vmem>>
      %get3A_414 = arith.index_cast %scan3A_379 : i32 to index
      %get3A_415 = arith.constant 32 : index
      %get3A_416 = tpu.vector_load %get3A_413[%get3A_414, %get3A_415] {strides = array<i32>} : memref<128x128xf32, #tpu.memory_space<vmem>>, vector<16xf32>,
      %get3A_417 = arith.constant 0 : i32
      %get3A_418 = arith.constant 0 : i32
      %get3A_419 = tpu.memref_slice %arg12[%scan3A_136, %get3A_417, %get3A_418] : memref<2x128x128xf32, #tpu.memory_space<vmem>> -> memref<1x128x128xf32, #tpu.memory_space<vmem>>
      %get3A_420 = tpu.memref_squeeze %get3A_419 : memref<1x128x128xf32, #tpu.memory_space<vmem>> -> memref<128x128xf32, #tpu.memory_space<vmem>>
      %get3A_421 = arith.index_cast %scan3A_379 : i32 to index
      %get3A_422 = arith.constant 32 : index
      %get3A_423 = tpu.vector_load %get3A_420[%get3A_421, %get3A_422] {strides = array<i32>} : memref<128x128xf32, #tpu.memory_space<vmem>>, vector<16xf32>,
      %mul3A_424 = arith.mulf %get3A_416, %get3A_423 : vector<16xf32>
      %add3A_425 = arith.addf %add3A_409, %mul3A_424 : vector<16xf32>
      %get3A_426 = arith.constant 0 : i32
      %get3A_427 = arith.constant 0 : i32
      %get3A_428 = tpu.memref_slice %arg11[%scan3A_135, %get3A_426, %get3A_427] : memref<2x128x128xf32, #tpu.memory_space<vmem>> -> memref<1x128x128xf32, #tpu.memory_space<vmem>>
      %get3A_429 = tpu.memref_squeeze %get3A_428 : memref<1x128x128xf32, #tpu.memory_space<vmem>> -> memref<128x128xf32, #tpu.memory_space<vmem>>
      %get3A_430 = arith.index_cast %scan3A_379 : i32 to index
      %get3A_431 = arith.constant 48 : index
      %get3A_432 = tpu.vector_load %get3A_429[%get3A_430, %get3A_431] {strides = array<i32>} : memref<128x128xf32, #tpu.memory_space<vmem>>, vector<16xf32>,
      %get3A_433 = arith.constant 0 : i32
      %get3A_434 = arith.constant 0 : i32
      %get3A_435 = tpu.memref_slice %arg12[%scan3A_136, %get3A_433, %get3A_434] : memref<2x128x128xf32, #tpu.memory_space<vmem>> -> memref<1x128x128xf32, #tpu.memory_space<vmem>>
      %get3A_436 = tpu.memref_squeeze %get3A_435 : memref<1x128x128xf32, #tpu.memory_space<vmem>> -> memref<128x128xf32, #tpu.memory_space<vmem>>
      %get3A_437 = arith.index_cast %scan3A_379 : i32 to index
      %get3A_438 = arith.constant 48 : index
      %get3A_439 = tpu.vector_load %get3A_436[%get3A_437, %get3A_438] {strides = array<i32>} : memref<128x128xf32, #tpu.memory_space<vmem>>, vector<16xf32>,
      %mul3A_440 = arith.mulf %get3A_432, %get3A_439 : vector<16xf32>
      %add3A_441 = arith.addf %add3A_425, %mul3A_440 : vector<16xf32>
      %get3A_442 = arith.constant 0 : i32
      %get3A_443 = arith.constant 0 : i32
      %get3A_444 = tpu.memref_slice %arg11[%scan3A_135, %get3A_442, %get3A_443] : memref<2x128x128xf32, #tpu.memory_space<vmem>> -> memref<1x128x128xf32, #tpu.memory_space<vmem>>
      %get3A_445 = tpu.memref_squeeze %get3A_444 : memref<1x128x128xf32, #tpu.memory_space<vmem>> -> memref<128x128xf32, #tpu.memory_space<vmem>>
      %get3A_446 = arith.index_cast %scan3A_379 : i32 to index
      %get3A_447 = arith.constant 64 : index
      %get3A_448 = tpu.vector_load %get3A_445[%get3A_446, %get3A_447] {strides = array<i32>} : memref<128x128xf32, #tpu.memory_space<vmem>>, vector<16xf32>,
      %get3A_449 = arith.constant 0 : i32
      %get3A_450 = arith.constant 0 : i32
      %get3A_451 = tpu.memref_slice %arg12[%scan3A_136, %get3A_449, %get3A_450] : memref<2x128x128xf32, #tpu.memory_space<vmem>> -> memref<1x128x128xf32, #tpu.memory_space<vmem>>
      %get3A_452 = tpu.memref_squeeze %get3A_451 : memref<1x128x128xf32, #tpu.memory_space<vmem>> -> memref<128x128xf32, #tpu.memory_space<vmem>>
      %get3A_453 = arith.index_cast %scan3A_379 : i32 to index
      %get3A_454 = arith.constant 64 : index
      %get3A_455 = tpu.vector_load %get3A_452[%get3A_453, %get3A_454] {strides = array<i32>} : memref<128x128xf32, #tpu.memory_space<vmem>>, vector<16xf32>,
      %mul3A_456 = arith.mulf %get3A_448, %get3A_455 : vector<16xf32>
      %add3A_457 = arith.addf %add3A_441, %mul3A_456 : vector<16xf32>
      %get3A_458 = arith.constant 0 : i32
      %get3A_459 = arith.constant 0 : i32
      %get3A_460 = tpu.memref_slice %arg11[%scan3A_135, %get3A_458, %get3A_459] : memref<2x128x128xf32, #tpu.memory_space<vmem>> -> memref<1x128x128xf32, #tpu.memory_space<vmem>>
      %get3A_461 = tpu.memref_squeeze %get3A_460 : memref<1x128x128xf32, #tpu.memory_space<vmem>> -> memref<128x128xf32, #tpu.memory_space<vmem>>
      %get3A_462 = arith.index_cast %scan3A_379 : i32 to index
      %get3A_463 = arith.constant 80 : index
      %get3A_464 = tpu.vector_load %get3A_461[%get3A_462, %get3A_463] {strides = array<i32>} : memref<128x128xf32, #tpu.memory_space<vmem>>, vector<16xf32>,
      %get3A_465 = arith.constant 0 : i32
      %get3A_466 = arith.constant 0 : i32
      %get3A_467 = tpu.memref_slice %arg12[%scan3A_136, %get3A_465, %get3A_466] : memref<2x128x128xf32, #tpu.memory_space<vmem>> -> memref<1x128x128xf32, #tpu.memory_space<vmem>>
      %get3A_468 = tpu.memref_squeeze %get3A_467 : memref<1x128x128xf32, #tpu.memory_space<vmem>> -> memref<128x128xf32, #tpu.memory_space<vmem>>
      %get3A_469 = arith.index_cast %scan3A_379 : i32 to index
      %get3A_470 = arith.constant 80 : index
      %get3A_471 = tpu.vector_load %get3A_468[%get3A_469, %get3A_470] {strides = array<i32>} : memref<128x128xf32, #tpu.memory_space<vmem>>, vector<16xf32>,
      %mul3A_472 = arith.mulf %get3A_464, %get3A_471 : vector<16xf32>
      %add3A_473 = arith.addf %add3A_457, %mul3A_472 : vector<16xf32>
      %get3A_474 = arith.constant 0 : i32
      %get3A_475 = arith.constant 0 : i32
      %get3A_476 = tpu.memref_slice %arg11[%scan3A_135, %get3A_474, %get3A_475] : memref<2x128x128xf32, #tpu.memory_space<vmem>> -> memref<1x128x128xf32, #tpu.memory_space<vmem>>
      %get3A_477 = tpu.memref_squeeze %get3A_476 : memref<1x128x128xf32, #tpu.memory_space<vmem>> -> memref<128x128xf32, #tpu.memory_space<vmem>>
      %get3A_478 = arith.index_cast %scan3A_379 : i32 to index
      %get3A_479 = arith.constant 96 : index
      %get3A_480 = tpu.vector_load %get3A_477[%get3A_478, %get3A_479] {strides = array<i32>} : memref<128x128xf32, #tpu.memory_space<vmem>>, vector<16xf32>,
      %get3A_481 = arith.constant 0 : i32
      %get3A_482 = arith.constant 0 : i32
      %get3A_483 = tpu.memref_slice %arg12[%scan3A_136, %get3A_481, %get3A_482] : memref<2x128x128xf32, #tpu.memory_space<vmem>> -> memref<1x128x128xf32, #tpu.memory_space<vmem>>
      %get3A_484 = tpu.memref_squeeze %get3A_483 : memref<1x128x128xf32, #tpu.memory_space<vmem>> -> memref<128x128xf32, #tpu.memory_space<vmem>>
      %get3A_485 = arith.index_cast %scan3A_379 : i32 to index
      %get3A_486 = arith.constant 96 : index
      %get3A_487 = tpu.vector_load %get3A_484[%get3A_485, %get3A_486] {strides = array<i32>} : memref<128x128xf32, #tpu.memory_space<vmem>>, vector<16xf32>,
      %mul3A_488 = arith.mulf %get3A_480, %get3A_487 : vector<16xf32>
      %add3A_489 = arith.addf %add3A_473, %mul3A_488 : vector<16xf32>
      %get3A_490 = arith.constant 0 : i32
      %get3A_491 = arith.constant 0 : i32
      %get3A_492 = tpu.memref_slice %arg11[%scan3A_135, %get3A_490, %get3A_491] : memref<2x128x128xf32, #tpu.memory_space<vmem>> -> memref<1x128x128xf32, #tpu.memory_space<vmem>>
      %get3A_493 = tpu.memref_squeeze %get3A_492 : memref<1x128x128xf32, #tpu.memory_space<vmem>> -> memref<128x128xf32, #tpu.memory_space<vmem>>
      %get3A_494 = arith.index_cast %scan3A_379 : i32 to index
      %get3A_495 = arith.constant 112 : index
      %get3A_496 = tpu.vector_load %get3A_493[%get3A_494, %get3A_495] {strides = array<i32>} : memref<128x128xf32, #tpu.memory_space<vmem>>, vector<16xf32>,
      %get3A_497 = arith.constant 0 : i32
      %get3A_498 = arith.constant 0 : i32
      %get3A_499 = tpu.memref_slice %arg12[%scan3A_136, %get3A_497, %get3A_498] : memref<2x128x128xf32, #tpu.memory_space<vmem>> -> memref<1x128x128xf32, #tpu.memory_space<vmem>>
      %get3A_500 = tpu.memref_squeeze %get3A_499 : memref<1x128x128xf32, #tpu.memory_space<vmem>> -> memref<128x128xf32, #tpu.memory_space<vmem>>
      %get3A_501 = arith.index_cast %scan3A_379 : i32 to index
      %get3A_502 = arith.constant 112 : index
      %get3A_503 = tpu.vector_load %get3A_500[%get3A_501, %get3A_502] {strides = array<i32>} : memref<128x128xf32, #tpu.memory_space<vmem>>, vector<16xf32>,
      %mul3A_504 = arith.mulf %get3A_496, %get3A_503 : vector<16xf32>
      %add3A_505 = arith.addf %add3A_489, %mul3A_504 : vector<16xf32>
      %swap3A = arith.index_cast %scan3A_379 : i32 to index
      %swap3A_506 = arith.constant 0 : index
      %swap3A_507 = tpu.vector_load %arg16[%swap3A, %swap3A_506] {strides = array<i32>} : memref<128x17xf32, #tpu.memory_space<vmem>>, vector<16xf32>,
      tpu.vector_store %arg16[%swap3A, %swap3A_506], %add3A_505 {strides = array<i32>} : memref<128x17xf32, #tpu.memory_space<vmem>>, vector<16xf32>,
      %scan3A_508 = arith.constant 1 : i32
      %scan3A_509 = arith.addi %scan3A_379, %scan3A_508 : i32
      %get3A_510 = arith.constant 0 : i32
      %get3A_511 = arith.constant 0 : i32
      %get3A_512 = tpu.memref_slice %arg11[%scan3A_135, %get3A_510, %get3A_511] : memref<2x128x128xf32, #tpu.memory_space<vmem>> -> memref<1x128x128xf32, #tpu.memory_space<vmem>>
      %get3A_513 = tpu.memref_squeeze %get3A_512 : memref<1x128x128xf32, #tpu.memory_space<vmem>> -> memref<128x128xf32, #tpu.memory_space<vmem>>
      %get3A_514 = arith.index_cast %scan3A_509 : i32 to index
      %get3A_515 = arith.constant 0 : index
      %get3A_516 = tpu.vector_load %get3A_513[%get3A_514, %get3A_515] {strides = array<i32>} : memref<128x128xf32, #tpu.memory_space<vmem>>, vector<16xf32>,
      %get3A_517 = arith.constant 0 : i32
      %get3A_518 = arith.constant 0 : i32
      %get3A_519 = tpu.memref_slice %arg12[%scan3A_136, %get3A_517, %get3A_518] : memref<2x128x128xf32, #tpu.memory_space<vmem>> -> memref<1x128x128xf32, #tpu.memory_space<vmem>>
      %get3A_520 = tpu.memref_squeeze %get3A_519 : memref<1x128x128xf32, #tpu.memory_space<vmem>> -> memref<128x128xf32, #tpu.memory_space<vmem>>
      %get3A_521 = arith.index_cast %scan3A_509 : i32 to index
      %get3A_522 = arith.constant 0 : index
      %get3A_523 = tpu.vector_load %get3A_520[%get3A_521, %get3A_522] {strides = array<i32>} : memref<128x128xf32, #tpu.memory_space<vmem>>, vector<16xf32>,
      %mul3A_524 = arith.mulf %get3A_516, %get3A_523 : vector<16xf32>
      %get3A_525 = arith.constant 0 : i32
      %get3A_526 = arith.constant 0 : i32
      %get3A_527 = tpu.memref_slice %arg11[%scan3A_135, %get3A_525, %get3A_526] : memref<2x128x128xf32, #tpu.memory_space<vmem>> -> memref<1x128x128xf32, #tpu.memory_space<vmem>>
      %get3A_528 = tpu.memref_squeeze %get3A_527 : memref<1x128x128xf32, #tpu.memory_space<vmem>> -> memref<128x128xf32, #tpu.memory_space<vmem>>
      %get3A_529 = arith.index_cast %scan3A_509 : i32 to index
      %get3A_530 = arith.constant 16 : index
      %get3A_531 = tpu.vector_load %get3A_528[%get3A_529, %get3A_530] {strides = array<i32>} : memref<128x128xf32, #tpu.memory_space<vmem>>, vector<16xf32>,
      %get3A_532 = arith.constant 0 : i32
      %get3A_533 = arith.constant 0 : i32
      %get3A_534 = tpu.memref_slice %arg12[%scan3A_136, %get3A_532, %get3A_533] : memref<2x128x128xf32, #tpu.memory_space<vmem>> -> memref<1x128x128xf32, #tpu.memory_space<vmem>>
      %get3A_535 = tpu.memref_squeeze %get3A_534 : memref<1x128x128xf32, #tpu.memory_space<vmem>> -> memref<128x128xf32, #tpu.memory_space<vmem>>
      %get3A_536 = arith.index_cast %scan3A_509 : i32 to index
      %get3A_537 = arith.constant 16 : index
      %get3A_538 = tpu.vector_load %get3A_535[%get3A_536, %get3A_537] {strides = array<i32>} : memref<128x128xf32, #tpu.memory_space<vmem>>, vector<16xf32>,
      %mul3A_539 = arith.mulf %get3A_531, %get3A_538 : vector<16xf32>
      %add3A_540 = arith.addf %mul3A_524, %mul3A_539 : vector<16xf32>
      %get3A_541 = arith.constant 0 : i32
      %get3A_542 = arith.constant 0 : i32
      %get3A_543 = tpu.memref_slice %arg11[%scan3A_135, %get3A_541, %get3A_542] : memref<2x128x128xf32, #tpu.memory_space<vmem>> -> memref<1x128x128xf32, #tpu.memory_space<vmem>>
      %get3A_544 = tpu.memref_squeeze %get3A_543 : memref<1x128x128xf32, #tpu.memory_space<vmem>> -> memref<128x128xf32, #tpu.memory_space<vmem>>
      %get3A_545 = arith.index_cast %scan3A_509 : i32 to index
      %get3A_546 = arith.constant 32 : index
      %get3A_547 = tpu.vector_load %get3A_544[%get3A_545, %get3A_546] {strides = array<i32>} : memref<128x128xf32, #tpu.memory_space<vmem>>, vector<16xf32>,
      %get3A_548 = arith.constant 0 : i32
      %get3A_549 = arith.constant 0 : i32
      %get3A_550 = tpu.memref_slice %arg12[%scan3A_136, %get3A_548, %get3A_549] : memref<2x128x128xf32, #tpu.memory_space<vmem>> -> memref<1x128x128xf32, #tpu.memory_space<vmem>>
      %get3A_551 = tpu.memref_squeeze %get3A_550 : memref<1x128x128xf32, #tpu.memory_space<vmem>> -> memref<128x128xf32, #tpu.memory_space<vmem>>
      %get3A_552 = arith.index_cast %scan3A_509 : i32 to index
      %get3A_553 = arith.constant 32 : index
      %get3A_554 = tpu.vector_load %get3A_551[%get3A_552, %get3A_553] {strides = array<i32>} : memref<128x128xf32, #tpu.memory_space<vmem>>, vector<16xf32>,
      %mul3A_555 = arith.mulf %get3A_547, %get3A_554 : vector<16xf32>
      %add3A_556 = arith.addf %add3A_540, %mul3A_555 : vector<16xf32>
      %get3A_557 = arith.constant 0 : i32
      %get3A_558 = arith.constant 0 : i32
      %get3A_559 = tpu.memref_slice %arg11[%scan3A_135, %get3A_557, %get3A_558] : memref<2x128x128xf32, #tpu.memory_space<vmem>> -> memref<1x128x128xf32, #tpu.memory_space<vmem>>
      %get3A_560 = tpu.memref_squeeze %get3A_559 : memref<1x128x128xf32, #tpu.memory_space<vmem>> -> memref<128x128xf32, #tpu.memory_space<vmem>>
      %get3A_561 = arith.index_cast %scan3A_509 : i32 to index
      %get3A_562 = arith.constant 48 : index
      %get3A_563 = tpu.vector_load %get3A_560[%get3A_561, %get3A_562] {strides = array<i32>} : memref<128x128xf32, #tpu.memory_space<vmem>>, vector<16xf32>,
      %get3A_564 = arith.constant 0 : i32
      %get3A_565 = arith.constant 0 : i32
      %get3A_566 = tpu.memref_slice %arg12[%scan3A_136, %get3A_564, %get3A_565] : memref<2x128x128xf32, #tpu.memory_space<vmem>> -> memref<1x128x128xf32, #tpu.memory_space<vmem>>
      %get3A_567 = tpu.memref_squeeze %get3A_566 : memref<1x128x128xf32, #tpu.memory_space<vmem>> -> memref<128x128xf32, #tpu.memory_space<vmem>>
      %get3A_568 = arith.index_cast %scan3A_509 : i32 to index
      %get3A_569 = arith.constant 48 : index
      %get3A_570 = tpu.vector_load %get3A_567[%get3A_568, %get3A_569] {strides = array<i32>} : memref<128x128xf32, #tpu.memory_space<vmem>>, vector<16xf32>,
      %mul3A_571 = arith.mulf %get3A_563, %get3A_570 : vector<16xf32>
      %add3A_572 = arith.addf %add3A_556, %mul3A_571 : vector<16xf32>
      %get3A_573 = arith.constant 0 : i32
      %get3A_574 = arith.constant 0 : i32
      %get3A_575 = tpu.memref_slice %arg11[%scan3A_135, %get3A_573, %get3A_574] : memref<2x128x128xf32, #tpu.memory_space<vmem>> -> memref<1x128x128xf32, #tpu.memory_space<vmem>>
      %get3A_576 = tpu.memref_squeeze %get3A_575 : memref<1x128x128xf32, #tpu.memory_space<vmem>> -> memref<128x128xf32, #tpu.memory_space<vmem>>
      %get3A_577 = arith.index_cast %scan3A_509 : i32 to index
      %get3A_578 = arith.constant 64 : index
      %get3A_579 = tpu.vector_load %get3A_576[%get3A_577, %get3A_578] {strides = array<i32>} : memref<128x128xf32, #tpu.memory_space<vmem>>, vector<16xf32>,
      %get3A_580 = arith.constant 0 : i32
      %get3A_581 = arith.constant 0 : i32
      %get3A_582 = tpu.memref_slice %arg12[%scan3A_136, %get3A_580, %get3A_581] : memref<2x128x128xf32, #tpu.memory_space<vmem>> -> memref<1x128x128xf32, #tpu.memory_space<vmem>>
      %get3A_583 = tpu.memref_squeeze %get3A_582 : memref<1x128x128xf32, #tpu.memory_space<vmem>> -> memref<128x128xf32, #tpu.memory_space<vmem>>
      %get3A_584 = arith.index_cast %scan3A_509 : i32 to index
      %get3A_585 = arith.constant 64 : index
      %get3A_586 = tpu.vector_load %get3A_583[%get3A_584, %get3A_585] {strides = array<i32>} : memref<128x128xf32, #tpu.memory_space<vmem>>, vector<16xf32>,
      %mul3A_587 = arith.mulf %get3A_579, %get3A_586 : vector<16xf32>
      %add3A_588 = arith.addf %add3A_572, %mul3A_587 : vector<16xf32>
      %get3A_589 = arith.constant 0 : i32
      %get3A_590 = arith.constant 0 : i32
      %get3A_591 = tpu.memref_slice %arg11[%scan3A_135, %get3A_589, %get3A_590] : memref<2x128x128xf32, #tpu.memory_space<vmem>> -> memref<1x128x128xf32, #tpu.memory_space<vmem>>
      %get3A_592 = tpu.memref_squeeze %get3A_591 : memref<1x128x128xf32, #tpu.memory_space<vmem>> -> memref<128x128xf32, #tpu.memory_space<vmem>>
      %get3A_593 = arith.index_cast %scan3A_509 : i32 to index
      %get3A_594 = arith.constant 80 : index
      %get3A_595 = tpu.vector_load %get3A_592[%get3A_593, %get3A_594] {strides = array<i32>} : memref<128x128xf32, #tpu.memory_space<vmem>>, vector<16xf32>,
      %get3A_596 = arith.constant 0 : i32
      %get3A_597 = arith.constant 0 : i32
      %get3A_598 = tpu.memref_slice %arg12[%scan3A_136, %get3A_596, %get3A_597] : memref<2x128x128xf32, #tpu.memory_space<vmem>> -> memref<1x128x128xf32, #tpu.memory_space<vmem>>
      %get3A_599 = tpu.memref_squeeze %get3A_598 : memref<1x128x128xf32, #tpu.memory_space<vmem>> -> memref<128x128xf32, #tpu.memory_space<vmem>>
      %get3A_600 = arith.index_cast %scan3A_509 : i32 to index
      %get3A_601 = arith.constant 80 : index
      %get3A_602 = tpu.vector_load %get3A_599[%get3A_600, %get3A_601] {strides = array<i32>} : memref<128x128xf32, #tpu.memory_space<vmem>>, vector<16xf32>,
      %mul3A_603 = arith.mulf %get3A_595, %get3A_602 : vector<16xf32>
      %add3A_604 = arith.addf %add3A_588, %mul3A_603 : vector<16xf32>
      %get3A_605 = arith.constant 0 : i32
      %get3A_606 = arith.constant 0 : i32
      %get3A_607 = tpu.memref_slice %arg11[%scan3A_135, %get3A_605, %get3A_606] : memref<2x128x128xf32, #tpu.memory_space<vmem>> -> memref<1x128x128xf32, #tpu.memory_space<vmem>>
      %get3A_608 = tpu.memref_squeeze %get3A_607 : memref<1x128x128xf32, #tpu.memory_space<vmem>> -> memref<128x128xf32, #tpu.memory_space<vmem>>
      %get3A_609 = arith.index_cast %scan3A_509 : i32 to index
      %get3A_610 = arith.constant 96 : index
      %get3A_611 = tpu.vector_load %get3A_608[%get3A_609, %get3A_610] {strides = array<i32>} : memref<128x128xf32, #tpu.memory_space<vmem>>, vector<16xf32>,
      %get3A_612 = arith.constant 0 : i32
      %get3A_613 = arith.constant 0 : i32
      %get3A_614 = tpu.memref_slice %arg12[%scan3A_136, %get3A_612, %get3A_613] : memref<2x128x128xf32, #tpu.memory_space<vmem>> -> memref<1x128x128xf32, #tpu.memory_space<vmem>>
      %get3A_615 = tpu.memref_squeeze %get3A_614 : memref<1x128x128xf32, #tpu.memory_space<vmem>> -> memref<128x128xf32, #tpu.memory_space<vmem>>
      %get3A_616 = arith.index_cast %scan3A_509 : i32 to index
      %get3A_617 = arith.constant 96 : index
      %get3A_618 = tpu.vector_load %get3A_615[%get3A_616, %get3A_617] {strides = array<i32>} : memref<128x128xf32, #tpu.memory_space<vmem>>, vector<16xf32>,
      %mul3A_619 = arith.mulf %get3A_611, %get3A_618 : vector<16xf32>
      %add3A_620 = arith.addf %add3A_604, %mul3A_619 : vector<16xf32>
      %get3A_621 = arith.constant 0 : i32
      %get3A_622 = arith.constant 0 : i32
      %get3A_623 = tpu.memref_slice %arg11[%scan3A_135, %get3A_621, %get3A_622] : memref<2x128x128xf32, #tpu.memory_space<vmem>> -> memref<1x128x128xf32, #tpu.memory_space<vmem>>
      %get3A_624 = tpu.memref_squeeze %get3A_623 : memref<1x128x128xf32, #tpu.memory_space<vmem>> -> memref<128x128xf32, #tpu.memory_space<vmem>>
      %get3A_625 = arith.index_cast %scan3A_509 : i32 to index
      %get3A_626 = arith.constant 112 : index
      %get3A_627 = tpu.vector_load %get3A_624[%get3A_625, %get3A_626] {strides = array<i32>} : memref<128x128xf32, #tpu.memory_space<vmem>>, vector<16xf32>,
      %get3A_628 = arith.constant 0 : i32
      %get3A_629 = arith.constant 0 : i32
      %get3A_630 = tpu.memref_slice %arg12[%scan3A_136, %get3A_628, %get3A_629] : memref<2x128x128xf32, #tpu.memory_space<vmem>> -> memref<1x128x128xf32, #tpu.memory_space<vmem>>
      %get3A_631 = tpu.memref_squeeze %get3A_630 : memref<1x128x128xf32, #tpu.memory_space<vmem>> -> memref<128x128xf32, #tpu.memory_space<vmem>>
      %get3A_632 = arith.index_cast %scan3A_509 : i32 to index
      %get3A_633 = arith.constant 112 : index
      %get3A_634 = tpu.vector_load %get3A_631[%get3A_632, %get3A_633] {strides = array<i32>} : memref<128x128xf32, #tpu.memory_space<vmem>>, vector<16xf32>,
      %mul3A_635 = arith.mulf %get3A_627, %get3A_634 : vector<16xf32>
      %add3A_636 = arith.addf %add3A_620, %mul3A_635 : vector<16xf32>
      %swap3A_637 = arith.index_cast %scan3A_509 : i32 to index
      %swap3A_638 = arith.constant 0 : index
      %swap3A_639 = tpu.vector_load %arg16[%swap3A_637, %swap3A_638] {strides = array<i32>} : memref<128x17xf32, #tpu.memory_space<vmem>>, vector<16xf32>,
      tpu.vector_store %arg16[%swap3A_637, %swap3A_638], %add3A_636 {strides = array<i32>} : memref<128x17xf32, #tpu.memory_space<vmem>>, vector<16xf32>,
      %scan3A_640 = arith.constant 2 : i32
      %scan3A_641 = arith.addi %scan3A_379, %scan3A_640 : i32
      %get3A_642 = arith.constant 0 : i32
      %get3A_643 = arith.constant 0 : i32
      %get3A_644 = tpu.memref_slice %arg11[%scan3A_135, %get3A_642, %get3A_643] : memref<2x128x128xf32, #tpu.memory_space<vmem>> -> memref<1x128x128xf32, #tpu.memory_space<vmem>>
      %get3A_645 = tpu.memref_squeeze %get3A_644 : memref<1x128x128xf32, #tpu.memory_space<vmem>> -> memref<128x128xf32, #tpu.memory_space<vmem>>
      %get3A_646 = arith.index_cast %scan3A_641 : i32 to index
      %get3A_647 = arith.constant 0 : index
      %get3A_648 = tpu.vector_load %get3A_645[%get3A_646, %get3A_647] {strides = array<i32>} : memref<128x128xf32, #tpu.memory_space<vmem>>, vector<16xf32>,
      %get3A_649 = arith.constant 0 : i32
      %get3A_650 = arith.constant 0 : i32
      %get3A_651 = tpu.memref_slice %arg12[%scan3A_136, %get3A_649, %get3A_650] : memref<2x128x128xf32, #tpu.memory_space<vmem>> -> memref<1x128x128xf32, #tpu.memory_space<vmem>>
      %get3A_652 = tpu.memref_squeeze %get3A_651 : memref<1x128x128xf32, #tpu.memory_space<vmem>> -> memref<128x128xf32, #tpu.memory_space<vmem>>
      %get3A_653 = arith.index_cast %scan3A_641 : i32 to index
      %get3A_654 = arith.constant 0 : index
      %get3A_655 = tpu.vector_load %get3A_652[%get3A_653, %get3A_654] {strides = array<i32>} : memref<128x128xf32, #tpu.memory_space<vmem>>, vector<16xf32>,
      %mul3A_656 = arith.mulf %get3A_648, %get3A_655 : vector<16xf32>
      %get3A_657 = arith.constant 0 : i32
      %get3A_658 = arith.constant 0 : i32
      %get3A_659 = tpu.memref_slice %arg11[%scan3A_135, %get3A_657, %get3A_658] : memref<2x128x128xf32, #tpu.memory_space<vmem>> -> memref<1x128x128xf32, #tpu.memory_space<vmem>>
      %get3A_660 = tpu.memref_squeeze %get3A_659 : memref<1x128x128xf32, #tpu.memory_space<vmem>> -> memref<128x128xf32, #tpu.memory_space<vmem>>
      %get3A_661 = arith.index_cast %scan3A_641 : i32 to index
      %get3A_662 = arith.constant 16 : index
      %get3A_663 = tpu.vector_load %get3A_660[%get3A_661, %get3A_662] {strides = array<i32>} : memref<128x128xf32, #tpu.memory_space<vmem>>, vector<16xf32>,
      %get3A_664 = arith.constant 0 : i32
      %get3A_665 = arith.constant 0 : i32
      %get3A_666 = tpu.memref_slice %arg12[%scan3A_136, %get3A_664, %get3A_665] : memref<2x128x128xf32, #tpu.memory_space<vmem>> -> memref<1x128x128xf32, #tpu.memory_space<vmem>>
      %get3A_667 = tpu.memref_squeeze %get3A_666 : memref<1x128x128xf32, #tpu.memory_space<vmem>> -> memref<128x128xf32, #tpu.memory_space<vmem>>
      %get3A_668 = arith.index_cast %scan3A_641 : i32 to index
      %get3A_669 = arith.constant 16 : index
      %get3A_670 = tpu.vector_load %get3A_667[%get3A_668, %get3A_669] {strides = array<i32>} : memref<128x128xf32, #tpu.memory_space<vmem>>, vector<16xf32>,
      %mul3A_671 = arith.mulf %get3A_663, %get3A_670 : vector<16xf32>
      %add3A_672 = arith.addf %mul3A_656, %mul3A_671 : vector<16xf32>
      %get3A_673 = arith.constant 0 : i32
      %get3A_674 = arith.constant 0 : i32
      %get3A_675 = tpu.memref_slice %arg11[%scan3A_135, %get3A_673, %get3A_674] : memref<2x128x128xf32, #tpu.memory_space<vmem>> -> memref<1x128x128xf32, #tpu.memory_space<vmem>>
      %get3A_676 = tpu.memref_squeeze %get3A_675 : memref<1x128x128xf32, #tpu.memory_space<vmem>> -> memref<128x128xf32, #tpu.memory_space<vmem>>
      %get3A_677 = arith.index_cast %scan3A_641 : i32 to index
      %get3A_678 = arith.constant 32 : index
      %get3A_679 = tpu.vector_load %get3A_676[%get3A_677, %get3A_678] {strides = array<i32>} : memref<128x128xf32, #tpu.memory_space<vmem>>, vector<16xf32>,
      %get3A_680 = arith.constant 0 : i32
      %get3A_681 = arith.constant 0 : i32
      %get3A_682 = tpu.memref_slice %arg12[%scan3A_136, %get3A_680, %get3A_681] : memref<2x128x128xf32, #tpu.memory_space<vmem>> -> memref<1x128x128xf32, #tpu.memory_space<vmem>>
      %get3A_683 = tpu.memref_squeeze %get3A_682 : memref<1x128x128xf32, #tpu.memory_space<vmem>> -> memref<128x128xf32, #tpu.memory_space<vmem>>
      %get3A_684 = arith.index_cast %scan3A_641 : i32 to index
      %get3A_685 = arith.constant 32 : index
      %get3A_686 = tpu.vector_load %get3A_683[%get3A_684, %get3A_685] {strides = array<i32>} : memref<128x128xf32, #tpu.memory_space<vmem>>, vector<16xf32>,
      %mul3A_687 = arith.mulf %get3A_679, %get3A_686 : vector<16xf32>
      %add3A_688 = arith.addf %add3A_672, %mul3A_687 : vector<16xf32>
      %get3A_689 = arith.constant 0 : i32
      %get3A_690 = arith.constant 0 : i32
      %get3A_691 = tpu.memref_slice %arg11[%scan3A_135, %get3A_689, %get3A_690] : memref<2x128x128xf32, #tpu.memory_space<vmem>> -> memref<1x128x128xf32, #tpu.memory_space<vmem>>
      %get3A_692 = tpu.memref_squeeze %get3A_691 : memref<1x128x128xf32, #tpu.memory_space<vmem>> -> memref<128x128xf32, #tpu.memory_space<vmem>>
      %get3A_693 = arith.index_cast %scan3A_641 : i32 to index
      %get3A_694 = arith.constant 48 : index
      %get3A_695 = tpu.vector_load %get3A_692[%get3A_693, %get3A_694] {strides = array<i32>} : memref<128x128xf32, #tpu.memory_space<vmem>>, vector<16xf32>,
      %get3A_696 = arith.constant 0 : i32
      %get3A_697 = arith.constant 0 : i32
      %get3A_698 = tpu.memref_slice %arg12[%scan3A_136, %get3A_696, %get3A_697] : memref<2x128x128xf32, #tpu.memory_space<vmem>> -> memref<1x128x128xf32, #tpu.memory_space<vmem>>
      %get3A_699 = tpu.memref_squeeze %get3A_698 : memref<1x128x128xf32, #tpu.memory_space<vmem>> -> memref<128x128xf32, #tpu.memory_space<vmem>>
      %get3A_700 = arith.index_cast %scan3A_641 : i32 to index
      %get3A_701 = arith.constant 48 : index
      %get3A_702 = tpu.vector_load %get3A_699[%get3A_700, %get3A_701] {strides = array<i32>} : memref<128x128xf32, #tpu.memory_space<vmem>>, vector<16xf32>,
      %mul3A_703 = arith.mulf %get3A_695, %get3A_702 : vector<16xf32>
      %add3A_704 = arith.addf %add3A_688, %mul3A_703 : vector<16xf32>
      %get3A_705 = arith.constant 0 : i32
      %get3A_706 = arith.constant 0 : i32
      %get3A_707 = tpu.memref_slice %arg11[%scan3A_135, %get3A_705, %get3A_706] : memref<2x128x128xf32, #tpu.memory_space<vmem>> -> memref<1x128x128xf32, #tpu.memory_space<vmem>>
      %get3A_708 = tpu.memref_squeeze %get3A_707 : memref<1x128x128xf32, #tpu.memory_space<vmem>> -> memref<128x128xf32, #tpu.memory_space<vmem>>
      %get3A_709 = arith.index_cast %scan3A_641 : i32 to index
      %get3A_710 = arith.constant 64 : index
      %get3A_711 = tpu.vector_load %get3A_708[%get3A_709, %get3A_710] {strides = array<i32>} : memref<128x128xf32, #tpu.memory_space<vmem>>, vector<16xf32>,
      %get3A_712 = arith.constant 0 : i32
      %get3A_713 = arith.constant 0 : i32
      %get3A_714 = tpu.memref_slice %arg12[%scan3A_136, %get3A_712, %get3A_713] : memref<2x128x128xf32, #tpu.memory_space<vmem>> -> memref<1x128x128xf32, #tpu.memory_space<vmem>>
      %get3A_715 = tpu.memref_squeeze %get3A_714 : memref<1x128x128xf32, #tpu.memory_space<vmem>> -> memref<128x128xf32, #tpu.memory_space<vmem>>
      %get3A_716 = arith.index_cast %scan3A_641 : i32 to index
      %get3A_717 = arith.constant 64 : index
      %get3A_718 = tpu.vector_load %get3A_715[%get3A_716, %get3A_717] {strides = array<i32>} : memref<128x128xf32, #tpu.memory_space<vmem>>, vector<16xf32>,
      %mul3A_719 = arith.mulf %get3A_711, %get3A_718 : vector<16xf32>
      %add3A_720 = arith.addf %add3A_704, %mul3A_719 : vector<16xf32>
      %get3A_721 = arith.constant 0 : i32
      %get3A_722 = arith.constant 0 : i32
      %get3A_723 = tpu.memref_slice %arg11[%scan3A_135, %get3A_721, %get3A_722] : memref<2x128x128xf32, #tpu.memory_space<vmem>> -> memref<1x128x128xf32, #tpu.memory_space<vmem>>
      %get3A_724 = tpu.memref_squeeze %get3A_723 : memref<1x128x128xf32, #tpu.memory_space<vmem>> -> memref<128x128xf32, #tpu.memory_space<vmem>>
      %get3A_725 = arith.index_cast %scan3A_641 : i32 to index
      %get3A_726 = arith.constant 80 : index
      %get3A_727 = tpu.vector_load %get3A_724[%get3A_725, %get3A_726] {strides = array<i32>} : memref<128x128xf32, #tpu.memory_space<vmem>>, vector<16xf32>,
      %get3A_728 = arith.constant 0 : i32
      %get3A_729 = arith.constant 0 : i32
      %get3A_730 = tpu.memref_slice %arg12[%scan3A_136, %get3A_728, %get3A_729] : memref<2x128x128xf32, #tpu.memory_space<vmem>> -> memref<1x128x128xf32, #tpu.memory_space<vmem>>
      %get3A_731 = tpu.memref_squeeze %get3A_730 : memref<1x128x128xf32, #tpu.memory_space<vmem>> -> memref<128x128xf32, #tpu.memory_space<vmem>>
      %get3A_732 = arith.index_cast %scan3A_641 : i32 to index
      %get3A_733 = arith.constant 80 : index
      %get3A_734 = tpu.vector_load %get3A_731[%get3A_732, %get3A_733] {strides = array<i32>} : memref<128x128xf32, #tpu.memory_space<vmem>>, vector<16xf32>,
      %mul3A_735 = arith.mulf %get3A_727, %get3A_734 : vector<16xf32>
      %add3A_736 = arith.addf %add3A_720, %mul3A_735 : vector<16xf32>
      %get3A_737 = arith.constant 0 : i32
      %get3A_738 = arith.constant 0 : i32
      %get3A_739 = tpu.memref_slice %arg11[%scan3A_135, %get3A_737, %get3A_738] : memref<2x128x128xf32, #tpu.memory_space<vmem>> -> memref<1x128x128xf32, #tpu.memory_space<vmem>>
      %get3A_740 = tpu.memref_squeeze %get3A_739 : memref<1x128x128xf32, #tpu.memory_space<vmem>> -> memref<128x128xf32, #tpu.memory_space<vmem>>
      %get3A_741 = arith.index_cast %scan3A_641 : i32 to index
      %get3A_742 = arith.constant 96 : index
      %get3A_743 = tpu.vector_load %get3A_740[%get3A_741, %get3A_742] {strides = array<i32>} : memref<128x128xf32, #tpu.memory_space<vmem>>, vector<16xf32>,
      %get3A_744 = arith.constant 0 : i32
      %get3A_745 = arith.constant 0 : i32
      %get3A_746 = tpu.memref_slice %arg12[%scan3A_136, %get3A_744, %get3A_745] : memref<2x128x128xf32, #tpu.memory_space<vmem>> -> memref<1x128x128xf32, #tpu.memory_space<vmem>>
      %get3A_747 = tpu.memref_squeeze %get3A_746 : memref<1x128x128xf32, #tpu.memory_space<vmem>> -> memref<128x128xf32, #tpu.memory_space<vmem>>
      %get3A_748 = arith.index_cast %scan3A_641 : i32 to index
      %get3A_749 = arith.constant 96 : index
      %get3A_750 = tpu.vector_load %get3A_747[%get3A_748, %get3A_749] {strides = array<i32>} : memref<128x128xf32, #tpu.memory_space<vmem>>, vector<16xf32>,
      %mul3A_751 = arith.mulf %get3A_743, %get3A_750 : vector<16xf32>
      %add3A_752 = arith.addf %add3A_736, %mul3A_751 : vector<16xf32>
      %get3A_753 = arith.constant 0 : i32
      %get3A_754 = arith.constant 0 : i32
      %get3A_755 = tpu.memref_slice %arg11[%scan3A_135, %get3A_753, %get3A_754] : memref<2x128x128xf32, #tpu.memory_space<vmem>> -> memref<1x128x128xf32, #tpu.memory_space<vmem>>
      %get3A_756 = tpu.memref_squeeze %get3A_755 : memref<1x128x128xf32, #tpu.memory_space<vmem>> -> memref<128x128xf32, #tpu.memory_space<vmem>>
      %get3A_757 = arith.index_cast %scan3A_641 : i32 to index
      %get3A_758 = arith.constant 112 : index
      %get3A_759 = tpu.vector_load %get3A_756[%get3A_757, %get3A_758] {strides = array<i32>} : memref<128x128xf32, #tpu.memory_space<vmem>>, vector<16xf32>,
      %get3A_760 = arith.constant 0 : i32
      %get3A_761 = arith.constant 0 : i32
      %get3A_762 = tpu.memref_slice %arg12[%scan3A_136, %get3A_760, %get3A_761] : memref<2x128x128xf32, #tpu.memory_space<vmem>> -> memref<1x128x128xf32, #tpu.memory_space<vmem>>
      %get3A_763 = tpu.memref_squeeze %get3A_762 : memref<1x128x128xf32, #tpu.memory_space<vmem>> -> memref<128x128xf32, #tpu.memory_space<vmem>>
      %get3A_764 = arith.index_cast %scan3A_641 : i32 to index
      %get3A_765 = arith.constant 112 : index
      %get3A_766 = tpu.vector_load %get3A_763[%get3A_764, %get3A_765] {strides = array<i32>} : memref<128x128xf32, #tpu.memory_space<vmem>>, vector<16xf32>,
      %mul3A_767 = arith.mulf %get3A_759, %get3A_766 : vector<16xf32>
      %add3A_768 = arith.addf %add3A_752, %mul3A_767 : vector<16xf32>
      %swap3A_769 = arith.index_cast %scan3A_641 : i32 to index
      %swap3A_770 = arith.constant 0 : index
      %swap3A_771 = tpu.vector_load %arg16[%swap3A_769, %swap3A_770] {strides = array<i32>} : memref<128x17xf32, #tpu.memory_space<vmem>>, vector<16xf32>,
      tpu.vector_store %arg16[%swap3A_769, %swap3A_770], %add3A_768 {strides = array<i32>} : memref<128x17xf32, #tpu.memory_space<vmem>>, vector<16xf32>,
      %scan3A_772 = arith.constant 3 : i32
      %scan3A_773 = arith.addi %scan3A_379, %scan3A_772 : i32
      %get3A_774 = arith.constant 0 : i32
      %get3A_775 = arith.constant 0 : i32
      %get3A_776 = tpu.memref_slice %arg11[%scan3A_135, %get3A_774, %get3A_775] : memref<2x128x128xf32, #tpu.memory_space<vmem>> -> memref<1x128x128xf32, #tpu.memory_space<vmem>>
      %get3A_777 = tpu.memref_squeeze %get3A_776 : memref<1x128x128xf32, #tpu.memory_space<vmem>> -> memref<128x128xf32, #tpu.memory_space<vmem>>
      %get3A_778 = arith.index_cast %scan3A_773 : i32 to index
      %get3A_779 = arith.constant 0 : index
      %get3A_780 = tpu.vector_load %get3A_777[%get3A_778, %get3A_779] {strides = array<i32>} : memref<128x128xf32, #tpu.memory_space<vmem>>, vector<16xf32>,
      %get3A_781 = arith.constant 0 : i32
      %get3A_782 = arith.constant 0 : i32
      %get3A_783 = tpu.memref_slice %arg12[%scan3A_136, %get3A_781, %get3A_782] : memref<2x128x128xf32, #tpu.memory_space<vmem>> -> memref<1x128x128xf32, #tpu.memory_space<vmem>>
      %get3A_784 = tpu.memref_squeeze %get3A_783 : memref<1x128x128xf32, #tpu.memory_space<vmem>> -> memref<128x128xf32, #tpu.memory_space<vmem>>
      %get3A_785 = arith.index_cast %scan3A_773 : i32 to index
      %get3A_786 = arith.constant 0 : index
      %get3A_787 = tpu.vector_load %get3A_784[%get3A_785, %get3A_786] {strides = array<i32>} : memref<128x128xf32, #tpu.memory_space<vmem>>, vector<16xf32>,
      %mul3A_788 = arith.mulf %get3A_780, %get3A_787 : vector<16xf32>
      %get3A_789 = arith.constant 0 : i32
      %get3A_790 = arith.constant 0 : i32
      %get3A_791 = tpu.memref_slice %arg11[%scan3A_135, %get3A_789, %get3A_790] : memref<2x128x128xf32, #tpu.memory_space<vmem>> -> memref<1x128x128xf32, #tpu.memory_space<vmem>>
      %get3A_792 = tpu.memref_squeeze %get3A_791 : memref<1x128x128xf32, #tpu.memory_space<vmem>> -> memref<128x128xf32, #tpu.memory_space<vmem>>
      %get3A_793 = arith.index_cast %scan3A_773 : i32 to index
      %get3A_794 = arith.constant 16 : index
      %get3A_795 = tpu.vector_load %get3A_792[%get3A_793, %get3A_794] {strides = array<i32>} : memref<128x128xf32, #tpu.memory_space<vmem>>, vector<16xf32>,
      %get3A_796 = arith.constant 0 : i32
      %get3A_797 = arith.constant 0 : i32
      %get3A_798 = tpu.memref_slice %arg12[%scan3A_136, %get3A_796, %get3A_797] : memref<2x128x128xf32, #tpu.memory_space<vmem>> -> memref<1x128x128xf32, #tpu.memory_space<vmem>>
      %get3A_799 = tpu.memref_squeeze %get3A_798 : memref<1x128x128xf32, #tpu.memory_space<vmem>> -> memref<128x128xf32, #tpu.memory_space<vmem>>
      %get3A_800 = arith.index_cast %scan3A_773 : i32 to index
      %get3A_801 = arith.constant 16 : index
      %get3A_802 = tpu.vector_load %get3A_799[%get3A_800, %get3A_801] {strides = array<i32>} : memref<128x128xf32, #tpu.memory_space<vmem>>, vector<16xf32>,
      %mul3A_803 = arith.mulf %get3A_795, %get3A_802 : vector<16xf32>
      %add3A_804 = arith.addf %mul3A_788, %mul3A_803 : vector<16xf32>
      %get3A_805 = arith.constant 0 : i32
      %get3A_806 = arith.constant 0 : i32
      %get3A_807 = tpu.memref_slice %arg11[%scan3A_135, %get3A_805, %get3A_806] : memref<2x128x128xf32, #tpu.memory_space<vmem>> -> memref<1x128x128xf32, #tpu.memory_space<vmem>>
      %get3A_808 = tpu.memref_squeeze %get3A_807 : memref<1x128x128xf32, #tpu.memory_space<vmem>> -> memref<128x128xf32, #tpu.memory_space<vmem>>
      %get3A_809 = arith.index_cast %scan3A_773 : i32 to index
      %get3A_810 = arith.constant 32 : index
      %get3A_811 = tpu.vector_load %get3A_808[%get3A_809, %get3A_810] {strides = array<i32>} : memref<128x128xf32, #tpu.memory_space<vmem>>, vector<16xf32>,
      %get3A_812 = arith.constant 0 : i32
      %get3A_813 = arith.constant 0 : i32
      %get3A_814 = tpu.memref_slice %arg12[%scan3A_136, %get3A_812, %get3A_813] : memref<2x128x128xf32, #tpu.memory_space<vmem>> -> memref<1x128x128xf32, #tpu.memory_space<vmem>>
      %get3A_815 = tpu.memref_squeeze %get3A_814 : memref<1x128x128xf32, #tpu.memory_space<vmem>> -> memref<128x128xf32, #tpu.memory_space<vmem>>
      %get3A_816 = arith.index_cast %scan3A_773 : i32 to index
      %get3A_817 = arith.constant 32 : index
      %get3A_818 = tpu.vector_load %get3A_815[%get3A_816, %get3A_817] {strides = array<i32>} : memref<128x128xf32, #tpu.memory_space<vmem>>, vector<16xf32>,
      %mul3A_819 = arith.mulf %get3A_811, %get3A_818 : vector<16xf32>
      %add3A_820 = arith.addf %add3A_804, %mul3A_819 : vector<16xf32>
      %get3A_821 = arith.constant 0 : i32
      %get3A_822 = arith.constant 0 : i32
      %get3A_823 = tpu.memref_slice %arg11[%scan3A_135, %get3A_821, %get3A_822] : memref<2x128x128xf32, #tpu.memory_space<vmem>> -> memref<1x128x128xf32, #tpu.memory_space<vmem>>
      %get3A_824 = tpu.memref_squeeze %get3A_823 : memref<1x128x128xf32, #tpu.memory_space<vmem>> -> memref<128x128xf32, #tpu.memory_space<vmem>>
      %get3A_825 = arith.index_cast %scan3A_773 : i32 to index
      %get3A_826 = arith.constant 48 : index
      %get3A_827 = tpu.vector_load %get3A_824[%get3A_825, %get3A_826] {strides = array<i32>} : memref<128x128xf32, #tpu.memory_space<vmem>>, vector<16xf32>,
      %get3A_828 = arith.constant 0 : i32
      %get3A_829 = arith.constant 0 : i32
      %get3A_830 = tpu.memref_slice %arg12[%scan3A_136, %get3A_828, %get3A_829] : memref<2x128x128xf32, #tpu.memory_space<vmem>> -> memref<1x128x128xf32, #tpu.memory_space<vmem>>
      %get3A_831 = tpu.memref_squeeze %get3A_830 : memref<1x128x128xf32, #tpu.memory_space<vmem>> -> memref<128x128xf32, #tpu.memory_space<vmem>>
      %get3A_832 = arith.index_cast %scan3A_773 : i32 to index
      %get3A_833 = arith.constant 48 : index
      %get3A_834 = tpu.vector_load %get3A_831[%get3A_832, %get3A_833] {strides = array<i32>} : memref<128x128xf32, #tpu.memory_space<vmem>>, vector<16xf32>,
      %mul3A_835 = arith.mulf %get3A_827, %get3A_834 : vector<16xf32>
      %add3A_836 = arith.addf %add3A_820, %mul3A_835 : vector<16xf32>
      %get3A_837 = arith.constant 0 : i32
      %get3A_838 = arith.constant 0 : i32
      %get3A_839 = tpu.memref_slice %arg11[%scan3A_135, %get3A_837, %get3A_838] : memref<2x128x128xf32, #tpu.memory_space<vmem>> -> memref<1x128x128xf32, #tpu.memory_space<vmem>>
      %get3A_840 = tpu.memref_squeeze %get3A_839 : memref<1x128x128xf32, #tpu.memory_space<vmem>> -> memref<128x128xf32, #tpu.memory_space<vmem>>
      %get3A_841 = arith.index_cast %scan3A_773 : i32 to index
      %get3A_842 = arith.constant 64 : index
      %get3A_843 = tpu.vector_load %get3A_840[%get3A_841, %get3A_842] {strides = array<i32>} : memref<128x128xf32, #tpu.memory_space<vmem>>, vector<16xf32>,
      %get3A_844 = arith.constant 0 : i32
      %get3A_845 = arith.constant 0 : i32
      %get3A_846 = tpu.memref_slice %arg12[%scan3A_136, %get3A_844, %get3A_845] : memref<2x128x128xf32, #tpu.memory_space<vmem>> -> memref<1x128x128xf32, #tpu.memory_space<vmem>>
      %get3A_847 = tpu.memref_squeeze %get3A_846 : memref<1x128x128xf32, #tpu.memory_space<vmem>> -> memref<128x128xf32, #tpu.memory_space<vmem>>
      %get3A_848 = arith.index_cast %scan3A_773 : i32 to index
      %get3A_849 = arith.constant 64 : index
      %get3A_850 = tpu.vector_load %get3A_847[%get3A_848, %get3A_849] {strides = array<i32>} : memref<128x128xf32, #tpu.memory_space<vmem>>, vector<16xf32>,
      %mul3A_851 = arith.mulf %get3A_843, %get3A_850 : vector<16xf32>
      %add3A_852 = arith.addf %add3A_836, %mul3A_851 : vector<16xf32>
      %get3A_853 = arith.constant 0 : i32
      %get3A_854 = arith.constant 0 : i32
      %get3A_855 = tpu.memref_slice %arg11[%scan3A_135, %get3A_853, %get3A_854] : memref<2x128x128xf32, #tpu.memory_space<vmem>> -> memref<1x128x128xf32, #tpu.memory_space<vmem>>
      %get3A_856 = tpu.memref_squeeze %get3A_855 : memref<1x128x128xf32, #tpu.memory_space<vmem>> -> memref<128x128xf32, #tpu.memory_space<vmem>>
      %get3A_857 = arith.index_cast %scan3A_773 : i32 to index
      %get3A_858 = arith.constant 80 : index
      %get3A_859 = tpu.vector_load %get3A_856[%get3A_857, %get3A_858] {strides = array<i32>} : memref<128x128xf32, #tpu.memory_space<vmem>>, vector<16xf32>,
      %get3A_860 = arith.constant 0 : i32
      %get3A_861 = arith.constant 0 : i32
      %get3A_862 = tpu.memref_slice %arg12[%scan3A_136, %get3A_860, %get3A_861] : memref<2x128x128xf32, #tpu.memory_space<vmem>> -> memref<1x128x128xf32, #tpu.memory_space<vmem>>
      %get3A_863 = tpu.memref_squeeze %get3A_862 : memref<1x128x128xf32, #tpu.memory_space<vmem>> -> memref<128x128xf32, #tpu.memory_space<vmem>>
      %get3A_864 = arith.index_cast %scan3A_773 : i32 to index
      %get3A_865 = arith.constant 80 : index
      %get3A_866 = tpu.vector_load %get3A_863[%get3A_864, %get3A_865] {strides = array<i32>} : memref<128x128xf32, #tpu.memory_space<vmem>>, vector<16xf32>,
      %mul3A_867 = arith.mulf %get3A_859, %get3A_866 : vector<16xf32>
      %add3A_868 = arith.addf %add3A_852, %mul3A_867 : vector<16xf32>
      %get3A_869 = arith.constant 0 : i32
      %get3A_870 = arith.constant 0 : i32
      %get3A_871 = tpu.memref_slice %arg11[%scan3A_135, %get3A_869, %get3A_870] : memref<2x128x128xf32, #tpu.memory_space<vmem>> -> memref<1x128x128xf32, #tpu.memory_space<vmem>>
      %get3A_872 = tpu.memref_squeeze %get3A_871 : memref<1x128x128xf32, #tpu.memory_space<vmem>> -> memref<128x128xf32, #tpu.memory_space<vmem>>
      %get3A_873 = arith.index_cast %scan3A_773 : i32 to index
      %get3A_874 = arith.constant 96 : index
      %get3A_875 = tpu.vector_load %get3A_872[%get3A_873, %get3A_874] {strides = array<i32>} : memref<128x128xf32, #tpu.memory_space<vmem>>, vector<16xf32>,
      %get3A_876 = arith.constant 0 : i32
      %get3A_877 = arith.constant 0 : i32
      %get3A_878 = tpu.memref_slice %arg12[%scan3A_136, %get3A_876, %get3A_877] : memref<2x128x128xf32, #tpu.memory_space<vmem>> -> memref<1x128x128xf32, #tpu.memory_space<vmem>>
      %get3A_879 = tpu.memref_squeeze %get3A_878 : memref<1x128x128xf32, #tpu.memory_space<vmem>> -> memref<128x128xf32, #tpu.memory_space<vmem>>
      %get3A_880 = arith.index_cast %scan3A_773 : i32 to index
      %get3A_881 = arith.constant 96 : index
      %get3A_882 = tpu.vector_load %get3A_879[%get3A_880, %get3A_881] {strides = array<i32>} : memref<128x128xf32, #tpu.memory_space<vmem>>, vector<16xf32>,
      %mul3A_883 = arith.mulf %get3A_875, %get3A_882 : vector<16xf32>
      %add3A_884 = arith.addf %add3A_868, %mul3A_883 : vector<16xf32>
      %get3A_885 = arith.constant 0 : i32
      %get3A_886 = arith.constant 0 : i32
      %get3A_887 = tpu.memref_slice %arg11[%scan3A_135, %get3A_885, %get3A_886] : memref<2x128x128xf32, #tpu.memory_space<vmem>> -> memref<1x128x128xf32, #tpu.memory_space<vmem>>
      %get3A_888 = tpu.memref_squeeze %get3A_887 : memref<1x128x128xf32, #tpu.memory_space<vmem>> -> memref<128x128xf32, #tpu.memory_space<vmem>>
      %get3A_889 = arith.index_cast %scan3A_773 : i32 to index
      %get3A_890 = arith.constant 112 : index
      %get3A_891 = tpu.vector_load %get3A_888[%get3A_889, %get3A_890] {strides = array<i32>} : memref<128x128xf32, #tpu.memory_space<vmem>>, vector<16xf32>,
      %get3A_892 = arith.constant 0 : i32
      %get3A_893 = arith.constant 0 : i32
      %get3A_894 = tpu.memref_slice %arg12[%scan3A_136, %get3A_892, %get3A_893] : memref<2x128x128xf32, #tpu.memory_space<vmem>> -> memref<1x128x128xf32, #tpu.memory_space<vmem>>
      %get3A_895 = tpu.memref_squeeze %get3A_894 : memref<1x128x128xf32, #tpu.memory_space<vmem>> -> memref<128x128xf32, #tpu.memory_space<vmem>>
      %get3A_896 = arith.index_cast %scan3A_773 : i32 to index
      %get3A_897 = arith.constant 112 : index
      %get3A_898 = tpu.vector_load %get3A_895[%get3A_896, %get3A_897] {strides = array<i32>} : memref<128x128xf32, #tpu.memory_space<vmem>>, vector<16xf32>,
      %mul3A_899 = arith.mulf %get3A_891, %get3A_898 : vector<16xf32>
      %add3A_900 = arith.addf %add3A_884, %mul3A_899 : vector<16xf32>
      %swap3A_901 = arith.index_cast %scan3A_773 : i32 to index
      %swap3A_902 = arith.constant 0 : index
      %swap3A_903 = tpu.vector_load %arg16[%swap3A_901, %swap3A_902] {strides = array<i32>} : memref<128x17xf32, #tpu.memory_space<vmem>>, vector<16xf32>,
      tpu.vector_store %arg16[%swap3A_901, %swap3A_902], %add3A_900 {strides = array<i32>} : memref<128x17xf32, #tpu.memory_space<vmem>>, vector<16xf32>,
    }
    %scan3A_141 = arith.constant 128 : i32
    %dma_wait3A_142 = arith.constant 0 : i32
    %dma_wait3A_143 = arith.constant 0 : i32
    %dma_wait3A_144 = tpu.memref_slice %arg13[%dma_wait3A_143] : memref<512xf32, #tpu.memory_space<vmem>> -> memref<128xf32, #tpu.memory_space<vmem>>
    %dma_wait3A_145 = arith.constant 0 : i32
    %dma_wait3A_146 = tpu.memref_slice %arg9[%dma_wait3A_142, %dma_wait3A_145] : memref<4x128xi32, #tpu.memory_space<vmem>> -> memref<1x128xi32, #tpu.memory_space<vmem>>
    %dma_wait3A_147 = tpu.memref_squeeze %dma_wait3A_146 : memref<1x128xi32, #tpu.memory_space<vmem>> -> memref<128xi32, #tpu.memory_space<vmem>>
    %dma_wait3A_148 = arith.constant 0 : i32
    %dma_wait3A_149 = tpu.memref_slice %arg6[%dma_wait3A_148] : memref<100000xf32, #tpu.memory_space<hbm>> -> memref<100000xf32, #tpu.memory_space<hbm>>
    tpu.wait_indirect_dma semaphore(%arg21 : memref<!tpu.dma_semaphore, #tpu.memory_space<semaphore_mem>>) src(%dma_wait3A_149 : memref<100000xf32, #tpu.memory_space<hbm>>) dst(%dma_wait3A_144 : memref<128xf32, #tpu.memory_space<vmem>>)
    %dma_wait3A_150 = arith.constant 0 : i32
    %dma_wait3A_151 = arith.constant 0 : i32
    %dma_wait3A_152 = tpu.memref_slice %arg14[%dma_wait3A_151] : memref<512xf32, #tpu.memory_space<vmem>> -> memref<128xf32, #tpu.memory_space<vmem>>
    %dma_wait3A_153 = arith.constant 0 : i32
    %dma_wait3A_154 = tpu.memref_slice %arg10[%dma_wait3A_150, %dma_wait3A_153] : memref<4x128xi32, #tpu.memory_space<vmem>> -> memref<1x128xi32, #tpu.memory_space<vmem>>
    %dma_wait3A_155 = tpu.memref_squeeze %dma_wait3A_154 : memref<1x128xi32, #tpu.memory_space<vmem>> -> memref<128xi32, #tpu.memory_space<vmem>>
    %dma_wait3A_156 = arith.constant 0 : i32
    %dma_wait3A_157 = tpu.memref_slice %arg7[%dma_wait3A_156] : memref<100000xf32, #tpu.memory_space<hbm>> -> memref<100000xf32, #tpu.memory_space<hbm>>
    tpu.wait_indirect_dma semaphore(%arg21 : memref<!tpu.dma_semaphore, #tpu.memory_space<semaphore_mem>>) src(%dma_wait3A_157 : memref<100000xf32, #tpu.memory_space<hbm>>) dst(%dma_wait3A_152 : memref<128xf32, #tpu.memory_space<vmem>>)
    %dma_wait3A_158 = arith.constant 1 : i32
    %dma_wait3A_159 = arith.constant 128 : i32
    %dma_wait3A_160 = tpu.memref_slice %arg13[%dma_wait3A_159] : memref<512xf32, #tpu.memory_space<vmem>> -> memref<128xf32, #tpu.memory_space<vmem>>
    %dma_wait3A_161 = arith.constant 0 : i32
    %dma_wait3A_162 = tpu.memref_slice %arg9[%dma_wait3A_158, %dma_wait3A_161] : memref<4x128xi32, #tpu.memory_space<vmem>> -> memref<1x128xi32, #tpu.memory_space<vmem>>
    %dma_wait3A_163 = tpu.memref_squeeze %dma_wait3A_162 : memref<1x128xi32, #tpu.memory_space<vmem>> -> memref<128xi32, #tpu.memory_space<vmem>>
    %dma_wait3A_164 = arith.constant 0 : i32
    %dma_wait3A_165 = tpu.memref_slice %arg6[%dma_wait3A_164] : memref<100000xf32, #tpu.memory_space<hbm>> -> memref<100000xf32, #tpu.memory_space<hbm>>
    tpu.wait_indirect_dma semaphore(%arg21 : memref<!tpu.dma_semaphore, #tpu.memory_space<semaphore_mem>>) src(%dma_wait3A_165 : memref<100000xf32, #tpu.memory_space<hbm>>) dst(%dma_wait3A_160 : memref<128xf32, #tpu.memory_space<vmem>>)
    %dma_wait3A_166 = arith.constant 1 : i32
    %dma_wait3A_167 = arith.constant 128 : i32
    %dma_wait3A_168 = tpu.memref_slice %arg14[%dma_wait3A_167] : memref<512xf32, #tpu.memory_space<vmem>> -> memref<128xf32, #tpu.memory_space<vmem>>
    %dma_wait3A_169 = arith.constant 0 : i32
    %dma_wait3A_170 = tpu.memref_slice %arg10[%dma_wait3A_166, %dma_wait3A_169] : memref<4x128xi32, #tpu.memory_space<vmem>> -> memref<1x128xi32, #tpu.memory_space<vmem>>
    %dma_wait3A_171 = tpu.memref_squeeze %dma_wait3A_170 : memref<1x128xi32, #tpu.memory_space<vmem>> -> memref<128xi32, #tpu.memory_space<vmem>>
    %dma_wait3A_172 = arith.constant 0 : i32
    %dma_wait3A_173 = tpu.memref_slice %arg7[%dma_wait3A_172] : memref<100000xf32, #tpu.memory_space<hbm>> -> memref<100000xf32, #tpu.memory_space<hbm>>
    tpu.wait_indirect_dma semaphore(%arg21 : memref<!tpu.dma_semaphore, #tpu.memory_space<semaphore_mem>>) src(%dma_wait3A_173 : memref<100000xf32, #tpu.memory_space<hbm>>) dst(%dma_wait3A_168 : memref<128xf32, #tpu.memory_space<vmem>>)
    %dma_wait3A_174 = arith.constant 2 : i32
    %dma_wait3A_175 = arith.constant 256 : i32
    %dma_wait3A_176 = tpu.memref_slice %arg13[%dma_wait3A_175] : memref<512xf32, #tpu.memory_space<vmem>> -> memref<128xf32, #tpu.memory_space<vmem>>
    %dma_wait3A_177 = arith.constant 0 : i32
    %dma_wait3A_178 = tpu.memref_slice %arg9[%dma_wait3A_174, %dma_wait3A_177] : memref<4x128xi32, #tpu.memory_space<vmem>> -> memref<1x128xi32, #tpu.memory_space<vmem>>
    %dma_wait3A_179 = tpu.memref_squeeze %dma_wait3A_178 : memref<1x128xi32, #tpu.memory_space<vmem>> -> memref<128xi32, #tpu.memory_space<vmem>>
    %dma_wait3A_180 = arith.constant 0 : i32
    %dma_wait3A_181 = tpu.memref_slice %arg6[%dma_wait3A_180] : memref<100000xf32, #tpu.memory_space<hbm>> -> memref<100000xf32, #tpu.memory_space<hbm>>
    tpu.wait_indirect_dma semaphore(%arg21 : memref<!tpu.dma_semaphore, #tpu.memory_space<semaphore_mem>>) src(%dma_wait3A_181 : memref<100000xf32, #tpu.memory_space<hbm>>) dst(%dma_wait3A_176 : memref<128xf32, #tpu.memory_space<vmem>>)
    %dma_wait3A_182 = arith.constant 2 : i32
    %dma_wait3A_183 = arith.constant 256 : i32
    %dma_wait3A_184 = tpu.memref_slice %arg14[%dma_wait3A_183] : memref<512xf32, #tpu.memory_space<vmem>> -> memref<128xf32, #tpu.memory_space<vmem>>
    %dma_wait3A_185 = arith.constant 0 : i32
    %dma_wait3A_186 = tpu.memref_slice %arg10[%dma_wait3A_182, %dma_wait3A_185] : memref<4x128xi32, #tpu.memory_space<vmem>> -> memref<1x128xi32, #tpu.memory_space<vmem>>
    %dma_wait3A_187 = tpu.memref_squeeze %dma_wait3A_186 : memref<1x128xi32, #tpu.memory_space<vmem>> -> memref<128xi32, #tpu.memory_space<vmem>>
    %dma_wait3A_188 = arith.constant 0 : i32
    %dma_wait3A_189 = tpu.memref_slice %arg7[%dma_wait3A_188] : memref<100000xf32, #tpu.memory_space<hbm>> -> memref<100000xf32, #tpu.memory_space<hbm>>
    tpu.wait_indirect_dma semaphore(%arg21 : memref<!tpu.dma_semaphore, #tpu.memory_space<semaphore_mem>>) src(%dma_wait3A_189 : memref<100000xf32, #tpu.memory_space<hbm>>) dst(%dma_wait3A_184 : memref<128xf32, #tpu.memory_space<vmem>>)
    %dma_wait3A_190 = arith.constant 3 : i32
    %dma_wait3A_191 = arith.constant 384 : i32
    %dma_wait3A_192 = tpu.memref_slice %arg13[%dma_wait3A_191] : memref<512xf32, #tpu.memory_space<vmem>> -> memref<128xf32, #tpu.memory_space<vmem>>
    %dma_wait3A_193 = arith.constant 0 : i32
    %dma_wait3A_194 = tpu.memref_slice %arg9[%dma_wait3A_190, %dma_wait3A_193] : memref<4x128xi32, #tpu.memory_space<vmem>> -> memref<1x128xi32, #tpu.memory_space<vmem>>
    %dma_wait3A_195 = tpu.memref_squeeze %dma_wait3A_194 : memref<1x128xi32, #tpu.memory_space<vmem>> -> memref<128xi32, #tpu.memory_space<vmem>>
    %dma_wait3A_196 = arith.constant 0 : i32
    %dma_wait3A_197 = tpu.memref_slice %arg6[%dma_wait3A_196] : memref<100000xf32, #tpu.memory_space<hbm>> -> memref<100000xf32, #tpu.memory_space<hbm>>
    tpu.wait_indirect_dma semaphore(%arg21 : memref<!tpu.dma_semaphore, #tpu.memory_space<semaphore_mem>>) src(%dma_wait3A_197 : memref<100000xf32, #tpu.memory_space<hbm>>) dst(%dma_wait3A_192 : memref<128xf32, #tpu.memory_space<vmem>>)
    %dma_wait3A_198 = arith.constant 3 : i32
    %dma_wait3A_199 = arith.constant 384 : i32
    %dma_wait3A_200 = tpu.memref_slice %arg14[%dma_wait3A_199] : memref<512xf32, #tpu.memory_space<vmem>> -> memref<128xf32, #tpu.memory_space<vmem>>
    %dma_wait3A_201 = arith.constant 0 : i32
    %dma_wait3A_202 = tpu.memref_slice %arg10[%dma_wait3A_198, %dma_wait3A_201] : memref<4x128xi32, #tpu.memory_space<vmem>> -> memref<1x128xi32, #tpu.memory_space<vmem>>
    %dma_wait3A_203 = tpu.memref_squeeze %dma_wait3A_202 : memref<1x128xi32, #tpu.memory_space<vmem>> -> memref<128xi32, #tpu.memory_space<vmem>>
    %dma_wait3A_204 = arith.constant 0 : i32
    %dma_wait3A_205 = tpu.memref_slice %arg7[%dma_wait3A_204] : memref<100000xf32, #tpu.memory_space<hbm>> -> memref<100000xf32, #tpu.memory_space<hbm>>
    tpu.wait_indirect_dma semaphore(%arg21 : memref<!tpu.dma_semaphore, #tpu.memory_space<semaphore_mem>>) src(%dma_wait3A_205 : memref<100000xf32, #tpu.memory_space<hbm>>) dst(%dma_wait3A_200 : memref<128xf32, #tpu.memory_space<vmem>>)
    %scan3A_206 = arith.constant 0 : i32
    %scan3A_207 = arith.constant 0 : i32
    %scan3A_208 = arith.constant 8 : i32
    %scan3A_209 = arith.addi %scan3A_207, %scan3A_208 : i32
    %scan3A_210 = arith.constant 1 : i32
    scf.for %scan3A_379 = %scan3A_207 to %scan3A_209 step %scan3A_210  : i32 {
      %mul3A_380 = arith.constant 16 : i32
      %mul3A_381 = arith.muli %scan3A_379, %mul3A_380 : i32
      %add3A_382 = vector.broadcast %mul3A_381 : i32 to vector<16xi32>
      %add3A_383 = arith.addi %add3A_382, %iota3A : vector<16xi32>
      %broadcast_in_dim3A = arith.constant 0 : i32
      %broadcast_in_dim3A_384 = vector.broadcast %broadcast_in_dim3A : i32 to vector<16xi32>
      %gather3A = tpu.vector_load_idx %arg16[%add3A_383, %broadcast_in_dim3A_384] : memref<128x17xf32, #tpu.memory_space<vmem>>[vector<16xi32>, vector<16xi32>], vector<16xf32>,
      %broadcast_in_dim3A_385 = arith.constant 1 : i32
      %broadcast_in_dim3A_386 = vector.broadcast %broadcast_in_dim3A_385 : i32 to vector<16xi32>
      %gather3A_387 = tpu.vector_load_idx %arg16[%add3A_383, %broadcast_in_dim3A_386] : memref<128x17xf32, #tpu.memory_space<vmem>>[vector<16xi32>, vector<16xi32>], vector<16xf32>,
      %add3A_388 = arith.addf %gather3A, %gather3A_387 : vector<16xf32>
      %broadcast_in_dim3A_389 = arith.constant 2 : i32
      %broadcast_in_dim3A_390 = vector.broadcast %broadcast_in_dim3A_389 : i32 to vector<16xi32>
      %gather3A_391 = tpu.vector_load_idx %arg16[%add3A_383, %broadcast_in_dim3A_390] : memref<128x17xf32, #tpu.memory_space<vmem>>[vector<16xi32>, vector<16xi32>], vector<16xf32>,
      %add3A_392 = arith.addf %add3A_388, %gather3A_391 : vector<16xf32>
      %broadcast_in_dim3A_393 = arith.constant 3 : i32
      %broadcast_in_dim3A_394 = vector.broadcast %broadcast_in_dim3A_393 : i32 to vector<16xi32>
      %gather3A_395 = tpu.vector_load_idx %arg16[%add3A_383, %broadcast_in_dim3A_394] : memref<128x17xf32, #tpu.memory_space<vmem>>[vector<16xi32>, vector<16xi32>], vector<16xf32>,
      %add3A_396 = arith.addf %add3A_392, %gather3A_395 : vector<16xf32>
      %broadcast_in_dim3A_397 = arith.constant 4 : i32
      %broadcast_in_dim3A_398 = vector.broadcast %broadcast_in_dim3A_397 : i32 to vector<16xi32>
      %gather3A_399 = tpu.vector_load_idx %arg16[%add3A_383, %broadcast_in_dim3A_398] : memref<128x17xf32, #tpu.memory_space<vmem>>[vector<16xi32>, vector<16xi32>], vector<16xf32>,
      %add3A_400 = arith.addf %add3A_396, %gather3A_399 : vector<16xf32>
      %broadcast_in_dim3A_401 = arith.constant 5 : i32
      %broadcast_in_dim3A_402 = vector.broadcast %broadcast_in_dim3A_401 : i32 to vector<16xi32>
      %gather3A_403 = tpu.vector_load_idx %arg16[%add3A_383, %broadcast_in_dim3A_402] : memref<128x17xf32, #tpu.memory_space<vmem>>[vector<16xi32>, vector<16xi32>], vector<16xf32>,
      %add3A_404 = arith.addf %add3A_400, %gather3A_403 : vector<16xf32>
      %broadcast_in_dim3A_405 = arith.constant 6 : i32
      %broadcast_in_dim3A_406 = vector.broadcast %broadcast_in_dim3A_405 : i32 to vector<16xi32>
      %gather3A_407 = tpu.vector_load_idx %arg16[%add3A_383, %broadcast_in_dim3A_406] : memref<128x17xf32, #tpu.memory_space<vmem>>[vector<16xi32>, vector<16xi32>], vector<16xf32>,
      %add3A_408 = arith.addf %add3A_404, %gather3A_407 : vector<16xf32>
      %broadcast_in_dim3A_409 = arith.constant 7 : i32
      %broadcast_in_dim3A_410 = vector.broadcast %broadcast_in_dim3A_409 : i32 to vector<16xi32>
      %gather3A_411 = tpu.vector_load_idx %arg16[%add3A_383, %broadcast_in_dim3A_410] : memref<128x17xf32, #tpu.memory_space<vmem>>[vector<16xi32>, vector<16xi32>], vector<16xf32>,
      %add3A_412 = arith.addf %add3A_408, %gather3A_411 : vector<16xf32>
      %broadcast_in_dim3A_413 = arith.constant 8 : i32
      %broadcast_in_dim3A_414 = vector.broadcast %broadcast_in_dim3A_413 : i32 to vector<16xi32>
      %gather3A_415 = tpu.vector_load_idx %arg16[%add3A_383, %broadcast_in_dim3A_414] : memref<128x17xf32, #tpu.memory_space<vmem>>[vector<16xi32>, vector<16xi32>], vector<16xf32>,
      %add3A_416 = arith.addf %add3A_412, %gather3A_415 : vector<16xf32>
      %broadcast_in_dim3A_417 = arith.constant 9 : i32
      %broadcast_in_dim3A_418 = vector.broadcast %broadcast_in_dim3A_417 : i32 to vector<16xi32>
      %gather3A_419 = tpu.vector_load_idx %arg16[%add3A_383, %broadcast_in_dim3A_418] : memref<128x17xf32, #tpu.memory_space<vmem>>[vector<16xi32>, vector<16xi32>], vector<16xf32>,
      %add3A_420 = arith.addf %add3A_416, %gather3A_419 : vector<16xf32>
      %broadcast_in_dim3A_421 = arith.constant 10 : i32
      %broadcast_in_dim3A_422 = vector.broadcast %broadcast_in_dim3A_421 : i32 to vector<16xi32>
      %gather3A_423 = tpu.vector_load_idx %arg16[%add3A_383, %broadcast_in_dim3A_422] : memref<128x17xf32, #tpu.memory_space<vmem>>[vector<16xi32>, vector<16xi32>], vector<16xf32>,
      %add3A_424 = arith.addf %add3A_420, %gather3A_423 : vector<16xf32>
      %broadcast_in_dim3A_425 = arith.constant 11 : i32
      %broadcast_in_dim3A_426 = vector.broadcast %broadcast_in_dim3A_425 : i32 to vector<16xi32>
      %gather3A_427 = tpu.vector_load_idx %arg16[%add3A_383, %broadcast_in_dim3A_426] : memref<128x17xf32, #tpu.memory_space<vmem>>[vector<16xi32>, vector<16xi32>], vector<16xf32>,
      %add3A_428 = arith.addf %add3A_424, %gather3A_427 : vector<16xf32>
      %broadcast_in_dim3A_429 = arith.constant 12 : i32
      %broadcast_in_dim3A_430 = vector.broadcast %broadcast_in_dim3A_429 : i32 to vector<16xi32>
      %gather3A_431 = tpu.vector_load_idx %arg16[%add3A_383, %broadcast_in_dim3A_430] : memref<128x17xf32, #tpu.memory_space<vmem>>[vector<16xi32>, vector<16xi32>], vector<16xf32>,
      %add3A_432 = arith.addf %add3A_428, %gather3A_431 : vector<16xf32>
      %broadcast_in_dim3A_433 = arith.constant 13 : i32
      %broadcast_in_dim3A_434 = vector.broadcast %broadcast_in_dim3A_433 : i32 to vector<16xi32>
      %gather3A_435 = tpu.vector_load_idx %arg16[%add3A_383, %broadcast_in_dim3A_434] : memref<128x17xf32, #tpu.memory_space<vmem>>[vector<16xi32>, vector<16xi32>], vector<16xf32>,
      %add3A_436 = arith.addf %add3A_432, %gather3A_435 : vector<16xf32>
      %broadcast_in_dim3A_437 = arith.constant 14 : i32
      %broadcast_in_dim3A_438 = vector.broadcast %broadcast_in_dim3A_437 : i32 to vector<16xi32>
      %gather3A_439 = tpu.vector_load_idx %arg16[%add3A_383, %broadcast_in_dim3A_438] : memref<128x17xf32, #tpu.memory_space<vmem>>[vector<16xi32>, vector<16xi32>], vector<16xf32>,
      %add3A_440 = arith.addf %add3A_436, %gather3A_439 : vector<16xf32>
      %broadcast_in_dim3A_441 = arith.constant 15 : i32
      %broadcast_in_dim3A_442 = vector.broadcast %broadcast_in_dim3A_441 : i32 to vector<16xi32>
      %gather3A_443 = tpu.vector_load_idx %arg16[%add3A_383, %broadcast_in_dim3A_442] : memref<128x17xf32, #tpu.memory_space<vmem>>[vector<16xi32>, vector<16xi32>], vector<16xf32>,
      %add3A_444 = arith.addf %add3A_440, %gather3A_443 : vector<16xf32>
      %mul3A_445 = arith.constant 16 : i32
      %mul3A_446 = arith.muli %scan3A_379, %mul3A_445 : i32
      %add3A_447 = arith.constant 0 : i32
      %add3A_448 = arith.addi %add3A_447, %mul3A_446 : i32
      %get3A = arith.index_cast %add3A_448 : i32 to index
      %get3A_449 = tpu.vector_load %arg13[%get3A] {strides = array<i32>} : memref<512xf32, #tpu.memory_space<vmem>>, vector<16xf32>,
      %add3A_450 = arith.addf %add3A_444, %get3A_449 : vector<16xf32>
      %get3A_451 = arith.index_cast %add3A_448 : i32 to index
      %get3A_452 = tpu.vector_load %arg14[%get3A_451] {strides = array<i32>} : memref<512xf32, #tpu.memory_space<vmem>>, vector<16xf32>,
      %add3A_453 = arith.addf %add3A_450, %get3A_452 : vector<16xf32>
      %swap3A = arith.index_cast %add3A_448 : i32 to index
      %swap3A_454 = tpu.vector_load %arg15[%swap3A] {strides = array<i32>} : memref<512xf32, #tpu.memory_space<vmem>>, vector<16xf32>,
      tpu.vector_store %arg15[%swap3A], %add3A_453 {strides = array<i32>} : memref<512xf32, #tpu.memory_space<vmem>>, vector<16xf32>,
    }
    %scan3A_211 = arith.constant 8 : i32
    %dma_wait3A_212 = arith.constant 1 : i32
    %dma_wait3A_213 = arith.constant 1 : i32
    %dma_wait3A_214 = arith.constant 0 : i32
    %dma_wait3A_215 = arith.constant 0 : i32
    %dma_wait3A_216 = tpu.memref_slice %arg11[%dma_wait3A_213, %dma_wait3A_214, %dma_wait3A_215] : memref<2x128x128xf32, #tpu.memory_space<vmem>> -> memref<1x128x128xf32, #tpu.memory_space<vmem>>
    %dma_wait3A_217 = tpu.memref_squeeze %dma_wait3A_216 : memref<1x128x128xf32, #tpu.memory_space<vmem>> -> memref<128x128xf32, #tpu.memory_space<vmem>>
    %dma_wait3A_218 = arith.constant 0 : i32
    %dma_wait3A_219 = tpu.memref_slice %arg9[%dma_wait3A_212, %dma_wait3A_218] : memref<4x128xi32, #tpu.memory_space<vmem>> -> memref<1x128xi32, #tpu.memory_space<vmem>>
    %dma_wait3A_220 = tpu.memref_squeeze %dma_wait3A_219 : memref<1x128xi32, #tpu.memory_space<vmem>> -> memref<128xi32, #tpu.memory_space<vmem>>
    %dma_wait3A_221 = arith.constant 0 : i32
    %dma_wait3A_222 = arith.constant 0 : i32
    %dma_wait3A_223 = tpu.memref_slice %arg4[%dma_wait3A_221, %dma_wait3A_222] : memref<100000x128xf32, #tpu.memory_space<hbm>> -> memref<100000x128xf32, #tpu.memory_space<hbm>>
    tpu.wait_indirect_dma semaphore(%arg18 : memref<!tpu.dma_semaphore, #tpu.memory_space<semaphore_mem>>) src(%dma_wait3A_223 : memref<100000x128xf32, #tpu.memory_space<hbm>>) dst(%dma_wait3A_217 : memref<128x128xf32, #tpu.memory_space<vmem>>)
    %dma_wait3A_224 = arith.constant 1 : i32
    %dma_wait3A_225 = arith.constant 1 : i32
    %dma_wait3A_226 = arith.constant 0 : i32
    %dma_wait3A_227 = arith.constant 0 : i32
    %dma_wait3A_228 = tpu.memref_slice %arg12[%dma_wait3A_225, %dma_wait3A_226, %dma_wait3A_227] : memref<2x128x128xf32, #tpu.memory_space<vmem>> -> memref<1x128x128xf32, #tpu.memory_space<vmem>>
    %dma_wait3A_229 = tpu.memref_squeeze %dma_wait3A_228 : memref<1x128x128xf32, #tpu.memory_space<vmem>> -> memref<128x128xf32, #tpu.memory_space<vmem>>
    %dma_wait3A_230 = arith.constant 0 : i32
    %dma_wait3A_231 = tpu.memref_slice %arg10[%dma_wait3A_224, %dma_wait3A_230] : memref<4x128xi32, #tpu.memory_space<vmem>> -> memref<1x128xi32, #tpu.memory_space<vmem>>
    %dma_wait3A_232 = tpu.memref_squeeze %dma_wait3A_231 : memref<1x128xi32, #tpu.memory_space<vmem>> -> memref<128xi32, #tpu.memory_space<vmem>>
    %dma_wait3A_233 = arith.constant 0 : i32
    %dma_wait3A_234 = arith.constant 0 : i32
    %dma_wait3A_235 = tpu.memref_slice %arg5[%dma_wait3A_233, %dma_wait3A_234] : memref<100000x128xf32, #tpu.memory_space<hbm>> -> memref<100000x128xf32, #tpu.memory_space<hbm>>
    tpu.wait_indirect_dma semaphore(%arg20 : memref<!tpu.dma_semaphore, #tpu.memory_space<semaphore_mem>>) src(%dma_wait3A_235 : memref<100000x128xf32, #tpu.memory_space<hbm>>) dst(%dma_wait3A_229 : memref<128x128xf32, #tpu.memory_space<vmem>>)
    %dma_start3A_236 = arith.constant 2 : i32
    %dma_start3A_237 = arith.constant 0 : i32
    %dma_start3A_238 = arith.constant 0 : i32
    %dma_start3A_239 = arith.constant 0 : i32
    %dma_start3A_240 = tpu.memref_slice %arg11[%dma_start3A_237, %dma_start3A_238, %dma_start3A_239] : memref<2x128x128xf32, #tpu.memory_space<vmem>> -> memref<1x128x128xf32, #tpu.memory_space<vmem>>
    %dma_start3A_241 = tpu.memref_squeeze %dma_start3A_240 : memref<1x128x128xf32, #tpu.memory_space<vmem>> -> memref<128x128xf32, #tpu.memory_space<vmem>>
    %dma_start3A_242 = arith.constant 0 : i32
    %dma_start3A_243 = tpu.memref_slice %arg9[%dma_start3A_236, %dma_start3A_242] : memref<4x128xi32, #tpu.memory_space<vmem>> -> memref<1x128xi32, #tpu.memory_space<vmem>>
    %dma_start3A_244 = tpu.memref_squeeze %dma_start3A_243 : memref<1x128xi32, #tpu.memory_space<vmem>> -> memref<128xi32, #tpu.memory_space<vmem>>
    %dma_start3A_245 = arith.constant 0 : i32
    %dma_start3A_246 = arith.constant 0 : i32
    %dma_start3A_247 = tpu.memref_slice %arg4[%dma_start3A_245, %dma_start3A_246] : memref<100000x128xf32, #tpu.memory_space<hbm>> -> memref<100000x128xf32, #tpu.memory_space<hbm>>
    tpu.enqueue_indirect_dma source(%dma_start3A_247 : memref<100000x128xf32, #tpu.memory_space<hbm>>) target(%dma_start3A_241 : memref<128x128xf32, #tpu.memory_space<vmem>>) offsets(%dma_start3A_244 : memref<128xi32, #tpu.memory_space<vmem>>) semaphore(%arg17 : memref<!tpu.dma_semaphore, #tpu.memory_space<semaphore_mem>>)
    %dma_start3A_248 = arith.constant 2 : i32
    %dma_start3A_249 = arith.constant 0 : i32
    %dma_start3A_250 = arith.constant 0 : i32
    %dma_start3A_251 = arith.constant 0 : i32
    %dma_start3A_252 = tpu.memref_slice %arg12[%dma_start3A_249, %dma_start3A_250, %dma_start3A_251] : memref<2x128x128xf32, #tpu.memory_space<vmem>> -> memref<1x128x128xf32, #tpu.memory_space<vmem>>
    %dma_start3A_253 = tpu.memref_squeeze %dma_start3A_252 : memref<1x128x128xf32, #tpu.memory_space<vmem>> -> memref<128x128xf32, #tpu.memory_space<vmem>>
    %dma_start3A_254 = arith.constant 0 : i32
    %dma_start3A_255 = tpu.memref_slice %arg10[%dma_start3A_248, %dma_start3A_254] : memref<4x128xi32, #tpu.memory_space<vmem>> -> memref<1x128xi32, #tpu.memory_space<vmem>>
    %dma_start3A_256 = tpu.memref_squeeze %dma_start3A_255 : memref<1x128xi32, #tpu.memory_space<vmem>> -> memref<128xi32, #tpu.memory_space<vmem>>
    %dma_start3A_257 = arith.constant 0 : i32
    %dma_start3A_258 = arith.constant 0 : i32
    %dma_start3A_259 = tpu.memref_slice %arg5[%dma_start3A_257, %dma_start3A_258] : memref<100000x128xf32, #tpu.memory_space<hbm>> -> memref<100000x128xf32, #tpu.memory_space<hbm>>
    tpu.enqueue_indirect_dma source(%dma_start3A_259 : memref<100000x128xf32, #tpu.memory_space<hbm>>) target(%dma_start3A_253 : memref<128x128xf32, #tpu.memory_space<vmem>>) offsets(%dma_start3A_256 : memref<128xi32, #tpu.memory_space<vmem>>) semaphore(%arg19 : memref<!tpu.dma_semaphore, #tpu.memory_space<semaphore_mem>>)
    %iota3A_260 = tpu.iota {dimensions = array<i32: 0>} : vector<16xi32>
    %scan3A_261 = arith.constant 0 : i32
    %scan3A_262 = arith.constant 1 : i32
    %scan3A_263 = arith.constant 1 : i32
    %scan3A_264 = arith.constant 0 : i32
    %scan3A_265 = arith.constant 128 : i32
    %scan3A_266 = arith.addi %scan3A_264, %scan3A_265 : i32
    %scan3A_267 = arith.constant 4 : i32
    scf.for %scan3A_379 = %scan3A_264 to %scan3A_266 step %scan3A_267  : i32 {
      %get3A = arith.constant 0 : i32
      %get3A_380 = arith.constant 0 : i32
      %get3A_381 = tpu.memref_slice %arg11[%scan3A_262, %get3A, %get3A_380] : memref<2x128x128xf32, #tpu.memory_space<vmem>> -> memref<1x128x128xf32, #tpu.memory_space<vmem>>
      %get3A_382 = tpu.memref_squeeze %get3A_381 : memref<1x128x128xf32, #tpu.memory_space<vmem>> -> memref<128x128xf32, #tpu.memory_space<vmem>>
      %get3A_383 = arith.index_cast %scan3A_379 : i32 to index
      %get3A_384 = arith.constant 0 : index
      %get3A_385 = tpu.vector_load %get3A_382[%get3A_383, %get3A_384] {strides = array<i32>} : memref<128x128xf32, #tpu.memory_space<vmem>>, vector<16xf32>,
      %get3A_386 = arith.constant 0 : i32
      %get3A_387 = arith.constant 0 : i32
      %get3A_388 = tpu.memref_slice %arg12[%scan3A_263, %get3A_386, %get3A_387] : memref<2x128x128xf32, #tpu.memory_space<vmem>> -> memref<1x128x128xf32, #tpu.memory_space<vmem>>
      %get3A_389 = tpu.memref_squeeze %get3A_388 : memref<1x128x128xf32, #tpu.memory_space<vmem>> -> memref<128x128xf32, #tpu.memory_space<vmem>>
      %get3A_390 = arith.index_cast %scan3A_379 : i32 to index
      %get3A_391 = arith.constant 0 : index
      %get3A_392 = tpu.vector_load %get3A_389[%get3A_390, %get3A_391] {strides = array<i32>} : memref<128x128xf32, #tpu.memory_space<vmem>>, vector<16xf32>,
      %mul3A_393 = arith.mulf %get3A_385, %get3A_392 : vector<16xf32>
      %get3A_394 = arith.constant 0 : i32
      %get3A_395 = arith.constant 0 : i32
      %get3A_396 = tpu.memref_slice %arg11[%scan3A_262, %get3A_394, %get3A_395] : memref<2x128x128xf32, #tpu.memory_space<vmem>> -> memref<1x128x128xf32, #tpu.memory_space<vmem>>
      %get3A_397 = tpu.memref_squeeze %get3A_396 : memref<1x128x128xf32, #tpu.memory_space<vmem>> -> memref<128x128xf32, #tpu.memory_space<vmem>>
      %get3A_398 = arith.index_cast %scan3A_379 : i32 to index
      %get3A_399 = arith.constant 16 : index
      %get3A_400 = tpu.vector_load %get3A_397[%get3A_398, %get3A_399] {strides = array<i32>} : memref<128x128xf32, #tpu.memory_space<vmem>>, vector<16xf32>,
      %get3A_401 = arith.constant 0 : i32
      %get3A_402 = arith.constant 0 : i32
      %get3A_403 = tpu.memref_slice %arg12[%scan3A_263, %get3A_401, %get3A_402] : memref<2x128x128xf32, #tpu.memory_space<vmem>> -> memref<1x128x128xf32, #tpu.memory_space<vmem>>
      %get3A_404 = tpu.memref_squeeze %get3A_403 : memref<1x128x128xf32, #tpu.memory_space<vmem>> -> memref<128x128xf32, #tpu.memory_space<vmem>>
      %get3A_405 = arith.index_cast %scan3A_379 : i32 to index
      %get3A_406 = arith.constant 16 : index
      %get3A_407 = tpu.vector_load %get3A_404[%get3A_405, %get3A_406] {strides = array<i32>} : memref<128x128xf32, #tpu.memory_space<vmem>>, vector<16xf32>,
      %mul3A_408 = arith.mulf %get3A_400, %get3A_407 : vector<16xf32>
      %add3A_409 = arith.addf %mul3A_393, %mul3A_408 : vector<16xf32>
      %get3A_410 = arith.constant 0 : i32
      %get3A_411 = arith.constant 0 : i32
      %get3A_412 = tpu.memref_slice %arg11[%scan3A_262, %get3A_410, %get3A_411] : memref<2x128x128xf32, #tpu.memory_space<vmem>> -> memref<1x128x128xf32, #tpu.memory_space<vmem>>
      %get3A_413 = tpu.memref_squeeze %get3A_412 : memref<1x128x128xf32, #tpu.memory_space<vmem>> -> memref<128x128xf32, #tpu.memory_space<vmem>>
      %get3A_414 = arith.index_cast %scan3A_379 : i32 to index
      %get3A_415 = arith.constant 32 : index
      %get3A_416 = tpu.vector_load %get3A_413[%get3A_414, %get3A_415] {strides = array<i32>} : memref<128x128xf32, #tpu.memory_space<vmem>>, vector<16xf32>,
      %get3A_417 = arith.constant 0 : i32
      %get3A_418 = arith.constant 0 : i32
      %get3A_419 = tpu.memref_slice %arg12[%scan3A_263, %get3A_417, %get3A_418] : memref<2x128x128xf32, #tpu.memory_space<vmem>> -> memref<1x128x128xf32, #tpu.memory_space<vmem>>
      %get3A_420 = tpu.memref_squeeze %get3A_419 : memref<1x128x128xf32, #tpu.memory_space<vmem>> -> memref<128x128xf32, #tpu.memory_space<vmem>>
      %get3A_421 = arith.index_cast %scan3A_379 : i32 to index
      %get3A_422 = arith.constant 32 : index
      %get3A_423 = tpu.vector_load %get3A_420[%get3A_421, %get3A_422] {strides = array<i32>} : memref<128x128xf32, #tpu.memory_space<vmem>>, vector<16xf32>,
      %mul3A_424 = arith.mulf %get3A_416, %get3A_423 : vector<16xf32>
      %add3A_425 = arith.addf %add3A_409, %mul3A_424 : vector<16xf32>
      %get3A_426 = arith.constant 0 : i32
      %get3A_427 = arith.constant 0 : i32
      %get3A_428 = tpu.memref_slice %arg11[%scan3A_262, %get3A_426, %get3A_427] : memref<2x128x128xf32, #tpu.memory_space<vmem>> -> memref<1x128x128xf32, #tpu.memory_space<vmem>>
      %get3A_429 = tpu.memref_squeeze %get3A_428 : memref<1x128x128xf32, #tpu.memory_space<vmem>> -> memref<128x128xf32, #tpu.memory_space<vmem>>
      %get3A_430 = arith.index_cast %scan3A_379 : i32 to index
      %get3A_431 = arith.constant 48 : index
      %get3A_432 = tpu.vector_load %get3A_429[%get3A_430, %get3A_431] {strides = array<i32>} : memref<128x128xf32, #tpu.memory_space<vmem>>, vector<16xf32>,
      %get3A_433 = arith.constant 0 : i32
      %get3A_434 = arith.constant 0 : i32
      %get3A_435 = tpu.memref_slice %arg12[%scan3A_263, %get3A_433, %get3A_434] : memref<2x128x128xf32, #tpu.memory_space<vmem>> -> memref<1x128x128xf32, #tpu.memory_space<vmem>>
      %get3A_436 = tpu.memref_squeeze %get3A_435 : memref<1x128x128xf32, #tpu.memory_space<vmem>> -> memref<128x128xf32, #tpu.memory_space<vmem>>
      %get3A_437 = arith.index_cast %scan3A_379 : i32 to index
      %get3A_438 = arith.constant 48 : index
      %get3A_439 = tpu.vector_load %get3A_436[%get3A_437, %get3A_438] {strides = array<i32>} : memref<128x128xf32, #tpu.memory_space<vmem>>, vector<16xf32>,
      %mul3A_440 = arith.mulf %get3A_432, %get3A_439 : vector<16xf32>
      %add3A_441 = arith.addf %add3A_425, %mul3A_440 : vector<16xf32>
      %get3A_442 = arith.constant 0 : i32
      %get3A_443 = arith.constant 0 : i32
      %get3A_444 = tpu.memref_slice %arg11[%scan3A_262, %get3A_442, %get3A_443] : memref<2x128x128xf32, #tpu.memory_space<vmem>> -> memref<1x128x128xf32, #tpu.memory_space<vmem>>
      %get3A_445 = tpu.memref_squeeze %get3A_444 : memref<1x128x128xf32, #tpu.memory_space<vmem>> -> memref<128x128xf32, #tpu.memory_space<vmem>>
      %get3A_446 = arith.index_cast %scan3A_379 : i32 to index
      %get3A_447 = arith.constant 64 : index
      %get3A_448 = tpu.vector_load %get3A_445[%get3A_446, %get3A_447] {strides = array<i32>} : memref<128x128xf32, #tpu.memory_space<vmem>>, vector<16xf32>,
      %get3A_449 = arith.constant 0 : i32
      %get3A_450 = arith.constant 0 : i32
      %get3A_451 = tpu.memref_slice %arg12[%scan3A_263, %get3A_449, %get3A_450] : memref<2x128x128xf32, #tpu.memory_space<vmem>> -> memref<1x128x128xf32, #tpu.memory_space<vmem>>
      %get3A_452 = tpu.memref_squeeze %get3A_451 : memref<1x128x128xf32, #tpu.memory_space<vmem>> -> memref<128x128xf32, #tpu.memory_space<vmem>>
      %get3A_453 = arith.index_cast %scan3A_379 : i32 to index
      %get3A_454 = arith.constant 64 : index
      %get3A_455 = tpu.vector_load %get3A_452[%get3A_453, %get3A_454] {strides = array<i32>} : memref<128x128xf32, #tpu.memory_space<vmem>>, vector<16xf32>,
      %mul3A_456 = arith.mulf %get3A_448, %get3A_455 : vector<16xf32>
      %add3A_457 = arith.addf %add3A_441, %mul3A_456 : vector<16xf32>
      %get3A_458 = arith.constant 0 : i32
      %get3A_459 = arith.constant 0 : i32
      %get3A_460 = tpu.memref_slice %arg11[%scan3A_262, %get3A_458, %get3A_459] : memref<2x128x128xf32, #tpu.memory_space<vmem>> -> memref<1x128x128xf32, #tpu.memory_space<vmem>>
      %get3A_461 = tpu.memref_squeeze %get3A_460 : memref<1x128x128xf32, #tpu.memory_space<vmem>> -> memref<128x128xf32, #tpu.memory_space<vmem>>
      %get3A_462 = arith.index_cast %scan3A_379 : i32 to index
      %get3A_463 = arith.constant 80 : index
      %get3A_464 = tpu.vector_load %get3A_461[%get3A_462, %get3A_463] {strides = array<i32>} : memref<128x128xf32, #tpu.memory_space<vmem>>, vector<16xf32>,
      %get3A_465 = arith.constant 0 : i32
      %get3A_466 = arith.constant 0 : i32
      %get3A_467 = tpu.memref_slice %arg12[%scan3A_263, %get3A_465, %get3A_466] : memref<2x128x128xf32, #tpu.memory_space<vmem>> -> memref<1x128x128xf32, #tpu.memory_space<vmem>>
      %get3A_468 = tpu.memref_squeeze %get3A_467 : memref<1x128x128xf32, #tpu.memory_space<vmem>> -> memref<128x128xf32, #tpu.memory_space<vmem>>
      %get3A_469 = arith.index_cast %scan3A_379 : i32 to index
      %get3A_470 = arith.constant 80 : index
      %get3A_471 = tpu.vector_load %get3A_468[%get3A_469, %get3A_470] {strides = array<i32>} : memref<128x128xf32, #tpu.memory_space<vmem>>, vector<16xf32>,
      %mul3A_472 = arith.mulf %get3A_464, %get3A_471 : vector<16xf32>
      %add3A_473 = arith.addf %add3A_457, %mul3A_472 : vector<16xf32>
      %get3A_474 = arith.constant 0 : i32
      %get3A_475 = arith.constant 0 : i32
      %get3A_476 = tpu.memref_slice %arg11[%scan3A_262, %get3A_474, %get3A_475] : memref<2x128x128xf32, #tpu.memory_space<vmem>> -> memref<1x128x128xf32, #tpu.memory_space<vmem>>
      %get3A_477 = tpu.memref_squeeze %get3A_476 : memref<1x128x128xf32, #tpu.memory_space<vmem>> -> memref<128x128xf32, #tpu.memory_space<vmem>>
      %get3A_478 = arith.index_cast %scan3A_379 : i32 to index
      %get3A_479 = arith.constant 96 : index
      %get3A_480 = tpu.vector_load %get3A_477[%get3A_478, %get3A_479] {strides = array<i32>} : memref<128x128xf32, #tpu.memory_space<vmem>>, vector<16xf32>,
      %get3A_481 = arith.constant 0 : i32
      %get3A_482 = arith.constant 0 : i32
      %get3A_483 = tpu.memref_slice %arg12[%scan3A_263, %get3A_481, %get3A_482] : memref<2x128x128xf32, #tpu.memory_space<vmem>> -> memref<1x128x128xf32, #tpu.memory_space<vmem>>
      %get3A_484 = tpu.memref_squeeze %get3A_483 : memref<1x128x128xf32, #tpu.memory_space<vmem>> -> memref<128x128xf32, #tpu.memory_space<vmem>>
      %get3A_485 = arith.index_cast %scan3A_379 : i32 to index
      %get3A_486 = arith.constant 96 : index
      %get3A_487 = tpu.vector_load %get3A_484[%get3A_485, %get3A_486] {strides = array<i32>} : memref<128x128xf32, #tpu.memory_space<vmem>>, vector<16xf32>,
      %mul3A_488 = arith.mulf %get3A_480, %get3A_487 : vector<16xf32>
      %add3A_489 = arith.addf %add3A_473, %mul3A_488 : vector<16xf32>
      %get3A_490 = arith.constant 0 : i32
      %get3A_491 = arith.constant 0 : i32
      %get3A_492 = tpu.memref_slice %arg11[%scan3A_262, %get3A_490, %get3A_491] : memref<2x128x128xf32, #tpu.memory_space<vmem>> -> memref<1x128x128xf32, #tpu.memory_space<vmem>>
      %get3A_493 = tpu.memref_squeeze %get3A_492 : memref<1x128x128xf32, #tpu.memory_space<vmem>> -> memref<128x128xf32, #tpu.memory_space<vmem>>
      %get3A_494 = arith.index_cast %scan3A_379 : i32 to index
      %get3A_495 = arith.constant 112 : index
      %get3A_496 = tpu.vector_load %get3A_493[%get3A_494, %get3A_495] {strides = array<i32>} : memref<128x128xf32, #tpu.memory_space<vmem>>, vector<16xf32>,
      %get3A_497 = arith.constant 0 : i32
      %get3A_498 = arith.constant 0 : i32
      %get3A_499 = tpu.memref_slice %arg12[%scan3A_263, %get3A_497, %get3A_498] : memref<2x128x128xf32, #tpu.memory_space<vmem>> -> memref<1x128x128xf32, #tpu.memory_space<vmem>>
      %get3A_500 = tpu.memref_squeeze %get3A_499 : memref<1x128x128xf32, #tpu.memory_space<vmem>> -> memref<128x128xf32, #tpu.memory_space<vmem>>
      %get3A_501 = arith.index_cast %scan3A_379 : i32 to index
      %get3A_502 = arith.constant 112 : index
      %get3A_503 = tpu.vector_load %get3A_500[%get3A_501, %get3A_502] {strides = array<i32>} : memref<128x128xf32, #tpu.memory_space<vmem>>, vector<16xf32>,
      %mul3A_504 = arith.mulf %get3A_496, %get3A_503 : vector<16xf32>
      %add3A_505 = arith.addf %add3A_489, %mul3A_504 : vector<16xf32>
      %swap3A = arith.index_cast %scan3A_379 : i32 to index
      %swap3A_506 = arith.constant 0 : index
      %swap3A_507 = tpu.vector_load %arg16[%swap3A, %swap3A_506] {strides = array<i32>} : memref<128x17xf32, #tpu.memory_space<vmem>>, vector<16xf32>,
      tpu.vector_store %arg16[%swap3A, %swap3A_506], %add3A_505 {strides = array<i32>} : memref<128x17xf32, #tpu.memory_space<vmem>>, vector<16xf32>,
      %scan3A_508 = arith.constant 1 : i32
      %scan3A_509 = arith.addi %scan3A_379, %scan3A_508 : i32
      %get3A_510 = arith.constant 0 : i32
      %get3A_511 = arith.constant 0 : i32
      %get3A_512 = tpu.memref_slice %arg11[%scan3A_262, %get3A_510, %get3A_511] : memref<2x128x128xf32, #tpu.memory_space<vmem>> -> memref<1x128x128xf32, #tpu.memory_space<vmem>>
      %get3A_513 = tpu.memref_squeeze %get3A_512 : memref<1x128x128xf32, #tpu.memory_space<vmem>> -> memref<128x128xf32, #tpu.memory_space<vmem>>
      %get3A_514 = arith.index_cast %scan3A_509 : i32 to index
      %get3A_515 = arith.constant 0 : index
      %get3A_516 = tpu.vector_load %get3A_513[%get3A_514, %get3A_515] {strides = array<i32>} : memref<128x128xf32, #tpu.memory_space<vmem>>, vector<16xf32>,
      %get3A_517 = arith.constant 0 : i32
      %get3A_518 = arith.constant 0 : i32
      %get3A_519 = tpu.memref_slice %arg12[%scan3A_263, %get3A_517, %get3A_518] : memref<2x128x128xf32, #tpu.memory_space<vmem>> -> memref<1x128x128xf32, #tpu.memory_space<vmem>>
      %get3A_520 = tpu.memref_squeeze %get3A_519 : memref<1x128x128xf32, #tpu.memory_space<vmem>> -> memref<128x128xf32, #tpu.memory_space<vmem>>
      %get3A_521 = arith.index_cast %scan3A_509 : i32 to index
      %get3A_522 = arith.constant 0 : index
      %get3A_523 = tpu.vector_load %get3A_520[%get3A_521, %get3A_522] {strides = array<i32>} : memref<128x128xf32, #tpu.memory_space<vmem>>, vector<16xf32>,
      %mul3A_524 = arith.mulf %get3A_516, %get3A_523 : vector<16xf32>
      %get3A_525 = arith.constant 0 : i32
      %get3A_526 = arith.constant 0 : i32
      %get3A_527 = tpu.memref_slice %arg11[%scan3A_262, %get3A_525, %get3A_526] : memref<2x128x128xf32, #tpu.memory_space<vmem>> -> memref<1x128x128xf32, #tpu.memory_space<vmem>>
      %get3A_528 = tpu.memref_squeeze %get3A_527 : memref<1x128x128xf32, #tpu.memory_space<vmem>> -> memref<128x128xf32, #tpu.memory_space<vmem>>
      %get3A_529 = arith.index_cast %scan3A_509 : i32 to index
      %get3A_530 = arith.constant 16 : index
      %get3A_531 = tpu.vector_load %get3A_528[%get3A_529, %get3A_530] {strides = array<i32>} : memref<128x128xf32, #tpu.memory_space<vmem>>, vector<16xf32>,
      %get3A_532 = arith.constant 0 : i32
      %get3A_533 = arith.constant 0 : i32
      %get3A_534 = tpu.memref_slice %arg12[%scan3A_263, %get3A_532, %get3A_533] : memref<2x128x128xf32, #tpu.memory_space<vmem>> -> memref<1x128x128xf32, #tpu.memory_space<vmem>>
      %get3A_535 = tpu.memref_squeeze %get3A_534 : memref<1x128x128xf32, #tpu.memory_space<vmem>> -> memref<128x128xf32, #tpu.memory_space<vmem>>
      %get3A_536 = arith.index_cast %scan3A_509 : i32 to index
      %get3A_537 = arith.constant 16 : index
      %get3A_538 = tpu.vector_load %get3A_535[%get3A_536, %get3A_537] {strides = array<i32>} : memref<128x128xf32, #tpu.memory_space<vmem>>, vector<16xf32>,
      %mul3A_539 = arith.mulf %get3A_531, %get3A_538 : vector<16xf32>
      %add3A_540 = arith.addf %mul3A_524, %mul3A_539 : vector<16xf32>
      %get3A_541 = arith.constant 0 : i32
      %get3A_542 = arith.constant 0 : i32
      %get3A_543 = tpu.memref_slice %arg11[%scan3A_262, %get3A_541, %get3A_542] : memref<2x128x128xf32, #tpu.memory_space<vmem>> -> memref<1x128x128xf32, #tpu.memory_space<vmem>>
      %get3A_544 = tpu.memref_squeeze %get3A_543 : memref<1x128x128xf32, #tpu.memory_space<vmem>> -> memref<128x128xf32, #tpu.memory_space<vmem>>
      %get3A_545 = arith.index_cast %scan3A_509 : i32 to index
      %get3A_546 = arith.constant 32 : index
      %get3A_547 = tpu.vector_load %get3A_544[%get3A_545, %get3A_546] {strides = array<i32>} : memref<128x128xf32, #tpu.memory_space<vmem>>, vector<16xf32>,
      %get3A_548 = arith.constant 0 : i32
      %get3A_549 = arith.constant 0 : i32
      %get3A_550 = tpu.memref_slice %arg12[%scan3A_263, %get3A_548, %get3A_549] : memref<2x128x128xf32, #tpu.memory_space<vmem>> -> memref<1x128x128xf32, #tpu.memory_space<vmem>>
      %get3A_551 = tpu.memref_squeeze %get3A_550 : memref<1x128x128xf32, #tpu.memory_space<vmem>> -> memref<128x128xf32, #tpu.memory_space<vmem>>
      %get3A_552 = arith.index_cast %scan3A_509 : i32 to index
      %get3A_553 = arith.constant 32 : index
      %get3A_554 = tpu.vector_load %get3A_551[%get3A_552, %get3A_553] {strides = array<i32>} : memref<128x128xf32, #tpu.memory_space<vmem>>, vector<16xf32>,
      %mul3A_555 = arith.mulf %get3A_547, %get3A_554 : vector<16xf32>
      %add3A_556 = arith.addf %add3A_540, %mul3A_555 : vector<16xf32>
      %get3A_557 = arith.constant 0 : i32
      %get3A_558 = arith.constant 0 : i32
      %get3A_559 = tpu.memref_slice %arg11[%scan3A_262, %get3A_557, %get3A_558] : memref<2x128x128xf32, #tpu.memory_space<vmem>> -> memref<1x128x128xf32, #tpu.memory_space<vmem>>
      %get3A_560 = tpu.memref_squeeze %get3A_559 : memref<1x128x128xf32, #tpu.memory_space<vmem>> -> memref<128x128xf32, #tpu.memory_space<vmem>>
      %get3A_561 = arith.index_cast %scan3A_509 : i32 to index
      %get3A_562 = arith.constant 48 : index
      %get3A_563 = tpu.vector_load %get3A_560[%get3A_561, %get3A_562] {strides = array<i32>} : memref<128x128xf32, #tpu.memory_space<vmem>>, vector<16xf32>,
      %get3A_564 = arith.constant 0 : i32
      %get3A_565 = arith.constant 0 : i32
      %get3A_566 = tpu.memref_slice %arg12[%scan3A_263, %get3A_564, %get3A_565] : memref<2x128x128xf32, #tpu.memory_space<vmem>> -> memref<1x128x128xf32, #tpu.memory_space<vmem>>
      %get3A_567 = tpu.memref_squeeze %get3A_566 : memref<1x128x128xf32, #tpu.memory_space<vmem>> -> memref<128x128xf32, #tpu.memory_space<vmem>>
      %get3A_568 = arith.index_cast %scan3A_509 : i32 to index
      %get3A_569 = arith.constant 48 : index
      %get3A_570 = tpu.vector_load %get3A_567[%get3A_568, %get3A_569] {strides = array<i32>} : memref<128x128xf32, #tpu.memory_space<vmem>>, vector<16xf32>,
      %mul3A_571 = arith.mulf %get3A_563, %get3A_570 : vector<16xf32>
      %add3A_572 = arith.addf %add3A_556, %mul3A_571 : vector<16xf32>
      %get3A_573 = arith.constant 0 : i32
      %get3A_574 = arith.constant 0 : i32
      %get3A_575 = tpu.memref_slice %arg11[%scan3A_262, %get3A_573, %get3A_574] : memref<2x128x128xf32, #tpu.memory_space<vmem>> -> memref<1x128x128xf32, #tpu.memory_space<vmem>>
      %get3A_576 = tpu.memref_squeeze %get3A_575 : memref<1x128x128xf32, #tpu.memory_space<vmem>> -> memref<128x128xf32, #tpu.memory_space<vmem>>
      %get3A_577 = arith.index_cast %scan3A_509 : i32 to index
      %get3A_578 = arith.constant 64 : index
      %get3A_579 = tpu.vector_load %get3A_576[%get3A_577, %get3A_578] {strides = array<i32>} : memref<128x128xf32, #tpu.memory_space<vmem>>, vector<16xf32>,
      %get3A_580 = arith.constant 0 : i32
      %get3A_581 = arith.constant 0 : i32
      %get3A_582 = tpu.memref_slice %arg12[%scan3A_263, %get3A_580, %get3A_581] : memref<2x128x128xf32, #tpu.memory_space<vmem>> -> memref<1x128x128xf32, #tpu.memory_space<vmem>>
      %get3A_583 = tpu.memref_squeeze %get3A_582 : memref<1x128x128xf32, #tpu.memory_space<vmem>> -> memref<128x128xf32, #tpu.memory_space<vmem>>
      %get3A_584 = arith.index_cast %scan3A_509 : i32 to index
      %get3A_585 = arith.constant 64 : index
      %get3A_586 = tpu.vector_load %get3A_583[%get3A_584, %get3A_585] {strides = array<i32>} : memref<128x128xf32, #tpu.memory_space<vmem>>, vector<16xf32>,
      %mul3A_587 = arith.mulf %get3A_579, %get3A_586 : vector<16xf32>
      %add3A_588 = arith.addf %add3A_572, %mul3A_587 : vector<16xf32>
      %get3A_589 = arith.constant 0 : i32
      %get3A_590 = arith.constant 0 : i32
      %get3A_591 = tpu.memref_slice %arg11[%scan3A_262, %get3A_589, %get3A_590] : memref<2x128x128xf32, #tpu.memory_space<vmem>> -> memref<1x128x128xf32, #tpu.memory_space<vmem>>
      %get3A_592 = tpu.memref_squeeze %get3A_591 : memref<1x128x128xf32, #tpu.memory_space<vmem>> -> memref<128x128xf32, #tpu.memory_space<vmem>>
      %get3A_593 = arith.index_cast %scan3A_509 : i32 to index
      %get3A_594 = arith.constant 80 : index
      %get3A_595 = tpu.vector_load %get3A_592[%get3A_593, %get3A_594] {strides = array<i32>} : memref<128x128xf32, #tpu.memory_space<vmem>>, vector<16xf32>,
      %get3A_596 = arith.constant 0 : i32
      %get3A_597 = arith.constant 0 : i32
      %get3A_598 = tpu.memref_slice %arg12[%scan3A_263, %get3A_596, %get3A_597] : memref<2x128x128xf32, #tpu.memory_space<vmem>> -> memref<1x128x128xf32, #tpu.memory_space<vmem>>
      %get3A_599 = tpu.memref_squeeze %get3A_598 : memref<1x128x128xf32, #tpu.memory_space<vmem>> -> memref<128x128xf32, #tpu.memory_space<vmem>>
      %get3A_600 = arith.index_cast %scan3A_509 : i32 to index
      %get3A_601 = arith.constant 80 : index
      %get3A_602 = tpu.vector_load %get3A_599[%get3A_600, %get3A_601] {strides = array<i32>} : memref<128x128xf32, #tpu.memory_space<vmem>>, vector<16xf32>,
      %mul3A_603 = arith.mulf %get3A_595, %get3A_602 : vector<16xf32>
      %add3A_604 = arith.addf %add3A_588, %mul3A_603 : vector<16xf32>
      %get3A_605 = arith.constant 0 : i32
      %get3A_606 = arith.constant 0 : i32
      %get3A_607 = tpu.memref_slice %arg11[%scan3A_262, %get3A_605, %get3A_606] : memref<2x128x128xf32, #tpu.memory_space<vmem>> -> memref<1x128x128xf32, #tpu.memory_space<vmem>>
      %get3A_608 = tpu.memref_squeeze %get3A_607 : memref<1x128x128xf32, #tpu.memory_space<vmem>> -> memref<128x128xf32, #tpu.memory_space<vmem>>
      %get3A_609 = arith.index_cast %scan3A_509 : i32 to index
      %get3A_610 = arith.constant 96 : index
      %get3A_611 = tpu.vector_load %get3A_608[%get3A_609, %get3A_610] {strides = array<i32>} : memref<128x128xf32, #tpu.memory_space<vmem>>, vector<16xf32>,
      %get3A_612 = arith.constant 0 : i32
      %get3A_613 = arith.constant 0 : i32
      %get3A_614 = tpu.memref_slice %arg12[%scan3A_263, %get3A_612, %get3A_613] : memref<2x128x128xf32, #tpu.memory_space<vmem>> -> memref<1x128x128xf32, #tpu.memory_space<vmem>>
      %get3A_615 = tpu.memref_squeeze %get3A_614 : memref<1x128x128xf32, #tpu.memory_space<vmem>> -> memref<128x128xf32, #tpu.memory_space<vmem>>
      %get3A_616 = arith.index_cast %scan3A_509 : i32 to index
      %get3A_617 = arith.constant 96 : index
      %get3A_618 = tpu.vector_load %get3A_615[%get3A_616, %get3A_617] {strides = array<i32>} : memref<128x128xf32, #tpu.memory_space<vmem>>, vector<16xf32>,
      %mul3A_619 = arith.mulf %get3A_611, %get3A_618 : vector<16xf32>
      %add3A_620 = arith.addf %add3A_604, %mul3A_619 : vector<16xf32>
      %get3A_621 = arith.constant 0 : i32
      %get3A_622 = arith.constant 0 : i32
      %get3A_623 = tpu.memref_slice %arg11[%scan3A_262, %get3A_621, %get3A_622] : memref<2x128x128xf32, #tpu.memory_space<vmem>> -> memref<1x128x128xf32, #tpu.memory_space<vmem>>
      %get3A_624 = tpu.memref_squeeze %get3A_623 : memref<1x128x128xf32, #tpu.memory_space<vmem>> -> memref<128x128xf32, #tpu.memory_space<vmem>>
      %get3A_625 = arith.index_cast %scan3A_509 : i32 to index
      %get3A_626 = arith.constant 112 : index
      %get3A_627 = tpu.vector_load %get3A_624[%get3A_625, %get3A_626] {strides = array<i32>} : memref<128x128xf32, #tpu.memory_space<vmem>>, vector<16xf32>,
      %get3A_628 = arith.constant 0 : i32
      %get3A_629 = arith.constant 0 : i32
      %get3A_630 = tpu.memref_slice %arg12[%scan3A_263, %get3A_628, %get3A_629] : memref<2x128x128xf32, #tpu.memory_space<vmem>> -> memref<1x128x128xf32, #tpu.memory_space<vmem>>
      %get3A_631 = tpu.memref_squeeze %get3A_630 : memref<1x128x128xf32, #tpu.memory_space<vmem>> -> memref<128x128xf32, #tpu.memory_space<vmem>>
      %get3A_632 = arith.index_cast %scan3A_509 : i32 to index
      %get3A_633 = arith.constant 112 : index
      %get3A_634 = tpu.vector_load %get3A_631[%get3A_632, %get3A_633] {strides = array<i32>} : memref<128x128xf32, #tpu.memory_space<vmem>>, vector<16xf32>,
      %mul3A_635 = arith.mulf %get3A_627, %get3A_634 : vector<16xf32>
      %add3A_636 = arith.addf %add3A_620, %mul3A_635 : vector<16xf32>
      %swap3A_637 = arith.index_cast %scan3A_509 : i32 to index
      %swap3A_638 = arith.constant 0 : index
      %swap3A_639 = tpu.vector_load %arg16[%swap3A_637, %swap3A_638] {strides = array<i32>} : memref<128x17xf32, #tpu.memory_space<vmem>>, vector<16xf32>,
      tpu.vector_store %arg16[%swap3A_637, %swap3A_638], %add3A_636 {strides = array<i32>} : memref<128x17xf32, #tpu.memory_space<vmem>>, vector<16xf32>,
      %scan3A_640 = arith.constant 2 : i32
      %scan3A_641 = arith.addi %scan3A_379, %scan3A_640 : i32
      %get3A_642 = arith.constant 0 : i32
      %get3A_643 = arith.constant 0 : i32
      %get3A_644 = tpu.memref_slice %arg11[%scan3A_262, %get3A_642, %get3A_643] : memref<2x128x128xf32, #tpu.memory_space<vmem>> -> memref<1x128x128xf32, #tpu.memory_space<vmem>>
      %get3A_645 = tpu.memref_squeeze %get3A_644 : memref<1x128x128xf32, #tpu.memory_space<vmem>> -> memref<128x128xf32, #tpu.memory_space<vmem>>
      %get3A_646 = arith.index_cast %scan3A_641 : i32 to index
      %get3A_647 = arith.constant 0 : index
      %get3A_648 = tpu.vector_load %get3A_645[%get3A_646, %get3A_647] {strides = array<i32>} : memref<128x128xf32, #tpu.memory_space<vmem>>, vector<16xf32>,
      %get3A_649 = arith.constant 0 : i32
      %get3A_650 = arith.constant 0 : i32
      %get3A_651 = tpu.memref_slice %arg12[%scan3A_263, %get3A_649, %get3A_650] : memref<2x128x128xf32, #tpu.memory_space<vmem>> -> memref<1x128x128xf32, #tpu.memory_space<vmem>>
      %get3A_652 = tpu.memref_squeeze %get3A_651 : memref<1x128x128xf32, #tpu.memory_space<vmem>> -> memref<128x128xf32, #tpu.memory_space<vmem>>
      %get3A_653 = arith.index_cast %scan3A_641 : i32 to index
      %get3A_654 = arith.constant 0 : index
      %get3A_655 = tpu.vector_load %get3A_652[%get3A_653, %get3A_654] {strides = array<i32>} : memref<128x128xf32, #tpu.memory_space<vmem>>, vector<16xf32>,
      %mul3A_656 = arith.mulf %get3A_648, %get3A_655 : vector<16xf32>
      %get3A_657 = arith.constant 0 : i32
      %get3A_658 = arith.constant 0 : i32
      %get3A_659 = tpu.memref_slice %arg11[%scan3A_262, %get3A_657, %get3A_658] : memref<2x128x128xf32, #tpu.memory_space<vmem>> -> memref<1x128x128xf32, #tpu.memory_space<vmem>>
      %get3A_660 = tpu.memref_squeeze %get3A_659 : memref<1x128x128xf32, #tpu.memory_space<vmem>> -> memref<128x128xf32, #tpu.memory_space<vmem>>
      %get3A_661 = arith.index_cast %scan3A_641 : i32 to index
      %get3A_662 = arith.constant 16 : index
      %get3A_663 = tpu.vector_load %get3A_660[%get3A_661, %get3A_662] {strides = array<i32>} : memref<128x128xf32, #tpu.memory_space<vmem>>, vector<16xf32>,
      %get3A_664 = arith.constant 0 : i32
      %get3A_665 = arith.constant 0 : i32
      %get3A_666 = tpu.memref_slice %arg12[%scan3A_263, %get3A_664, %get3A_665] : memref<2x128x128xf32, #tpu.memory_space<vmem>> -> memref<1x128x128xf32, #tpu.memory_space<vmem>>
      %get3A_667 = tpu.memref_squeeze %get3A_666 : memref<1x128x128xf32, #tpu.memory_space<vmem>> -> memref<128x128xf32, #tpu.memory_space<vmem>>
      %get3A_668 = arith.index_cast %scan3A_641 : i32 to index
      %get3A_669 = arith.constant 16 : index
      %get3A_670 = tpu.vector_load %get3A_667[%get3A_668, %get3A_669] {strides = array<i32>} : memref<128x128xf32, #tpu.memory_space<vmem>>, vector<16xf32>,
      %mul3A_671 = arith.mulf %get3A_663, %get3A_670 : vector<16xf32>
      %add3A_672 = arith.addf %mul3A_656, %mul3A_671 : vector<16xf32>
      %get3A_673 = arith.constant 0 : i32
      %get3A_674 = arith.constant 0 : i32
      %get3A_675 = tpu.memref_slice %arg11[%scan3A_262, %get3A_673, %get3A_674] : memref<2x128x128xf32, #tpu.memory_space<vmem>> -> memref<1x128x128xf32, #tpu.memory_space<vmem>>
      %get3A_676 = tpu.memref_squeeze %get3A_675 : memref<1x128x128xf32, #tpu.memory_space<vmem>> -> memref<128x128xf32, #tpu.memory_space<vmem>>
      %get3A_677 = arith.index_cast %scan3A_641 : i32 to index
      %get3A_678 = arith.constant 32 : index
      %get3A_679 = tpu.vector_load %get3A_676[%get3A_677, %get3A_678] {strides = array<i32>} : memref<128x128xf32, #tpu.memory_space<vmem>>, vector<16xf32>,
      %get3A_680 = arith.constant 0 : i32
      %get3A_681 = arith.constant 0 : i32
      %get3A_682 = tpu.memref_slice %arg12[%scan3A_263, %get3A_680, %get3A_681] : memref<2x128x128xf32, #tpu.memory_space<vmem>> -> memref<1x128x128xf32, #tpu.memory_space<vmem>>
      %get3A_683 = tpu.memref_squeeze %get3A_682 : memref<1x128x128xf32, #tpu.memory_space<vmem>> -> memref<128x128xf32, #tpu.memory_space<vmem>>
      %get3A_684 = arith.index_cast %scan3A_641 : i32 to index
      %get3A_685 = arith.constant 32 : index
      %get3A_686 = tpu.vector_load %get3A_683[%get3A_684, %get3A_685] {strides = array<i32>} : memref<128x128xf32, #tpu.memory_space<vmem>>, vector<16xf32>,
      %mul3A_687 = arith.mulf %get3A_679, %get3A_686 : vector<16xf32>
      %add3A_688 = arith.addf %add3A_672, %mul3A_687 : vector<16xf32>
      %get3A_689 = arith.constant 0 : i32
      %get3A_690 = arith.constant 0 : i32
      %get3A_691 = tpu.memref_slice %arg11[%scan3A_262, %get3A_689, %get3A_690] : memref<2x128x128xf32, #tpu.memory_space<vmem>> -> memref<1x128x128xf32, #tpu.memory_space<vmem>>
      %get3A_692 = tpu.memref_squeeze %get3A_691 : memref<1x128x128xf32, #tpu.memory_space<vmem>> -> memref<128x128xf32, #tpu.memory_space<vmem>>
      %get3A_693 = arith.index_cast %scan3A_641 : i32 to index
      %get3A_694 = arith.constant 48 : index
      %get3A_695 = tpu.vector_load %get3A_692[%get3A_693, %get3A_694] {strides = array<i32>} : memref<128x128xf32, #tpu.memory_space<vmem>>, vector<16xf32>,
      %get3A_696 = arith.constant 0 : i32
      %get3A_697 = arith.constant 0 : i32
      %get3A_698 = tpu.memref_slice %arg12[%scan3A_263, %get3A_696, %get3A_697] : memref<2x128x128xf32, #tpu.memory_space<vmem>> -> memref<1x128x128xf32, #tpu.memory_space<vmem>>
      %get3A_699 = tpu.memref_squeeze %get3A_698 : memref<1x128x128xf32, #tpu.memory_space<vmem>> -> memref<128x128xf32, #tpu.memory_space<vmem>>
      %get3A_700 = arith.index_cast %scan3A_641 : i32 to index
      %get3A_701 = arith.constant 48 : index
      %get3A_702 = tpu.vector_load %get3A_699[%get3A_700, %get3A_701] {strides = array<i32>} : memref<128x128xf32, #tpu.memory_space<vmem>>, vector<16xf32>,
      %mul3A_703 = arith.mulf %get3A_695, %get3A_702 : vector<16xf32>
      %add3A_704 = arith.addf %add3A_688, %mul3A_703 : vector<16xf32>
      %get3A_705 = arith.constant 0 : i32
      %get3A_706 = arith.constant 0 : i32
      %get3A_707 = tpu.memref_slice %arg11[%scan3A_262, %get3A_705, %get3A_706] : memref<2x128x128xf32, #tpu.memory_space<vmem>> -> memref<1x128x128xf32, #tpu.memory_space<vmem>>
      %get3A_708 = tpu.memref_squeeze %get3A_707 : memref<1x128x128xf32, #tpu.memory_space<vmem>> -> memref<128x128xf32, #tpu.memory_space<vmem>>
      %get3A_709 = arith.index_cast %scan3A_641 : i32 to index
      %get3A_710 = arith.constant 64 : index
      %get3A_711 = tpu.vector_load %get3A_708[%get3A_709, %get3A_710] {strides = array<i32>} : memref<128x128xf32, #tpu.memory_space<vmem>>, vector<16xf32>,
      %get3A_712 = arith.constant 0 : i32
      %get3A_713 = arith.constant 0 : i32
      %get3A_714 = tpu.memref_slice %arg12[%scan3A_263, %get3A_712, %get3A_713] : memref<2x128x128xf32, #tpu.memory_space<vmem>> -> memref<1x128x128xf32, #tpu.memory_space<vmem>>
      %get3A_715 = tpu.memref_squeeze %get3A_714 : memref<1x128x128xf32, #tpu.memory_space<vmem>> -> memref<128x128xf32, #tpu.memory_space<vmem>>
      %get3A_716 = arith.index_cast %scan3A_641 : i32 to index
      %get3A_717 = arith.constant 64 : index
      %get3A_718 = tpu.vector_load %get3A_715[%get3A_716, %get3A_717] {strides = array<i32>} : memref<128x128xf32, #tpu.memory_space<vmem>>, vector<16xf32>,
      %mul3A_719 = arith.mulf %get3A_711, %get3A_718 : vector<16xf32>
      %add3A_720 = arith.addf %add3A_704, %mul3A_719 : vector<16xf32>
      %get3A_721 = arith.constant 0 : i32
      %get3A_722 = arith.constant 0 : i32
      %get3A_723 = tpu.memref_slice %arg11[%scan3A_262, %get3A_721, %get3A_722] : memref<2x128x128xf32, #tpu.memory_space<vmem>> -> memref<1x128x128xf32, #tpu.memory_space<vmem>>
      %get3A_724 = tpu.memref_squeeze %get3A_723 : memref<1x128x128xf32, #tpu.memory_space<vmem>> -> memref<128x128xf32, #tpu.memory_space<vmem>>
      %get3A_725 = arith.index_cast %scan3A_641 : i32 to index
      %get3A_726 = arith.constant 80 : index
      %get3A_727 = tpu.vector_load %get3A_724[%get3A_725, %get3A_726] {strides = array<i32>} : memref<128x128xf32, #tpu.memory_space<vmem>>, vector<16xf32>,
      %get3A_728 = arith.constant 0 : i32
      %get3A_729 = arith.constant 0 : i32
      %get3A_730 = tpu.memref_slice %arg12[%scan3A_263, %get3A_728, %get3A_729] : memref<2x128x128xf32, #tpu.memory_space<vmem>> -> memref<1x128x128xf32, #tpu.memory_space<vmem>>
      %get3A_731 = tpu.memref_squeeze %get3A_730 : memref<1x128x128xf32, #tpu.memory_space<vmem>> -> memref<128x128xf32, #tpu.memory_space<vmem>>
      %get3A_732 = arith.index_cast %scan3A_641 : i32 to index
      %get3A_733 = arith.constant 80 : index
      %get3A_734 = tpu.vector_load %get3A_731[%get3A_732, %get3A_733] {strides = array<i32>} : memref<128x128xf32, #tpu.memory_space<vmem>>, vector<16xf32>,
      %mul3A_735 = arith.mulf %get3A_727, %get3A_734 : vector<16xf32>
      %add3A_736 = arith.addf %add3A_720, %mul3A_735 : vector<16xf32>
      %get3A_737 = arith.constant 0 : i32
      %get3A_738 = arith.constant 0 : i32
      %get3A_739 = tpu.memref_slice %arg11[%scan3A_262, %get3A_737, %get3A_738] : memref<2x128x128xf32, #tpu.memory_space<vmem>> -> memref<1x128x128xf32, #tpu.memory_space<vmem>>
      %get3A_740 = tpu.memref_squeeze %get3A_739 : memref<1x128x128xf32, #tpu.memory_space<vmem>> -> memref<128x128xf32, #tpu.memory_space<vmem>>
      %get3A_741 = arith.index_cast %scan3A_641 : i32 to index
      %get3A_742 = arith.constant 96 : index
      %get3A_743 = tpu.vector_load %get3A_740[%get3A_741, %get3A_742] {strides = array<i32>} : memref<128x128xf32, #tpu.memory_space<vmem>>, vector<16xf32>,
      %get3A_744 = arith.constant 0 : i32
      %get3A_745 = arith.constant 0 : i32
      %get3A_746 = tpu.memref_slice %arg12[%scan3A_263, %get3A_744, %get3A_745] : memref<2x128x128xf32, #tpu.memory_space<vmem>> -> memref<1x128x128xf32, #tpu.memory_space<vmem>>
      %get3A_747 = tpu.memref_squeeze %get3A_746 : memref<1x128x128xf32, #tpu.memory_space<vmem>> -> memref<128x128xf32, #tpu.memory_space<vmem>>
      %get3A_748 = arith.index_cast %scan3A_641 : i32 to index
      %get3A_749 = arith.constant 96 : index
      %get3A_750 = tpu.vector_load %get3A_747[%get3A_748, %get3A_749] {strides = array<i32>} : memref<128x128xf32, #tpu.memory_space<vmem>>, vector<16xf32>,
      %mul3A_751 = arith.mulf %get3A_743, %get3A_750 : vector<16xf32>
      %add3A_752 = arith.addf %add3A_736, %mul3A_751 : vector<16xf32>
      %get3A_753 = arith.constant 0 : i32
      %get3A_754 = arith.constant 0 : i32
      %get3A_755 = tpu.memref_slice %arg11[%scan3A_262, %get3A_753, %get3A_754] : memref<2x128x128xf32, #tpu.memory_space<vmem>> -> memref<1x128x128xf32, #tpu.memory_space<vmem>>
      %get3A_756 = tpu.memref_squeeze %get3A_755 : memref<1x128x128xf32, #tpu.memory_space<vmem>> -> memref<128x128xf32, #tpu.memory_space<vmem>>
      %get3A_757 = arith.index_cast %scan3A_641 : i32 to index
      %get3A_758 = arith.constant 112 : index
      %get3A_759 = tpu.vector_load %get3A_756[%get3A_757, %get3A_758] {strides = array<i32>} : memref<128x128xf32, #tpu.memory_space<vmem>>, vector<16xf32>,
      %get3A_760 = arith.constant 0 : i32
      %get3A_761 = arith.constant 0 : i32
      %get3A_762 = tpu.memref_slice %arg12[%scan3A_263, %get3A_760, %get3A_761] : memref<2x128x128xf32, #tpu.memory_space<vmem>> -> memref<1x128x128xf32, #tpu.memory_space<vmem>>
      %get3A_763 = tpu.memref_squeeze %get3A_762 : memref<1x128x128xf32, #tpu.memory_space<vmem>> -> memref<128x128xf32, #tpu.memory_space<vmem>>
      %get3A_764 = arith.index_cast %scan3A_641 : i32 to index
      %get3A_765 = arith.constant 112 : index
      %get3A_766 = tpu.vector_load %get3A_763[%get3A_764, %get3A_765] {strides = array<i32>} : memref<128x128xf32, #tpu.memory_space<vmem>>, vector<16xf32>,
      %mul3A_767 = arith.mulf %get3A_759, %get3A_766 : vector<16xf32>
      %add3A_768 = arith.addf %add3A_752, %mul3A_767 : vector<16xf32>
      %swap3A_769 = arith.index_cast %scan3A_641 : i32 to index
      %swap3A_770 = arith.constant 0 : index
      %swap3A_771 = tpu.vector_load %arg16[%swap3A_769, %swap3A_770] {strides = array<i32>} : memref<128x17xf32, #tpu.memory_space<vmem>>, vector<16xf32>,
      tpu.vector_store %arg16[%swap3A_769, %swap3A_770], %add3A_768 {strides = array<i32>} : memref<128x17xf32, #tpu.memory_space<vmem>>, vector<16xf32>,
      %scan3A_772 = arith.constant 3 : i32
      %scan3A_773 = arith.addi %scan3A_379, %scan3A_772 : i32
      %get3A_774 = arith.constant 0 : i32
      %get3A_775 = arith.constant 0 : i32
      %get3A_776 = tpu.memref_slice %arg11[%scan3A_262, %get3A_774, %get3A_775] : memref<2x128x128xf32, #tpu.memory_space<vmem>> -> memref<1x128x128xf32, #tpu.memory_space<vmem>>
      %get3A_777 = tpu.memref_squeeze %get3A_776 : memref<1x128x128xf32, #tpu.memory_space<vmem>> -> memref<128x128xf32, #tpu.memory_space<vmem>>
      %get3A_778 = arith.index_cast %scan3A_773 : i32 to index
      %get3A_779 = arith.constant 0 : index
      %get3A_780 = tpu.vector_load %get3A_777[%get3A_778, %get3A_779] {strides = array<i32>} : memref<128x128xf32, #tpu.memory_space<vmem>>, vector<16xf32>,
      %get3A_781 = arith.constant 0 : i32
      %get3A_782 = arith.constant 0 : i32
      %get3A_783 = tpu.memref_slice %arg12[%scan3A_263, %get3A_781, %get3A_782] : memref<2x128x128xf32, #tpu.memory_space<vmem>> -> memref<1x128x128xf32, #tpu.memory_space<vmem>>
      %get3A_784 = tpu.memref_squeeze %get3A_783 : memref<1x128x128xf32, #tpu.memory_space<vmem>> -> memref<128x128xf32, #tpu.memory_space<vmem>>
      %get3A_785 = arith.index_cast %scan3A_773 : i32 to index
      %get3A_786 = arith.constant 0 : index
      %get3A_787 = tpu.vector_load %get3A_784[%get3A_785, %get3A_786] {strides = array<i32>} : memref<128x128xf32, #tpu.memory_space<vmem>>, vector<16xf32>,
      %mul3A_788 = arith.mulf %get3A_780, %get3A_787 : vector<16xf32>
      %get3A_789 = arith.constant 0 : i32
      %get3A_790 = arith.constant 0 : i32
      %get3A_791 = tpu.memref_slice %arg11[%scan3A_262, %get3A_789, %get3A_790] : memref<2x128x128xf32, #tpu.memory_space<vmem>> -> memref<1x128x128xf32, #tpu.memory_space<vmem>>
      %get3A_792 = tpu.memref_squeeze %get3A_791 : memref<1x128x128xf32, #tpu.memory_space<vmem>> -> memref<128x128xf32, #tpu.memory_space<vmem>>
      %get3A_793 = arith.index_cast %scan3A_773 : i32 to index
      %get3A_794 = arith.constant 16 : index
      %get3A_795 = tpu.vector_load %get3A_792[%get3A_793, %get3A_794] {strides = array<i32>} : memref<128x128xf32, #tpu.memory_space<vmem>>, vector<16xf32>,
      %get3A_796 = arith.constant 0 : i32
      %get3A_797 = arith.constant 0 : i32
      %get3A_798 = tpu.memref_slice %arg12[%scan3A_263, %get3A_796, %get3A_797] : memref<2x128x128xf32, #tpu.memory_space<vmem>> -> memref<1x128x128xf32, #tpu.memory_space<vmem>>
      %get3A_799 = tpu.memref_squeeze %get3A_798 : memref<1x128x128xf32, #tpu.memory_space<vmem>> -> memref<128x128xf32, #tpu.memory_space<vmem>>
      %get3A_800 = arith.index_cast %scan3A_773 : i32 to index
      %get3A_801 = arith.constant 16 : index
      %get3A_802 = tpu.vector_load %get3A_799[%get3A_800, %get3A_801] {strides = array<i32>} : memref<128x128xf32, #tpu.memory_space<vmem>>, vector<16xf32>,
      %mul3A_803 = arith.mulf %get3A_795, %get3A_802 : vector<16xf32>
      %add3A_804 = arith.addf %mul3A_788, %mul3A_803 : vector<16xf32>
      %get3A_805 = arith.constant 0 : i32
      %get3A_806 = arith.constant 0 : i32
      %get3A_807 = tpu.memref_slice %arg11[%scan3A_262, %get3A_805, %get3A_806] : memref<2x128x128xf32, #tpu.memory_space<vmem>> -> memref<1x128x128xf32, #tpu.memory_space<vmem>>
      %get3A_808 = tpu.memref_squeeze %get3A_807 : memref<1x128x128xf32, #tpu.memory_space<vmem>> -> memref<128x128xf32, #tpu.memory_space<vmem>>
      %get3A_809 = arith.index_cast %scan3A_773 : i32 to index
      %get3A_810 = arith.constant 32 : index
      %get3A_811 = tpu.vector_load %get3A_808[%get3A_809, %get3A_810] {strides = array<i32>} : memref<128x128xf32, #tpu.memory_space<vmem>>, vector<16xf32>,
      %get3A_812 = arith.constant 0 : i32
      %get3A_813 = arith.constant 0 : i32
      %get3A_814 = tpu.memref_slice %arg12[%scan3A_263, %get3A_812, %get3A_813] : memref<2x128x128xf32, #tpu.memory_space<vmem>> -> memref<1x128x128xf32, #tpu.memory_space<vmem>>
      %get3A_815 = tpu.memref_squeeze %get3A_814 : memref<1x128x128xf32, #tpu.memory_space<vmem>> -> memref<128x128xf32, #tpu.memory_space<vmem>>
      %get3A_816 = arith.index_cast %scan3A_773 : i32 to index
      %get3A_817 = arith.constant 32 : index
      %get3A_818 = tpu.vector_load %get3A_815[%get3A_816, %get3A_817] {strides = array<i32>} : memref<128x128xf32, #tpu.memory_space<vmem>>, vector<16xf32>,
      %mul3A_819 = arith.mulf %get3A_811, %get3A_818 : vector<16xf32>
      %add3A_820 = arith.addf %add3A_804, %mul3A_819 : vector<16xf32>
      %get3A_821 = arith.constant 0 : i32
      %get3A_822 = arith.constant 0 : i32
      %get3A_823 = tpu.memref_slice %arg11[%scan3A_262, %get3A_821, %get3A_822] : memref<2x128x128xf32, #tpu.memory_space<vmem>> -> memref<1x128x128xf32, #tpu.memory_space<vmem>>
      %get3A_824 = tpu.memref_squeeze %get3A_823 : memref<1x128x128xf32, #tpu.memory_space<vmem>> -> memref<128x128xf32, #tpu.memory_space<vmem>>
      %get3A_825 = arith.index_cast %scan3A_773 : i32 to index
      %get3A_826 = arith.constant 48 : index
      %get3A_827 = tpu.vector_load %get3A_824[%get3A_825, %get3A_826] {strides = array<i32>} : memref<128x128xf32, #tpu.memory_space<vmem>>, vector<16xf32>,
      %get3A_828 = arith.constant 0 : i32
      %get3A_829 = arith.constant 0 : i32
      %get3A_830 = tpu.memref_slice %arg12[%scan3A_263, %get3A_828, %get3A_829] : memref<2x128x128xf32, #tpu.memory_space<vmem>> -> memref<1x128x128xf32, #tpu.memory_space<vmem>>
      %get3A_831 = tpu.memref_squeeze %get3A_830 : memref<1x128x128xf32, #tpu.memory_space<vmem>> -> memref<128x128xf32, #tpu.memory_space<vmem>>
      %get3A_832 = arith.index_cast %scan3A_773 : i32 to index
      %get3A_833 = arith.constant 48 : index
      %get3A_834 = tpu.vector_load %get3A_831[%get3A_832, %get3A_833] {strides = array<i32>} : memref<128x128xf32, #tpu.memory_space<vmem>>, vector<16xf32>,
      %mul3A_835 = arith.mulf %get3A_827, %get3A_834 : vector<16xf32>
      %add3A_836 = arith.addf %add3A_820, %mul3A_835 : vector<16xf32>
      %get3A_837 = arith.constant 0 : i32
      %get3A_838 = arith.constant 0 : i32
      %get3A_839 = tpu.memref_slice %arg11[%scan3A_262, %get3A_837, %get3A_838] : memref<2x128x128xf32, #tpu.memory_space<vmem>> -> memref<1x128x128xf32, #tpu.memory_space<vmem>>
      %get3A_840 = tpu.memref_squeeze %get3A_839 : memref<1x128x128xf32, #tpu.memory_space<vmem>> -> memref<128x128xf32, #tpu.memory_space<vmem>>
      %get3A_841 = arith.index_cast %scan3A_773 : i32 to index
      %get3A_842 = arith.constant 64 : index
      %get3A_843 = tpu.vector_load %get3A_840[%get3A_841, %get3A_842] {strides = array<i32>} : memref<128x128xf32, #tpu.memory_space<vmem>>, vector<16xf32>,
      %get3A_844 = arith.constant 0 : i32
      %get3A_845 = arith.constant 0 : i32
      %get3A_846 = tpu.memref_slice %arg12[%scan3A_263, %get3A_844, %get3A_845] : memref<2x128x128xf32, #tpu.memory_space<vmem>> -> memref<1x128x128xf32, #tpu.memory_space<vmem>>
      %get3A_847 = tpu.memref_squeeze %get3A_846 : memref<1x128x128xf32, #tpu.memory_space<vmem>> -> memref<128x128xf32, #tpu.memory_space<vmem>>
      %get3A_848 = arith.index_cast %scan3A_773 : i32 to index
      %get3A_849 = arith.constant 64 : index
      %get3A_850 = tpu.vector_load %get3A_847[%get3A_848, %get3A_849] {strides = array<i32>} : memref<128x128xf32, #tpu.memory_space<vmem>>, vector<16xf32>,
      %mul3A_851 = arith.mulf %get3A_843, %get3A_850 : vector<16xf32>
      %add3A_852 = arith.addf %add3A_836, %mul3A_851 : vector<16xf32>
      %get3A_853 = arith.constant 0 : i32
      %get3A_854 = arith.constant 0 : i32
      %get3A_855 = tpu.memref_slice %arg11[%scan3A_262, %get3A_853, %get3A_854] : memref<2x128x128xf32, #tpu.memory_space<vmem>> -> memref<1x128x128xf32, #tpu.memory_space<vmem>>
      %get3A_856 = tpu.memref_squeeze %get3A_855 : memref<1x128x128xf32, #tpu.memory_space<vmem>> -> memref<128x128xf32, #tpu.memory_space<vmem>>
      %get3A_857 = arith.index_cast %scan3A_773 : i32 to index
      %get3A_858 = arith.constant 80 : index
      %get3A_859 = tpu.vector_load %get3A_856[%get3A_857, %get3A_858] {strides = array<i32>} : memref<128x128xf32, #tpu.memory_space<vmem>>, vector<16xf32>,
      %get3A_860 = arith.constant 0 : i32
      %get3A_861 = arith.constant 0 : i32
      %get3A_862 = tpu.memref_slice %arg12[%scan3A_263, %get3A_860, %get3A_861] : memref<2x128x128xf32, #tpu.memory_space<vmem>> -> memref<1x128x128xf32, #tpu.memory_space<vmem>>
      %get3A_863 = tpu.memref_squeeze %get3A_862 : memref<1x128x128xf32, #tpu.memory_space<vmem>> -> memref<128x128xf32, #tpu.memory_space<vmem>>
      %get3A_864 = arith.index_cast %scan3A_773 : i32 to index
      %get3A_865 = arith.constant 80 : index
      %get3A_866 = tpu.vector_load %get3A_863[%get3A_864, %get3A_865] {strides = array<i32>} : memref<128x128xf32, #tpu.memory_space<vmem>>, vector<16xf32>,
      %mul3A_867 = arith.mulf %get3A_859, %get3A_866 : vector<16xf32>
      %add3A_868 = arith.addf %add3A_852, %mul3A_867 : vector<16xf32>
      %get3A_869 = arith.constant 0 : i32
      %get3A_870 = arith.constant 0 : i32
      %get3A_871 = tpu.memref_slice %arg11[%scan3A_262, %get3A_869, %get3A_870] : memref<2x128x128xf32, #tpu.memory_space<vmem>> -> memref<1x128x128xf32, #tpu.memory_space<vmem>>
      %get3A_872 = tpu.memref_squeeze %get3A_871 : memref<1x128x128xf32, #tpu.memory_space<vmem>> -> memref<128x128xf32, #tpu.memory_space<vmem>>
      %get3A_873 = arith.index_cast %scan3A_773 : i32 to index
      %get3A_874 = arith.constant 96 : index
      %get3A_875 = tpu.vector_load %get3A_872[%get3A_873, %get3A_874] {strides = array<i32>} : memref<128x128xf32, #tpu.memory_space<vmem>>, vector<16xf32>,
      %get3A_876 = arith.constant 0 : i32
      %get3A_877 = arith.constant 0 : i32
      %get3A_878 = tpu.memref_slice %arg12[%scan3A_263, %get3A_876, %get3A_877] : memref<2x128x128xf32, #tpu.memory_space<vmem>> -> memref<1x128x128xf32, #tpu.memory_space<vmem>>
      %get3A_879 = tpu.memref_squeeze %get3A_878 : memref<1x128x128xf32, #tpu.memory_space<vmem>> -> memref<128x128xf32, #tpu.memory_space<vmem>>
      %get3A_880 = arith.index_cast %scan3A_773 : i32 to index
      %get3A_881 = arith.constant 96 : index
      %get3A_882 = tpu.vector_load %get3A_879[%get3A_880, %get3A_881] {strides = array<i32>} : memref<128x128xf32, #tpu.memory_space<vmem>>, vector<16xf32>,
      %mul3A_883 = arith.mulf %get3A_875, %get3A_882 : vector<16xf32>
      %add3A_884 = arith.addf %add3A_868, %mul3A_883 : vector<16xf32>
      %get3A_885 = arith.constant 0 : i32
      %get3A_886 = arith.constant 0 : i32
      %get3A_887 = tpu.memref_slice %arg11[%scan3A_262, %get3A_885, %get3A_886] : memref<2x128x128xf32, #tpu.memory_space<vmem>> -> memref<1x128x128xf32, #tpu.memory_space<vmem>>
      %get3A_888 = tpu.memref_squeeze %get3A_887 : memref<1x128x128xf32, #tpu.memory_space<vmem>> -> memref<128x128xf32, #tpu.memory_space<vmem>>
      %get3A_889 = arith.index_cast %scan3A_773 : i32 to index
      %get3A_890 = arith.constant 112 : index
      %get3A_891 = tpu.vector_load %get3A_888[%get3A_889, %get3A_890] {strides = array<i32>} : memref<128x128xf32, #tpu.memory_space<vmem>>, vector<16xf32>,
      %get3A_892 = arith.constant 0 : i32
      %get3A_893 = arith.constant 0 : i32
      %get3A_894 = tpu.memref_slice %arg12[%scan3A_263, %get3A_892, %get3A_893] : memref<2x128x128xf32, #tpu.memory_space<vmem>> -> memref<1x128x128xf32, #tpu.memory_space<vmem>>
      %get3A_895 = tpu.memref_squeeze %get3A_894 : memref<1x128x128xf32, #tpu.memory_space<vmem>> -> memref<128x128xf32, #tpu.memory_space<vmem>>
      %get3A_896 = arith.index_cast %scan3A_773 : i32 to index
      %get3A_897 = arith.constant 112 : index
      %get3A_898 = tpu.vector_load %get3A_895[%get3A_896, %get3A_897] {strides = array<i32>} : memref<128x128xf32, #tpu.memory_space<vmem>>, vector<16xf32>,
      %mul3A_899 = arith.mulf %get3A_891, %get3A_898 : vector<16xf32>
      %add3A_900 = arith.addf %add3A_884, %mul3A_899 : vector<16xf32>
      %swap3A_901 = arith.index_cast %scan3A_773 : i32 to index
      %swap3A_902 = arith.constant 0 : index
      %swap3A_903 = tpu.vector_load %arg16[%swap3A_901, %swap3A_902] {strides = array<i32>} : memref<128x17xf32, #tpu.memory_space<vmem>>, vector<16xf32>,
      tpu.vector_store %arg16[%swap3A_901, %swap3A_902], %add3A_900 {strides = array<i32>} : memref<128x17xf32, #tpu.memory_space<vmem>>, vector<16xf32>,
    }
    %scan3A_268 = arith.constant 128 : i32
    %scan3A_269 = arith.constant 0 : i32
    %scan3A_270 = arith.constant 0 : i32
    %scan3A_271 = arith.constant 8 : i32
    %scan3A_272 = arith.addi %scan3A_270, %scan3A_271 : i32
    %scan3A_273 = arith.constant 1 : i32
    scf.for %scan3A_379 = %scan3A_270 to %scan3A_272 step %scan3A_273  : i32 {
      %mul3A_380 = arith.constant 16 : i32
      %mul3A_381 = arith.muli %scan3A_379, %mul3A_380 : i32
      %add3A_382 = vector.broadcast %mul3A_381 : i32 to vector<16xi32>
      %add3A_383 = arith.addi %add3A_382, %iota3A_260 : vector<16xi32>
      %broadcast_in_dim3A = arith.constant 0 : i32
      %broadcast_in_dim3A_384 = vector.broadcast %broadcast_in_dim3A : i32 to vector<16xi32>
      %gather3A = tpu.vector_load_idx %arg16[%add3A_383, %broadcast_in_dim3A_384] : memref<128x17xf32, #tpu.memory_space<vmem>>[vector<16xi32>, vector<16xi32>], vector<16xf32>,
      %broadcast_in_dim3A_385 = arith.constant 1 : i32
      %broadcast_in_dim3A_386 = vector.broadcast %broadcast_in_dim3A_385 : i32 to vector<16xi32>
      %gather3A_387 = tpu.vector_load_idx %arg16[%add3A_383, %broadcast_in_dim3A_386] : memref<128x17xf32, #tpu.memory_space<vmem>>[vector<16xi32>, vector<16xi32>], vector<16xf32>,
      %add3A_388 = arith.addf %gather3A, %gather3A_387 : vector<16xf32>
      %broadcast_in_dim3A_389 = arith.constant 2 : i32
      %broadcast_in_dim3A_390 = vector.broadcast %broadcast_in_dim3A_389 : i32 to vector<16xi32>
      %gather3A_391 = tpu.vector_load_idx %arg16[%add3A_383, %broadcast_in_dim3A_390] : memref<128x17xf32, #tpu.memory_space<vmem>>[vector<16xi32>, vector<16xi32>], vector<16xf32>,
      %add3A_392 = arith.addf %add3A_388, %gather3A_391 : vector<16xf32>
      %broadcast_in_dim3A_393 = arith.constant 3 : i32
      %broadcast_in_dim3A_394 = vector.broadcast %broadcast_in_dim3A_393 : i32 to vector<16xi32>
      %gather3A_395 = tpu.vector_load_idx %arg16[%add3A_383, %broadcast_in_dim3A_394] : memref<128x17xf32, #tpu.memory_space<vmem>>[vector<16xi32>, vector<16xi32>], vector<16xf32>,
      %add3A_396 = arith.addf %add3A_392, %gather3A_395 : vector<16xf32>
      %broadcast_in_dim3A_397 = arith.constant 4 : i32
      %broadcast_in_dim3A_398 = vector.broadcast %broadcast_in_dim3A_397 : i32 to vector<16xi32>
      %gather3A_399 = tpu.vector_load_idx %arg16[%add3A_383, %broadcast_in_dim3A_398] : memref<128x17xf32, #tpu.memory_space<vmem>>[vector<16xi32>, vector<16xi32>], vector<16xf32>,
      %add3A_400 = arith.addf %add3A_396, %gather3A_399 : vector<16xf32>
      %broadcast_in_dim3A_401 = arith.constant 5 : i32
      %broadcast_in_dim3A_402 = vector.broadcast %broadcast_in_dim3A_401 : i32 to vector<16xi32>
      %gather3A_403 = tpu.vector_load_idx %arg16[%add3A_383, %broadcast_in_dim3A_402] : memref<128x17xf32, #tpu.memory_space<vmem>>[vector<16xi32>, vector<16xi32>], vector<16xf32>,
      %add3A_404 = arith.addf %add3A_400, %gather3A_403 : vector<16xf32>
      %broadcast_in_dim3A_405 = arith.constant 6 : i32
      %broadcast_in_dim3A_406 = vector.broadcast %broadcast_in_dim3A_405 : i32 to vector<16xi32>
      %gather3A_407 = tpu.vector_load_idx %arg16[%add3A_383, %broadcast_in_dim3A_406] : memref<128x17xf32, #tpu.memory_space<vmem>>[vector<16xi32>, vector<16xi32>], vector<16xf32>,
      %add3A_408 = arith.addf %add3A_404, %gather3A_407 : vector<16xf32>
      %broadcast_in_dim3A_409 = arith.constant 7 : i32
      %broadcast_in_dim3A_410 = vector.broadcast %broadcast_in_dim3A_409 : i32 to vector<16xi32>
      %gather3A_411 = tpu.vector_load_idx %arg16[%add3A_383, %broadcast_in_dim3A_410] : memref<128x17xf32, #tpu.memory_space<vmem>>[vector<16xi32>, vector<16xi32>], vector<16xf32>,
      %add3A_412 = arith.addf %add3A_408, %gather3A_411 : vector<16xf32>
      %broadcast_in_dim3A_413 = arith.constant 8 : i32
      %broadcast_in_dim3A_414 = vector.broadcast %broadcast_in_dim3A_413 : i32 to vector<16xi32>
      %gather3A_415 = tpu.vector_load_idx %arg16[%add3A_383, %broadcast_in_dim3A_414] : memref<128x17xf32, #tpu.memory_space<vmem>>[vector<16xi32>, vector<16xi32>], vector<16xf32>,
      %add3A_416 = arith.addf %add3A_412, %gather3A_415 : vector<16xf32>
      %broadcast_in_dim3A_417 = arith.constant 9 : i32
      %broadcast_in_dim3A_418 = vector.broadcast %broadcast_in_dim3A_417 : i32 to vector<16xi32>
      %gather3A_419 = tpu.vector_load_idx %arg16[%add3A_383, %broadcast_in_dim3A_418] : memref<128x17xf32, #tpu.memory_space<vmem>>[vector<16xi32>, vector<16xi32>], vector<16xf32>,
      %add3A_420 = arith.addf %add3A_416, %gather3A_419 : vector<16xf32>
      %broadcast_in_dim3A_421 = arith.constant 10 : i32
      %broadcast_in_dim3A_422 = vector.broadcast %broadcast_in_dim3A_421 : i32 to vector<16xi32>
      %gather3A_423 = tpu.vector_load_idx %arg16[%add3A_383, %broadcast_in_dim3A_422] : memref<128x17xf32, #tpu.memory_space<vmem>>[vector<16xi32>, vector<16xi32>], vector<16xf32>,
      %add3A_424 = arith.addf %add3A_420, %gather3A_423 : vector<16xf32>
      %broadcast_in_dim3A_425 = arith.constant 11 : i32
      %broadcast_in_dim3A_426 = vector.broadcast %broadcast_in_dim3A_425 : i32 to vector<16xi32>
      %gather3A_427 = tpu.vector_load_idx %arg16[%add3A_383, %broadcast_in_dim3A_426] : memref<128x17xf32, #tpu.memory_space<vmem>>[vector<16xi32>, vector<16xi32>], vector<16xf32>,
      %add3A_428 = arith.addf %add3A_424, %gather3A_427 : vector<16xf32>
      %broadcast_in_dim3A_429 = arith.constant 12 : i32
      %broadcast_in_dim3A_430 = vector.broadcast %broadcast_in_dim3A_429 : i32 to vector<16xi32>
      %gather3A_431 = tpu.vector_load_idx %arg16[%add3A_383, %broadcast_in_dim3A_430] : memref<128x17xf32, #tpu.memory_space<vmem>>[vector<16xi32>, vector<16xi32>], vector<16xf32>,
      %add3A_432 = arith.addf %add3A_428, %gather3A_431 : vector<16xf32>
      %broadcast_in_dim3A_433 = arith.constant 13 : i32
      %broadcast_in_dim3A_434 = vector.broadcast %broadcast_in_dim3A_433 : i32 to vector<16xi32>
      %gather3A_435 = tpu.vector_load_idx %arg16[%add3A_383, %broadcast_in_dim3A_434] : memref<128x17xf32, #tpu.memory_space<vmem>>[vector<16xi32>, vector<16xi32>], vector<16xf32>,
      %add3A_436 = arith.addf %add3A_432, %gather3A_435 : vector<16xf32>
      %broadcast_in_dim3A_437 = arith.constant 14 : i32
      %broadcast_in_dim3A_438 = vector.broadcast %broadcast_in_dim3A_437 : i32 to vector<16xi32>
      %gather3A_439 = tpu.vector_load_idx %arg16[%add3A_383, %broadcast_in_dim3A_438] : memref<128x17xf32, #tpu.memory_space<vmem>>[vector<16xi32>, vector<16xi32>], vector<16xf32>,
      %add3A_440 = arith.addf %add3A_436, %gather3A_439 : vector<16xf32>
      %broadcast_in_dim3A_441 = arith.constant 15 : i32
      %broadcast_in_dim3A_442 = vector.broadcast %broadcast_in_dim3A_441 : i32 to vector<16xi32>
      %gather3A_443 = tpu.vector_load_idx %arg16[%add3A_383, %broadcast_in_dim3A_442] : memref<128x17xf32, #tpu.memory_space<vmem>>[vector<16xi32>, vector<16xi32>], vector<16xf32>,
      %add3A_444 = arith.addf %add3A_440, %gather3A_443 : vector<16xf32>
      %mul3A_445 = arith.constant 16 : i32
      %mul3A_446 = arith.muli %scan3A_379, %mul3A_445 : i32
      %add3A_447 = arith.constant 128 : i32
      %add3A_448 = arith.addi %add3A_447, %mul3A_446 : i32
      %get3A = arith.index_cast %add3A_448 : i32 to index
      %get3A_449 = tpu.vector_load %arg13[%get3A] {strides = array<i32>} : memref<512xf32, #tpu.memory_space<vmem>>, vector<16xf32>,
      %add3A_450 = arith.addf %add3A_444, %get3A_449 : vector<16xf32>
      %get3A_451 = arith.index_cast %add3A_448 : i32 to index
      %get3A_452 = tpu.vector_load %arg14[%get3A_451] {strides = array<i32>} : memref<512xf32, #tpu.memory_space<vmem>>, vector<16xf32>,
      %add3A_453 = arith.addf %add3A_450, %get3A_452 : vector<16xf32>
      %swap3A = arith.index_cast %add3A_448 : i32 to index
      %swap3A_454 = tpu.vector_load %arg15[%swap3A] {strides = array<i32>} : memref<512xf32, #tpu.memory_space<vmem>>, vector<16xf32>,
      tpu.vector_store %arg15[%swap3A], %add3A_453 {strides = array<i32>} : memref<512xf32, #tpu.memory_space<vmem>>, vector<16xf32>,
    }
    %scan3A_274 = arith.constant 8 : i32
    %dma_wait3A_275 = arith.constant 2 : i32
    %dma_wait3A_276 = arith.constant 0 : i32
    %dma_wait3A_277 = arith.constant 0 : i32
    %dma_wait3A_278 = arith.constant 0 : i32
    %dma_wait3A_279 = tpu.memref_slice %arg11[%dma_wait3A_276, %dma_wait3A_277, %dma_wait3A_278] : memref<2x128x128xf32, #tpu.memory_space<vmem>> -> memref<1x128x128xf32, #tpu.memory_space<vmem>>
    %dma_wait3A_280 = tpu.memref_squeeze %dma_wait3A_279 : memref<1x128x128xf32, #tpu.memory_space<vmem>> -> memref<128x128xf32, #tpu.memory_space<vmem>>
    %dma_wait3A_281 = arith.constant 0 : i32
    %dma_wait3A_282 = tpu.memref_slice %arg9[%dma_wait3A_275, %dma_wait3A_281] : memref<4x128xi32, #tpu.memory_space<vmem>> -> memref<1x128xi32, #tpu.memory_space<vmem>>
    %dma_wait3A_283 = tpu.memref_squeeze %dma_wait3A_282 : memref<1x128xi32, #tpu.memory_space<vmem>> -> memref<128xi32, #tpu.memory_space<vmem>>
    %dma_wait3A_284 = arith.constant 0 : i32
    %dma_wait3A_285 = arith.constant 0 : i32
    %dma_wait3A_286 = tpu.memref_slice %arg4[%dma_wait3A_284, %dma_wait3A_285] : memref<100000x128xf32, #tpu.memory_space<hbm>> -> memref<100000x128xf32, #tpu.memory_space<hbm>>
    tpu.wait_indirect_dma semaphore(%arg17 : memref<!tpu.dma_semaphore, #tpu.memory_space<semaphore_mem>>) src(%dma_wait3A_286 : memref<100000x128xf32, #tpu.memory_space<hbm>>) dst(%dma_wait3A_280 : memref<128x128xf32, #tpu.memory_space<vmem>>)
    %dma_wait3A_287 = arith.constant 2 : i32
    %dma_wait3A_288 = arith.constant 0 : i32
    %dma_wait3A_289 = arith.constant 0 : i32
    %dma_wait3A_290 = arith.constant 0 : i32
    %dma_wait3A_291 = tpu.memref_slice %arg12[%dma_wait3A_288, %dma_wait3A_289, %dma_wait3A_290] : memref<2x128x128xf32, #tpu.memory_space<vmem>> -> memref<1x128x128xf32, #tpu.memory_space<vmem>>
    %dma_wait3A_292 = tpu.memref_squeeze %dma_wait3A_291 : memref<1x128x128xf32, #tpu.memory_space<vmem>> -> memref<128x128xf32, #tpu.memory_space<vmem>>
    %dma_wait3A_293 = arith.constant 0 : i32
    %dma_wait3A_294 = tpu.memref_slice %arg10[%dma_wait3A_287, %dma_wait3A_293] : memref<4x128xi32, #tpu.memory_space<vmem>> -> memref<1x128xi32, #tpu.memory_space<vmem>>
    %dma_wait3A_295 = tpu.memref_squeeze %dma_wait3A_294 : memref<1x128xi32, #tpu.memory_space<vmem>> -> memref<128xi32, #tpu.memory_space<vmem>>
    %dma_wait3A_296 = arith.constant 0 : i32
    %dma_wait3A_297 = arith.constant 0 : i32
    %dma_wait3A_298 = tpu.memref_slice %arg5[%dma_wait3A_296, %dma_wait3A_297] : memref<100000x128xf32, #tpu.memory_space<hbm>> -> memref<100000x128xf32, #tpu.memory_space<hbm>>
    tpu.wait_indirect_dma semaphore(%arg19 : memref<!tpu.dma_semaphore, #tpu.memory_space<semaphore_mem>>) src(%dma_wait3A_298 : memref<100000x128xf32, #tpu.memory_space<hbm>>) dst(%dma_wait3A_292 : memref<128x128xf32, #tpu.memory_space<vmem>>)
    %dma_start3A_299 = arith.constant 3 : i32
    %dma_start3A_300 = arith.constant 1 : i32
    %dma_start3A_301 = arith.constant 0 : i32
    %dma_start3A_302 = arith.constant 0 : i32
    %dma_start3A_303 = tpu.memref_slice %arg11[%dma_start3A_300, %dma_start3A_301, %dma_start3A_302] : memref<2x128x128xf32, #tpu.memory_space<vmem>> -> memref<1x128x128xf32, #tpu.memory_space<vmem>>
    %dma_start3A_304 = tpu.memref_squeeze %dma_start3A_303 : memref<1x128x128xf32, #tpu.memory_space<vmem>> -> memref<128x128xf32, #tpu.memory_space<vmem>>
    %dma_start3A_305 = arith.constant 0 : i32
    %dma_start3A_306 = tpu.memref_slice %arg9[%dma_start3A_299, %dma_start3A_305] : memref<4x128xi32, #tpu.memory_space<vmem>> -> memref<1x128xi32, #tpu.memory_space<vmem>>
    %dma_start3A_307 = tpu.memref_squeeze %dma_start3A_306 : memref<1x128xi32, #tpu.memory_space<vmem>> -> memref<128xi32, #tpu.memory_space<vmem>>
    %dma_start3A_308 = arith.constant 0 : i32
    %dma_start3A_309 = arith.constant 0 : i32
    %dma_start3A_310 = tpu.memref_slice %arg4[%dma_start3A_308, %dma_start3A_309] : memref<100000x128xf32, #tpu.memory_space<hbm>> -> memref<100000x128xf32, #tpu.memory_space<hbm>>
    tpu.enqueue_indirect_dma source(%dma_start3A_310 : memref<100000x128xf32, #tpu.memory_space<hbm>>) target(%dma_start3A_304 : memref<128x128xf32, #tpu.memory_space<vmem>>) offsets(%dma_start3A_307 : memref<128xi32, #tpu.memory_space<vmem>>) semaphore(%arg18 : memref<!tpu.dma_semaphore, #tpu.memory_space<semaphore_mem>>)
    %dma_start3A_311 = arith.constant 3 : i32
    %dma_start3A_312 = arith.constant 1 : i32
    %dma_start3A_313 = arith.constant 0 : i32
    %dma_start3A_314 = arith.constant 0 : i32
    %dma_start3A_315 = tpu.memref_slice %arg12[%dma_start3A_312, %dma_start3A_313, %dma_start3A_314] : memref<2x128x128xf32, #tpu.memory_space<vmem>> -> memref<1x128x128xf32, #tpu.memory_space<vmem>>
    %dma_start3A_316 = tpu.memref_squeeze %dma_start3A_315 : memref<1x128x128xf32, #tpu.memory_space<vmem>> -> memref<128x128xf32, #tpu.memory_space<vmem>>
    %dma_start3A_317 = arith.constant 0 : i32
    %dma_start3A_318 = tpu.memref_slice %arg10[%dma_start3A_311, %dma_start3A_317] : memref<4x128xi32, #tpu.memory_space<vmem>> -> memref<1x128xi32, #tpu.memory_space<vmem>>
    %dma_start3A_319 = tpu.memref_squeeze %dma_start3A_318 : memref<1x128xi32, #tpu.memory_space<vmem>> -> memref<128xi32, #tpu.memory_space<vmem>>
    %dma_start3A_320 = arith.constant 0 : i32
    %dma_start3A_321 = arith.constant 0 : i32
    %dma_start3A_322 = tpu.memref_slice %arg5[%dma_start3A_320, %dma_start3A_321] : memref<100000x128xf32, #tpu.memory_space<hbm>> -> memref<100000x128xf32, #tpu.memory_space<hbm>>
    tpu.enqueue_indirect_dma source(%dma_start3A_322 : memref<100000x128xf32, #tpu.memory_space<hbm>>) target(%dma_start3A_316 : memref<128x128xf32, #tpu.memory_space<vmem>>) offsets(%dma_start3A_319 : memref<128xi32, #tpu.memory_space<vmem>>) semaphore(%arg20 : memref<!tpu.dma_semaphore, #tpu.memory_space<semaphore_mem>>)
    %iota3A_323 = tpu.iota {dimensions = array<i32: 0>} : vector<16xi32>
    %scan3A_324 = arith.constant 0 : i32
    %scan3A_325 = arith.constant 0 : i32
    %scan3A_326 = arith.constant 0 : i32
    %scan3A_327 = arith.constant 0 : i32
    %scan3A_328 = arith.constant 128 : i32
    %scan3A_329 = arith.addi %scan3A_327, %scan3A_328 : i32
    %scan3A_330 = arith.constant 4 : i32
    scf.for %scan3A_379 = %scan3A_327 to %scan3A_329 step %scan3A_330  : i32 {
      %get3A = arith.constant 0 : i32
      %get3A_380 = arith.constant 0 : i32
      %get3A_381 = tpu.memref_slice %arg11[%scan3A_325, %get3A, %get3A_380] : memref<2x128x128xf32, #tpu.memory_space<vmem>> -> memref<1x128x128xf32, #tpu.memory_space<vmem>>
      %get3A_382 = tpu.memref_squeeze %get3A_381 : memref<1x128x128xf32, #tpu.memory_space<vmem>> -> memref<128x128xf32, #tpu.memory_space<vmem>>
      %get3A_383 = arith.index_cast %scan3A_379 : i32 to index
      %get3A_384 = arith.constant 0 : index
      %get3A_385 = tpu.vector_load %get3A_382[%get3A_383, %get3A_384] {strides = array<i32>} : memref<128x128xf32, #tpu.memory_space<vmem>>, vector<16xf32>,
      %get3A_386 = arith.constant 0 : i32
      %get3A_387 = arith.constant 0 : i32
      %get3A_388 = tpu.memref_slice %arg12[%scan3A_326, %get3A_386, %get3A_387] : memref<2x128x128xf32, #tpu.memory_space<vmem>> -> memref<1x128x128xf32, #tpu.memory_space<vmem>>
      %get3A_389 = tpu.memref_squeeze %get3A_388 : memref<1x128x128xf32, #tpu.memory_space<vmem>> -> memref<128x128xf32, #tpu.memory_space<vmem>>
      %get3A_390 = arith.index_cast %scan3A_379 : i32 to index
      %get3A_391 = arith.constant 0 : index
      %get3A_392 = tpu.vector_load %get3A_389[%get3A_390, %get3A_391] {strides = array<i32>} : memref<128x128xf32, #tpu.memory_space<vmem>>, vector<16xf32>,
      %mul3A_393 = arith.mulf %get3A_385, %get3A_392 : vector<16xf32>
      %get3A_394 = arith.constant 0 : i32
      %get3A_395 = arith.constant 0 : i32
      %get3A_396 = tpu.memref_slice %arg11[%scan3A_325, %get3A_394, %get3A_395] : memref<2x128x128xf32, #tpu.memory_space<vmem>> -> memref<1x128x128xf32, #tpu.memory_space<vmem>>
      %get3A_397 = tpu.memref_squeeze %get3A_396 : memref<1x128x128xf32, #tpu.memory_space<vmem>> -> memref<128x128xf32, #tpu.memory_space<vmem>>
      %get3A_398 = arith.index_cast %scan3A_379 : i32 to index
      %get3A_399 = arith.constant 16 : index
      %get3A_400 = tpu.vector_load %get3A_397[%get3A_398, %get3A_399] {strides = array<i32>} : memref<128x128xf32, #tpu.memory_space<vmem>>, vector<16xf32>,
      %get3A_401 = arith.constant 0 : i32
      %get3A_402 = arith.constant 0 : i32
      %get3A_403 = tpu.memref_slice %arg12[%scan3A_326, %get3A_401, %get3A_402] : memref<2x128x128xf32, #tpu.memory_space<vmem>> -> memref<1x128x128xf32, #tpu.memory_space<vmem>>
      %get3A_404 = tpu.memref_squeeze %get3A_403 : memref<1x128x128xf32, #tpu.memory_space<vmem>> -> memref<128x128xf32, #tpu.memory_space<vmem>>
      %get3A_405 = arith.index_cast %scan3A_379 : i32 to index
      %get3A_406 = arith.constant 16 : index
      %get3A_407 = tpu.vector_load %get3A_404[%get3A_405, %get3A_406] {strides = array<i32>} : memref<128x128xf32, #tpu.memory_space<vmem>>, vector<16xf32>,
      %mul3A_408 = arith.mulf %get3A_400, %get3A_407 : vector<16xf32>
      %add3A_409 = arith.addf %mul3A_393, %mul3A_408 : vector<16xf32>
      %get3A_410 = arith.constant 0 : i32
      %get3A_411 = arith.constant 0 : i32
      %get3A_412 = tpu.memref_slice %arg11[%scan3A_325, %get3A_410, %get3A_411] : memref<2x128x128xf32, #tpu.memory_space<vmem>> -> memref<1x128x128xf32, #tpu.memory_space<vmem>>
      %get3A_413 = tpu.memref_squeeze %get3A_412 : memref<1x128x128xf32, #tpu.memory_space<vmem>> -> memref<128x128xf32, #tpu.memory_space<vmem>>
      %get3A_414 = arith.index_cast %scan3A_379 : i32 to index
      %get3A_415 = arith.constant 32 : index
      %get3A_416 = tpu.vector_load %get3A_413[%get3A_414, %get3A_415] {strides = array<i32>} : memref<128x128xf32, #tpu.memory_space<vmem>>, vector<16xf32>,
      %get3A_417 = arith.constant 0 : i32
      %get3A_418 = arith.constant 0 : i32
      %get3A_419 = tpu.memref_slice %arg12[%scan3A_326, %get3A_417, %get3A_418] : memref<2x128x128xf32, #tpu.memory_space<vmem>> -> memref<1x128x128xf32, #tpu.memory_space<vmem>>
      %get3A_420 = tpu.memref_squeeze %get3A_419 : memref<1x128x128xf32, #tpu.memory_space<vmem>> -> memref<128x128xf32, #tpu.memory_space<vmem>>
      %get3A_421 = arith.index_cast %scan3A_379 : i32 to index
      %get3A_422 = arith.constant 32 : index
      %get3A_423 = tpu.vector_load %get3A_420[%get3A_421, %get3A_422] {strides = array<i32>} : memref<128x128xf32, #tpu.memory_space<vmem>>, vector<16xf32>,
      %mul3A_424 = arith.mulf %get3A_416, %get3A_423 : vector<16xf32>
      %add3A_425 = arith.addf %add3A_409, %mul3A_424 : vector<16xf32>
      %get3A_426 = arith.constant 0 : i32
      %get3A_427 = arith.constant 0 : i32
      %get3A_428 = tpu.memref_slice %arg11[%scan3A_325, %get3A_426, %get3A_427] : memref<2x128x128xf32, #tpu.memory_space<vmem>> -> memref<1x128x128xf32, #tpu.memory_space<vmem>>
      %get3A_429 = tpu.memref_squeeze %get3A_428 : memref<1x128x128xf32, #tpu.memory_space<vmem>> -> memref<128x128xf32, #tpu.memory_space<vmem>>
      %get3A_430 = arith.index_cast %scan3A_379 : i32 to index
      %get3A_431 = arith.constant 48 : index
      %get3A_432 = tpu.vector_load %get3A_429[%get3A_430, %get3A_431] {strides = array<i32>} : memref<128x128xf32, #tpu.memory_space<vmem>>, vector<16xf32>,
      %get3A_433 = arith.constant 0 : i32
      %get3A_434 = arith.constant 0 : i32
      %get3A_435 = tpu.memref_slice %arg12[%scan3A_326, %get3A_433, %get3A_434] : memref<2x128x128xf32, #tpu.memory_space<vmem>> -> memref<1x128x128xf32, #tpu.memory_space<vmem>>
      %get3A_436 = tpu.memref_squeeze %get3A_435 : memref<1x128x128xf32, #tpu.memory_space<vmem>> -> memref<128x128xf32, #tpu.memory_space<vmem>>
      %get3A_437 = arith.index_cast %scan3A_379 : i32 to index
      %get3A_438 = arith.constant 48 : index
      %get3A_439 = tpu.vector_load %get3A_436[%get3A_437, %get3A_438] {strides = array<i32>} : memref<128x128xf32, #tpu.memory_space<vmem>>, vector<16xf32>,
      %mul3A_440 = arith.mulf %get3A_432, %get3A_439 : vector<16xf32>
      %add3A_441 = arith.addf %add3A_425, %mul3A_440 : vector<16xf32>
      %get3A_442 = arith.constant 0 : i32
      %get3A_443 = arith.constant 0 : i32
      %get3A_444 = tpu.memref_slice %arg11[%scan3A_325, %get3A_442, %get3A_443] : memref<2x128x128xf32, #tpu.memory_space<vmem>> -> memref<1x128x128xf32, #tpu.memory_space<vmem>>
      %get3A_445 = tpu.memref_squeeze %get3A_444 : memref<1x128x128xf32, #tpu.memory_space<vmem>> -> memref<128x128xf32, #tpu.memory_space<vmem>>
      %get3A_446 = arith.index_cast %scan3A_379 : i32 to index
      %get3A_447 = arith.constant 64 : index
      %get3A_448 = tpu.vector_load %get3A_445[%get3A_446, %get3A_447] {strides = array<i32>} : memref<128x128xf32, #tpu.memory_space<vmem>>, vector<16xf32>,
      %get3A_449 = arith.constant 0 : i32
      %get3A_450 = arith.constant 0 : i32
      %get3A_451 = tpu.memref_slice %arg12[%scan3A_326, %get3A_449, %get3A_450] : memref<2x128x128xf32, #tpu.memory_space<vmem>> -> memref<1x128x128xf32, #tpu.memory_space<vmem>>
      %get3A_452 = tpu.memref_squeeze %get3A_451 : memref<1x128x128xf32, #tpu.memory_space<vmem>> -> memref<128x128xf32, #tpu.memory_space<vmem>>
      %get3A_453 = arith.index_cast %scan3A_379 : i32 to index
      %get3A_454 = arith.constant 64 : index
      %get3A_455 = tpu.vector_load %get3A_452[%get3A_453, %get3A_454] {strides = array<i32>} : memref<128x128xf32, #tpu.memory_space<vmem>>, vector<16xf32>,
      %mul3A_456 = arith.mulf %get3A_448, %get3A_455 : vector<16xf32>
      %add3A_457 = arith.addf %add3A_441, %mul3A_456 : vector<16xf32>
      %get3A_458 = arith.constant 0 : i32
      %get3A_459 = arith.constant 0 : i32
      %get3A_460 = tpu.memref_slice %arg11[%scan3A_325, %get3A_458, %get3A_459] : memref<2x128x128xf32, #tpu.memory_space<vmem>> -> memref<1x128x128xf32, #tpu.memory_space<vmem>>
      %get3A_461 = tpu.memref_squeeze %get3A_460 : memref<1x128x128xf32, #tpu.memory_space<vmem>> -> memref<128x128xf32, #tpu.memory_space<vmem>>
      %get3A_462 = arith.index_cast %scan3A_379 : i32 to index
      %get3A_463 = arith.constant 80 : index
      %get3A_464 = tpu.vector_load %get3A_461[%get3A_462, %get3A_463] {strides = array<i32>} : memref<128x128xf32, #tpu.memory_space<vmem>>, vector<16xf32>,
      %get3A_465 = arith.constant 0 : i32
      %get3A_466 = arith.constant 0 : i32
      %get3A_467 = tpu.memref_slice %arg12[%scan3A_326, %get3A_465, %get3A_466] : memref<2x128x128xf32, #tpu.memory_space<vmem>> -> memref<1x128x128xf32, #tpu.memory_space<vmem>>
      %get3A_468 = tpu.memref_squeeze %get3A_467 : memref<1x128x128xf32, #tpu.memory_space<vmem>> -> memref<128x128xf32, #tpu.memory_space<vmem>>
      %get3A_469 = arith.index_cast %scan3A_379 : i32 to index
      %get3A_470 = arith.constant 80 : index
      %get3A_471 = tpu.vector_load %get3A_468[%get3A_469, %get3A_470] {strides = array<i32>} : memref<128x128xf32, #tpu.memory_space<vmem>>, vector<16xf32>,
      %mul3A_472 = arith.mulf %get3A_464, %get3A_471 : vector<16xf32>
      %add3A_473 = arith.addf %add3A_457, %mul3A_472 : vector<16xf32>
      %get3A_474 = arith.constant 0 : i32
      %get3A_475 = arith.constant 0 : i32
      %get3A_476 = tpu.memref_slice %arg11[%scan3A_325, %get3A_474, %get3A_475] : memref<2x128x128xf32, #tpu.memory_space<vmem>> -> memref<1x128x128xf32, #tpu.memory_space<vmem>>
      %get3A_477 = tpu.memref_squeeze %get3A_476 : memref<1x128x128xf32, #tpu.memory_space<vmem>> -> memref<128x128xf32, #tpu.memory_space<vmem>>
      %get3A_478 = arith.index_cast %scan3A_379 : i32 to index
      %get3A_479 = arith.constant 96 : index
      %get3A_480 = tpu.vector_load %get3A_477[%get3A_478, %get3A_479] {strides = array<i32>} : memref<128x128xf32, #tpu.memory_space<vmem>>, vector<16xf32>,
      %get3A_481 = arith.constant 0 : i32
      %get3A_482 = arith.constant 0 : i32
      %get3A_483 = tpu.memref_slice %arg12[%scan3A_326, %get3A_481, %get3A_482] : memref<2x128x128xf32, #tpu.memory_space<vmem>> -> memref<1x128x128xf32, #tpu.memory_space<vmem>>
      %get3A_484 = tpu.memref_squeeze %get3A_483 : memref<1x128x128xf32, #tpu.memory_space<vmem>> -> memref<128x128xf32, #tpu.memory_space<vmem>>
      %get3A_485 = arith.index_cast %scan3A_379 : i32 to index
      %get3A_486 = arith.constant 96 : index
      %get3A_487 = tpu.vector_load %get3A_484[%get3A_485, %get3A_486] {strides = array<i32>} : memref<128x128xf32, #tpu.memory_space<vmem>>, vector<16xf32>,
      %mul3A_488 = arith.mulf %get3A_480, %get3A_487 : vector<16xf32>
      %add3A_489 = arith.addf %add3A_473, %mul3A_488 : vector<16xf32>
      %get3A_490 = arith.constant 0 : i32
      %get3A_491 = arith.constant 0 : i32
      %get3A_492 = tpu.memref_slice %arg11[%scan3A_325, %get3A_490, %get3A_491] : memref<2x128x128xf32, #tpu.memory_space<vmem>> -> memref<1x128x128xf32, #tpu.memory_space<vmem>>
      %get3A_493 = tpu.memref_squeeze %get3A_492 : memref<1x128x128xf32, #tpu.memory_space<vmem>> -> memref<128x128xf32, #tpu.memory_space<vmem>>
      %get3A_494 = arith.index_cast %scan3A_379 : i32 to index
      %get3A_495 = arith.constant 112 : index
      %get3A_496 = tpu.vector_load %get3A_493[%get3A_494, %get3A_495] {strides = array<i32>} : memref<128x128xf32, #tpu.memory_space<vmem>>, vector<16xf32>,
      %get3A_497 = arith.constant 0 : i32
      %get3A_498 = arith.constant 0 : i32
      %get3A_499 = tpu.memref_slice %arg12[%scan3A_326, %get3A_497, %get3A_498] : memref<2x128x128xf32, #tpu.memory_space<vmem>> -> memref<1x128x128xf32, #tpu.memory_space<vmem>>
      %get3A_500 = tpu.memref_squeeze %get3A_499 : memref<1x128x128xf32, #tpu.memory_space<vmem>> -> memref<128x128xf32, #tpu.memory_space<vmem>>
      %get3A_501 = arith.index_cast %scan3A_379 : i32 to index
      %get3A_502 = arith.constant 112 : index
      %get3A_503 = tpu.vector_load %get3A_500[%get3A_501, %get3A_502] {strides = array<i32>} : memref<128x128xf32, #tpu.memory_space<vmem>>, vector<16xf32>,
      %mul3A_504 = arith.mulf %get3A_496, %get3A_503 : vector<16xf32>
      %add3A_505 = arith.addf %add3A_489, %mul3A_504 : vector<16xf32>
      %swap3A = arith.index_cast %scan3A_379 : i32 to index
      %swap3A_506 = arith.constant 0 : index
      %swap3A_507 = tpu.vector_load %arg16[%swap3A, %swap3A_506] {strides = array<i32>} : memref<128x17xf32, #tpu.memory_space<vmem>>, vector<16xf32>,
      tpu.vector_store %arg16[%swap3A, %swap3A_506], %add3A_505 {strides = array<i32>} : memref<128x17xf32, #tpu.memory_space<vmem>>, vector<16xf32>,
      %scan3A_508 = arith.constant 1 : i32
      %scan3A_509 = arith.addi %scan3A_379, %scan3A_508 : i32
      %get3A_510 = arith.constant 0 : i32
      %get3A_511 = arith.constant 0 : i32
      %get3A_512 = tpu.memref_slice %arg11[%scan3A_325, %get3A_510, %get3A_511] : memref<2x128x128xf32, #tpu.memory_space<vmem>> -> memref<1x128x128xf32, #tpu.memory_space<vmem>>
      %get3A_513 = tpu.memref_squeeze %get3A_512 : memref<1x128x128xf32, #tpu.memory_space<vmem>> -> memref<128x128xf32, #tpu.memory_space<vmem>>
      %get3A_514 = arith.index_cast %scan3A_509 : i32 to index
      %get3A_515 = arith.constant 0 : index
      %get3A_516 = tpu.vector_load %get3A_513[%get3A_514, %get3A_515] {strides = array<i32>} : memref<128x128xf32, #tpu.memory_space<vmem>>, vector<16xf32>,
      %get3A_517 = arith.constant 0 : i32
      %get3A_518 = arith.constant 0 : i32
      %get3A_519 = tpu.memref_slice %arg12[%scan3A_326, %get3A_517, %get3A_518] : memref<2x128x128xf32, #tpu.memory_space<vmem>> -> memref<1x128x128xf32, #tpu.memory_space<vmem>>
      %get3A_520 = tpu.memref_squeeze %get3A_519 : memref<1x128x128xf32, #tpu.memory_space<vmem>> -> memref<128x128xf32, #tpu.memory_space<vmem>>
      %get3A_521 = arith.index_cast %scan3A_509 : i32 to index
      %get3A_522 = arith.constant 0 : index
      %get3A_523 = tpu.vector_load %get3A_520[%get3A_521, %get3A_522] {strides = array<i32>} : memref<128x128xf32, #tpu.memory_space<vmem>>, vector<16xf32>,
      %mul3A_524 = arith.mulf %get3A_516, %get3A_523 : vector<16xf32>
      %get3A_525 = arith.constant 0 : i32
      %get3A_526 = arith.constant 0 : i32
      %get3A_527 = tpu.memref_slice %arg11[%scan3A_325, %get3A_525, %get3A_526] : memref<2x128x128xf32, #tpu.memory_space<vmem>> -> memref<1x128x128xf32, #tpu.memory_space<vmem>>
      %get3A_528 = tpu.memref_squeeze %get3A_527 : memref<1x128x128xf32, #tpu.memory_space<vmem>> -> memref<128x128xf32, #tpu.memory_space<vmem>>
      %get3A_529 = arith.index_cast %scan3A_509 : i32 to index
      %get3A_530 = arith.constant 16 : index
      %get3A_531 = tpu.vector_load %get3A_528[%get3A_529, %get3A_530] {strides = array<i32>} : memref<128x128xf32, #tpu.memory_space<vmem>>, vector<16xf32>,
      %get3A_532 = arith.constant 0 : i32
      %get3A_533 = arith.constant 0 : i32
      %get3A_534 = tpu.memref_slice %arg12[%scan3A_326, %get3A_532, %get3A_533] : memref<2x128x128xf32, #tpu.memory_space<vmem>> -> memref<1x128x128xf32, #tpu.memory_space<vmem>>
      %get3A_535 = tpu.memref_squeeze %get3A_534 : memref<1x128x128xf32, #tpu.memory_space<vmem>> -> memref<128x128xf32, #tpu.memory_space<vmem>>
      %get3A_536 = arith.index_cast %scan3A_509 : i32 to index
      %get3A_537 = arith.constant 16 : index
      %get3A_538 = tpu.vector_load %get3A_535[%get3A_536, %get3A_537] {strides = array<i32>} : memref<128x128xf32, #tpu.memory_space<vmem>>, vector<16xf32>,
      %mul3A_539 = arith.mulf %get3A_531, %get3A_538 : vector<16xf32>
      %add3A_540 = arith.addf %mul3A_524, %mul3A_539 : vector<16xf32>
      %get3A_541 = arith.constant 0 : i32
      %get3A_542 = arith.constant 0 : i32
      %get3A_543 = tpu.memref_slice %arg11[%scan3A_325, %get3A_541, %get3A_542] : memref<2x128x128xf32, #tpu.memory_space<vmem>> -> memref<1x128x128xf32, #tpu.memory_space<vmem>>
      %get3A_544 = tpu.memref_squeeze %get3A_543 : memref<1x128x128xf32, #tpu.memory_space<vmem>> -> memref<128x128xf32, #tpu.memory_space<vmem>>
      %get3A_545 = arith.index_cast %scan3A_509 : i32 to index
      %get3A_546 = arith.constant 32 : index
      %get3A_547 = tpu.vector_load %get3A_544[%get3A_545, %get3A_546] {strides = array<i32>} : memref<128x128xf32, #tpu.memory_space<vmem>>, vector<16xf32>,
      %get3A_548 = arith.constant 0 : i32
      %get3A_549 = arith.constant 0 : i32
      %get3A_550 = tpu.memref_slice %arg12[%scan3A_326, %get3A_548, %get3A_549] : memref<2x128x128xf32, #tpu.memory_space<vmem>> -> memref<1x128x128xf32, #tpu.memory_space<vmem>>
      %get3A_551 = tpu.memref_squeeze %get3A_550 : memref<1x128x128xf32, #tpu.memory_space<vmem>> -> memref<128x128xf32, #tpu.memory_space<vmem>>
      %get3A_552 = arith.index_cast %scan3A_509 : i32 to index
      %get3A_553 = arith.constant 32 : index
      %get3A_554 = tpu.vector_load %get3A_551[%get3A_552, %get3A_553] {strides = array<i32>} : memref<128x128xf32, #tpu.memory_space<vmem>>, vector<16xf32>,
      %mul3A_555 = arith.mulf %get3A_547, %get3A_554 : vector<16xf32>
      %add3A_556 = arith.addf %add3A_540, %mul3A_555 : vector<16xf32>
      %get3A_557 = arith.constant 0 : i32
      %get3A_558 = arith.constant 0 : i32
      %get3A_559 = tpu.memref_slice %arg11[%scan3A_325, %get3A_557, %get3A_558] : memref<2x128x128xf32, #tpu.memory_space<vmem>> -> memref<1x128x128xf32, #tpu.memory_space<vmem>>
      %get3A_560 = tpu.memref_squeeze %get3A_559 : memref<1x128x128xf32, #tpu.memory_space<vmem>> -> memref<128x128xf32, #tpu.memory_space<vmem>>
      %get3A_561 = arith.index_cast %scan3A_509 : i32 to index
      %get3A_562 = arith.constant 48 : index
      %get3A_563 = tpu.vector_load %get3A_560[%get3A_561, %get3A_562] {strides = array<i32>} : memref<128x128xf32, #tpu.memory_space<vmem>>, vector<16xf32>,
      %get3A_564 = arith.constant 0 : i32
      %get3A_565 = arith.constant 0 : i32
      %get3A_566 = tpu.memref_slice %arg12[%scan3A_326, %get3A_564, %get3A_565] : memref<2x128x128xf32, #tpu.memory_space<vmem>> -> memref<1x128x128xf32, #tpu.memory_space<vmem>>
      %get3A_567 = tpu.memref_squeeze %get3A_566 : memref<1x128x128xf32, #tpu.memory_space<vmem>> -> memref<128x128xf32, #tpu.memory_space<vmem>>
      %get3A_568 = arith.index_cast %scan3A_509 : i32 to index
      %get3A_569 = arith.constant 48 : index
      %get3A_570 = tpu.vector_load %get3A_567[%get3A_568, %get3A_569] {strides = array<i32>} : memref<128x128xf32, #tpu.memory_space<vmem>>, vector<16xf32>,
      %mul3A_571 = arith.mulf %get3A_563, %get3A_570 : vector<16xf32>
      %add3A_572 = arith.addf %add3A_556, %mul3A_571 : vector<16xf32>
      %get3A_573 = arith.constant 0 : i32
      %get3A_574 = arith.constant 0 : i32
      %get3A_575 = tpu.memref_slice %arg11[%scan3A_325, %get3A_573, %get3A_574] : memref<2x128x128xf32, #tpu.memory_space<vmem>> -> memref<1x128x128xf32, #tpu.memory_space<vmem>>
      %get3A_576 = tpu.memref_squeeze %get3A_575 : memref<1x128x128xf32, #tpu.memory_space<vmem>> -> memref<128x128xf32, #tpu.memory_space<vmem>>
      %get3A_577 = arith.index_cast %scan3A_509 : i32 to index
      %get3A_578 = arith.constant 64 : index
      %get3A_579 = tpu.vector_load %get3A_576[%get3A_577, %get3A_578] {strides = array<i32>} : memref<128x128xf32, #tpu.memory_space<vmem>>, vector<16xf32>,
      %get3A_580 = arith.constant 0 : i32
      %get3A_581 = arith.constant 0 : i32
      %get3A_582 = tpu.memref_slice %arg12[%scan3A_326, %get3A_580, %get3A_581] : memref<2x128x128xf32, #tpu.memory_space<vmem>> -> memref<1x128x128xf32, #tpu.memory_space<vmem>>
      %get3A_583 = tpu.memref_squeeze %get3A_582 : memref<1x128x128xf32, #tpu.memory_space<vmem>> -> memref<128x128xf32, #tpu.memory_space<vmem>>
      %get3A_584 = arith.index_cast %scan3A_509 : i32 to index
      %get3A_585 = arith.constant 64 : index
      %get3A_586 = tpu.vector_load %get3A_583[%get3A_584, %get3A_585] {strides = array<i32>} : memref<128x128xf32, #tpu.memory_space<vmem>>, vector<16xf32>,
      %mul3A_587 = arith.mulf %get3A_579, %get3A_586 : vector<16xf32>
      %add3A_588 = arith.addf %add3A_572, %mul3A_587 : vector<16xf32>
      %get3A_589 = arith.constant 0 : i32
      %get3A_590 = arith.constant 0 : i32
      %get3A_591 = tpu.memref_slice %arg11[%scan3A_325, %get3A_589, %get3A_590] : memref<2x128x128xf32, #tpu.memory_space<vmem>> -> memref<1x128x128xf32, #tpu.memory_space<vmem>>
      %get3A_592 = tpu.memref_squeeze %get3A_591 : memref<1x128x128xf32, #tpu.memory_space<vmem>> -> memref<128x128xf32, #tpu.memory_space<vmem>>
      %get3A_593 = arith.index_cast %scan3A_509 : i32 to index
      %get3A_594 = arith.constant 80 : index
      %get3A_595 = tpu.vector_load %get3A_592[%get3A_593, %get3A_594] {strides = array<i32>} : memref<128x128xf32, #tpu.memory_space<vmem>>, vector<16xf32>,
      %get3A_596 = arith.constant 0 : i32
      %get3A_597 = arith.constant 0 : i32
      %get3A_598 = tpu.memref_slice %arg12[%scan3A_326, %get3A_596, %get3A_597] : memref<2x128x128xf32, #tpu.memory_space<vmem>> -> memref<1x128x128xf32, #tpu.memory_space<vmem>>
      %get3A_599 = tpu.memref_squeeze %get3A_598 : memref<1x128x128xf32, #tpu.memory_space<vmem>> -> memref<128x128xf32, #tpu.memory_space<vmem>>
      %get3A_600 = arith.index_cast %scan3A_509 : i32 to index
      %get3A_601 = arith.constant 80 : index
      %get3A_602 = tpu.vector_load %get3A_599[%get3A_600, %get3A_601] {strides = array<i32>} : memref<128x128xf32, #tpu.memory_space<vmem>>, vector<16xf32>,
      %mul3A_603 = arith.mulf %get3A_595, %get3A_602 : vector<16xf32>
      %add3A_604 = arith.addf %add3A_588, %mul3A_603 : vector<16xf32>
      %get3A_605 = arith.constant 0 : i32
      %get3A_606 = arith.constant 0 : i32
      %get3A_607 = tpu.memref_slice %arg11[%scan3A_325, %get3A_605, %get3A_606] : memref<2x128x128xf32, #tpu.memory_space<vmem>> -> memref<1x128x128xf32, #tpu.memory_space<vmem>>
      %get3A_608 = tpu.memref_squeeze %get3A_607 : memref<1x128x128xf32, #tpu.memory_space<vmem>> -> memref<128x128xf32, #tpu.memory_space<vmem>>
      %get3A_609 = arith.index_cast %scan3A_509 : i32 to index
      %get3A_610 = arith.constant 96 : index
      %get3A_611 = tpu.vector_load %get3A_608[%get3A_609, %get3A_610] {strides = array<i32>} : memref<128x128xf32, #tpu.memory_space<vmem>>, vector<16xf32>,
      %get3A_612 = arith.constant 0 : i32
      %get3A_613 = arith.constant 0 : i32
      %get3A_614 = tpu.memref_slice %arg12[%scan3A_326, %get3A_612, %get3A_613] : memref<2x128x128xf32, #tpu.memory_space<vmem>> -> memref<1x128x128xf32, #tpu.memory_space<vmem>>
      %get3A_615 = tpu.memref_squeeze %get3A_614 : memref<1x128x128xf32, #tpu.memory_space<vmem>> -> memref<128x128xf32, #tpu.memory_space<vmem>>
      %get3A_616 = arith.index_cast %scan3A_509 : i32 to index
      %get3A_617 = arith.constant 96 : index
      %get3A_618 = tpu.vector_load %get3A_615[%get3A_616, %get3A_617] {strides = array<i32>} : memref<128x128xf32, #tpu.memory_space<vmem>>, vector<16xf32>,
      %mul3A_619 = arith.mulf %get3A_611, %get3A_618 : vector<16xf32>
      %add3A_620 = arith.addf %add3A_604, %mul3A_619 : vector<16xf32>
      %get3A_621 = arith.constant 0 : i32
      %get3A_622 = arith.constant 0 : i32
      %get3A_623 = tpu.memref_slice %arg11[%scan3A_325, %get3A_621, %get3A_622] : memref<2x128x128xf32, #tpu.memory_space<vmem>> -> memref<1x128x128xf32, #tpu.memory_space<vmem>>
      %get3A_624 = tpu.memref_squeeze %get3A_623 : memref<1x128x128xf32, #tpu.memory_space<vmem>> -> memref<128x128xf32, #tpu.memory_space<vmem>>
      %get3A_625 = arith.index_cast %scan3A_509 : i32 to index
      %get3A_626 = arith.constant 112 : index
      %get3A_627 = tpu.vector_load %get3A_624[%get3A_625, %get3A_626] {strides = array<i32>} : memref<128x128xf32, #tpu.memory_space<vmem>>, vector<16xf32>,
      %get3A_628 = arith.constant 0 : i32
      %get3A_629 = arith.constant 0 : i32
      %get3A_630 = tpu.memref_slice %arg12[%scan3A_326, %get3A_628, %get3A_629] : memref<2x128x128xf32, #tpu.memory_space<vmem>> -> memref<1x128x128xf32, #tpu.memory_space<vmem>>
      %get3A_631 = tpu.memref_squeeze %get3A_630 : memref<1x128x128xf32, #tpu.memory_space<vmem>> -> memref<128x128xf32, #tpu.memory_space<vmem>>
      %get3A_632 = arith.index_cast %scan3A_509 : i32 to index
      %get3A_633 = arith.constant 112 : index
      %get3A_634 = tpu.vector_load %get3A_631[%get3A_632, %get3A_633] {strides = array<i32>} : memref<128x128xf32, #tpu.memory_space<vmem>>, vector<16xf32>,
      %mul3A_635 = arith.mulf %get3A_627, %get3A_634 : vector<16xf32>
      %add3A_636 = arith.addf %add3A_620, %mul3A_635 : vector<16xf32>
      %swap3A_637 = arith.index_cast %scan3A_509 : i32 to index
      %swap3A_638 = arith.constant 0 : index
      %swap3A_639 = tpu.vector_load %arg16[%swap3A_637, %swap3A_638] {strides = array<i32>} : memref<128x17xf32, #tpu.memory_space<vmem>>, vector<16xf32>,
      tpu.vector_store %arg16[%swap3A_637, %swap3A_638], %add3A_636 {strides = array<i32>} : memref<128x17xf32, #tpu.memory_space<vmem>>, vector<16xf32>,
      %scan3A_640 = arith.constant 2 : i32
      %scan3A_641 = arith.addi %scan3A_379, %scan3A_640 : i32
      %get3A_642 = arith.constant 0 : i32
      %get3A_643 = arith.constant 0 : i32
      %get3A_644 = tpu.memref_slice %arg11[%scan3A_325, %get3A_642, %get3A_643] : memref<2x128x128xf32, #tpu.memory_space<vmem>> -> memref<1x128x128xf32, #tpu.memory_space<vmem>>
      %get3A_645 = tpu.memref_squeeze %get3A_644 : memref<1x128x128xf32, #tpu.memory_space<vmem>> -> memref<128x128xf32, #tpu.memory_space<vmem>>
      %get3A_646 = arith.index_cast %scan3A_641 : i32 to index
      %get3A_647 = arith.constant 0 : index
      %get3A_648 = tpu.vector_load %get3A_645[%get3A_646, %get3A_647] {strides = array<i32>} : memref<128x128xf32, #tpu.memory_space<vmem>>, vector<16xf32>,
      %get3A_649 = arith.constant 0 : i32
      %get3A_650 = arith.constant 0 : i32
      %get3A_651 = tpu.memref_slice %arg12[%scan3A_326, %get3A_649, %get3A_650] : memref<2x128x128xf32, #tpu.memory_space<vmem>> -> memref<1x128x128xf32, #tpu.memory_space<vmem>>
      %get3A_652 = tpu.memref_squeeze %get3A_651 : memref<1x128x128xf32, #tpu.memory_space<vmem>> -> memref<128x128xf32, #tpu.memory_space<vmem>>
      %get3A_653 = arith.index_cast %scan3A_641 : i32 to index
      %get3A_654 = arith.constant 0 : index
      %get3A_655 = tpu.vector_load %get3A_652[%get3A_653, %get3A_654] {strides = array<i32>} : memref<128x128xf32, #tpu.memory_space<vmem>>, vector<16xf32>,
      %mul3A_656 = arith.mulf %get3A_648, %get3A_655 : vector<16xf32>
      %get3A_657 = arith.constant 0 : i32
      %get3A_658 = arith.constant 0 : i32
      %get3A_659 = tpu.memref_slice %arg11[%scan3A_325, %get3A_657, %get3A_658] : memref<2x128x128xf32, #tpu.memory_space<vmem>> -> memref<1x128x128xf32, #tpu.memory_space<vmem>>
      %get3A_660 = tpu.memref_squeeze %get3A_659 : memref<1x128x128xf32, #tpu.memory_space<vmem>> -> memref<128x128xf32, #tpu.memory_space<vmem>>
      %get3A_661 = arith.index_cast %scan3A_641 : i32 to index
      %get3A_662 = arith.constant 16 : index
      %get3A_663 = tpu.vector_load %get3A_660[%get3A_661, %get3A_662] {strides = array<i32>} : memref<128x128xf32, #tpu.memory_space<vmem>>, vector<16xf32>,
      %get3A_664 = arith.constant 0 : i32
      %get3A_665 = arith.constant 0 : i32
      %get3A_666 = tpu.memref_slice %arg12[%scan3A_326, %get3A_664, %get3A_665] : memref<2x128x128xf32, #tpu.memory_space<vmem>> -> memref<1x128x128xf32, #tpu.memory_space<vmem>>
      %get3A_667 = tpu.memref_squeeze %get3A_666 : memref<1x128x128xf32, #tpu.memory_space<vmem>> -> memref<128x128xf32, #tpu.memory_space<vmem>>
      %get3A_668 = arith.index_cast %scan3A_641 : i32 to index
      %get3A_669 = arith.constant 16 : index
      %get3A_670 = tpu.vector_load %get3A_667[%get3A_668, %get3A_669] {strides = array<i32>} : memref<128x128xf32, #tpu.memory_space<vmem>>, vector<16xf32>,
      %mul3A_671 = arith.mulf %get3A_663, %get3A_670 : vector<16xf32>
      %add3A_672 = arith.addf %mul3A_656, %mul3A_671 : vector<16xf32>
      %get3A_673 = arith.constant 0 : i32
      %get3A_674 = arith.constant 0 : i32
      %get3A_675 = tpu.memref_slice %arg11[%scan3A_325, %get3A_673, %get3A_674] : memref<2x128x128xf32, #tpu.memory_space<vmem>> -> memref<1x128x128xf32, #tpu.memory_space<vmem>>
      %get3A_676 = tpu.memref_squeeze %get3A_675 : memref<1x128x128xf32, #tpu.memory_space<vmem>> -> memref<128x128xf32, #tpu.memory_space<vmem>>
      %get3A_677 = arith.index_cast %scan3A_641 : i32 to index
      %get3A_678 = arith.constant 32 : index
      %get3A_679 = tpu.vector_load %get3A_676[%get3A_677, %get3A_678] {strides = array<i32>} : memref<128x128xf32, #tpu.memory_space<vmem>>, vector<16xf32>,
      %get3A_680 = arith.constant 0 : i32
      %get3A_681 = arith.constant 0 : i32
      %get3A_682 = tpu.memref_slice %arg12[%scan3A_326, %get3A_680, %get3A_681] : memref<2x128x128xf32, #tpu.memory_space<vmem>> -> memref<1x128x128xf32, #tpu.memory_space<vmem>>
      %get3A_683 = tpu.memref_squeeze %get3A_682 : memref<1x128x128xf32, #tpu.memory_space<vmem>> -> memref<128x128xf32, #tpu.memory_space<vmem>>
      %get3A_684 = arith.index_cast %scan3A_641 : i32 to index
      %get3A_685 = arith.constant 32 : index
      %get3A_686 = tpu.vector_load %get3A_683[%get3A_684, %get3A_685] {strides = array<i32>} : memref<128x128xf32, #tpu.memory_space<vmem>>, vector<16xf32>,
      %mul3A_687 = arith.mulf %get3A_679, %get3A_686 : vector<16xf32>
      %add3A_688 = arith.addf %add3A_672, %mul3A_687 : vector<16xf32>
      %get3A_689 = arith.constant 0 : i32
      %get3A_690 = arith.constant 0 : i32
      %get3A_691 = tpu.memref_slice %arg11[%scan3A_325, %get3A_689, %get3A_690] : memref<2x128x128xf32, #tpu.memory_space<vmem>> -> memref<1x128x128xf32, #tpu.memory_space<vmem>>
      %get3A_692 = tpu.memref_squeeze %get3A_691 : memref<1x128x128xf32, #tpu.memory_space<vmem>> -> memref<128x128xf32, #tpu.memory_space<vmem>>
      %get3A_693 = arith.index_cast %scan3A_641 : i32 to index
      %get3A_694 = arith.constant 48 : index
      %get3A_695 = tpu.vector_load %get3A_692[%get3A_693, %get3A_694] {strides = array<i32>} : memref<128x128xf32, #tpu.memory_space<vmem>>, vector<16xf32>,
      %get3A_696 = arith.constant 0 : i32
      %get3A_697 = arith.constant 0 : i32
      %get3A_698 = tpu.memref_slice %arg12[%scan3A_326, %get3A_696, %get3A_697] : memref<2x128x128xf32, #tpu.memory_space<vmem>> -> memref<1x128x128xf32, #tpu.memory_space<vmem>>
      %get3A_699 = tpu.memref_squeeze %get3A_698 : memref<1x128x128xf32, #tpu.memory_space<vmem>> -> memref<128x128xf32, #tpu.memory_space<vmem>>
      %get3A_700 = arith.index_cast %scan3A_641 : i32 to index
      %get3A_701 = arith.constant 48 : index
      %get3A_702 = tpu.vector_load %get3A_699[%get3A_700, %get3A_701] {strides = array<i32>} : memref<128x128xf32, #tpu.memory_space<vmem>>, vector<16xf32>,
      %mul3A_703 = arith.mulf %get3A_695, %get3A_702 : vector<16xf32>
      %add3A_704 = arith.addf %add3A_688, %mul3A_703 : vector<16xf32>
      %get3A_705 = arith.constant 0 : i32
      %get3A_706 = arith.constant 0 : i32
      %get3A_707 = tpu.memref_slice %arg11[%scan3A_325, %get3A_705, %get3A_706] : memref<2x128x128xf32, #tpu.memory_space<vmem>> -> memref<1x128x128xf32, #tpu.memory_space<vmem>>
      %get3A_708 = tpu.memref_squeeze %get3A_707 : memref<1x128x128xf32, #tpu.memory_space<vmem>> -> memref<128x128xf32, #tpu.memory_space<vmem>>
      %get3A_709 = arith.index_cast %scan3A_641 : i32 to index
      %get3A_710 = arith.constant 64 : index
      %get3A_711 = tpu.vector_load %get3A_708[%get3A_709, %get3A_710] {strides = array<i32>} : memref<128x128xf32, #tpu.memory_space<vmem>>, vector<16xf32>,
      %get3A_712 = arith.constant 0 : i32
      %get3A_713 = arith.constant 0 : i32
      %get3A_714 = tpu.memref_slice %arg12[%scan3A_326, %get3A_712, %get3A_713] : memref<2x128x128xf32, #tpu.memory_space<vmem>> -> memref<1x128x128xf32, #tpu.memory_space<vmem>>
      %get3A_715 = tpu.memref_squeeze %get3A_714 : memref<1x128x128xf32, #tpu.memory_space<vmem>> -> memref<128x128xf32, #tpu.memory_space<vmem>>
      %get3A_716 = arith.index_cast %scan3A_641 : i32 to index
      %get3A_717 = arith.constant 64 : index
      %get3A_718 = tpu.vector_load %get3A_715[%get3A_716, %get3A_717] {strides = array<i32>} : memref<128x128xf32, #tpu.memory_space<vmem>>, vector<16xf32>,
      %mul3A_719 = arith.mulf %get3A_711, %get3A_718 : vector<16xf32>
      %add3A_720 = arith.addf %add3A_704, %mul3A_719 : vector<16xf32>
      %get3A_721 = arith.constant 0 : i32
      %get3A_722 = arith.constant 0 : i32
      %get3A_723 = tpu.memref_slice %arg11[%scan3A_325, %get3A_721, %get3A_722] : memref<2x128x128xf32, #tpu.memory_space<vmem>> -> memref<1x128x128xf32, #tpu.memory_space<vmem>>
      %get3A_724 = tpu.memref_squeeze %get3A_723 : memref<1x128x128xf32, #tpu.memory_space<vmem>> -> memref<128x128xf32, #tpu.memory_space<vmem>>
      %get3A_725 = arith.index_cast %scan3A_641 : i32 to index
      %get3A_726 = arith.constant 80 : index
      %get3A_727 = tpu.vector_load %get3A_724[%get3A_725, %get3A_726] {strides = array<i32>} : memref<128x128xf32, #tpu.memory_space<vmem>>, vector<16xf32>,
      %get3A_728 = arith.constant 0 : i32
      %get3A_729 = arith.constant 0 : i32
      %get3A_730 = tpu.memref_slice %arg12[%scan3A_326, %get3A_728, %get3A_729] : memref<2x128x128xf32, #tpu.memory_space<vmem>> -> memref<1x128x128xf32, #tpu.memory_space<vmem>>
      %get3A_731 = tpu.memref_squeeze %get3A_730 : memref<1x128x128xf32, #tpu.memory_space<vmem>> -> memref<128x128xf32, #tpu.memory_space<vmem>>
      %get3A_732 = arith.index_cast %scan3A_641 : i32 to index
      %get3A_733 = arith.constant 80 : index
      %get3A_734 = tpu.vector_load %get3A_731[%get3A_732, %get3A_733] {strides = array<i32>} : memref<128x128xf32, #tpu.memory_space<vmem>>, vector<16xf32>,
      %mul3A_735 = arith.mulf %get3A_727, %get3A_734 : vector<16xf32>
      %add3A_736 = arith.addf %add3A_720, %mul3A_735 : vector<16xf32>
      %get3A_737 = arith.constant 0 : i32
      %get3A_738 = arith.constant 0 : i32
      %get3A_739 = tpu.memref_slice %arg11[%scan3A_325, %get3A_737, %get3A_738] : memref<2x128x128xf32, #tpu.memory_space<vmem>> -> memref<1x128x128xf32, #tpu.memory_space<vmem>>
      %get3A_740 = tpu.memref_squeeze %get3A_739 : memref<1x128x128xf32, #tpu.memory_space<vmem>> -> memref<128x128xf32, #tpu.memory_space<vmem>>
      %get3A_741 = arith.index_cast %scan3A_641 : i32 to index
      %get3A_742 = arith.constant 96 : index
      %get3A_743 = tpu.vector_load %get3A_740[%get3A_741, %get3A_742] {strides = array<i32>} : memref<128x128xf32, #tpu.memory_space<vmem>>, vector<16xf32>,
      %get3A_744 = arith.constant 0 : i32
      %get3A_745 = arith.constant 0 : i32
      %get3A_746 = tpu.memref_slice %arg12[%scan3A_326, %get3A_744, %get3A_745] : memref<2x128x128xf32, #tpu.memory_space<vmem>> -> memref<1x128x128xf32, #tpu.memory_space<vmem>>
      %get3A_747 = tpu.memref_squeeze %get3A_746 : memref<1x128x128xf32, #tpu.memory_space<vmem>> -> memref<128x128xf32, #tpu.memory_space<vmem>>
      %get3A_748 = arith.index_cast %scan3A_641 : i32 to index
      %get3A_749 = arith.constant 96 : index
      %get3A_750 = tpu.vector_load %get3A_747[%get3A_748, %get3A_749] {strides = array<i32>} : memref<128x128xf32, #tpu.memory_space<vmem>>, vector<16xf32>,
      %mul3A_751 = arith.mulf %get3A_743, %get3A_750 : vector<16xf32>
      %add3A_752 = arith.addf %add3A_736, %mul3A_751 : vector<16xf32>
      %get3A_753 = arith.constant 0 : i32
      %get3A_754 = arith.constant 0 : i32
      %get3A_755 = tpu.memref_slice %arg11[%scan3A_325, %get3A_753, %get3A_754] : memref<2x128x128xf32, #tpu.memory_space<vmem>> -> memref<1x128x128xf32, #tpu.memory_space<vmem>>
      %get3A_756 = tpu.memref_squeeze %get3A_755 : memref<1x128x128xf32, #tpu.memory_space<vmem>> -> memref<128x128xf32, #tpu.memory_space<vmem>>
      %get3A_757 = arith.index_cast %scan3A_641 : i32 to index
      %get3A_758 = arith.constant 112 : index
      %get3A_759 = tpu.vector_load %get3A_756[%get3A_757, %get3A_758] {strides = array<i32>} : memref<128x128xf32, #tpu.memory_space<vmem>>, vector<16xf32>,
      %get3A_760 = arith.constant 0 : i32
      %get3A_761 = arith.constant 0 : i32
      %get3A_762 = tpu.memref_slice %arg12[%scan3A_326, %get3A_760, %get3A_761] : memref<2x128x128xf32, #tpu.memory_space<vmem>> -> memref<1x128x128xf32, #tpu.memory_space<vmem>>
      %get3A_763 = tpu.memref_squeeze %get3A_762 : memref<1x128x128xf32, #tpu.memory_space<vmem>> -> memref<128x128xf32, #tpu.memory_space<vmem>>
      %get3A_764 = arith.index_cast %scan3A_641 : i32 to index
      %get3A_765 = arith.constant 112 : index
      %get3A_766 = tpu.vector_load %get3A_763[%get3A_764, %get3A_765] {strides = array<i32>} : memref<128x128xf32, #tpu.memory_space<vmem>>, vector<16xf32>,
      %mul3A_767 = arith.mulf %get3A_759, %get3A_766 : vector<16xf32>
      %add3A_768 = arith.addf %add3A_752, %mul3A_767 : vector<16xf32>
      %swap3A_769 = arith.index_cast %scan3A_641 : i32 to index
      %swap3A_770 = arith.constant 0 : index
      %swap3A_771 = tpu.vector_load %arg16[%swap3A_769, %swap3A_770] {strides = array<i32>} : memref<128x17xf32, #tpu.memory_space<vmem>>, vector<16xf32>,
      tpu.vector_store %arg16[%swap3A_769, %swap3A_770], %add3A_768 {strides = array<i32>} : memref<128x17xf32, #tpu.memory_space<vmem>>, vector<16xf32>,
      %scan3A_772 = arith.constant 3 : i32
      %scan3A_773 = arith.addi %scan3A_379, %scan3A_772 : i32
      %get3A_774 = arith.constant 0 : i32
      %get3A_775 = arith.constant 0 : i32
      %get3A_776 = tpu.memref_slice %arg11[%scan3A_325, %get3A_774, %get3A_775] : memref<2x128x128xf32, #tpu.memory_space<vmem>> -> memref<1x128x128xf32, #tpu.memory_space<vmem>>
      %get3A_777 = tpu.memref_squeeze %get3A_776 : memref<1x128x128xf32, #tpu.memory_space<vmem>> -> memref<128x128xf32, #tpu.memory_space<vmem>>
      %get3A_778 = arith.index_cast %scan3A_773 : i32 to index
      %get3A_779 = arith.constant 0 : index
      %get3A_780 = tpu.vector_load %get3A_777[%get3A_778, %get3A_779] {strides = array<i32>} : memref<128x128xf32, #tpu.memory_space<vmem>>, vector<16xf32>,
      %get3A_781 = arith.constant 0 : i32
      %get3A_782 = arith.constant 0 : i32
      %get3A_783 = tpu.memref_slice %arg12[%scan3A_326, %get3A_781, %get3A_782] : memref<2x128x128xf32, #tpu.memory_space<vmem>> -> memref<1x128x128xf32, #tpu.memory_space<vmem>>
      %get3A_784 = tpu.memref_squeeze %get3A_783 : memref<1x128x128xf32, #tpu.memory_space<vmem>> -> memref<128x128xf32, #tpu.memory_space<vmem>>
      %get3A_785 = arith.index_cast %scan3A_773 : i32 to index
      %get3A_786 = arith.constant 0 : index
      %get3A_787 = tpu.vector_load %get3A_784[%get3A_785, %get3A_786] {strides = array<i32>} : memref<128x128xf32, #tpu.memory_space<vmem>>, vector<16xf32>,
      %mul3A_788 = arith.mulf %get3A_780, %get3A_787 : vector<16xf32>
      %get3A_789 = arith.constant 0 : i32
      %get3A_790 = arith.constant 0 : i32
      %get3A_791 = tpu.memref_slice %arg11[%scan3A_325, %get3A_789, %get3A_790] : memref<2x128x128xf32, #tpu.memory_space<vmem>> -> memref<1x128x128xf32, #tpu.memory_space<vmem>>
      %get3A_792 = tpu.memref_squeeze %get3A_791 : memref<1x128x128xf32, #tpu.memory_space<vmem>> -> memref<128x128xf32, #tpu.memory_space<vmem>>
      %get3A_793 = arith.index_cast %scan3A_773 : i32 to index
      %get3A_794 = arith.constant 16 : index
      %get3A_795 = tpu.vector_load %get3A_792[%get3A_793, %get3A_794] {strides = array<i32>} : memref<128x128xf32, #tpu.memory_space<vmem>>, vector<16xf32>,
      %get3A_796 = arith.constant 0 : i32
      %get3A_797 = arith.constant 0 : i32
      %get3A_798 = tpu.memref_slice %arg12[%scan3A_326, %get3A_796, %get3A_797] : memref<2x128x128xf32, #tpu.memory_space<vmem>> -> memref<1x128x128xf32, #tpu.memory_space<vmem>>
      %get3A_799 = tpu.memref_squeeze %get3A_798 : memref<1x128x128xf32, #tpu.memory_space<vmem>> -> memref<128x128xf32, #tpu.memory_space<vmem>>
      %get3A_800 = arith.index_cast %scan3A_773 : i32 to index
      %get3A_801 = arith.constant 16 : index
      %get3A_802 = tpu.vector_load %get3A_799[%get3A_800, %get3A_801] {strides = array<i32>} : memref<128x128xf32, #tpu.memory_space<vmem>>, vector<16xf32>,
      %mul3A_803 = arith.mulf %get3A_795, %get3A_802 : vector<16xf32>
      %add3A_804 = arith.addf %mul3A_788, %mul3A_803 : vector<16xf32>
      %get3A_805 = arith.constant 0 : i32
      %get3A_806 = arith.constant 0 : i32
      %get3A_807 = tpu.memref_slice %arg11[%scan3A_325, %get3A_805, %get3A_806] : memref<2x128x128xf32, #tpu.memory_space<vmem>> -> memref<1x128x128xf32, #tpu.memory_space<vmem>>
      %get3A_808 = tpu.memref_squeeze %get3A_807 : memref<1x128x128xf32, #tpu.memory_space<vmem>> -> memref<128x128xf32, #tpu.memory_space<vmem>>
      %get3A_809 = arith.index_cast %scan3A_773 : i32 to index
      %get3A_810 = arith.constant 32 : index
      %get3A_811 = tpu.vector_load %get3A_808[%get3A_809, %get3A_810] {strides = array<i32>} : memref<128x128xf32, #tpu.memory_space<vmem>>, vector<16xf32>,
      %get3A_812 = arith.constant 0 : i32
      %get3A_813 = arith.constant 0 : i32
      %get3A_814 = tpu.memref_slice %arg12[%scan3A_326, %get3A_812, %get3A_813] : memref<2x128x128xf32, #tpu.memory_space<vmem>> -> memref<1x128x128xf32, #tpu.memory_space<vmem>>
      %get3A_815 = tpu.memref_squeeze %get3A_814 : memref<1x128x128xf32, #tpu.memory_space<vmem>> -> memref<128x128xf32, #tpu.memory_space<vmem>>
      %get3A_816 = arith.index_cast %scan3A_773 : i32 to index
      %get3A_817 = arith.constant 32 : index
      %get3A_818 = tpu.vector_load %get3A_815[%get3A_816, %get3A_817] {strides = array<i32>} : memref<128x128xf32, #tpu.memory_space<vmem>>, vector<16xf32>,
      %mul3A_819 = arith.mulf %get3A_811, %get3A_818 : vector<16xf32>
      %add3A_820 = arith.addf %add3A_804, %mul3A_819 : vector<16xf32>
      %get3A_821 = arith.constant 0 : i32
      %get3A_822 = arith.constant 0 : i32
      %get3A_823 = tpu.memref_slice %arg11[%scan3A_325, %get3A_821, %get3A_822] : memref<2x128x128xf32, #tpu.memory_space<vmem>> -> memref<1x128x128xf32, #tpu.memory_space<vmem>>
      %get3A_824 = tpu.memref_squeeze %get3A_823 : memref<1x128x128xf32, #tpu.memory_space<vmem>> -> memref<128x128xf32, #tpu.memory_space<vmem>>
      %get3A_825 = arith.index_cast %scan3A_773 : i32 to index
      %get3A_826 = arith.constant 48 : index
      %get3A_827 = tpu.vector_load %get3A_824[%get3A_825, %get3A_826] {strides = array<i32>} : memref<128x128xf32, #tpu.memory_space<vmem>>, vector<16xf32>,
      %get3A_828 = arith.constant 0 : i32
      %get3A_829 = arith.constant 0 : i32
      %get3A_830 = tpu.memref_slice %arg12[%scan3A_326, %get3A_828, %get3A_829] : memref<2x128x128xf32, #tpu.memory_space<vmem>> -> memref<1x128x128xf32, #tpu.memory_space<vmem>>
      %get3A_831 = tpu.memref_squeeze %get3A_830 : memref<1x128x128xf32, #tpu.memory_space<vmem>> -> memref<128x128xf32, #tpu.memory_space<vmem>>
      %get3A_832 = arith.index_cast %scan3A_773 : i32 to index
      %get3A_833 = arith.constant 48 : index
      %get3A_834 = tpu.vector_load %get3A_831[%get3A_832, %get3A_833] {strides = array<i32>} : memref<128x128xf32, #tpu.memory_space<vmem>>, vector<16xf32>,
      %mul3A_835 = arith.mulf %get3A_827, %get3A_834 : vector<16xf32>
      %add3A_836 = arith.addf %add3A_820, %mul3A_835 : vector<16xf32>
      %get3A_837 = arith.constant 0 : i32
      %get3A_838 = arith.constant 0 : i32
      %get3A_839 = tpu.memref_slice %arg11[%scan3A_325, %get3A_837, %get3A_838] : memref<2x128x128xf32, #tpu.memory_space<vmem>> -> memref<1x128x128xf32, #tpu.memory_space<vmem>>
      %get3A_840 = tpu.memref_squeeze %get3A_839 : memref<1x128x128xf32, #tpu.memory_space<vmem>> -> memref<128x128xf32, #tpu.memory_space<vmem>>
      %get3A_841 = arith.index_cast %scan3A_773 : i32 to index
      %get3A_842 = arith.constant 64 : index
      %get3A_843 = tpu.vector_load %get3A_840[%get3A_841, %get3A_842] {strides = array<i32>} : memref<128x128xf32, #tpu.memory_space<vmem>>, vector<16xf32>,
      %get3A_844 = arith.constant 0 : i32
      %get3A_845 = arith.constant 0 : i32
      %get3A_846 = tpu.memref_slice %arg12[%scan3A_326, %get3A_844, %get3A_845] : memref<2x128x128xf32, #tpu.memory_space<vmem>> -> memref<1x128x128xf32, #tpu.memory_space<vmem>>
      %get3A_847 = tpu.memref_squeeze %get3A_846 : memref<1x128x128xf32, #tpu.memory_space<vmem>> -> memref<128x128xf32, #tpu.memory_space<vmem>>
      %get3A_848 = arith.index_cast %scan3A_773 : i32 to index
      %get3A_849 = arith.constant 64 : index
      %get3A_850 = tpu.vector_load %get3A_847[%get3A_848, %get3A_849] {strides = array<i32>} : memref<128x128xf32, #tpu.memory_space<vmem>>, vector<16xf32>,
      %mul3A_851 = arith.mulf %get3A_843, %get3A_850 : vector<16xf32>
      %add3A_852 = arith.addf %add3A_836, %mul3A_851 : vector<16xf32>
      %get3A_853 = arith.constant 0 : i32
      %get3A_854 = arith.constant 0 : i32
      %get3A_855 = tpu.memref_slice %arg11[%scan3A_325, %get3A_853, %get3A_854] : memref<2x128x128xf32, #tpu.memory_space<vmem>> -> memref<1x128x128xf32, #tpu.memory_space<vmem>>
      %get3A_856 = tpu.memref_squeeze %get3A_855 : memref<1x128x128xf32, #tpu.memory_space<vmem>> -> memref<128x128xf32, #tpu.memory_space<vmem>>
      %get3A_857 = arith.index_cast %scan3A_773 : i32 to index
      %get3A_858 = arith.constant 80 : index
      %get3A_859 = tpu.vector_load %get3A_856[%get3A_857, %get3A_858] {strides = array<i32>} : memref<128x128xf32, #tpu.memory_space<vmem>>, vector<16xf32>,
      %get3A_860 = arith.constant 0 : i32
      %get3A_861 = arith.constant 0 : i32
      %get3A_862 = tpu.memref_slice %arg12[%scan3A_326, %get3A_860, %get3A_861] : memref<2x128x128xf32, #tpu.memory_space<vmem>> -> memref<1x128x128xf32, #tpu.memory_space<vmem>>
      %get3A_863 = tpu.memref_squeeze %get3A_862 : memref<1x128x128xf32, #tpu.memory_space<vmem>> -> memref<128x128xf32, #tpu.memory_space<vmem>>
      %get3A_864 = arith.index_cast %scan3A_773 : i32 to index
      %get3A_865 = arith.constant 80 : index
      %get3A_866 = tpu.vector_load %get3A_863[%get3A_864, %get3A_865] {strides = array<i32>} : memref<128x128xf32, #tpu.memory_space<vmem>>, vector<16xf32>,
      %mul3A_867 = arith.mulf %get3A_859, %get3A_866 : vector<16xf32>
      %add3A_868 = arith.addf %add3A_852, %mul3A_867 : vector<16xf32>
      %get3A_869 = arith.constant 0 : i32
      %get3A_870 = arith.constant 0 : i32
      %get3A_871 = tpu.memref_slice %arg11[%scan3A_325, %get3A_869, %get3A_870] : memref<2x128x128xf32, #tpu.memory_space<vmem>> -> memref<1x128x128xf32, #tpu.memory_space<vmem>>
      %get3A_872 = tpu.memref_squeeze %get3A_871 : memref<1x128x128xf32, #tpu.memory_space<vmem>> -> memref<128x128xf32, #tpu.memory_space<vmem>>
      %get3A_873 = arith.index_cast %scan3A_773 : i32 to index
      %get3A_874 = arith.constant 96 : index
      %get3A_875 = tpu.vector_load %get3A_872[%get3A_873, %get3A_874] {strides = array<i32>} : memref<128x128xf32, #tpu.memory_space<vmem>>, vector<16xf32>,
      %get3A_876 = arith.constant 0 : i32
      %get3A_877 = arith.constant 0 : i32
      %get3A_878 = tpu.memref_slice %arg12[%scan3A_326, %get3A_876, %get3A_877] : memref<2x128x128xf32, #tpu.memory_space<vmem>> -> memref<1x128x128xf32, #tpu.memory_space<vmem>>
      %get3A_879 = tpu.memref_squeeze %get3A_878 : memref<1x128x128xf32, #tpu.memory_space<vmem>> -> memref<128x128xf32, #tpu.memory_space<vmem>>
      %get3A_880 = arith.index_cast %scan3A_773 : i32 to index
      %get3A_881 = arith.constant 96 : index
      %get3A_882 = tpu.vector_load %get3A_879[%get3A_880, %get3A_881] {strides = array<i32>} : memref<128x128xf32, #tpu.memory_space<vmem>>, vector<16xf32>,
      %mul3A_883 = arith.mulf %get3A_875, %get3A_882 : vector<16xf32>
      %add3A_884 = arith.addf %add3A_868, %mul3A_883 : vector<16xf32>
      %get3A_885 = arith.constant 0 : i32
      %get3A_886 = arith.constant 0 : i32
      %get3A_887 = tpu.memref_slice %arg11[%scan3A_325, %get3A_885, %get3A_886] : memref<2x128x128xf32, #tpu.memory_space<vmem>> -> memref<1x128x128xf32, #tpu.memory_space<vmem>>
      %get3A_888 = tpu.memref_squeeze %get3A_887 : memref<1x128x128xf32, #tpu.memory_space<vmem>> -> memref<128x128xf32, #tpu.memory_space<vmem>>
      %get3A_889 = arith.index_cast %scan3A_773 : i32 to index
      %get3A_890 = arith.constant 112 : index
      %get3A_891 = tpu.vector_load %get3A_888[%get3A_889, %get3A_890] {strides = array<i32>} : memref<128x128xf32, #tpu.memory_space<vmem>>, vector<16xf32>,
      %get3A_892 = arith.constant 0 : i32
      %get3A_893 = arith.constant 0 : i32
      %get3A_894 = tpu.memref_slice %arg12[%scan3A_326, %get3A_892, %get3A_893] : memref<2x128x128xf32, #tpu.memory_space<vmem>> -> memref<1x128x128xf32, #tpu.memory_space<vmem>>
      %get3A_895 = tpu.memref_squeeze %get3A_894 : memref<1x128x128xf32, #tpu.memory_space<vmem>> -> memref<128x128xf32, #tpu.memory_space<vmem>>
      %get3A_896 = arith.index_cast %scan3A_773 : i32 to index
      %get3A_897 = arith.constant 112 : index
      %get3A_898 = tpu.vector_load %get3A_895[%get3A_896, %get3A_897] {strides = array<i32>} : memref<128x128xf32, #tpu.memory_space<vmem>>, vector<16xf32>,
      %mul3A_899 = arith.mulf %get3A_891, %get3A_898 : vector<16xf32>
      %add3A_900 = arith.addf %add3A_884, %mul3A_899 : vector<16xf32>
      %swap3A_901 = arith.index_cast %scan3A_773 : i32 to index
      %swap3A_902 = arith.constant 0 : index
      %swap3A_903 = tpu.vector_load %arg16[%swap3A_901, %swap3A_902] {strides = array<i32>} : memref<128x17xf32, #tpu.memory_space<vmem>>, vector<16xf32>,
      tpu.vector_store %arg16[%swap3A_901, %swap3A_902], %add3A_900 {strides = array<i32>} : memref<128x17xf32, #tpu.memory_space<vmem>>, vector<16xf32>,
    }
    %scan3A_331 = arith.constant 128 : i32
    %scan3A_332 = arith.constant 0 : i32
    %scan3A_333 = arith.constant 0 : i32
    %scan3A_334 = arith.constant 8 : i32
    %scan3A_335 = arith.addi %scan3A_333, %scan3A_334 : i32
    %scan3A_336 = arith.constant 1 : i32
    scf.for %scan3A_379 = %scan3A_333 to %scan3A_335 step %scan3A_336  : i32 {
      %mul3A_380 = arith.constant 16 : i32
      %mul3A_381 = arith.muli %scan3A_379, %mul3A_380 : i32
      %add3A_382 = vector.broadcast %mul3A_381 : i32 to vector<16xi32>
      %add3A_383 = arith.addi %add3A_382, %iota3A_323 : vector<16xi32>
      %broadcast_in_dim3A = arith.constant 0 : i32
      %broadcast_in_dim3A_384 = vector.broadcast %broadcast_in_dim3A : i32 to vector<16xi32>
      %gather3A = tpu.vector_load_idx %arg16[%add3A_383, %broadcast_in_dim3A_384] : memref<128x17xf32, #tpu.memory_space<vmem>>[vector<16xi32>, vector<16xi32>], vector<16xf32>,
      %broadcast_in_dim3A_385 = arith.constant 1 : i32
      %broadcast_in_dim3A_386 = vector.broadcast %broadcast_in_dim3A_385 : i32 to vector<16xi32>
      %gather3A_387 = tpu.vector_load_idx %arg16[%add3A_383, %broadcast_in_dim3A_386] : memref<128x17xf32, #tpu.memory_space<vmem>>[vector<16xi32>, vector<16xi32>], vector<16xf32>,
      %add3A_388 = arith.addf %gather3A, %gather3A_387 : vector<16xf32>
      %broadcast_in_dim3A_389 = arith.constant 2 : i32
      %broadcast_in_dim3A_390 = vector.broadcast %broadcast_in_dim3A_389 : i32 to vector<16xi32>
      %gather3A_391 = tpu.vector_load_idx %arg16[%add3A_383, %broadcast_in_dim3A_390] : memref<128x17xf32, #tpu.memory_space<vmem>>[vector<16xi32>, vector<16xi32>], vector<16xf32>,
      %add3A_392 = arith.addf %add3A_388, %gather3A_391 : vector<16xf32>
      %broadcast_in_dim3A_393 = arith.constant 3 : i32
      %broadcast_in_dim3A_394 = vector.broadcast %broadcast_in_dim3A_393 : i32 to vector<16xi32>
      %gather3A_395 = tpu.vector_load_idx %arg16[%add3A_383, %broadcast_in_dim3A_394] : memref<128x17xf32, #tpu.memory_space<vmem>>[vector<16xi32>, vector<16xi32>], vector<16xf32>,
      %add3A_396 = arith.addf %add3A_392, %gather3A_395 : vector<16xf32>
      %broadcast_in_dim3A_397 = arith.constant 4 : i32
      %broadcast_in_dim3A_398 = vector.broadcast %broadcast_in_dim3A_397 : i32 to vector<16xi32>
      %gather3A_399 = tpu.vector_load_idx %arg16[%add3A_383, %broadcast_in_dim3A_398] : memref<128x17xf32, #tpu.memory_space<vmem>>[vector<16xi32>, vector<16xi32>], vector<16xf32>,
      %add3A_400 = arith.addf %add3A_396, %gather3A_399 : vector<16xf32>
      %broadcast_in_dim3A_401 = arith.constant 5 : i32
      %broadcast_in_dim3A_402 = vector.broadcast %broadcast_in_dim3A_401 : i32 to vector<16xi32>
      %gather3A_403 = tpu.vector_load_idx %arg16[%add3A_383, %broadcast_in_dim3A_402] : memref<128x17xf32, #tpu.memory_space<vmem>>[vector<16xi32>, vector<16xi32>], vector<16xf32>,
      %add3A_404 = arith.addf %add3A_400, %gather3A_403 : vector<16xf32>
      %broadcast_in_dim3A_405 = arith.constant 6 : i32
      %broadcast_in_dim3A_406 = vector.broadcast %broadcast_in_dim3A_405 : i32 to vector<16xi32>
      %gather3A_407 = tpu.vector_load_idx %arg16[%add3A_383, %broadcast_in_dim3A_406] : memref<128x17xf32, #tpu.memory_space<vmem>>[vector<16xi32>, vector<16xi32>], vector<16xf32>,
      %add3A_408 = arith.addf %add3A_404, %gather3A_407 : vector<16xf32>
      %broadcast_in_dim3A_409 = arith.constant 7 : i32
      %broadcast_in_dim3A_410 = vector.broadcast %broadcast_in_dim3A_409 : i32 to vector<16xi32>
      %gather3A_411 = tpu.vector_load_idx %arg16[%add3A_383, %broadcast_in_dim3A_410] : memref<128x17xf32, #tpu.memory_space<vmem>>[vector<16xi32>, vector<16xi32>], vector<16xf32>,
      %add3A_412 = arith.addf %add3A_408, %gather3A_411 : vector<16xf32>
      %broadcast_in_dim3A_413 = arith.constant 8 : i32
      %broadcast_in_dim3A_414 = vector.broadcast %broadcast_in_dim3A_413 : i32 to vector<16xi32>
      %gather3A_415 = tpu.vector_load_idx %arg16[%add3A_383, %broadcast_in_dim3A_414] : memref<128x17xf32, #tpu.memory_space<vmem>>[vector<16xi32>, vector<16xi32>], vector<16xf32>,
      %add3A_416 = arith.addf %add3A_412, %gather3A_415 : vector<16xf32>
      %broadcast_in_dim3A_417 = arith.constant 9 : i32
      %broadcast_in_dim3A_418 = vector.broadcast %broadcast_in_dim3A_417 : i32 to vector<16xi32>
      %gather3A_419 = tpu.vector_load_idx %arg16[%add3A_383, %broadcast_in_dim3A_418] : memref<128x17xf32, #tpu.memory_space<vmem>>[vector<16xi32>, vector<16xi32>], vector<16xf32>,
      %add3A_420 = arith.addf %add3A_416, %gather3A_419 : vector<16xf32>
      %broadcast_in_dim3A_421 = arith.constant 10 : i32
      %broadcast_in_dim3A_422 = vector.broadcast %broadcast_in_dim3A_421 : i32 to vector<16xi32>
      %gather3A_423 = tpu.vector_load_idx %arg16[%add3A_383, %broadcast_in_dim3A_422] : memref<128x17xf32, #tpu.memory_space<vmem>>[vector<16xi32>, vector<16xi32>], vector<16xf32>,
      %add3A_424 = arith.addf %add3A_420, %gather3A_423 : vector<16xf32>
      %broadcast_in_dim3A_425 = arith.constant 11 : i32
      %broadcast_in_dim3A_426 = vector.broadcast %broadcast_in_dim3A_425 : i32 to vector<16xi32>
      %gather3A_427 = tpu.vector_load_idx %arg16[%add3A_383, %broadcast_in_dim3A_426] : memref<128x17xf32, #tpu.memory_space<vmem>>[vector<16xi32>, vector<16xi32>], vector<16xf32>,
      %add3A_428 = arith.addf %add3A_424, %gather3A_427 : vector<16xf32>
      %broadcast_in_dim3A_429 = arith.constant 12 : i32
      %broadcast_in_dim3A_430 = vector.broadcast %broadcast_in_dim3A_429 : i32 to vector<16xi32>
      %gather3A_431 = tpu.vector_load_idx %arg16[%add3A_383, %broadcast_in_dim3A_430] : memref<128x17xf32, #tpu.memory_space<vmem>>[vector<16xi32>, vector<16xi32>], vector<16xf32>,
      %add3A_432 = arith.addf %add3A_428, %gather3A_431 : vector<16xf32>
      %broadcast_in_dim3A_433 = arith.constant 13 : i32
      %broadcast_in_dim3A_434 = vector.broadcast %broadcast_in_dim3A_433 : i32 to vector<16xi32>
      %gather3A_435 = tpu.vector_load_idx %arg16[%add3A_383, %broadcast_in_dim3A_434] : memref<128x17xf32, #tpu.memory_space<vmem>>[vector<16xi32>, vector<16xi32>], vector<16xf32>,
      %add3A_436 = arith.addf %add3A_432, %gather3A_435 : vector<16xf32>
      %broadcast_in_dim3A_437 = arith.constant 14 : i32
      %broadcast_in_dim3A_438 = vector.broadcast %broadcast_in_dim3A_437 : i32 to vector<16xi32>
      %gather3A_439 = tpu.vector_load_idx %arg16[%add3A_383, %broadcast_in_dim3A_438] : memref<128x17xf32, #tpu.memory_space<vmem>>[vector<16xi32>, vector<16xi32>], vector<16xf32>,
      %add3A_440 = arith.addf %add3A_436, %gather3A_439 : vector<16xf32>
      %broadcast_in_dim3A_441 = arith.constant 15 : i32
      %broadcast_in_dim3A_442 = vector.broadcast %broadcast_in_dim3A_441 : i32 to vector<16xi32>
      %gather3A_443 = tpu.vector_load_idx %arg16[%add3A_383, %broadcast_in_dim3A_442] : memref<128x17xf32, #tpu.memory_space<vmem>>[vector<16xi32>, vector<16xi32>], vector<16xf32>,
      %add3A_444 = arith.addf %add3A_440, %gather3A_443 : vector<16xf32>
      %mul3A_445 = arith.constant 16 : i32
      %mul3A_446 = arith.muli %scan3A_379, %mul3A_445 : i32
      %add3A_447 = arith.constant 256 : i32
      %add3A_448 = arith.addi %add3A_447, %mul3A_446 : i32
      %get3A = arith.index_cast %add3A_448 : i32 to index
      %get3A_449 = tpu.vector_load %arg13[%get3A] {strides = array<i32>} : memref<512xf32, #tpu.memory_space<vmem>>, vector<16xf32>,
      %add3A_450 = arith.addf %add3A_444, %get3A_449 : vector<16xf32>
      %get3A_451 = arith.index_cast %add3A_448 : i32 to index
      %get3A_452 = tpu.vector_load %arg14[%get3A_451] {strides = array<i32>} : memref<512xf32, #tpu.memory_space<vmem>>, vector<16xf32>,
      %add3A_453 = arith.addf %add3A_450, %get3A_452 : vector<16xf32>
      %swap3A = arith.index_cast %add3A_448 : i32 to index
      %swap3A_454 = tpu.vector_load %arg15[%swap3A] {strides = array<i32>} : memref<512xf32, #tpu.memory_space<vmem>>, vector<16xf32>,
      tpu.vector_store %arg15[%swap3A], %add3A_453 {strides = array<i32>} : memref<512xf32, #tpu.memory_space<vmem>>, vector<16xf32>,
    }
    %scan3A_337 = arith.constant 8 : i32
    %dma_wait3A_338 = arith.constant 3 : i32
    %dma_wait3A_339 = arith.constant 1 : i32
    %dma_wait3A_340 = arith.constant 0 : i32
    %dma_wait3A_341 = arith.constant 0 : i32
    %dma_wait3A_342 = tpu.memref_slice %arg11[%dma_wait3A_339, %dma_wait3A_340, %dma_wait3A_341] : memref<2x128x128xf32, #tpu.memory_space<vmem>> -> memref<1x128x128xf32, #tpu.memory_space<vmem>>
    %dma_wait3A_343 = tpu.memref_squeeze %dma_wait3A_342 : memref<1x128x128xf32, #tpu.memory_space<vmem>> -> memref<128x128xf32, #tpu.memory_space<vmem>>
    %dma_wait3A_344 = arith.constant 0 : i32
    %dma_wait3A_345 = tpu.memref_slice %arg9[%dma_wait3A_338, %dma_wait3A_344] : memref<4x128xi32, #tpu.memory_space<vmem>> -> memref<1x128xi32, #tpu.memory_space<vmem>>
    %dma_wait3A_346 = tpu.memref_squeeze %dma_wait3A_345 : memref<1x128xi32, #tpu.memory_space<vmem>> -> memref<128xi32, #tpu.memory_space<vmem>>
    %dma_wait3A_347 = arith.constant 0 : i32
    %dma_wait3A_348 = arith.constant 0 : i32
    %dma_wait3A_349 = tpu.memref_slice %arg4[%dma_wait3A_347, %dma_wait3A_348] : memref<100000x128xf32, #tpu.memory_space<hbm>> -> memref<100000x128xf32, #tpu.memory_space<hbm>>
    tpu.wait_indirect_dma semaphore(%arg18 : memref<!tpu.dma_semaphore, #tpu.memory_space<semaphore_mem>>) src(%dma_wait3A_349 : memref<100000x128xf32, #tpu.memory_space<hbm>>) dst(%dma_wait3A_343 : memref<128x128xf32, #tpu.memory_space<vmem>>)
    %dma_wait3A_350 = arith.constant 3 : i32
    %dma_wait3A_351 = arith.constant 1 : i32
    %dma_wait3A_352 = arith.constant 0 : i32
    %dma_wait3A_353 = arith.constant 0 : i32
    %dma_wait3A_354 = tpu.memref_slice %arg12[%dma_wait3A_351, %dma_wait3A_352, %dma_wait3A_353] : memref<2x128x128xf32, #tpu.memory_space<vmem>> -> memref<1x128x128xf32, #tpu.memory_space<vmem>>
    %dma_wait3A_355 = tpu.memref_squeeze %dma_wait3A_354 : memref<1x128x128xf32, #tpu.memory_space<vmem>> -> memref<128x128xf32, #tpu.memory_space<vmem>>
    %dma_wait3A_356 = arith.constant 0 : i32
    %dma_wait3A_357 = tpu.memref_slice %arg10[%dma_wait3A_350, %dma_wait3A_356] : memref<4x128xi32, #tpu.memory_space<vmem>> -> memref<1x128xi32, #tpu.memory_space<vmem>>
    %dma_wait3A_358 = tpu.memref_squeeze %dma_wait3A_357 : memref<1x128xi32, #tpu.memory_space<vmem>> -> memref<128xi32, #tpu.memory_space<vmem>>
    %dma_wait3A_359 = arith.constant 0 : i32
    %dma_wait3A_360 = arith.constant 0 : i32
    %dma_wait3A_361 = tpu.memref_slice %arg5[%dma_wait3A_359, %dma_wait3A_360] : memref<100000x128xf32, #tpu.memory_space<hbm>> -> memref<100000x128xf32, #tpu.memory_space<hbm>>
    tpu.wait_indirect_dma semaphore(%arg20 : memref<!tpu.dma_semaphore, #tpu.memory_space<semaphore_mem>>) src(%dma_wait3A_361 : memref<100000x128xf32, #tpu.memory_space<hbm>>) dst(%dma_wait3A_355 : memref<128x128xf32, #tpu.memory_space<vmem>>)
    %iota3A_362 = tpu.iota {dimensions = array<i32: 0>} : vector<16xi32>
    %scan3A_363 = arith.constant 0 : i32
    %scan3A_364 = arith.constant 1 : i32
    %scan3A_365 = arith.constant 1 : i32
    %scan3A_366 = arith.constant 0 : i32
    %scan3A_367 = arith.constant 128 : i32
    %scan3A_368 = arith.addi %scan3A_366, %scan3A_367 : i32
    %scan3A_369 = arith.constant 4 : i32
    scf.for %scan3A_379 = %scan3A_366 to %scan3A_368 step %scan3A_369  : i32 {
      %get3A = arith.constant 0 : i32
      %get3A_380 = arith.constant 0 : i32
      %get3A_381 = tpu.memref_slice %arg11[%scan3A_364, %get3A, %get3A_380] : memref<2x128x128xf32, #tpu.memory_space<vmem>> -> memref<1x128x128xf32, #tpu.memory_space<vmem>>
      %get3A_382 = tpu.memref_squeeze %get3A_381 : memref<1x128x128xf32, #tpu.memory_space<vmem>> -> memref<128x128xf32, #tpu.memory_space<vmem>>
      %get3A_383 = arith.index_cast %scan3A_379 : i32 to index
      %get3A_384 = arith.constant 0 : index
      %get3A_385 = tpu.vector_load %get3A_382[%get3A_383, %get3A_384] {strides = array<i32>} : memref<128x128xf32, #tpu.memory_space<vmem>>, vector<16xf32>,
      %get3A_386 = arith.constant 0 : i32
      %get3A_387 = arith.constant 0 : i32
      %get3A_388 = tpu.memref_slice %arg12[%scan3A_365, %get3A_386, %get3A_387] : memref<2x128x128xf32, #tpu.memory_space<vmem>> -> memref<1x128x128xf32, #tpu.memory_space<vmem>>
      %get3A_389 = tpu.memref_squeeze %get3A_388 : memref<1x128x128xf32, #tpu.memory_space<vmem>> -> memref<128x128xf32, #tpu.memory_space<vmem>>
      %get3A_390 = arith.index_cast %scan3A_379 : i32 to index
      %get3A_391 = arith.constant 0 : index
      %get3A_392 = tpu.vector_load %get3A_389[%get3A_390, %get3A_391] {strides = array<i32>} : memref<128x128xf32, #tpu.memory_space<vmem>>, vector<16xf32>,
      %mul3A_393 = arith.mulf %get3A_385, %get3A_392 : vector<16xf32>
      %get3A_394 = arith.constant 0 : i32
      %get3A_395 = arith.constant 0 : i32
      %get3A_396 = tpu.memref_slice %arg11[%scan3A_364, %get3A_394, %get3A_395] : memref<2x128x128xf32, #tpu.memory_space<vmem>> -> memref<1x128x128xf32, #tpu.memory_space<vmem>>
      %get3A_397 = tpu.memref_squeeze %get3A_396 : memref<1x128x128xf32, #tpu.memory_space<vmem>> -> memref<128x128xf32, #tpu.memory_space<vmem>>
      %get3A_398 = arith.index_cast %scan3A_379 : i32 to index
      %get3A_399 = arith.constant 16 : index
      %get3A_400 = tpu.vector_load %get3A_397[%get3A_398, %get3A_399] {strides = array<i32>} : memref<128x128xf32, #tpu.memory_space<vmem>>, vector<16xf32>,
      %get3A_401 = arith.constant 0 : i32
      %get3A_402 = arith.constant 0 : i32
      %get3A_403 = tpu.memref_slice %arg12[%scan3A_365, %get3A_401, %get3A_402] : memref<2x128x128xf32, #tpu.memory_space<vmem>> -> memref<1x128x128xf32, #tpu.memory_space<vmem>>
      %get3A_404 = tpu.memref_squeeze %get3A_403 : memref<1x128x128xf32, #tpu.memory_space<vmem>> -> memref<128x128xf32, #tpu.memory_space<vmem>>
      %get3A_405 = arith.index_cast %scan3A_379 : i32 to index
      %get3A_406 = arith.constant 16 : index
      %get3A_407 = tpu.vector_load %get3A_404[%get3A_405, %get3A_406] {strides = array<i32>} : memref<128x128xf32, #tpu.memory_space<vmem>>, vector<16xf32>,
      %mul3A_408 = arith.mulf %get3A_400, %get3A_407 : vector<16xf32>
      %add3A_409 = arith.addf %mul3A_393, %mul3A_408 : vector<16xf32>
      %get3A_410 = arith.constant 0 : i32
      %get3A_411 = arith.constant 0 : i32
      %get3A_412 = tpu.memref_slice %arg11[%scan3A_364, %get3A_410, %get3A_411] : memref<2x128x128xf32, #tpu.memory_space<vmem>> -> memref<1x128x128xf32, #tpu.memory_space<vmem>>
      %get3A_413 = tpu.memref_squeeze %get3A_412 : memref<1x128x128xf32, #tpu.memory_space<vmem>> -> memref<128x128xf32, #tpu.memory_space<vmem>>
      %get3A_414 = arith.index_cast %scan3A_379 : i32 to index
      %get3A_415 = arith.constant 32 : index
      %get3A_416 = tpu.vector_load %get3A_413[%get3A_414, %get3A_415] {strides = array<i32>} : memref<128x128xf32, #tpu.memory_space<vmem>>, vector<16xf32>,
      %get3A_417 = arith.constant 0 : i32
      %get3A_418 = arith.constant 0 : i32
      %get3A_419 = tpu.memref_slice %arg12[%scan3A_365, %get3A_417, %get3A_418] : memref<2x128x128xf32, #tpu.memory_space<vmem>> -> memref<1x128x128xf32, #tpu.memory_space<vmem>>
      %get3A_420 = tpu.memref_squeeze %get3A_419 : memref<1x128x128xf32, #tpu.memory_space<vmem>> -> memref<128x128xf32, #tpu.memory_space<vmem>>
      %get3A_421 = arith.index_cast %scan3A_379 : i32 to index
      %get3A_422 = arith.constant 32 : index
      %get3A_423 = tpu.vector_load %get3A_420[%get3A_421, %get3A_422] {strides = array<i32>} : memref<128x128xf32, #tpu.memory_space<vmem>>, vector<16xf32>,
      %mul3A_424 = arith.mulf %get3A_416, %get3A_423 : vector<16xf32>
      %add3A_425 = arith.addf %add3A_409, %mul3A_424 : vector<16xf32>
      %get3A_426 = arith.constant 0 : i32
      %get3A_427 = arith.constant 0 : i32
      %get3A_428 = tpu.memref_slice %arg11[%scan3A_364, %get3A_426, %get3A_427] : memref<2x128x128xf32, #tpu.memory_space<vmem>> -> memref<1x128x128xf32, #tpu.memory_space<vmem>>
      %get3A_429 = tpu.memref_squeeze %get3A_428 : memref<1x128x128xf32, #tpu.memory_space<vmem>> -> memref<128x128xf32, #tpu.memory_space<vmem>>
      %get3A_430 = arith.index_cast %scan3A_379 : i32 to index
      %get3A_431 = arith.constant 48 : index
      %get3A_432 = tpu.vector_load %get3A_429[%get3A_430, %get3A_431] {strides = array<i32>} : memref<128x128xf32, #tpu.memory_space<vmem>>, vector<16xf32>,
      %get3A_433 = arith.constant 0 : i32
      %get3A_434 = arith.constant 0 : i32
      %get3A_435 = tpu.memref_slice %arg12[%scan3A_365, %get3A_433, %get3A_434] : memref<2x128x128xf32, #tpu.memory_space<vmem>> -> memref<1x128x128xf32, #tpu.memory_space<vmem>>
      %get3A_436 = tpu.memref_squeeze %get3A_435 : memref<1x128x128xf32, #tpu.memory_space<vmem>> -> memref<128x128xf32, #tpu.memory_space<vmem>>
      %get3A_437 = arith.index_cast %scan3A_379 : i32 to index
      %get3A_438 = arith.constant 48 : index
      %get3A_439 = tpu.vector_load %get3A_436[%get3A_437, %get3A_438] {strides = array<i32>} : memref<128x128xf32, #tpu.memory_space<vmem>>, vector<16xf32>,
      %mul3A_440 = arith.mulf %get3A_432, %get3A_439 : vector<16xf32>
      %add3A_441 = arith.addf %add3A_425, %mul3A_440 : vector<16xf32>
      %get3A_442 = arith.constant 0 : i32
      %get3A_443 = arith.constant 0 : i32
      %get3A_444 = tpu.memref_slice %arg11[%scan3A_364, %get3A_442, %get3A_443] : memref<2x128x128xf32, #tpu.memory_space<vmem>> -> memref<1x128x128xf32, #tpu.memory_space<vmem>>
      %get3A_445 = tpu.memref_squeeze %get3A_444 : memref<1x128x128xf32, #tpu.memory_space<vmem>> -> memref<128x128xf32, #tpu.memory_space<vmem>>
      %get3A_446 = arith.index_cast %scan3A_379 : i32 to index
      %get3A_447 = arith.constant 64 : index
      %get3A_448 = tpu.vector_load %get3A_445[%get3A_446, %get3A_447] {strides = array<i32>} : memref<128x128xf32, #tpu.memory_space<vmem>>, vector<16xf32>,
      %get3A_449 = arith.constant 0 : i32
      %get3A_450 = arith.constant 0 : i32
      %get3A_451 = tpu.memref_slice %arg12[%scan3A_365, %get3A_449, %get3A_450] : memref<2x128x128xf32, #tpu.memory_space<vmem>> -> memref<1x128x128xf32, #tpu.memory_space<vmem>>
      %get3A_452 = tpu.memref_squeeze %get3A_451 : memref<1x128x128xf32, #tpu.memory_space<vmem>> -> memref<128x128xf32, #tpu.memory_space<vmem>>
      %get3A_453 = arith.index_cast %scan3A_379 : i32 to index
      %get3A_454 = arith.constant 64 : index
      %get3A_455 = tpu.vector_load %get3A_452[%get3A_453, %get3A_454] {strides = array<i32>} : memref<128x128xf32, #tpu.memory_space<vmem>>, vector<16xf32>,
      %mul3A_456 = arith.mulf %get3A_448, %get3A_455 : vector<16xf32>
      %add3A_457 = arith.addf %add3A_441, %mul3A_456 : vector<16xf32>
      %get3A_458 = arith.constant 0 : i32
      %get3A_459 = arith.constant 0 : i32
      %get3A_460 = tpu.memref_slice %arg11[%scan3A_364, %get3A_458, %get3A_459] : memref<2x128x128xf32, #tpu.memory_space<vmem>> -> memref<1x128x128xf32, #tpu.memory_space<vmem>>
      %get3A_461 = tpu.memref_squeeze %get3A_460 : memref<1x128x128xf32, #tpu.memory_space<vmem>> -> memref<128x128xf32, #tpu.memory_space<vmem>>
      %get3A_462 = arith.index_cast %scan3A_379 : i32 to index
      %get3A_463 = arith.constant 80 : index
      %get3A_464 = tpu.vector_load %get3A_461[%get3A_462, %get3A_463] {strides = array<i32>} : memref<128x128xf32, #tpu.memory_space<vmem>>, vector<16xf32>,
      %get3A_465 = arith.constant 0 : i32
      %get3A_466 = arith.constant 0 : i32
      %get3A_467 = tpu.memref_slice %arg12[%scan3A_365, %get3A_465, %get3A_466] : memref<2x128x128xf32, #tpu.memory_space<vmem>> -> memref<1x128x128xf32, #tpu.memory_space<vmem>>
      %get3A_468 = tpu.memref_squeeze %get3A_467 : memref<1x128x128xf32, #tpu.memory_space<vmem>> -> memref<128x128xf32, #tpu.memory_space<vmem>>
      %get3A_469 = arith.index_cast %scan3A_379 : i32 to index
      %get3A_470 = arith.constant 80 : index
      %get3A_471 = tpu.vector_load %get3A_468[%get3A_469, %get3A_470] {strides = array<i32>} : memref<128x128xf32, #tpu.memory_space<vmem>>, vector<16xf32>,
      %mul3A_472 = arith.mulf %get3A_464, %get3A_471 : vector<16xf32>
      %add3A_473 = arith.addf %add3A_457, %mul3A_472 : vector<16xf32>
      %get3A_474 = arith.constant 0 : i32
      %get3A_475 = arith.constant 0 : i32
      %get3A_476 = tpu.memref_slice %arg11[%scan3A_364, %get3A_474, %get3A_475] : memref<2x128x128xf32, #tpu.memory_space<vmem>> -> memref<1x128x128xf32, #tpu.memory_space<vmem>>
      %get3A_477 = tpu.memref_squeeze %get3A_476 : memref<1x128x128xf32, #tpu.memory_space<vmem>> -> memref<128x128xf32, #tpu.memory_space<vmem>>
      %get3A_478 = arith.index_cast %scan3A_379 : i32 to index
      %get3A_479 = arith.constant 96 : index
      %get3A_480 = tpu.vector_load %get3A_477[%get3A_478, %get3A_479] {strides = array<i32>} : memref<128x128xf32, #tpu.memory_space<vmem>>, vector<16xf32>,
      %get3A_481 = arith.constant 0 : i32
      %get3A_482 = arith.constant 0 : i32
      %get3A_483 = tpu.memref_slice %arg12[%scan3A_365, %get3A_481, %get3A_482] : memref<2x128x128xf32, #tpu.memory_space<vmem>> -> memref<1x128x128xf32, #tpu.memory_space<vmem>>
      %get3A_484 = tpu.memref_squeeze %get3A_483 : memref<1x128x128xf32, #tpu.memory_space<vmem>> -> memref<128x128xf32, #tpu.memory_space<vmem>>
      %get3A_485 = arith.index_cast %scan3A_379 : i32 to index
      %get3A_486 = arith.constant 96 : index
      %get3A_487 = tpu.vector_load %get3A_484[%get3A_485, %get3A_486] {strides = array<i32>} : memref<128x128xf32, #tpu.memory_space<vmem>>, vector<16xf32>,
      %mul3A_488 = arith.mulf %get3A_480, %get3A_487 : vector<16xf32>
      %add3A_489 = arith.addf %add3A_473, %mul3A_488 : vector<16xf32>
      %get3A_490 = arith.constant 0 : i32
      %get3A_491 = arith.constant 0 : i32
      %get3A_492 = tpu.memref_slice %arg11[%scan3A_364, %get3A_490, %get3A_491] : memref<2x128x128xf32, #tpu.memory_space<vmem>> -> memref<1x128x128xf32, #tpu.memory_space<vmem>>
      %get3A_493 = tpu.memref_squeeze %get3A_492 : memref<1x128x128xf32, #tpu.memory_space<vmem>> -> memref<128x128xf32, #tpu.memory_space<vmem>>
      %get3A_494 = arith.index_cast %scan3A_379 : i32 to index
      %get3A_495 = arith.constant 112 : index
      %get3A_496 = tpu.vector_load %get3A_493[%get3A_494, %get3A_495] {strides = array<i32>} : memref<128x128xf32, #tpu.memory_space<vmem>>, vector<16xf32>,
      %get3A_497 = arith.constant 0 : i32
      %get3A_498 = arith.constant 0 : i32
      %get3A_499 = tpu.memref_slice %arg12[%scan3A_365, %get3A_497, %get3A_498] : memref<2x128x128xf32, #tpu.memory_space<vmem>> -> memref<1x128x128xf32, #tpu.memory_space<vmem>>
      %get3A_500 = tpu.memref_squeeze %get3A_499 : memref<1x128x128xf32, #tpu.memory_space<vmem>> -> memref<128x128xf32, #tpu.memory_space<vmem>>
      %get3A_501 = arith.index_cast %scan3A_379 : i32 to index
      %get3A_502 = arith.constant 112 : index
      %get3A_503 = tpu.vector_load %get3A_500[%get3A_501, %get3A_502] {strides = array<i32>} : memref<128x128xf32, #tpu.memory_space<vmem>>, vector<16xf32>,
      %mul3A_504 = arith.mulf %get3A_496, %get3A_503 : vector<16xf32>
      %add3A_505 = arith.addf %add3A_489, %mul3A_504 : vector<16xf32>
      %swap3A = arith.index_cast %scan3A_379 : i32 to index
      %swap3A_506 = arith.constant 0 : index
      %swap3A_507 = tpu.vector_load %arg16[%swap3A, %swap3A_506] {strides = array<i32>} : memref<128x17xf32, #tpu.memory_space<vmem>>, vector<16xf32>,
      tpu.vector_store %arg16[%swap3A, %swap3A_506], %add3A_505 {strides = array<i32>} : memref<128x17xf32, #tpu.memory_space<vmem>>, vector<16xf32>,
      %scan3A_508 = arith.constant 1 : i32
      %scan3A_509 = arith.addi %scan3A_379, %scan3A_508 : i32
      %get3A_510 = arith.constant 0 : i32
      %get3A_511 = arith.constant 0 : i32
      %get3A_512 = tpu.memref_slice %arg11[%scan3A_364, %get3A_510, %get3A_511] : memref<2x128x128xf32, #tpu.memory_space<vmem>> -> memref<1x128x128xf32, #tpu.memory_space<vmem>>
      %get3A_513 = tpu.memref_squeeze %get3A_512 : memref<1x128x128xf32, #tpu.memory_space<vmem>> -> memref<128x128xf32, #tpu.memory_space<vmem>>
      %get3A_514 = arith.index_cast %scan3A_509 : i32 to index
      %get3A_515 = arith.constant 0 : index
      %get3A_516 = tpu.vector_load %get3A_513[%get3A_514, %get3A_515] {strides = array<i32>} : memref<128x128xf32, #tpu.memory_space<vmem>>, vector<16xf32>,
      %get3A_517 = arith.constant 0 : i32
      %get3A_518 = arith.constant 0 : i32
      %get3A_519 = tpu.memref_slice %arg12[%scan3A_365, %get3A_517, %get3A_518] : memref<2x128x128xf32, #tpu.memory_space<vmem>> -> memref<1x128x128xf32, #tpu.memory_space<vmem>>
      %get3A_520 = tpu.memref_squeeze %get3A_519 : memref<1x128x128xf32, #tpu.memory_space<vmem>> -> memref<128x128xf32, #tpu.memory_space<vmem>>
      %get3A_521 = arith.index_cast %scan3A_509 : i32 to index
      %get3A_522 = arith.constant 0 : index
      %get3A_523 = tpu.vector_load %get3A_520[%get3A_521, %get3A_522] {strides = array<i32>} : memref<128x128xf32, #tpu.memory_space<vmem>>, vector<16xf32>,
      %mul3A_524 = arith.mulf %get3A_516, %get3A_523 : vector<16xf32>
      %get3A_525 = arith.constant 0 : i32
      %get3A_526 = arith.constant 0 : i32
      %get3A_527 = tpu.memref_slice %arg11[%scan3A_364, %get3A_525, %get3A_526] : memref<2x128x128xf32, #tpu.memory_space<vmem>> -> memref<1x128x128xf32, #tpu.memory_space<vmem>>
      %get3A_528 = tpu.memref_squeeze %get3A_527 : memref<1x128x128xf32, #tpu.memory_space<vmem>> -> memref<128x128xf32, #tpu.memory_space<vmem>>
      %get3A_529 = arith.index_cast %scan3A_509 : i32 to index
      %get3A_530 = arith.constant 16 : index
      %get3A_531 = tpu.vector_load %get3A_528[%get3A_529, %get3A_530] {strides = array<i32>} : memref<128x128xf32, #tpu.memory_space<vmem>>, vector<16xf32>,
      %get3A_532 = arith.constant 0 : i32
      %get3A_533 = arith.constant 0 : i32
      %get3A_534 = tpu.memref_slice %arg12[%scan3A_365, %get3A_532, %get3A_533] : memref<2x128x128xf32, #tpu.memory_space<vmem>> -> memref<1x128x128xf32, #tpu.memory_space<vmem>>
      %get3A_535 = tpu.memref_squeeze %get3A_534 : memref<1x128x128xf32, #tpu.memory_space<vmem>> -> memref<128x128xf32, #tpu.memory_space<vmem>>
      %get3A_536 = arith.index_cast %scan3A_509 : i32 to index
      %get3A_537 = arith.constant 16 : index
      %get3A_538 = tpu.vector_load %get3A_535[%get3A_536, %get3A_537] {strides = array<i32>} : memref<128x128xf32, #tpu.memory_space<vmem>>, vector<16xf32>,
      %mul3A_539 = arith.mulf %get3A_531, %get3A_538 : vector<16xf32>
      %add3A_540 = arith.addf %mul3A_524, %mul3A_539 : vector<16xf32>
      %get3A_541 = arith.constant 0 : i32
      %get3A_542 = arith.constant 0 : i32
      %get3A_543 = tpu.memref_slice %arg11[%scan3A_364, %get3A_541, %get3A_542] : memref<2x128x128xf32, #tpu.memory_space<vmem>> -> memref<1x128x128xf32, #tpu.memory_space<vmem>>
      %get3A_544 = tpu.memref_squeeze %get3A_543 : memref<1x128x128xf32, #tpu.memory_space<vmem>> -> memref<128x128xf32, #tpu.memory_space<vmem>>
      %get3A_545 = arith.index_cast %scan3A_509 : i32 to index
      %get3A_546 = arith.constant 32 : index
      %get3A_547 = tpu.vector_load %get3A_544[%get3A_545, %get3A_546] {strides = array<i32>} : memref<128x128xf32, #tpu.memory_space<vmem>>, vector<16xf32>,
      %get3A_548 = arith.constant 0 : i32
      %get3A_549 = arith.constant 0 : i32
      %get3A_550 = tpu.memref_slice %arg12[%scan3A_365, %get3A_548, %get3A_549] : memref<2x128x128xf32, #tpu.memory_space<vmem>> -> memref<1x128x128xf32, #tpu.memory_space<vmem>>
      %get3A_551 = tpu.memref_squeeze %get3A_550 : memref<1x128x128xf32, #tpu.memory_space<vmem>> -> memref<128x128xf32, #tpu.memory_space<vmem>>
      %get3A_552 = arith.index_cast %scan3A_509 : i32 to index
      %get3A_553 = arith.constant 32 : index
      %get3A_554 = tpu.vector_load %get3A_551[%get3A_552, %get3A_553] {strides = array<i32>} : memref<128x128xf32, #tpu.memory_space<vmem>>, vector<16xf32>,
      %mul3A_555 = arith.mulf %get3A_547, %get3A_554 : vector<16xf32>
      %add3A_556 = arith.addf %add3A_540, %mul3A_555 : vector<16xf32>
      %get3A_557 = arith.constant 0 : i32
      %get3A_558 = arith.constant 0 : i32
      %get3A_559 = tpu.memref_slice %arg11[%scan3A_364, %get3A_557, %get3A_558] : memref<2x128x128xf32, #tpu.memory_space<vmem>> -> memref<1x128x128xf32, #tpu.memory_space<vmem>>
      %get3A_560 = tpu.memref_squeeze %get3A_559 : memref<1x128x128xf32, #tpu.memory_space<vmem>> -> memref<128x128xf32, #tpu.memory_space<vmem>>
      %get3A_561 = arith.index_cast %scan3A_509 : i32 to index
      %get3A_562 = arith.constant 48 : index
      %get3A_563 = tpu.vector_load %get3A_560[%get3A_561, %get3A_562] {strides = array<i32>} : memref<128x128xf32, #tpu.memory_space<vmem>>, vector<16xf32>,
      %get3A_564 = arith.constant 0 : i32
      %get3A_565 = arith.constant 0 : i32
      %get3A_566 = tpu.memref_slice %arg12[%scan3A_365, %get3A_564, %get3A_565] : memref<2x128x128xf32, #tpu.memory_space<vmem>> -> memref<1x128x128xf32, #tpu.memory_space<vmem>>
      %get3A_567 = tpu.memref_squeeze %get3A_566 : memref<1x128x128xf32, #tpu.memory_space<vmem>> -> memref<128x128xf32, #tpu.memory_space<vmem>>
      %get3A_568 = arith.index_cast %scan3A_509 : i32 to index
      %get3A_569 = arith.constant 48 : index
      %get3A_570 = tpu.vector_load %get3A_567[%get3A_568, %get3A_569] {strides = array<i32>} : memref<128x128xf32, #tpu.memory_space<vmem>>, vector<16xf32>,
      %mul3A_571 = arith.mulf %get3A_563, %get3A_570 : vector<16xf32>
      %add3A_572 = arith.addf %add3A_556, %mul3A_571 : vector<16xf32>
      %get3A_573 = arith.constant 0 : i32
      %get3A_574 = arith.constant 0 : i32
      %get3A_575 = tpu.memref_slice %arg11[%scan3A_364, %get3A_573, %get3A_574] : memref<2x128x128xf32, #tpu.memory_space<vmem>> -> memref<1x128x128xf32, #tpu.memory_space<vmem>>
      %get3A_576 = tpu.memref_squeeze %get3A_575 : memref<1x128x128xf32, #tpu.memory_space<vmem>> -> memref<128x128xf32, #tpu.memory_space<vmem>>
      %get3A_577 = arith.index_cast %scan3A_509 : i32 to index
      %get3A_578 = arith.constant 64 : index
      %get3A_579 = tpu.vector_load %get3A_576[%get3A_577, %get3A_578] {strides = array<i32>} : memref<128x128xf32, #tpu.memory_space<vmem>>, vector<16xf32>,
      %get3A_580 = arith.constant 0 : i32
      %get3A_581 = arith.constant 0 : i32
      %get3A_582 = tpu.memref_slice %arg12[%scan3A_365, %get3A_580, %get3A_581] : memref<2x128x128xf32, #tpu.memory_space<vmem>> -> memref<1x128x128xf32, #tpu.memory_space<vmem>>
      %get3A_583 = tpu.memref_squeeze %get3A_582 : memref<1x128x128xf32, #tpu.memory_space<vmem>> -> memref<128x128xf32, #tpu.memory_space<vmem>>
      %get3A_584 = arith.index_cast %scan3A_509 : i32 to index
      %get3A_585 = arith.constant 64 : index
      %get3A_586 = tpu.vector_load %get3A_583[%get3A_584, %get3A_585] {strides = array<i32>} : memref<128x128xf32, #tpu.memory_space<vmem>>, vector<16xf32>,
      %mul3A_587 = arith.mulf %get3A_579, %get3A_586 : vector<16xf32>
      %add3A_588 = arith.addf %add3A_572, %mul3A_587 : vector<16xf32>
      %get3A_589 = arith.constant 0 : i32
      %get3A_590 = arith.constant 0 : i32
      %get3A_591 = tpu.memref_slice %arg11[%scan3A_364, %get3A_589, %get3A_590] : memref<2x128x128xf32, #tpu.memory_space<vmem>> -> memref<1x128x128xf32, #tpu.memory_space<vmem>>
      %get3A_592 = tpu.memref_squeeze %get3A_591 : memref<1x128x128xf32, #tpu.memory_space<vmem>> -> memref<128x128xf32, #tpu.memory_space<vmem>>
      %get3A_593 = arith.index_cast %scan3A_509 : i32 to index
      %get3A_594 = arith.constant 80 : index
      %get3A_595 = tpu.vector_load %get3A_592[%get3A_593, %get3A_594] {strides = array<i32>} : memref<128x128xf32, #tpu.memory_space<vmem>>, vector<16xf32>,
      %get3A_596 = arith.constant 0 : i32
      %get3A_597 = arith.constant 0 : i32
      %get3A_598 = tpu.memref_slice %arg12[%scan3A_365, %get3A_596, %get3A_597] : memref<2x128x128xf32, #tpu.memory_space<vmem>> -> memref<1x128x128xf32, #tpu.memory_space<vmem>>
      %get3A_599 = tpu.memref_squeeze %get3A_598 : memref<1x128x128xf32, #tpu.memory_space<vmem>> -> memref<128x128xf32, #tpu.memory_space<vmem>>
      %get3A_600 = arith.index_cast %scan3A_509 : i32 to index
      %get3A_601 = arith.constant 80 : index
      %get3A_602 = tpu.vector_load %get3A_599[%get3A_600, %get3A_601] {strides = array<i32>} : memref<128x128xf32, #tpu.memory_space<vmem>>, vector<16xf32>,
      %mul3A_603 = arith.mulf %get3A_595, %get3A_602 : vector<16xf32>
      %add3A_604 = arith.addf %add3A_588, %mul3A_603 : vector<16xf32>
      %get3A_605 = arith.constant 0 : i32
      %get3A_606 = arith.constant 0 : i32
      %get3A_607 = tpu.memref_slice %arg11[%scan3A_364, %get3A_605, %get3A_606] : memref<2x128x128xf32, #tpu.memory_space<vmem>> -> memref<1x128x128xf32, #tpu.memory_space<vmem>>
      %get3A_608 = tpu.memref_squeeze %get3A_607 : memref<1x128x128xf32, #tpu.memory_space<vmem>> -> memref<128x128xf32, #tpu.memory_space<vmem>>
      %get3A_609 = arith.index_cast %scan3A_509 : i32 to index
      %get3A_610 = arith.constant 96 : index
      %get3A_611 = tpu.vector_load %get3A_608[%get3A_609, %get3A_610] {strides = array<i32>} : memref<128x128xf32, #tpu.memory_space<vmem>>, vector<16xf32>,
      %get3A_612 = arith.constant 0 : i32
      %get3A_613 = arith.constant 0 : i32
      %get3A_614 = tpu.memref_slice %arg12[%scan3A_365, %get3A_612, %get3A_613] : memref<2x128x128xf32, #tpu.memory_space<vmem>> -> memref<1x128x128xf32, #tpu.memory_space<vmem>>
      %get3A_615 = tpu.memref_squeeze %get3A_614 : memref<1x128x128xf32, #tpu.memory_space<vmem>> -> memref<128x128xf32, #tpu.memory_space<vmem>>
      %get3A_616 = arith.index_cast %scan3A_509 : i32 to index
      %get3A_617 = arith.constant 96 : index
      %get3A_618 = tpu.vector_load %get3A_615[%get3A_616, %get3A_617] {strides = array<i32>} : memref<128x128xf32, #tpu.memory_space<vmem>>, vector<16xf32>,
      %mul3A_619 = arith.mulf %get3A_611, %get3A_618 : vector<16xf32>
      %add3A_620 = arith.addf %add3A_604, %mul3A_619 : vector<16xf32>
      %get3A_621 = arith.constant 0 : i32
      %get3A_622 = arith.constant 0 : i32
      %get3A_623 = tpu.memref_slice %arg11[%scan3A_364, %get3A_621, %get3A_622] : memref<2x128x128xf32, #tpu.memory_space<vmem>> -> memref<1x128x128xf32, #tpu.memory_space<vmem>>
      %get3A_624 = tpu.memref_squeeze %get3A_623 : memref<1x128x128xf32, #tpu.memory_space<vmem>> -> memref<128x128xf32, #tpu.memory_space<vmem>>
      %get3A_625 = arith.index_cast %scan3A_509 : i32 to index
      %get3A_626 = arith.constant 112 : index
      %get3A_627 = tpu.vector_load %get3A_624[%get3A_625, %get3A_626] {strides = array<i32>} : memref<128x128xf32, #tpu.memory_space<vmem>>, vector<16xf32>,
      %get3A_628 = arith.constant 0 : i32
      %get3A_629 = arith.constant 0 : i32
      %get3A_630 = tpu.memref_slice %arg12[%scan3A_365, %get3A_628, %get3A_629] : memref<2x128x128xf32, #tpu.memory_space<vmem>> -> memref<1x128x128xf32, #tpu.memory_space<vmem>>
      %get3A_631 = tpu.memref_squeeze %get3A_630 : memref<1x128x128xf32, #tpu.memory_space<vmem>> -> memref<128x128xf32, #tpu.memory_space<vmem>>
      %get3A_632 = arith.index_cast %scan3A_509 : i32 to index
      %get3A_633 = arith.constant 112 : index
      %get3A_634 = tpu.vector_load %get3A_631[%get3A_632, %get3A_633] {strides = array<i32>} : memref<128x128xf32, #tpu.memory_space<vmem>>, vector<16xf32>,
      %mul3A_635 = arith.mulf %get3A_627, %get3A_634 : vector<16xf32>
      %add3A_636 = arith.addf %add3A_620, %mul3A_635 : vector<16xf32>
      %swap3A_637 = arith.index_cast %scan3A_509 : i32 to index
      %swap3A_638 = arith.constant 0 : index
      %swap3A_639 = tpu.vector_load %arg16[%swap3A_637, %swap3A_638] {strides = array<i32>} : memref<128x17xf32, #tpu.memory_space<vmem>>, vector<16xf32>,
      tpu.vector_store %arg16[%swap3A_637, %swap3A_638], %add3A_636 {strides = array<i32>} : memref<128x17xf32, #tpu.memory_space<vmem>>, vector<16xf32>,
      %scan3A_640 = arith.constant 2 : i32
      %scan3A_641 = arith.addi %scan3A_379, %scan3A_640 : i32
      %get3A_642 = arith.constant 0 : i32
      %get3A_643 = arith.constant 0 : i32
      %get3A_644 = tpu.memref_slice %arg11[%scan3A_364, %get3A_642, %get3A_643] : memref<2x128x128xf32, #tpu.memory_space<vmem>> -> memref<1x128x128xf32, #tpu.memory_space<vmem>>
      %get3A_645 = tpu.memref_squeeze %get3A_644 : memref<1x128x128xf32, #tpu.memory_space<vmem>> -> memref<128x128xf32, #tpu.memory_space<vmem>>
      %get3A_646 = arith.index_cast %scan3A_641 : i32 to index
      %get3A_647 = arith.constant 0 : index
      %get3A_648 = tpu.vector_load %get3A_645[%get3A_646, %get3A_647] {strides = array<i32>} : memref<128x128xf32, #tpu.memory_space<vmem>>, vector<16xf32>,
      %get3A_649 = arith.constant 0 : i32
      %get3A_650 = arith.constant 0 : i32
      %get3A_651 = tpu.memref_slice %arg12[%scan3A_365, %get3A_649, %get3A_650] : memref<2x128x128xf32, #tpu.memory_space<vmem>> -> memref<1x128x128xf32, #tpu.memory_space<vmem>>
      %get3A_652 = tpu.memref_squeeze %get3A_651 : memref<1x128x128xf32, #tpu.memory_space<vmem>> -> memref<128x128xf32, #tpu.memory_space<vmem>>
      %get3A_653 = arith.index_cast %scan3A_641 : i32 to index
      %get3A_654 = arith.constant 0 : index
      %get3A_655 = tpu.vector_load %get3A_652[%get3A_653, %get3A_654] {strides = array<i32>} : memref<128x128xf32, #tpu.memory_space<vmem>>, vector<16xf32>,
      %mul3A_656 = arith.mulf %get3A_648, %get3A_655 : vector<16xf32>
      %get3A_657 = arith.constant 0 : i32
      %get3A_658 = arith.constant 0 : i32
      %get3A_659 = tpu.memref_slice %arg11[%scan3A_364, %get3A_657, %get3A_658] : memref<2x128x128xf32, #tpu.memory_space<vmem>> -> memref<1x128x128xf32, #tpu.memory_space<vmem>>
      %get3A_660 = tpu.memref_squeeze %get3A_659 : memref<1x128x128xf32, #tpu.memory_space<vmem>> -> memref<128x128xf32, #tpu.memory_space<vmem>>
      %get3A_661 = arith.index_cast %scan3A_641 : i32 to index
      %get3A_662 = arith.constant 16 : index
      %get3A_663 = tpu.vector_load %get3A_660[%get3A_661, %get3A_662] {strides = array<i32>} : memref<128x128xf32, #tpu.memory_space<vmem>>, vector<16xf32>,
      %get3A_664 = arith.constant 0 : i32
      %get3A_665 = arith.constant 0 : i32
      %get3A_666 = tpu.memref_slice %arg12[%scan3A_365, %get3A_664, %get3A_665] : memref<2x128x128xf32, #tpu.memory_space<vmem>> -> memref<1x128x128xf32, #tpu.memory_space<vmem>>
      %get3A_667 = tpu.memref_squeeze %get3A_666 : memref<1x128x128xf32, #tpu.memory_space<vmem>> -> memref<128x128xf32, #tpu.memory_space<vmem>>
      %get3A_668 = arith.index_cast %scan3A_641 : i32 to index
      %get3A_669 = arith.constant 16 : index
      %get3A_670 = tpu.vector_load %get3A_667[%get3A_668, %get3A_669] {strides = array<i32>} : memref<128x128xf32, #tpu.memory_space<vmem>>, vector<16xf32>,
      %mul3A_671 = arith.mulf %get3A_663, %get3A_670 : vector<16xf32>
      %add3A_672 = arith.addf %mul3A_656, %mul3A_671 : vector<16xf32>
      %get3A_673 = arith.constant 0 : i32
      %get3A_674 = arith.constant 0 : i32
      %get3A_675 = tpu.memref_slice %arg11[%scan3A_364, %get3A_673, %get3A_674] : memref<2x128x128xf32, #tpu.memory_space<vmem>> -> memref<1x128x128xf32, #tpu.memory_space<vmem>>
      %get3A_676 = tpu.memref_squeeze %get3A_675 : memref<1x128x128xf32, #tpu.memory_space<vmem>> -> memref<128x128xf32, #tpu.memory_space<vmem>>
      %get3A_677 = arith.index_cast %scan3A_641 : i32 to index
      %get3A_678 = arith.constant 32 : index
      %get3A_679 = tpu.vector_load %get3A_676[%get3A_677, %get3A_678] {strides = array<i32>} : memref<128x128xf32, #tpu.memory_space<vmem>>, vector<16xf32>,
      %get3A_680 = arith.constant 0 : i32
      %get3A_681 = arith.constant 0 : i32
      %get3A_682 = tpu.memref_slice %arg12[%scan3A_365, %get3A_680, %get3A_681] : memref<2x128x128xf32, #tpu.memory_space<vmem>> -> memref<1x128x128xf32, #tpu.memory_space<vmem>>
      %get3A_683 = tpu.memref_squeeze %get3A_682 : memref<1x128x128xf32, #tpu.memory_space<vmem>> -> memref<128x128xf32, #tpu.memory_space<vmem>>
      %get3A_684 = arith.index_cast %scan3A_641 : i32 to index
      %get3A_685 = arith.constant 32 : index
      %get3A_686 = tpu.vector_load %get3A_683[%get3A_684, %get3A_685] {strides = array<i32>} : memref<128x128xf32, #tpu.memory_space<vmem>>, vector<16xf32>,
      %mul3A_687 = arith.mulf %get3A_679, %get3A_686 : vector<16xf32>
      %add3A_688 = arith.addf %add3A_672, %mul3A_687 : vector<16xf32>
      %get3A_689 = arith.constant 0 : i32
      %get3A_690 = arith.constant 0 : i32
      %get3A_691 = tpu.memref_slice %arg11[%scan3A_364, %get3A_689, %get3A_690] : memref<2x128x128xf32, #tpu.memory_space<vmem>> -> memref<1x128x128xf32, #tpu.memory_space<vmem>>
      %get3A_692 = tpu.memref_squeeze %get3A_691 : memref<1x128x128xf32, #tpu.memory_space<vmem>> -> memref<128x128xf32, #tpu.memory_space<vmem>>
      %get3A_693 = arith.index_cast %scan3A_641 : i32 to index
      %get3A_694 = arith.constant 48 : index
      %get3A_695 = tpu.vector_load %get3A_692[%get3A_693, %get3A_694] {strides = array<i32>} : memref<128x128xf32, #tpu.memory_space<vmem>>, vector<16xf32>,
      %get3A_696 = arith.constant 0 : i32
      %get3A_697 = arith.constant 0 : i32
      %get3A_698 = tpu.memref_slice %arg12[%scan3A_365, %get3A_696, %get3A_697] : memref<2x128x128xf32, #tpu.memory_space<vmem>> -> memref<1x128x128xf32, #tpu.memory_space<vmem>>
      %get3A_699 = tpu.memref_squeeze %get3A_698 : memref<1x128x128xf32, #tpu.memory_space<vmem>> -> memref<128x128xf32, #tpu.memory_space<vmem>>
      %get3A_700 = arith.index_cast %scan3A_641 : i32 to index
      %get3A_701 = arith.constant 48 : index
      %get3A_702 = tpu.vector_load %get3A_699[%get3A_700, %get3A_701] {strides = array<i32>} : memref<128x128xf32, #tpu.memory_space<vmem>>, vector<16xf32>,
      %mul3A_703 = arith.mulf %get3A_695, %get3A_702 : vector<16xf32>
      %add3A_704 = arith.addf %add3A_688, %mul3A_703 : vector<16xf32>
      %get3A_705 = arith.constant 0 : i32
      %get3A_706 = arith.constant 0 : i32
      %get3A_707 = tpu.memref_slice %arg11[%scan3A_364, %get3A_705, %get3A_706] : memref<2x128x128xf32, #tpu.memory_space<vmem>> -> memref<1x128x128xf32, #tpu.memory_space<vmem>>
      %get3A_708 = tpu.memref_squeeze %get3A_707 : memref<1x128x128xf32, #tpu.memory_space<vmem>> -> memref<128x128xf32, #tpu.memory_space<vmem>>
      %get3A_709 = arith.index_cast %scan3A_641 : i32 to index
      %get3A_710 = arith.constant 64 : index
      %get3A_711 = tpu.vector_load %get3A_708[%get3A_709, %get3A_710] {strides = array<i32>} : memref<128x128xf32, #tpu.memory_space<vmem>>, vector<16xf32>,
      %get3A_712 = arith.constant 0 : i32
      %get3A_713 = arith.constant 0 : i32
      %get3A_714 = tpu.memref_slice %arg12[%scan3A_365, %get3A_712, %get3A_713] : memref<2x128x128xf32, #tpu.memory_space<vmem>> -> memref<1x128x128xf32, #tpu.memory_space<vmem>>
      %get3A_715 = tpu.memref_squeeze %get3A_714 : memref<1x128x128xf32, #tpu.memory_space<vmem>> -> memref<128x128xf32, #tpu.memory_space<vmem>>
      %get3A_716 = arith.index_cast %scan3A_641 : i32 to index
      %get3A_717 = arith.constant 64 : index
      %get3A_718 = tpu.vector_load %get3A_715[%get3A_716, %get3A_717] {strides = array<i32>} : memref<128x128xf32, #tpu.memory_space<vmem>>, vector<16xf32>,
      %mul3A_719 = arith.mulf %get3A_711, %get3A_718 : vector<16xf32>
      %add3A_720 = arith.addf %add3A_704, %mul3A_719 : vector<16xf32>
      %get3A_721 = arith.constant 0 : i32
      %get3A_722 = arith.constant 0 : i32
      %get3A_723 = tpu.memref_slice %arg11[%scan3A_364, %get3A_721, %get3A_722] : memref<2x128x128xf32, #tpu.memory_space<vmem>> -> memref<1x128x128xf32, #tpu.memory_space<vmem>>
      %get3A_724 = tpu.memref_squeeze %get3A_723 : memref<1x128x128xf32, #tpu.memory_space<vmem>> -> memref<128x128xf32, #tpu.memory_space<vmem>>
      %get3A_725 = arith.index_cast %scan3A_641 : i32 to index
      %get3A_726 = arith.constant 80 : index
      %get3A_727 = tpu.vector_load %get3A_724[%get3A_725, %get3A_726] {strides = array<i32>} : memref<128x128xf32, #tpu.memory_space<vmem>>, vector<16xf32>,
      %get3A_728 = arith.constant 0 : i32
      %get3A_729 = arith.constant 0 : i32
      %get3A_730 = tpu.memref_slice %arg12[%scan3A_365, %get3A_728, %get3A_729] : memref<2x128x128xf32, #tpu.memory_space<vmem>> -> memref<1x128x128xf32, #tpu.memory_space<vmem>>
      %get3A_731 = tpu.memref_squeeze %get3A_730 : memref<1x128x128xf32, #tpu.memory_space<vmem>> -> memref<128x128xf32, #tpu.memory_space<vmem>>
      %get3A_732 = arith.index_cast %scan3A_641 : i32 to index
      %get3A_733 = arith.constant 80 : index
      %get3A_734 = tpu.vector_load %get3A_731[%get3A_732, %get3A_733] {strides = array<i32>} : memref<128x128xf32, #tpu.memory_space<vmem>>, vector<16xf32>,
      %mul3A_735 = arith.mulf %get3A_727, %get3A_734 : vector<16xf32>
      %add3A_736 = arith.addf %add3A_720, %mul3A_735 : vector<16xf32>
      %get3A_737 = arith.constant 0 : i32
      %get3A_738 = arith.constant 0 : i32
      %get3A_739 = tpu.memref_slice %arg11[%scan3A_364, %get3A_737, %get3A_738] : memref<2x128x128xf32, #tpu.memory_space<vmem>> -> memref<1x128x128xf32, #tpu.memory_space<vmem>>
      %get3A_740 = tpu.memref_squeeze %get3A_739 : memref<1x128x128xf32, #tpu.memory_space<vmem>> -> memref<128x128xf32, #tpu.memory_space<vmem>>
      %get3A_741 = arith.index_cast %scan3A_641 : i32 to index
      %get3A_742 = arith.constant 96 : index
      %get3A_743 = tpu.vector_load %get3A_740[%get3A_741, %get3A_742] {strides = array<i32>} : memref<128x128xf32, #tpu.memory_space<vmem>>, vector<16xf32>,
      %get3A_744 = arith.constant 0 : i32
      %get3A_745 = arith.constant 0 : i32
      %get3A_746 = tpu.memref_slice %arg12[%scan3A_365, %get3A_744, %get3A_745] : memref<2x128x128xf32, #tpu.memory_space<vmem>> -> memref<1x128x128xf32, #tpu.memory_space<vmem>>
      %get3A_747 = tpu.memref_squeeze %get3A_746 : memref<1x128x128xf32, #tpu.memory_space<vmem>> -> memref<128x128xf32, #tpu.memory_space<vmem>>
      %get3A_748 = arith.index_cast %scan3A_641 : i32 to index
      %get3A_749 = arith.constant 96 : index
      %get3A_750 = tpu.vector_load %get3A_747[%get3A_748, %get3A_749] {strides = array<i32>} : memref<128x128xf32, #tpu.memory_space<vmem>>, vector<16xf32>,
      %mul3A_751 = arith.mulf %get3A_743, %get3A_750 : vector<16xf32>
      %add3A_752 = arith.addf %add3A_736, %mul3A_751 : vector<16xf32>
      %get3A_753 = arith.constant 0 : i32
      %get3A_754 = arith.constant 0 : i32
      %get3A_755 = tpu.memref_slice %arg11[%scan3A_364, %get3A_753, %get3A_754] : memref<2x128x128xf32, #tpu.memory_space<vmem>> -> memref<1x128x128xf32, #tpu.memory_space<vmem>>
      %get3A_756 = tpu.memref_squeeze %get3A_755 : memref<1x128x128xf32, #tpu.memory_space<vmem>> -> memref<128x128xf32, #tpu.memory_space<vmem>>
      %get3A_757 = arith.index_cast %scan3A_641 : i32 to index
      %get3A_758 = arith.constant 112 : index
      %get3A_759 = tpu.vector_load %get3A_756[%get3A_757, %get3A_758] {strides = array<i32>} : memref<128x128xf32, #tpu.memory_space<vmem>>, vector<16xf32>,
      %get3A_760 = arith.constant 0 : i32
      %get3A_761 = arith.constant 0 : i32
      %get3A_762 = tpu.memref_slice %arg12[%scan3A_365, %get3A_760, %get3A_761] : memref<2x128x128xf32, #tpu.memory_space<vmem>> -> memref<1x128x128xf32, #tpu.memory_space<vmem>>
      %get3A_763 = tpu.memref_squeeze %get3A_762 : memref<1x128x128xf32, #tpu.memory_space<vmem>> -> memref<128x128xf32, #tpu.memory_space<vmem>>
      %get3A_764 = arith.index_cast %scan3A_641 : i32 to index
      %get3A_765 = arith.constant 112 : index
      %get3A_766 = tpu.vector_load %get3A_763[%get3A_764, %get3A_765] {strides = array<i32>} : memref<128x128xf32, #tpu.memory_space<vmem>>, vector<16xf32>,
      %mul3A_767 = arith.mulf %get3A_759, %get3A_766 : vector<16xf32>
      %add3A_768 = arith.addf %add3A_752, %mul3A_767 : vector<16xf32>
      %swap3A_769 = arith.index_cast %scan3A_641 : i32 to index
      %swap3A_770 = arith.constant 0 : index
      %swap3A_771 = tpu.vector_load %arg16[%swap3A_769, %swap3A_770] {strides = array<i32>} : memref<128x17xf32, #tpu.memory_space<vmem>>, vector<16xf32>,
      tpu.vector_store %arg16[%swap3A_769, %swap3A_770], %add3A_768 {strides = array<i32>} : memref<128x17xf32, #tpu.memory_space<vmem>>, vector<16xf32>,
      %scan3A_772 = arith.constant 3 : i32
      %scan3A_773 = arith.addi %scan3A_379, %scan3A_772 : i32
      %get3A_774 = arith.constant 0 : i32
      %get3A_775 = arith.constant 0 : i32
      %get3A_776 = tpu.memref_slice %arg11[%scan3A_364, %get3A_774, %get3A_775] : memref<2x128x128xf32, #tpu.memory_space<vmem>> -> memref<1x128x128xf32, #tpu.memory_space<vmem>>
      %get3A_777 = tpu.memref_squeeze %get3A_776 : memref<1x128x128xf32, #tpu.memory_space<vmem>> -> memref<128x128xf32, #tpu.memory_space<vmem>>
      %get3A_778 = arith.index_cast %scan3A_773 : i32 to index
      %get3A_779 = arith.constant 0 : index
      %get3A_780 = tpu.vector_load %get3A_777[%get3A_778, %get3A_779] {strides = array<i32>} : memref<128x128xf32, #tpu.memory_space<vmem>>, vector<16xf32>,
      %get3A_781 = arith.constant 0 : i32
      %get3A_782 = arith.constant 0 : i32
      %get3A_783 = tpu.memref_slice %arg12[%scan3A_365, %get3A_781, %get3A_782] : memref<2x128x128xf32, #tpu.memory_space<vmem>> -> memref<1x128x128xf32, #tpu.memory_space<vmem>>
      %get3A_784 = tpu.memref_squeeze %get3A_783 : memref<1x128x128xf32, #tpu.memory_space<vmem>> -> memref<128x128xf32, #tpu.memory_space<vmem>>
      %get3A_785 = arith.index_cast %scan3A_773 : i32 to index
      %get3A_786 = arith.constant 0 : index
      %get3A_787 = tpu.vector_load %get3A_784[%get3A_785, %get3A_786] {strides = array<i32>} : memref<128x128xf32, #tpu.memory_space<vmem>>, vector<16xf32>,
      %mul3A_788 = arith.mulf %get3A_780, %get3A_787 : vector<16xf32>
      %get3A_789 = arith.constant 0 : i32
      %get3A_790 = arith.constant 0 : i32
      %get3A_791 = tpu.memref_slice %arg11[%scan3A_364, %get3A_789, %get3A_790] : memref<2x128x128xf32, #tpu.memory_space<vmem>> -> memref<1x128x128xf32, #tpu.memory_space<vmem>>
      %get3A_792 = tpu.memref_squeeze %get3A_791 : memref<1x128x128xf32, #tpu.memory_space<vmem>> -> memref<128x128xf32, #tpu.memory_space<vmem>>
      %get3A_793 = arith.index_cast %scan3A_773 : i32 to index
      %get3A_794 = arith.constant 16 : index
      %get3A_795 = tpu.vector_load %get3A_792[%get3A_793, %get3A_794] {strides = array<i32>} : memref<128x128xf32, #tpu.memory_space<vmem>>, vector<16xf32>,
      %get3A_796 = arith.constant 0 : i32
      %get3A_797 = arith.constant 0 : i32
      %get3A_798 = tpu.memref_slice %arg12[%scan3A_365, %get3A_796, %get3A_797] : memref<2x128x128xf32, #tpu.memory_space<vmem>> -> memref<1x128x128xf32, #tpu.memory_space<vmem>>
      %get3A_799 = tpu.memref_squeeze %get3A_798 : memref<1x128x128xf32, #tpu.memory_space<vmem>> -> memref<128x128xf32, #tpu.memory_space<vmem>>
      %get3A_800 = arith.index_cast %scan3A_773 : i32 to index
      %get3A_801 = arith.constant 16 : index
      %get3A_802 = tpu.vector_load %get3A_799[%get3A_800, %get3A_801] {strides = array<i32>} : memref<128x128xf32, #tpu.memory_space<vmem>>, vector<16xf32>,
      %mul3A_803 = arith.mulf %get3A_795, %get3A_802 : vector<16xf32>
      %add3A_804 = arith.addf %mul3A_788, %mul3A_803 : vector<16xf32>
      %get3A_805 = arith.constant 0 : i32
      %get3A_806 = arith.constant 0 : i32
      %get3A_807 = tpu.memref_slice %arg11[%scan3A_364, %get3A_805, %get3A_806] : memref<2x128x128xf32, #tpu.memory_space<vmem>> -> memref<1x128x128xf32, #tpu.memory_space<vmem>>
      %get3A_808 = tpu.memref_squeeze %get3A_807 : memref<1x128x128xf32, #tpu.memory_space<vmem>> -> memref<128x128xf32, #tpu.memory_space<vmem>>
      %get3A_809 = arith.index_cast %scan3A_773 : i32 to index
      %get3A_810 = arith.constant 32 : index
      %get3A_811 = tpu.vector_load %get3A_808[%get3A_809, %get3A_810] {strides = array<i32>} : memref<128x128xf32, #tpu.memory_space<vmem>>, vector<16xf32>,
      %get3A_812 = arith.constant 0 : i32
      %get3A_813 = arith.constant 0 : i32
      %get3A_814 = tpu.memref_slice %arg12[%scan3A_365, %get3A_812, %get3A_813] : memref<2x128x128xf32, #tpu.memory_space<vmem>> -> memref<1x128x128xf32, #tpu.memory_space<vmem>>
      %get3A_815 = tpu.memref_squeeze %get3A_814 : memref<1x128x128xf32, #tpu.memory_space<vmem>> -> memref<128x128xf32, #tpu.memory_space<vmem>>
      %get3A_816 = arith.index_cast %scan3A_773 : i32 to index
      %get3A_817 = arith.constant 32 : index
      %get3A_818 = tpu.vector_load %get3A_815[%get3A_816, %get3A_817] {strides = array<i32>} : memref<128x128xf32, #tpu.memory_space<vmem>>, vector<16xf32>,
      %mul3A_819 = arith.mulf %get3A_811, %get3A_818 : vector<16xf32>
      %add3A_820 = arith.addf %add3A_804, %mul3A_819 : vector<16xf32>
      %get3A_821 = arith.constant 0 : i32
      %get3A_822 = arith.constant 0 : i32
      %get3A_823 = tpu.memref_slice %arg11[%scan3A_364, %get3A_821, %get3A_822] : memref<2x128x128xf32, #tpu.memory_space<vmem>> -> memref<1x128x128xf32, #tpu.memory_space<vmem>>
      %get3A_824 = tpu.memref_squeeze %get3A_823 : memref<1x128x128xf32, #tpu.memory_space<vmem>> -> memref<128x128xf32, #tpu.memory_space<vmem>>
      %get3A_825 = arith.index_cast %scan3A_773 : i32 to index
      %get3A_826 = arith.constant 48 : index
      %get3A_827 = tpu.vector_load %get3A_824[%get3A_825, %get3A_826] {strides = array<i32>} : memref<128x128xf32, #tpu.memory_space<vmem>>, vector<16xf32>,
      %get3A_828 = arith.constant 0 : i32
      %get3A_829 = arith.constant 0 : i32
      %get3A_830 = tpu.memref_slice %arg12[%scan3A_365, %get3A_828, %get3A_829] : memref<2x128x128xf32, #tpu.memory_space<vmem>> -> memref<1x128x128xf32, #tpu.memory_space<vmem>>
      %get3A_831 = tpu.memref_squeeze %get3A_830 : memref<1x128x128xf32, #tpu.memory_space<vmem>> -> memref<128x128xf32, #tpu.memory_space<vmem>>
      %get3A_832 = arith.index_cast %scan3A_773 : i32 to index
      %get3A_833 = arith.constant 48 : index
      %get3A_834 = tpu.vector_load %get3A_831[%get3A_832, %get3A_833] {strides = array<i32>} : memref<128x128xf32, #tpu.memory_space<vmem>>, vector<16xf32>,
      %mul3A_835 = arith.mulf %get3A_827, %get3A_834 : vector<16xf32>
      %add3A_836 = arith.addf %add3A_820, %mul3A_835 : vector<16xf32>
      %get3A_837 = arith.constant 0 : i32
      %get3A_838 = arith.constant 0 : i32
      %get3A_839 = tpu.memref_slice %arg11[%scan3A_364, %get3A_837, %get3A_838] : memref<2x128x128xf32, #tpu.memory_space<vmem>> -> memref<1x128x128xf32, #tpu.memory_space<vmem>>
      %get3A_840 = tpu.memref_squeeze %get3A_839 : memref<1x128x128xf32, #tpu.memory_space<vmem>> -> memref<128x128xf32, #tpu.memory_space<vmem>>
      %get3A_841 = arith.index_cast %scan3A_773 : i32 to index
      %get3A_842 = arith.constant 64 : index
      %get3A_843 = tpu.vector_load %get3A_840[%get3A_841, %get3A_842] {strides = array<i32>} : memref<128x128xf32, #tpu.memory_space<vmem>>, vector<16xf32>,
      %get3A_844 = arith.constant 0 : i32
      %get3A_845 = arith.constant 0 : i32
      %get3A_846 = tpu.memref_slice %arg12[%scan3A_365, %get3A_844, %get3A_845] : memref<2x128x128xf32, #tpu.memory_space<vmem>> -> memref<1x128x128xf32, #tpu.memory_space<vmem>>
      %get3A_847 = tpu.memref_squeeze %get3A_846 : memref<1x128x128xf32, #tpu.memory_space<vmem>> -> memref<128x128xf32, #tpu.memory_space<vmem>>
      %get3A_848 = arith.index_cast %scan3A_773 : i32 to index
      %get3A_849 = arith.constant 64 : index
      %get3A_850 = tpu.vector_load %get3A_847[%get3A_848, %get3A_849] {strides = array<i32>} : memref<128x128xf32, #tpu.memory_space<vmem>>, vector<16xf32>,
      %mul3A_851 = arith.mulf %get3A_843, %get3A_850 : vector<16xf32>
      %add3A_852 = arith.addf %add3A_836, %mul3A_851 : vector<16xf32>
      %get3A_853 = arith.constant 0 : i32
      %get3A_854 = arith.constant 0 : i32
      %get3A_855 = tpu.memref_slice %arg11[%scan3A_364, %get3A_853, %get3A_854] : memref<2x128x128xf32, #tpu.memory_space<vmem>> -> memref<1x128x128xf32, #tpu.memory_space<vmem>>
      %get3A_856 = tpu.memref_squeeze %get3A_855 : memref<1x128x128xf32, #tpu.memory_space<vmem>> -> memref<128x128xf32, #tpu.memory_space<vmem>>
      %get3A_857 = arith.index_cast %scan3A_773 : i32 to index
      %get3A_858 = arith.constant 80 : index
      %get3A_859 = tpu.vector_load %get3A_856[%get3A_857, %get3A_858] {strides = array<i32>} : memref<128x128xf32, #tpu.memory_space<vmem>>, vector<16xf32>,
      %get3A_860 = arith.constant 0 : i32
      %get3A_861 = arith.constant 0 : i32
      %get3A_862 = tpu.memref_slice %arg12[%scan3A_365, %get3A_860, %get3A_861] : memref<2x128x128xf32, #tpu.memory_space<vmem>> -> memref<1x128x128xf32, #tpu.memory_space<vmem>>
      %get3A_863 = tpu.memref_squeeze %get3A_862 : memref<1x128x128xf32, #tpu.memory_space<vmem>> -> memref<128x128xf32, #tpu.memory_space<vmem>>
      %get3A_864 = arith.index_cast %scan3A_773 : i32 to index
      %get3A_865 = arith.constant 80 : index
      %get3A_866 = tpu.vector_load %get3A_863[%get3A_864, %get3A_865] {strides = array<i32>} : memref<128x128xf32, #tpu.memory_space<vmem>>, vector<16xf32>,
      %mul3A_867 = arith.mulf %get3A_859, %get3A_866 : vector<16xf32>
      %add3A_868 = arith.addf %add3A_852, %mul3A_867 : vector<16xf32>
      %get3A_869 = arith.constant 0 : i32
      %get3A_870 = arith.constant 0 : i32
      %get3A_871 = tpu.memref_slice %arg11[%scan3A_364, %get3A_869, %get3A_870] : memref<2x128x128xf32, #tpu.memory_space<vmem>> -> memref<1x128x128xf32, #tpu.memory_space<vmem>>
      %get3A_872 = tpu.memref_squeeze %get3A_871 : memref<1x128x128xf32, #tpu.memory_space<vmem>> -> memref<128x128xf32, #tpu.memory_space<vmem>>
      %get3A_873 = arith.index_cast %scan3A_773 : i32 to index
      %get3A_874 = arith.constant 96 : index
      %get3A_875 = tpu.vector_load %get3A_872[%get3A_873, %get3A_874] {strides = array<i32>} : memref<128x128xf32, #tpu.memory_space<vmem>>, vector<16xf32>,
      %get3A_876 = arith.constant 0 : i32
      %get3A_877 = arith.constant 0 : i32
      %get3A_878 = tpu.memref_slice %arg12[%scan3A_365, %get3A_876, %get3A_877] : memref<2x128x128xf32, #tpu.memory_space<vmem>> -> memref<1x128x128xf32, #tpu.memory_space<vmem>>
      %get3A_879 = tpu.memref_squeeze %get3A_878 : memref<1x128x128xf32, #tpu.memory_space<vmem>> -> memref<128x128xf32, #tpu.memory_space<vmem>>
      %get3A_880 = arith.index_cast %scan3A_773 : i32 to index
      %get3A_881 = arith.constant 96 : index
      %get3A_882 = tpu.vector_load %get3A_879[%get3A_880, %get3A_881] {strides = array<i32>} : memref<128x128xf32, #tpu.memory_space<vmem>>, vector<16xf32>,
      %mul3A_883 = arith.mulf %get3A_875, %get3A_882 : vector<16xf32>
      %add3A_884 = arith.addf %add3A_868, %mul3A_883 : vector<16xf32>
      %get3A_885 = arith.constant 0 : i32
      %get3A_886 = arith.constant 0 : i32
      %get3A_887 = tpu.memref_slice %arg11[%scan3A_364, %get3A_885, %get3A_886] : memref<2x128x128xf32, #tpu.memory_space<vmem>> -> memref<1x128x128xf32, #tpu.memory_space<vmem>>
      %get3A_888 = tpu.memref_squeeze %get3A_887 : memref<1x128x128xf32, #tpu.memory_space<vmem>> -> memref<128x128xf32, #tpu.memory_space<vmem>>
      %get3A_889 = arith.index_cast %scan3A_773 : i32 to index
      %get3A_890 = arith.constant 112 : index
      %get3A_891 = tpu.vector_load %get3A_888[%get3A_889, %get3A_890] {strides = array<i32>} : memref<128x128xf32, #tpu.memory_space<vmem>>, vector<16xf32>,
      %get3A_892 = arith.constant 0 : i32
      %get3A_893 = arith.constant 0 : i32
      %get3A_894 = tpu.memref_slice %arg12[%scan3A_365, %get3A_892, %get3A_893] : memref<2x128x128xf32, #tpu.memory_space<vmem>> -> memref<1x128x128xf32, #tpu.memory_space<vmem>>
      %get3A_895 = tpu.memref_squeeze %get3A_894 : memref<1x128x128xf32, #tpu.memory_space<vmem>> -> memref<128x128xf32, #tpu.memory_space<vmem>>
      %get3A_896 = arith.index_cast %scan3A_773 : i32 to index
      %get3A_897 = arith.constant 112 : index
      %get3A_898 = tpu.vector_load %get3A_895[%get3A_896, %get3A_897] {strides = array<i32>} : memref<128x128xf32, #tpu.memory_space<vmem>>, vector<16xf32>,
      %mul3A_899 = arith.mulf %get3A_891, %get3A_898 : vector<16xf32>
      %add3A_900 = arith.addf %add3A_884, %mul3A_899 : vector<16xf32>
      %swap3A_901 = arith.index_cast %scan3A_773 : i32 to index
      %swap3A_902 = arith.constant 0 : index
      %swap3A_903 = tpu.vector_load %arg16[%swap3A_901, %swap3A_902] {strides = array<i32>} : memref<128x17xf32, #tpu.memory_space<vmem>>, vector<16xf32>,
      tpu.vector_store %arg16[%swap3A_901, %swap3A_902], %add3A_900 {strides = array<i32>} : memref<128x17xf32, #tpu.memory_space<vmem>>, vector<16xf32>,
    }
    %scan3A_370 = arith.constant 128 : i32
    %scan3A_371 = arith.constant 0 : i32
    %scan3A_372 = arith.constant 0 : i32
    %scan3A_373 = arith.constant 8 : i32
    %scan3A_374 = arith.addi %scan3A_372, %scan3A_373 : i32
    %scan3A_375 = arith.constant 1 : i32
    scf.for %scan3A_379 = %scan3A_372 to %scan3A_374 step %scan3A_375  : i32 {
      %mul3A_380 = arith.constant 16 : i32
      %mul3A_381 = arith.muli %scan3A_379, %mul3A_380 : i32
      %add3A_382 = vector.broadcast %mul3A_381 : i32 to vector<16xi32>
      %add3A_383 = arith.addi %add3A_382, %iota3A_362 : vector<16xi32>
      %broadcast_in_dim3A = arith.constant 0 : i32
      %broadcast_in_dim3A_384 = vector.broadcast %broadcast_in_dim3A : i32 to vector<16xi32>
      %gather3A = tpu.vector_load_idx %arg16[%add3A_383, %broadcast_in_dim3A_384] : memref<128x17xf32, #tpu.memory_space<vmem>>[vector<16xi32>, vector<16xi32>], vector<16xf32>,
      %broadcast_in_dim3A_385 = arith.constant 1 : i32
      %broadcast_in_dim3A_386 = vector.broadcast %broadcast_in_dim3A_385 : i32 to vector<16xi32>
      %gather3A_387 = tpu.vector_load_idx %arg16[%add3A_383, %broadcast_in_dim3A_386] : memref<128x17xf32, #tpu.memory_space<vmem>>[vector<16xi32>, vector<16xi32>], vector<16xf32>,
      %add3A_388 = arith.addf %gather3A, %gather3A_387 : vector<16xf32>
      %broadcast_in_dim3A_389 = arith.constant 2 : i32
      %broadcast_in_dim3A_390 = vector.broadcast %broadcast_in_dim3A_389 : i32 to vector<16xi32>
      %gather3A_391 = tpu.vector_load_idx %arg16[%add3A_383, %broadcast_in_dim3A_390] : memref<128x17xf32, #tpu.memory_space<vmem>>[vector<16xi32>, vector<16xi32>], vector<16xf32>,
      %add3A_392 = arith.addf %add3A_388, %gather3A_391 : vector<16xf32>
      %broadcast_in_dim3A_393 = arith.constant 3 : i32
      %broadcast_in_dim3A_394 = vector.broadcast %broadcast_in_dim3A_393 : i32 to vector<16xi32>
      %gather3A_395 = tpu.vector_load_idx %arg16[%add3A_383, %broadcast_in_dim3A_394] : memref<128x17xf32, #tpu.memory_space<vmem>>[vector<16xi32>, vector<16xi32>], vector<16xf32>,
      %add3A_396 = arith.addf %add3A_392, %gather3A_395 : vector<16xf32>
      %broadcast_in_dim3A_397 = arith.constant 4 : i32
      %broadcast_in_dim3A_398 = vector.broadcast %broadcast_in_dim3A_397 : i32 to vector<16xi32>
      %gather3A_399 = tpu.vector_load_idx %arg16[%add3A_383, %broadcast_in_dim3A_398] : memref<128x17xf32, #tpu.memory_space<vmem>>[vector<16xi32>, vector<16xi32>], vector<16xf32>,
      %add3A_400 = arith.addf %add3A_396, %gather3A_399 : vector<16xf32>
      %broadcast_in_dim3A_401 = arith.constant 5 : i32
      %broadcast_in_dim3A_402 = vector.broadcast %broadcast_in_dim3A_401 : i32 to vector<16xi32>
      %gather3A_403 = tpu.vector_load_idx %arg16[%add3A_383, %broadcast_in_dim3A_402] : memref<128x17xf32, #tpu.memory_space<vmem>>[vector<16xi32>, vector<16xi32>], vector<16xf32>,
      %add3A_404 = arith.addf %add3A_400, %gather3A_403 : vector<16xf32>
      %broadcast_in_dim3A_405 = arith.constant 6 : i32
      %broadcast_in_dim3A_406 = vector.broadcast %broadcast_in_dim3A_405 : i32 to vector<16xi32>
      %gather3A_407 = tpu.vector_load_idx %arg16[%add3A_383, %broadcast_in_dim3A_406] : memref<128x17xf32, #tpu.memory_space<vmem>>[vector<16xi32>, vector<16xi32>], vector<16xf32>,
      %add3A_408 = arith.addf %add3A_404, %gather3A_407 : vector<16xf32>
      %broadcast_in_dim3A_409 = arith.constant 7 : i32
      %broadcast_in_dim3A_410 = vector.broadcast %broadcast_in_dim3A_409 : i32 to vector<16xi32>
      %gather3A_411 = tpu.vector_load_idx %arg16[%add3A_383, %broadcast_in_dim3A_410] : memref<128x17xf32, #tpu.memory_space<vmem>>[vector<16xi32>, vector<16xi32>], vector<16xf32>,
      %add3A_412 = arith.addf %add3A_408, %gather3A_411 : vector<16xf32>
      %broadcast_in_dim3A_413 = arith.constant 8 : i32
      %broadcast_in_dim3A_414 = vector.broadcast %broadcast_in_dim3A_413 : i32 to vector<16xi32>
      %gather3A_415 = tpu.vector_load_idx %arg16[%add3A_383, %broadcast_in_dim3A_414] : memref<128x17xf32, #tpu.memory_space<vmem>>[vector<16xi32>, vector<16xi32>], vector<16xf32>,
      %add3A_416 = arith.addf %add3A_412, %gather3A_415 : vector<16xf32>
      %broadcast_in_dim3A_417 = arith.constant 9 : i32
      %broadcast_in_dim3A_418 = vector.broadcast %broadcast_in_dim3A_417 : i32 to vector<16xi32>
      %gather3A_419 = tpu.vector_load_idx %arg16[%add3A_383, %broadcast_in_dim3A_418] : memref<128x17xf32, #tpu.memory_space<vmem>>[vector<16xi32>, vector<16xi32>], vector<16xf32>,
      %add3A_420 = arith.addf %add3A_416, %gather3A_419 : vector<16xf32>
      %broadcast_in_dim3A_421 = arith.constant 10 : i32
      %broadcast_in_dim3A_422 = vector.broadcast %broadcast_in_dim3A_421 : i32 to vector<16xi32>
      %gather3A_423 = tpu.vector_load_idx %arg16[%add3A_383, %broadcast_in_dim3A_422] : memref<128x17xf32, #tpu.memory_space<vmem>>[vector<16xi32>, vector<16xi32>], vector<16xf32>,
      %add3A_424 = arith.addf %add3A_420, %gather3A_423 : vector<16xf32>
      %broadcast_in_dim3A_425 = arith.constant 11 : i32
      %broadcast_in_dim3A_426 = vector.broadcast %broadcast_in_dim3A_425 : i32 to vector<16xi32>
      %gather3A_427 = tpu.vector_load_idx %arg16[%add3A_383, %broadcast_in_dim3A_426] : memref<128x17xf32, #tpu.memory_space<vmem>>[vector<16xi32>, vector<16xi32>], vector<16xf32>,
      %add3A_428 = arith.addf %add3A_424, %gather3A_427 : vector<16xf32>
      %broadcast_in_dim3A_429 = arith.constant 12 : i32
      %broadcast_in_dim3A_430 = vector.broadcast %broadcast_in_dim3A_429 : i32 to vector<16xi32>
      %gather3A_431 = tpu.vector_load_idx %arg16[%add3A_383, %broadcast_in_dim3A_430] : memref<128x17xf32, #tpu.memory_space<vmem>>[vector<16xi32>, vector<16xi32>], vector<16xf32>,
      %add3A_432 = arith.addf %add3A_428, %gather3A_431 : vector<16xf32>
      %broadcast_in_dim3A_433 = arith.constant 13 : i32
      %broadcast_in_dim3A_434 = vector.broadcast %broadcast_in_dim3A_433 : i32 to vector<16xi32>
      %gather3A_435 = tpu.vector_load_idx %arg16[%add3A_383, %broadcast_in_dim3A_434] : memref<128x17xf32, #tpu.memory_space<vmem>>[vector<16xi32>, vector<16xi32>], vector<16xf32>,
      %add3A_436 = arith.addf %add3A_432, %gather3A_435 : vector<16xf32>
      %broadcast_in_dim3A_437 = arith.constant 14 : i32
      %broadcast_in_dim3A_438 = vector.broadcast %broadcast_in_dim3A_437 : i32 to vector<16xi32>
      %gather3A_439 = tpu.vector_load_idx %arg16[%add3A_383, %broadcast_in_dim3A_438] : memref<128x17xf32, #tpu.memory_space<vmem>>[vector<16xi32>, vector<16xi32>], vector<16xf32>,
      %add3A_440 = arith.addf %add3A_436, %gather3A_439 : vector<16xf32>
      %broadcast_in_dim3A_441 = arith.constant 15 : i32
      %broadcast_in_dim3A_442 = vector.broadcast %broadcast_in_dim3A_441 : i32 to vector<16xi32>
      %gather3A_443 = tpu.vector_load_idx %arg16[%add3A_383, %broadcast_in_dim3A_442] : memref<128x17xf32, #tpu.memory_space<vmem>>[vector<16xi32>, vector<16xi32>], vector<16xf32>,
      %add3A_444 = arith.addf %add3A_440, %gather3A_443 : vector<16xf32>
      %mul3A_445 = arith.constant 16 : i32
      %mul3A_446 = arith.muli %scan3A_379, %mul3A_445 : i32
      %add3A_447 = arith.constant 384 : i32
      %add3A_448 = arith.addi %add3A_447, %mul3A_446 : i32
      %get3A = arith.index_cast %add3A_448 : i32 to index
      %get3A_449 = tpu.vector_load %arg13[%get3A] {strides = array<i32>} : memref<512xf32, #tpu.memory_space<vmem>>, vector<16xf32>,
      %add3A_450 = arith.addf %add3A_444, %get3A_449 : vector<16xf32>
      %get3A_451 = arith.index_cast %add3A_448 : i32 to index
      %get3A_452 = tpu.vector_load %arg14[%get3A_451] {strides = array<i32>} : memref<512xf32, #tpu.memory_space<vmem>>, vector<16xf32>,
      %add3A_453 = arith.addf %add3A_450, %get3A_452 : vector<16xf32>
      %swap3A = arith.index_cast %add3A_448 : i32 to index
      %swap3A_454 = tpu.vector_load %arg15[%swap3A] {strides = array<i32>} : memref<512xf32, #tpu.memory_space<vmem>>, vector<16xf32>,
      tpu.vector_store %arg15[%swap3A], %add3A_453 {strides = array<i32>} : memref<512xf32, #tpu.memory_space<vmem>>, vector<16xf32>,
    }
    %scan3A_376 = arith.constant 8 : i32
    %mul3A_377 = arith.constant 512 : i32
    %mul3A_378 = arith.muli %add3A, %mul3A_377 : i32
    "tpu.region"() ({
      %run_scoped3A = tpu.sem_alloc : memref<!tpu.dma_semaphore, #tpu.memory_space<semaphore_mem>>
      %dma_start3A_379 = tpu.memref_slice %arg8[%mul3A_378] : memref<16384xf32, #tpu.memory_space<hbm>> -> memref<512xf32, #tpu.memory_space<hbm>>
      %dma_start3A_380 = tpu.memref_slice %arg8[%mul3A_378] : memref<16384xf32, #tpu.memory_space<hbm>> -> memref<512xf32, #tpu.memory_space<hbm>>
      tpu.enqueue_dma source(%arg15 : memref<512xf32, #tpu.memory_space<vmem>>) target(%dma_start3A_380 : memref<512xf32, #tpu.memory_space<hbm>>) target_semaphore(%run_scoped3A : memref<!tpu.dma_semaphore, #tpu.memory_space<semaphore_mem>>)
      %dma_wait3A_381 = tpu.memref_slice %arg8[%mul3A_378] : memref<16384xf32, #tpu.memory_space<hbm>> -> memref<512xf32, #tpu.memory_space<hbm>>
      %dma_wait3A_382 = tpu.memref_slice %arg8[%mul3A_378] : memref<16384xf32, #tpu.memory_space<hbm>> -> memref<512xf32, #tpu.memory_space<hbm>>
      tpu.wait_dma2 semaphore(%run_scoped3A : memref<!tpu.dma_semaphore, #tpu.memory_space<semaphore_mem>>) src(%arg15 : memref<512xf32, #tpu.memory_space<vmem>>) dst(%dma_wait3A_382 : memref<512xf32, #tpu.memory_space<hbm>>)
      tpu.yield
    }) : () -> ()
    return
  }
}

</mosaic_0001>

<sc_bundles>
// kernel: kernel.3.cloned.1.call-start
scs
__scs_entry_jumppad:
0x0: {  	(pc) =	sbr.rel $0x88, $3  }
0x1: {  	(tag) =	ssettag $0x0;
	lr =	simm.s32 $0x1  }
0x2: {  	[smem:$0x3F9B] =	sst lr;
	_ =	strace $0xD0000000  }
0x3: {  	_ = 	snop  }
0x4: {  	_ = 	snop  }
0x5: {  	_ = 	snop  }
0x6: {  	_ = 	snop  }
0x7: {  	_ = 	snop  }
__scs_overlays_trampoline_lowered:
0x8: {  	[smem:$0x3FAA] =	sst s0  }
0x9: {  	[smem:$0x3FAB] =	sst s1  }
0xa: {  	[smem:$0x3FAC] =	sst s2  }
0xb: {  	[smem:$0x3FAD] =	sst s3  }
0xc: {  	[smem:$0x3FAE] =	sst s4  }
0xd: {  	[smem:$0x3FAF] =	sst s5  }
0xe: {  	[smem:$0x3FB0] =	sst s6  }
0xf: {  	[smem:$0x3FB1] =	sst s7  }
0x10: {  	[smem:$0x3FB2] =	sst s8  }
0x11: {  	[smem:$0x3FB3] =	sst s9;
	s0 =	simm.s32 @!p0 $0x0  }
0x12: {  	s1 =	sld [smem:$0x3F99];
	s0 =	simm.s32 @p0 $0x1  }
0x13: {  	[smem:$0x3FB4] =	sst s0;
	s0 =	simm.s32 @!p1 $0x0  }
0x14: {  	s2 =	sld [smem:$0x3F98];
	s0 =	simm.s32 @p1 $0x1  }
0x15: {  	[smem:$0x3FB5] =	sst s0;
	s0 =	simm.s32 @!p2 $0x0  }
0x16: {  	s3 =	sld [smem:$0x3FDB];
	s0 =	simm.s32 @p2 $0x1  }
0x17: {  	s4 =	simm.s32 $0x1BF5;
	[smem:$0x3FB7] =	sst s0  }
0x18: {  	s0 =	sld [smem:$0x3F9A];
	_ =	swait.ge [sflag:s4], $0x0  }
0x19: {  	s7 =	sld [smem:$0x3F9B]  }
0x1a: {  	s8 =	sadd.s32 $0xFFFFE003, lr  }
0x1b: {  	s9 =	sadd.s32 $0xFFFFFEF7, lr;
	s5 =	simm.s32 $0xFFFFFFFF;
	p2 =	slt.u32 s8, $0xFFFFF086  }
0x1c: {  	p1 =	slt.u32 s9, $0xF7A;
	s5 =	simm.s32 @!p2 $0x0  }
0x1d: {  	s5 =	simm.s32 @p1 $0x1;
	p0 =	seq.s32 s7, s2  }
0x1e: {  	s7 =	smul.u32 @!p0 $0xF7A, s2;
	p2 =	seq.s32 @!p0 s5, $0x0  }
0x1f: {  	s9 =	smul.u32 $0xF7A, s1;
	s8 =	simm.s32 @!p0 $0x1BF5;
	p2 =	por !p2, p0  }
0x20: {  	[sflag:s8] =	ssyncset.s32 @!p0 $0xFFFFF086;
	s6 =	sadd.s32 @!p0 s3, s7;
	s7 =	simm.s32 @!p0 $0x108  }
0x21: {  	s3 =	sadd.s32 s3, s9;
	s6 =	sadd.s32 @!p0 $0x88, s6;
	s7 =	simm.s32 @p2 $0x1082  }
0x22: {  	[simem:s7], [sflag:s8] =	dma.local @!p0 [hbm:s6], $0xF7A  }
0x23: {  	s9 =	sor.u32 $0xD0000000, s2;
	s6 =	simm.s32 $0x108;
	_ =	swait.ge @!p0 [sflag:s8], $0x0  }
0x24: {  	s3 =	sadd.s32 $0x88, s3;
	s6 =	simm.s32 @!p1 $0x1082;
	[sflag:s4] =	ssyncset.s32 $0xFFFFF086  }
0x25: {  	[simem:s6], [sflag:s4] =	dma.local [hbm:s3], $0xF7A  }
0x26: {  	[smem:$0x3F9B] =	sst s1;
	(tag) =	ssettag s2;
	_ =	strace s9  }
0x27: {  	s1 =	sld [smem:$0x3FAB]  }
0x28: {  	s2 =	sld [smem:$0x3FAC]  }
0x29: {  	s4 =	sld [smem:$0x3FAE]  }
0x2a: {  	p0 =	seq.s32 s5, $0x0;
	s5 =	sld [smem:$0x3FAF]  }
0x2b: {  	s6 =	sld [smem:$0x3FB0]  }
0x2c: {  	s7 =	sld [smem:$0x3FB1]  }
0x2d: {  	s3 =	simm.s32 $0x108;
	s8 =	sld [smem:$0x3FB2]  }
0x2e: {  	s3 =	simm.s32 @!p0 $0x1082;
	s9 =	sld [smem:$0x3FB3]  }
0x2f: {  	lr =	sadd.s32 s0, s3;
	s0 =	sld [smem:$0x3FAA]  }
0x30: {  	s3 =	sld [smem:$0x3FAD]  }
0x31: {  	[smem:$0x3FB6] =	sst s10  }
0x32: {  	s10 =	sld [smem:$0x3FB4];
	_ =	sdelay $0x3  }
0x33: {  	p0 =	seq.s32 s10, $0x1;
	s10 =	sld [smem:$0x3FB6];
	_ =	sdelay $0x3  }
0x34: {  	[smem:$0x3FB6] =	sst s10  }
0x35: {  	s10 =	sld [smem:$0x3FB5];
	_ =	sdelay $0x3  }
0x36: {  	p1 =	seq.s32 s10, $0x1;
	s10 =	sld [smem:$0x3FB6];
	_ =	sdelay $0x3  }
0x37: {  	[smem:$0x3FB6] =	sst s10  }
0x38: {  	s10 =	sld [smem:$0x3FB7]  }
0x39: {  	_ = 	snop;
	(pc) =	sbr.ind lr, $3  }
0x3a: {  	_ = 	snop  }
0x3b: {  	_ = 	snop  }
0x3c: {  	p2 =	seq.s32 s10, $0x1;
	s10 =	sld [smem:$0x3FB6]  }
0x3d: {  	_ =	shalt  }
0x3e: {  	_ =	shalt  }
0x3f: {  	_ =	shalt  }
0x40: {  	_ =	shalt  }
0x41: {  	_ =	shalt  }
0x42: {  	_ =	shalt  }
0x43: {  	_ =	shalt  }
0x44: {  	_ =	shalt  }
0x45: {  	_ =	shalt  }
0x46: {  	_ =	shalt  }
0x47: {  	_ =	shalt  }
0x48: {  	_ =	shalt  }
0x49: {  	_ =	shalt  }
0x4a: {  	_ =	shalt  }
0x4b: {  	_ =	shalt  }
0x4c: {  	_ =	shalt  }
0x4d: {  	_ =	shalt  }
0x4e: {  	_ =	shalt  }
0x4f: {  	_ =	shalt  }
0x50: {  	_ =	shalt  }
0x51: {  	_ =	shalt  }
0x52: {  	_ =	shalt  }
0x53: {  	_ =	shalt  }
0x54: {  	_ =	shalt  }
0x55: {  	_ =	shalt  }
0x56: {  	_ =	shalt  }
0x57: {  	_ =	shalt  }
0x58: {  	_ =	shalt  }
0x59: {  	_ =	shalt  }
0x5a: {  	_ =	shalt  }
0x5b: {  	_ =	shalt  }
0x5c: {  	_ =	shalt  }
0x5d: {  	_ =	shalt  }
0x5e: {  	_ =	shalt  }
0x5f: {  	_ =	shalt  }
0x60: {  	_ =	shalt  }
0x61: {  	_ =	shalt  }
0x62: {  	_ =	shalt  }
0x63: {  	_ =	shalt  }
0x64: {  	_ =	shalt  }
0x65: {  	_ =	shalt  }
0x66: {  	_ =	shalt  }
0x67: {  	_ =	shalt  }
0x68: {  	_ =	shalt  }
0x69: {  	_ =	shalt  }
0x6a: {  	_ =	shalt  }
0x6b: {  	_ =	shalt  }
0x6c: {  	_ =	shalt  }
0x6d: {  	_ =	shalt  }
0x6e: {  	_ =	shalt  }
0x6f: {  	_ =	shalt  }
0x70: {  	_ =	shalt  }
0x71: {  	_ =	shalt  }
0x72: {  	_ =	shalt  }
0x73: {  	_ =	shalt  }
0x74: {  	_ =	shalt  }
0x75: {  	_ =	shalt  }
0x76: {  	_ =	shalt  }
0x77: {  	_ =	shalt  }
0x78: {  	_ =	shalt  }
0x79: {  	_ =	shalt  }
0x7a: {  	_ =	shalt  }
0x7b: {  	_ =	shalt  }
0x7c: {  	_ =	shalt  }
0x7d: {  	_ =	shalt  }
0x7e: {  	_ =	shalt  }
0x7f: {  	_ =	shalt  }
0x80: {  	_ =	shalt  }
0x81: {  	_ =	shalt  }
0x82: {  	_ =	shalt  }
0x83: {  	_ =	shalt  }
0x84: {  	_ =	shalt  }
0x85: {  	_ =	shalt  }
0x86: {  	_ =	shalt  }
0x87: {  	_ =	shalt  }
.Lfunc_end0:
.L_simem_size_0:
called_computation_lowered:
.L_overlay_start_0:
0x88: {  	s2 =	sld [smem:$0x3FD9]  }
0x89: {  	s3 =	sld [smem:$0x3FFE];
	_ =	sdelay $0x1  }
0x8a: {  	s1 =	srdreg.scid  }
0x8b: {  	s0 =	sand.u32 $0x1, s1  }
0x8c: {  	s17 =	sshll.u32 s0, $0xA;
	s2 =	sadd.s32 s3, s2  }
0x8d: {  	s2 =	sadd.s32 s2, s17  }
0x8e: {  	[smem:$0x3FC2] =	sst s2  }
0x8f: {  	_ = 	snop  }
0x90: {  	s2 =	sld [smem:$0x3FC9]  }
0x91: {  	s18 =	sld [smem:$0x3FC8]  }
0x92: {  	s4 =	sld [smem:$0x3FC7]  }
0x93: {  	s5 =	sld [smem:$0x3FC6]  }
0x94: {  	s6 =	sld [smem:$0x3FD0];
	(tm) =	ssettm $0x1  }
0x95: {  	s7 =	sld [smem:$0x3FFB];
	_ =	sdelay $0x3  }
0x96: {  	_ =	strace s7  }
0x97: {  	s7 =	sld [smem:$0x3FFC];
	_ =	sdelay $0x3  }
0x98: {  	_ =	strace s7  }
0x99: {  	s7 =	sld [smem:$0x3FFD];
	_ =	sdelay $0x3  }
0x9a: {  	_ =	strace s7  }
0x9b: {  	_ =	strace $0x8FFFFFFF  }
0x9c: {  	s19 =	sld [smem:$0x3FDB];
	_ =	sdelay $0x1  }
0x9d: {  	s8 =	simm.s32 $_scs_section_size  }
0x9e: {  	s9 =	simm.s32 $_size__tile_overlayer_lowered;
	s10 =	simm.s32 $_tile_overlayer_lowered  }
0x9f: {  	s22 =	simm.s32 $0x1BFF;
	s21 =	sshll.u32 s10, $0x1;
	s7 =	sadd.s32 s8, s19  }
0xa0: {  	s11 =	simm.s32 $0x0;
	s20 =	sshll.u32 s9, $0x1;
	s9 =	sadd.s32 s21, s7  }
0xa1: {  	[timem:s11], [sflag:s22] =	dma.local [hbm:s9], s20  }
0xa2: {  	_ =	swait.ge [sflag:s22], s20  }
0xa3: {  	s8 =	ssub.s32 $0x0, s20;
	[sflag:s22] =	ssyncset.done $0x0  }
0xa4: {  	[sflag:s22] =	ssyncadd.s32 s8;
	_ =	sdelay $0x1  }
0xa5: {  	s23 =	simm.s32 $0x1B8B  }
0xa6: {  	_ =	swait.ge [sflag:s23], $0x1  }
0xa7: {  	[sflag:s23] =	ssyncset.done $0x0  }
0xa8: {  	s25 =	simm.s32 $0x1B8E;
	s24 =	sld [smem:$0x3FFE];
	[sflag:s23] =	ssyncadd.s32 $0xFFFFFFFF  }
0xa9: {  	s26 =	simm.s32 $execute0_lowered;
	[smem:$0x3FD2] =	sst s25  }
0xaa: {  	s9 =	sshll.u32 s26, $0x1;
	_ =	strace $0x80000046;
	[dreg:$0x1] =	wrdreg $0xFFFFFFFF  }
0xab: {  	s28 =	simm.s32 $_size_execute0_lowered;
	s7 =	sadd.s32 s7, s9;
	[dreg:$0x0] =	wrdreg $0x0  }
0xac: {  	s9 =	sshll.u32 s28, $0x1;
	[dreg:$0x2] =	wrdreg s7  }
0xad: {  	[dreg:$0x3] =	wrdreg s9  }
0xae: {  	[dreg:$0x4] =	wrdreg $0xC0  }
0xaf: {  	_ =	task [dreg:s11], $0x5FFFF  }
0xb0: {  	[dreg:$0x1] =	wrdreg $0xFFFFFFFF  }
0xb1: {  	[dreg:$0x0] =	wrdreg $0x60  }
0xb2: {  	[dreg:$0x2] =	wrdreg s2  }
0xb3: {  	[dreg:$0x3] =	wrdreg s18  }
0xb4: {  	[dreg:$0x4] =	wrdreg s4  }
0xb5: {  	[dreg:$0x5] =	wrdreg s5  }
0xb6: {  	[dreg:$0x6] =	wrdreg s24  }
0xb7: {  	[dreg:$0x7] =	wrdreg s6  }
0xb8: {  	[dreg:$0x8] =	wrdreg $0x9  }
0xb9: {  	_ =	task.clear_ibuf [dreg:s11], $0x9FFFF;
	_ =	strace $0x90000046  }
0xba: {  	s29 =	simm.s32 $0x9;
	_ =	strace $0x80000048  }
0xbb: {  	_ =	swait.ge [sflag:s29], $0x1  }
0xbc: {  	[sflag:s29] =	ssyncadd.s32 $0xFFFFFFFF  }
0xbd: {  	_ =	strace $0x90000048  }
0xbe: {  	_ =	sfence  }
0xbf: {  	s30 =	sld [smem:$0x0];
	_ =	sdelay $0x2  }
0xc0: {  	s31 =	sshll.u32 s1, $0xD;
	s1 =	sshrl.u32 s1, $0x2  }
0xc1: {  	s3 =	sand.u32 $0x4000, s31;
	s1 =	sadd.s32 s1, s30  }
0xc2: {  	s0 =	sor.u32 s3, s0;
	s1 =	sshll.u32 s1, $0x11  }
0xc3: {  	s0 =	sor.u32 s1, s0  }
0xc4: {  	s0 =	sadd.s32 $0x8F2B, s0  }
0xc5: {  	[sflag:s0] =	ssyncadd.remote.s32 $0x1  }
0xc6: {  	_ =	sfence.sel $0xFFFF  }
0xc7: {  	[dreg:$0x0] =	wrdreg $0xFFFFFFFF;
	(pc) =	sbr.abs _section_cstart, $3  }
0xc8: {  	[dreg:$0x1] =	wrdreg $0xFFFFFFFF  }
0xc9: {  	_ =	task.clear_ibuf [dreg:s11], $0x2FFFF;
	_ =	strace $0x9FFFFFFF  }
0xca: {  	(tm) =	ssettm $0x7FFFFFFF  }
0xcb: {  	_ =	shalt  }
tec
execute0_lowered:
.L_overlay_start_1:
0x0: {  	(tag) =	ssettag $0x1  }
0x1: {  	s0 =	rddreg [dreg:$0x0]  }
0x2: {  	s4 =	rddreg [dreg:$0x1]  }
0x3: {  	s1 =	rddreg [dreg:$0x2]  }
0x4: {  	s2 =	rddreg [dreg:$0x3]  }
0x5: {  	s3 =	rddreg [dreg:$0x4]  }
0x6: {  	s9 =	rddreg [dreg:$0x5];
	s5 =	simm.s32 $0x0  }
0x7: {  	s6 =	srdreg.scid;
	s8 =	stileid.u32;
	s12 =	simm.s32 $0x200  }
0x8: {  	s13 =	simm.s32 $0x80;
	s25 =	simm.s32 $0x400;
	s28 =	simm.s32 $0x8400  }
0x9: {  	s29 =	simm.s32 $0x100;
	s30 =	simm.s32 $0x1;
	s31 =	simm.s32 $0x3  }
0xa: {  	s16 =	simm.s32 $0x5;
	s17 =	simm.s32 $0x10A00;
	s18 =	simm.s32 $0x2  }
0xb: {  	s20 =	simm.s32 $0x4;
	s24 =	simm.s32 $0x0;
	s6 =	sand.u32 $0x1, s6  }
0xc: {  	[smem:$0x7FF] =	sst s5;
	s8 =	sshll.u32 s8, $0x7;
	s7 =	ssub.s32 $0x2, s6  }
0xd: {  	_ =	strace $0x80000047;
	s10 =	sshll.u32 s6, $0x6;
	s11 =	sshrl.u32 s7, $0x1  }
0xe: {  	v0 =	vlaneseq.u32;
	s6 =	sadd.s32 $0x3200, s3;
	s10 =	sor.u32 s10, s8;
	s11 =	ssub.s32 s7, s11  }
0xf: {  	v0 =	vmul.u32 $0x80, v0;
	s7 =	sadd.s32 s0, s10;
	s8 =	sadd.s32 s4, s10;
	s9 =	sadd.s32 s9, s10  }
0x10: {  	s4 =	simm.s32 $0xC400;
	s10 =	smax.u32 s11, $0x1;
	s11 =	simm.s32 $0x6  }
.LBB2_1:
0x11: {  	[tilespmem:s5], [sflag:$0x6] =	stream.linear.gather [hbm4b:s7+s5], $0x200, $0x38;
	[tilespmem:$0x14A00] =	vst v63  }
0x12: {  	_ =	swait.ge [sflag:s11], $0x200  }
0x13: {  	[sflag:s11] =	ssyncset.done $0x0  }
0x14: {  	[sflag:s11] =	ssyncadd.s32 $0xFFFFFE00  }
0x15: {  	[tilespmem:s12], [sflag:$0x6] =	stream.linear.gather [hbm4b:s8+s5], $0x200, $0x38;
	[tilespmem:$0x14A00] =	vst v63  }
0x16: {  	_ =	swait.ge [sflag:s11], $0x200  }
0x17: {  	[sflag:s11] =	ssyncset.done $0x0  }
0x18: {  	[sflag:s11] =	ssyncadd.s32 $0xFFFFFE00  }
0x19: {  	[tilespmem:s25], [sflag:$0x1] =	stream.indirect.gather [hbm4b:s1+s13], $0x80, s5, s13, $0xb8;
	[tilespmem:$0x14A00] =	vst v63  }
0x1a: {  	_ = 	snop  }
0x1b: {  	[tilespmem:s28], [sflag:$0x3] =	stream.indirect.gather [hbm4b:s2+s13], $0x80, s12, s13, $0xb8;
	[tilespmem:$0x14A00] =	vst v63  }
0x1c: {  	s0 =	simm.s32 $0x10400  }
0x1d: {  	[tilespmem:s0], [sflag:$0x5] =	stream.indirect.gather [hbm4b:s3+s13], $0x1, s5, s13, $0xb8;
	[tilespmem:$0x14A00] =	vst v63  }
0x1e: {  	s21 =	simm.s32 $0x10600  }
0x1f: {  	[tilespmem:s21], [sflag:$0x5] =	stream.indirect.gather [hbm4b:s6+s13], $0x1, s12, s13, $0xb8;
	[tilespmem:$0x14A00] =	vst v63  }
0x20: {  	s22 =	simm.s32 $0x10480  }
0x21: {  	[tilespmem:s22], [sflag:$0x5] =	stream.indirect.gather [hbm4b:s3+s13], $0x1, s13, s13, $0xb8;
	[tilespmem:$0x14A00] =	vst v63  }
0x22: {  	s14 =	simm.s32 $0x10680;
	s0 =	simm.s32 $0x280  }
0x23: {  	[tilespmem:s14], [sflag:$0x5] =	stream.indirect.gather [hbm4b:s6+s13], $0x1, s0, s13, $0xb8;
	[tilespmem:$0x14A00] =	vst v63  }
0x24: {  	s23 =	simm.s32 $0x10500  }
0x25: {  	[tilespmem:s23], [sflag:$0x5] =	stream.indirect.gather [hbm4b:s3+s13], $0x1, s29, s13, $0xb8;
	[tilespmem:$0x14A00] =	vst v63  }
0x26: {  	s26 =	simm.s32 $0x300;
	s15 =	simm.s32 $0x10700  }
0x27: {  	[tilespmem:s15], [sflag:$0x5] =	stream.indirect.gather [hbm4b:s6+s13], $0x1, s26, s13, $0xb8;
	[tilespmem:$0x14A00] =	vst v63  }
0x28: {  	s19 =	simm.s32 $0x180;
	s21 =	simm.s32 $0x10580  }
0x29: {  	[tilespmem:s21], [sflag:$0x5] =	stream.indirect.gather [hbm4b:s3+s13], $0x1, s19, s13, $0xb8;
	[tilespmem:$0x14A00] =	vst v63  }
0x2a: {  	s22 =	simm.s32 $0x380;
	s23 =	simm.s32 $0x10780  }
0x2b: {  	[tilespmem:s23], [sflag:$0x5] =	stream.indirect.gather [hbm4b:s6+s13], $0x1, s22, s13, $0xb8;
	[tilespmem:$0x14A00] =	vst v63  }
0x2c: {  	_ =	swait.ge [sflag:s30], $0x4000  }
0x2d: {  	[sflag:s30] =	ssyncset.done $0x0  }
0x2e: {  	[sflag:s30] =	ssyncadd.s32 $0xFFFFC000  }
0x2f: {  	_ =	swait.ge [sflag:s31], $0x4000  }
0x30: {  	[sflag:s31] =	ssyncset.done $0x0  }
0x31: {  	s26 =	simm.s32 $0x4400;
	[sflag:s31] =	ssyncadd.s32 $0xFFFFC000  }
0x32: {  	[tilespmem:s26], [sflag:$0x2] =	stream.indirect.gather [hbm4b:s1+s13], $0x80, s13, s13, $0xb8;
	[tilespmem:$0x14A00] =	vst v63  }
0x33: {  	s22 =	simm.s32 $0x500  }
0x34: {  	[tilespmem:s4], [sflag:$0x4] =	stream.indirect.gather [hbm4b:s2+s13], $0x80, s0, s13, $0xb8;
	[tilespmem:$0x14A00] =	vst v63  }
0x35: {  	s26 =	simm.s32 $0x8500;
	v1 =	vld [tilespmem:s22+$0xFFFFFF00]  }
0x36: {  	v2 =	vld [tilespmem:s26+$0xFFFFFF00]  }
0x37: {  	v3 =	vld [tilespmem:s22+$0xFFFFFF10]  }
0x38: {  	v4 =	vld [tilespmem:s26+$0xFFFFFF10]  }
0x39: {  	v5 =	vld [tilespmem:s26+$0xFFFFFF20]  }
0x3a: {  	v6 =	vld [tilespmem:s22+$0xFFFFFF20]  }
0x3b: {  	v7 =	vld [tilespmem:s26+$0xFFFFFF30]  }
0x3c: {  	v8 =	vld [tilespmem:s22+$0xFFFFFF30]  }
0x3d: {  	v1 =	vmul.f32 v2, v1;
	v2 =	vmul.f32 v4, v3;
	v3 =	vld [tilespmem:s26+$0xFFFFFF40]  }
0x3e: {  	v4 =	vld [tilespmem:s22+$0xFFFFFF40]  }
0x3f: {  	v1 =	vadd.f32 v2, v1;
	v2 =	vmul.f32 v5, v6;
	v5 =	vld [tilespmem:s26+$0xFFFFFF50]  }
0x40: {  	v6 =	vld [tilespmem:s22+$0xFFFFFF50]  }
0x41: {  	v1 =	vadd.f32 v2, v1;
	v2 =	vmul.f32 v7, v8;
	v7 =	vld [tilespmem:s26+$0xFFFFFF60]  }
0x42: {  	v8 =	vld [tilespmem:s22+$0xFFFFFF60]  }
0x43: {  	v1 =	vadd.f32 v2, v1;
	v2 =	vmul.f32 v3, v4;
	v3 =	vld [tilespmem:s26+$0xFFFFFF70]  }
0x44: {  	v4 =	vld [tilespmem:s22+$0xFFFFFF70]  }
0x45: {  	v1 =	vadd.f32 v2, v1;
	v2 =	vmul.f32 v5, v6;
	_ =	sdelay $0x1  }
0x46: {  	v1 =	vadd.f32 v2, v1;
	v2 =	vmul.f32 v7, v8;
	_ =	sdelay $0x1  }
0x47: {  	v1 =	vadd.f32 v2, v1;
	v2 =	vmul.f32 v3, v4;
	_ =	sdelay $0x1  }
0x48: {  	v1 =	vadd.f32 v2, v1  }
0x49: {  	s14 =	simm.s32 $0x10B00  }
0x4a: {  	[tilespmem:s14+$0xFFFFFF00] =	vst v1  }
0x4b: {  	v1 =	vld [tilespmem:s22+$0xFFFFFF80]  }
0x4c: {  	v2 =	vld [tilespmem:s26+$0xFFFFFF80]  }
0x4d: {  	v3 =	vld [tilespmem:s26+$0xFFFFFF90]  }
0x4e: {  	v4 =	vld [tilespmem:s22+$0xFFFFFF90]  }
0x4f: {  	v5 =	vld [tilespmem:s26+$0xFFFFFFA0]  }
0x50: {  	v6 =	vld [tilespmem:s22+$0xFFFFFFA0]  }
0x51: {  	v7 =	vld [tilespmem:s26+$0xFFFFFFB0]  }
0x52: {  	v8 =	vld [tilespmem:s22+$0xFFFFFFB0]  }
0x53: {  	v1 =	vmul.f32 v2, v1;
	v2 =	vmul.f32 v3, v4;
	v3 =	vld [tilespmem:s26+$0xFFFFFFC0]  }
0x54: {  	v4 =	vld [tilespmem:s22+$0xFFFFFFC0]  }
0x55: {  	v1 =	vadd.f32 v2, v1;
	v2 =	vmul.f32 v5, v6;
	v5 =	vld [tilespmem:s26+$0xFFFFFFD0]  }
0x56: {  	v6 =	vld [tilespmem:s22+$0xFFFFFFD0]  }
0x57: {  	v1 =	vadd.f32 v2, v1;
	v2 =	vmul.f32 v7, v8;
	v7 =	vld [tilespmem:s26+$0xFFFFFFE0]  }
0x58: {  	v8 =	vld [tilespmem:s22+$0xFFFFFFE0]  }
0x59: {  	v1 =	vadd.f32 v2, v1;
	v2 =	vmul.f32 v3, v4;
	v3 =	vld [tilespmem:s26+$0xFFFFFFF0]  }
0x5a: {  	v4 =	vld [tilespmem:s22+$0xFFFFFFF0]  }
0x5b: {  	v1 =	vadd.f32 v2, v1;
	v2 =	vmul.f32 v5, v6;
	_ =	sdelay $0x1  }
0x5c: {  	v1 =	vadd.f32 v2, v1;
	v2 =	vmul.f32 v7, v8;
	_ =	sdelay $0x1  }
0x5d: {  	v1 =	vadd.f32 v2, v1;
	v2 =	vmul.f32 v3, v4;
	_ =	sdelay $0x1  }
0x5e: {  	v1 =	vadd.f32 v2, v1;
	_ =	sdelay $0x1  }
0x5f: {  	[tilespmem:s14+$0xFFFFFF80] =	vst v1  }
0x60: {  	v1 =	vld [tilespmem:s22+$0x0]  }
0x61: {  	v2 =	vld [tilespmem:s26+$0x0]  }
0x62: {  	v3 =	vld [tilespmem:s26+$0x10]  }
0x63: {  	v4 =	vld [tilespmem:s22+$0x10]  }
0x64: {  	v5 =	vld [tilespmem:s26+$0x20]  }
0x65: {  	v6 =	vld [tilespmem:s22+$0x20]  }
0x66: {  	v7 =	vld [tilespmem:s26+$0x30]  }
0x67: {  	v8 =	vld [tilespmem:s22+$0x30]  }
0x68: {  	v1 =	vmul.f32 v2, v1;
	v2 =	vmul.f32 v3, v4;
	v3 =	vld [tilespmem:s26+$0x40]  }
0x69: {  	v4 =	vld [tilespmem:s22+$0x40]  }
0x6a: {  	v1 =	vadd.f32 v2, v1;
	v2 =	vmul.f32 v5, v6;
	v5 =	vld [tilespmem:s26+$0x50]  }
0x6b: {  	v6 =	vld [tilespmem:s22+$0x50]  }
0x6c: {  	v1 =	vadd.f32 v2, v1;
	v2 =	vmul.f32 v7, v8;
	v7 =	vld [tilespmem:s26+$0x60]  }
0x6d: {  	v8 =	vld [tilespmem:s22+$0x60]  }
0x6e: {  	v1 =	vadd.f32 v2, v1;
	v2 =	vmul.f32 v3, v4;
	v3 =	vld [tilespmem:s26+$0x70]  }
0x6f: {  	v4 =	vld [tilespmem:s22+$0x70]  }
0x70: {  	v1 =	vadd.f32 v2, v1;
	v2 =	vmul.f32 v5, v6;
	_ =	sdelay $0x1  }
0x71: {  	v1 =	vadd.f32 v2, v1;
	v2 =	vmul.f32 v7, v8;
	_ =	sdelay $0x1  }
0x72: {  	v1 =	vadd.f32 v2, v1;
	v2 =	vmul.f32 v3, v4;
	_ =	sdelay $0x1  }
0x73: {  	v1 =	vadd.f32 v2, v1;
	_ =	sdelay $0x1  }
0x74: {  	[tilespmem:s14+$0x0] =	vst v1  }
0x75: {  	v1 =	vld [tilespmem:s22+$0x80]  }
0x76: {  	v3 =	vld [tilespmem:s26+$0x90]  }
0x77: {  	v5 =	vld [tilespmem:s22+$0x90]  }
0x78: {  	v7 =	vld [tilespmem:s26+$0x80]  }
0x79: {  	v8 =	vld [tilespmem:s22+$0xA0]  }
0x7a: {  	v9 =	vld [tilespmem:s26+$0xA0]  }
0x7b: {  	v4 =	vld [tilespmem:s22+$0xB0]  }
0x7c: {  	v6 =	vld [tilespmem:s26+$0xB0]  }
0x7d: {  	v2 =	vld [tilespmem:s22+$0xC0];
	v3 =	vmul.f32 v3, v5;
	v7 =	vmul.f32 v7, v1  }
0x7e: {  	v5 =	vld [tilespmem:s26+$0xC0]  }
0x7f: {  	s15 =	simm.s32 $0x10B00;
	v1 =	vld [tilespmem:s22+$0xD0];
	v8 =	vmul.f32 v9, v8;
	v7 =	vadd.f32 v3, v7  }
0x80: {  	s19 =	simm.s32 $0x0;
	s21 =	simm.s32 $0x8700;
	s23 =	simm.s32 $0x500;
	v3 =	vld [tilespmem:s26+$0xD0]  }
.LBB2_2:
0x81: {  	s19 =	sadd.s32 $0x4, s19;
	v7 =	vadd.f32 v8, v7;
	v4 =	vmul.f32 v6, v4;
	v6 =	vld [tilespmem:s22+$0xE0];
	s14 =	sadd.s32 $0x200, s14;
	s23 =	sadd.s32 $0x200, s23  }
0x82: {  	p0 =	slt.u32 s19, $0x7C;
	v8 =	vld [tilespmem:s26+$0xE0]  }
0x83: {  	v4 =	vadd.f32 v4, v7;
	v2 =	vmul.f32 v5, v2;
	v5 =	vld [tilespmem:s22+$0xF0];
	s22 =	smov.u32 s23  }
0x84: {  	v7 =	vld [tilespmem:s26+$0xF0];
	s26 =	smov.u32 s21  }
0x85: {  	v2 =	vadd.f32 v2, v4;
	v1 =	vmul.f32 v3, v1;
	_ =	sdelay $0x1  }
0x86: {  	v1 =	vadd.f32 v1, v2;
	v2 =	vmul.f32 v8, v6;
	_ =	sdelay $0x1  }
0x87: {  	v1 =	vadd.f32 v2, v1;
	v2 =	vmul.f32 v7, v5;
	_ =	sdelay $0x1  }
0x88: {  	v1 =	vadd.f32 v2, v1;
	_ =	sdelay $0x1  }
0x89: {  	[tilespmem:s15+$0x80] =	vst v1;
	s15 =	smov.u32 s14  }
0x8a: {  	v1 =	vld [tilespmem:s23+$0xFFFFFF00]  }
0x8b: {  	v2 =	vld [tilespmem:s21+$0xFFFFFF00]  }
0x8c: {  	v3 =	vld [tilespmem:s23+$0xFFFFFF10]  }
0x8d: {  	v4 =	vld [tilespmem:s21+$0xFFFFFF10]  }
0x8e: {  	v5 =	vld [tilespmem:s21+$0xFFFFFF20]  }
0x8f: {  	v6 =	vld [tilespmem:s23+$0xFFFFFF20]  }
0x90: {  	v7 =	vld [tilespmem:s21+$0xFFFFFF30]  }
0x91: {  	v8 =	vld [tilespmem:s23+$0xFFFFFF30]  }
0x92: {  	v1 =	vmul.f32 v2, v1;
	v2 =	vmul.f32 v4, v3;
	v3 =	vld [tilespmem:s21+$0xFFFFFF40]  }
0x93: {  	v4 =	vld [tilespmem:s23+$0xFFFFFF40]  }
0x94: {  	v1 =	vadd.f32 v2, v1;
	v2 =	vmul.f32 v5, v6;
	v5 =	vld [tilespmem:s21+$0xFFFFFF50]  }
0x95: {  	v6 =	vld [tilespmem:s23+$0xFFFFFF50]  }
0x96: {  	v1 =	vadd.f32 v2, v1;
	v2 =	vmul.f32 v7, v8;
	v7 =	vld [tilespmem:s21+$0xFFFFFF60]  }
0x97: {  	v8 =	vld [tilespmem:s23+$0xFFFFFF60]  }
0x98: {  	v1 =	vadd.f32 v2, v1;
	v2 =	vmul.f32 v3, v4;
	v3 =	vld [tilespmem:s21+$0xFFFFFF70]  }
0x99: {  	v4 =	vld [tilespmem:s23+$0xFFFFFF70]  }
0x9a: {  	v1 =	vadd.f32 v2, v1;
	v2 =	vmul.f32 v5, v6;
	_ =	sdelay $0x1  }
0x9b: {  	v1 =	vadd.f32 v2, v1;
	v2 =	vmul.f32 v7, v8;
	_ =	sdelay $0x1  }
0x9c: {  	v1 =	vadd.f32 v2, v1;
	v2 =	vmul.f32 v3, v4;
	_ =	sdelay $0x1  }
0x9d: {  	v1 =	vadd.f32 v2, v1;
	_ =	sdelay $0x1  }
0x9e: {  	[tilespmem:s14+$0xFFFFFF00] =	vst v1  }
0x9f: {  	v1 =	vld [tilespmem:s23+$0xFFFFFF80]  }
0xa0: {  	v2 =	vld [tilespmem:s21+$0xFFFFFF80];
	_ =	sdelay $0x2  }
0xa1: {  	v3 =	vld [tilespmem:s21+$0xFFFFFF90]  }
0xa2: {  	v4 =	vld [tilespmem:s23+$0xFFFFFF90]  }
0xa3: {  	v1 =	vmul.f32 v2, v1;
	v2 =	vld [tilespmem:s21+$0xFFFFFFA0]  }
0xa4: {  	v5 =	vld [tilespmem:s23+$0xFFFFFFA0]  }
0xa5: {  	v6 =	vld [tilespmem:s21+$0xFFFFFFB0]  }
0xa6: {  	v7 =	vld [tilespmem:s23+$0xFFFFFFB0]  }
0xa7: {  	v3 =	vmul.f32 v3, v4;
	v4 =	vld [tilespmem:s21+$0xFFFFFFC0]  }
0xa8: {  	v8 =	vld [tilespmem:s23+$0xFFFFFFC0]  }
0xa9: {  	v1 =	vadd.f32 v3, v1;
	v2 =	vmul.f32 v2, v5;
	v3 =	vld [tilespmem:s21+$0xFFFFFFD0]  }
0xaa: {  	v5 =	vld [tilespmem:s23+$0xFFFFFFD0]  }
0xab: {  	v1 =	vadd.f32 v2, v1;
	v2 =	vmul.f32 v6, v7;
	v6 =	vld [tilespmem:s21+$0xFFFFFFE0]  }
0xac: {  	v7 =	vld [tilespmem:s23+$0xFFFFFFE0]  }
0xad: {  	v1 =	vadd.f32 v2, v1;
	v2 =	vmul.f32 v4, v8;
	v4 =	vld [tilespmem:s21+$0xFFFFFFF0]  }
0xae: {  	v8 =	vld [tilespmem:s23+$0xFFFFFFF0]  }
0xaf: {  	v1 =	vadd.f32 v2, v1;
	v2 =	vmul.f32 v3, v5;
	_ =	sdelay $0x1  }
0xb0: {  	v1 =	vadd.f32 v2, v1;
	v2 =	vmul.f32 v6, v7;
	_ =	sdelay $0x1  }
0xb1: {  	v1 =	vadd.f32 v2, v1;
	v2 =	vmul.f32 v4, v8;
	_ =	sdelay $0x1  }
0xb2: {  	v1 =	vadd.f32 v2, v1;
	_ =	sdelay $0x1  }
0xb3: {  	[tilespmem:s14+$0xFFFFFF80] =	vst v1  }
0xb4: {  	v1 =	vld [tilespmem:s23+$0x0]  }
0xb5: {  	v2 =	vld [tilespmem:s21+$0x0];
	_ =	sdelay $0x1  }
0xb6: {  	v3 =	vld [tilespmem:s21+$0x10]  }
0xb7: {  	v4 =	vld [tilespmem:s23+$0x10]  }
0xb8: {  	v5 =	vld [tilespmem:s21+$0x20]  }
0xb9: {  	v1 =	vmul.f32 v2, v1;
	v2 =	vld [tilespmem:s23+$0x20]  }
0xba: {  	v6 =	vld [tilespmem:s21+$0x30]  }
0xbb: {  	v7 =	vld [tilespmem:s23+$0x30]  }
0xbc: {  	v3 =	vmul.f32 v3, v4;
	v4 =	vld [tilespmem:s21+$0x40]  }
0xbd: {  	v8 =	vld [tilespmem:s23+$0x40]  }
0xbe: {  	v1 =	vadd.f32 v3, v1;
	v2 =	vmul.f32 v5, v2;
	v3 =	vld [tilespmem:s21+$0x50]  }
0xbf: {  	v5 =	vld [tilespmem:s23+$0x50]  }
0xc0: {  	v1 =	vadd.f32 v2, v1;
	v2 =	vmul.f32 v6, v7;
	v6 =	vld [tilespmem:s21+$0x60]  }
0xc1: {  	v7 =	vld [tilespmem:s23+$0x60]  }
0xc2: {  	v1 =	vadd.f32 v2, v1;
	v2 =	vmul.f32 v4, v8;
	v4 =	vld [tilespmem:s21+$0x70]  }
0xc3: {  	v8 =	vld [tilespmem:s23+$0x70]  }
0xc4: {  	v1 =	vadd.f32 v2, v1;
	v2 =	vmul.f32 v3, v5;
	_ =	sdelay $0x1  }
0xc5: {  	v1 =	vadd.f32 v2, v1;
	v2 =	vmul.f32 v6, v7;
	_ =	sdelay $0x1  }
0xc6: {  	v1 =	vadd.f32 v2, v1;
	v2 =	vmul.f32 v4, v8;
	_ =	sdelay $0x1  }
0xc7: {  	v1 =	vadd.f32 v2, v1;
	_ =	sdelay $0x1  }
0xc8: {  	[tilespmem:s14+$0x0] =	vst v1  }
0xc9: {  	v1 =	vld [tilespmem:s23+$0x80]  }
0xca: {  	v2 =	vld [tilespmem:s21+$0x90]  }
0xcb: {  	v3 =	vld [tilespmem:s23+$0x90]  }
0xcc: {  	v5 =	vld [tilespmem:s21+$0x80]  }
0xcd: {  	v8 =	vld [tilespmem:s23+$0xA0]  }
0xce: {  	v9 =	vld [tilespmem:s21+$0xA0]  }
0xcf: {  	v4 =	vld [tilespmem:s23+$0xB0]  }
.Ltmp0:
0xd0: {  	v3 =	vmul.f32 v2, v3;
	v6 =	vld [tilespmem:s21+$0xB0];
	(pc) =	sbr.rel @p0 .LBB2_2-.Ltmp0, $4  }
0xd1: {  	v1 =	vmul.f32 v5, v1;
	v2 =	vld [tilespmem:s23+$0xC0]  }
0xd2: {  	v5 =	vld [tilespmem:s21+$0xC0]  }
0xd3: {  	v7 =	vadd.f32 v3, v1;
	v8 =	vmul.f32 v9, v8;
	v1 =	vld [tilespmem:s23+$0xD0]  }
0xd4: {  	s21 =	sadd.s32 $0x200, s21;
	v3 =	vld [tilespmem:s26+$0xD0]  }
0xd5: {  	v7 =	vadd.f32 v8, v7;
	v4 =	vmul.f32 v6, v4;
	v6 =	vld [tilespmem:s22+$0xE0]  }
0xd6: {  	v57 =	vld [tilespmem:s26+$0xE0]  }
0xd7: {  	v4 =	vadd.f32 v4, v7;
	v2 =	vmul.f32 v5, v2;
	v5 =	vld [tilespmem:s22+$0xF0]  }
0xd8: {  	v7 =	vld [tilespmem:s26+$0xF0]  }
0xd9: {  	v2 =	vadd.f32 v2, v4;
	v1 =	vmul.f32 v3, v1;
	_ =	sdelay $0x1  }
0xda: {  	v1 =	vadd.f32 v1, v2;
	v2 =	vmul.f32 v57, v6;
	_ =	sdelay $0x1  }
0xdb: {  	v1 =	vadd.f32 v2, v1;
	v2 =	vmul.f32 v7, v5;
	_ =	sdelay $0x1  }
0xdc: {  	v1 =	vadd.f32 v2, v1;
	_ =	sdelay $0x1  }
0xdd: {  	[tilespmem:s15+$0x80] =	vst v1  }
0xde: {  	_ =	swait.ge [sflag:s16], $0x80  }
0xdf: {  	[sflag:s16] =	ssyncset.done $0x0  }
0xe0: {  	[sflag:s16] =	ssyncadd.s32 $0xFFFFFF80  }
0xe1: {  	_ =	swait.ge [sflag:s16], $0x80  }
0xe2: {  	[sflag:s16] =	ssyncset.done $0x0  }
0xe3: {  	[sflag:s16] =	ssyncadd.s32 $0xFFFFFF80  }
0xe4: {  	_ =	swait.ge [sflag:s16], $0x80  }
0xe5: {  	[sflag:s16] =	ssyncset.done $0x0  }
0xe6: {  	[sflag:s16] =	ssyncadd.s32 $0xFFFFFF80  }
0xe7: {  	_ =	swait.ge [sflag:s16], $0x80  }
0xe8: {  	[sflag:s16] =	ssyncset.done $0x0  }
0xe9: {  	[sflag:s16] =	ssyncadd.s32 $0xFFFFFF80  }
0xea: {  	_ =	swait.ge [sflag:s16], $0x80  }
0xeb: {  	[sflag:s16] =	ssyncset.done $0x0  }
0xec: {  	[sflag:s16] =	ssyncadd.s32 $0xFFFFFF80  }
0xed: {  	s0 =	simm.s32 $0x0;
	_ =	swait.ge [sflag:s16], $0x80  }
0xee: {  	v1 =	vmov s0;
	[sflag:s16] =	ssyncset.done $0x0  }
0xef: {  	v1 =	vshll.u32 v1, $0x7;
	[sflag:s16] =	ssyncadd.s32 $0xFFFFFF80  }
0xf0: {  	v1 =	vor.u32 v0, v1;
	_ =	swait.ge [sflag:s16], $0x80  }
0xf1: {  	v2 =	vor.u32 $0x1, v1;
	[sflag:s16] =	ssyncset.done $0x0  }
0xf2: {  	[sflag:s16] =	ssyncadd.s32 $0xFFFFFF80  }
0xf3: {  	_ =	swait.ge [sflag:s16], $0x80  }
0xf4: {  	v3 =	vor.u32 $0x2, v1;
	[sflag:s16] =	ssyncset.done $0x0  }
0xf5: {  	[sflag:s16] =	ssyncadd.s32 $0xFFFFFF80  }
0xf6: {  	v4 =	vor.u32 $0x3, v1;
	v2 =	vld.idx.msk [tilespmem:v2+s17+$0x0], $0xffff  }
0xf7: {  	v5 =	vld.idx.msk [tilespmem:v1+s17+$0x0], $0xffff  }
0xf8: {  	v6 =	vor.u32 $0x4, v1  }
0xf9: {  	v3 =	vld.idx.msk [tilespmem:v3+s17+$0x0], $0xffff  }
0xfa: {  	v7 =	vor.u32 $0x5, v1  }
0xfb: {  	v4 =	vld.idx.msk [tilespmem:v4+s17+$0x0], $0xffff  }
0xfc: {  	v58 =	vor.u32 $0x6, v1;
	v2 =	vadd.f32 v2, v5  }
0xfd: {  	v5 =	vld.idx.msk [tilespmem:v6+s17+$0x0], $0xffff  }
0xfe: {  	v6 =	vor.u32 $0x7, v1;
	v2 =	vadd.f32 v3, v2  }
0xff: {  	v3 =	vld.idx.msk [tilespmem:v7+s17+$0x0], $0xffff  }
0x100: {  	v7 =	vor.u32 $0x8, v1;
	v2 =	vadd.f32 v4, v2  }
0x101: {  	v4 =	vld.idx.msk [tilespmem:v58+s17+$0x0], $0xffff  }
0x102: {  	v59 =	vor.u32 $0x9, v1;
	v2 =	vadd.f32 v5, v2  }
0x103: {  	v5 =	vld.idx.msk [tilespmem:v6+s17+$0x0], $0xffff  }
0x104: {  	v6 =	vor.u32 $0xA, v1;
	v2 =	vadd.f32 v3, v2  }
0x105: {  	v3 =	vld.idx.msk [tilespmem:v7+s17+$0x0], $0xffff  }
0x106: {  	v7 =	vor.u32 $0xB, v1;
	v2 =	vadd.f32 v4, v2  }
0x107: {  	v4 =	vld.idx.msk [tilespmem:v59+s17+$0x0], $0xffff  }
0x108: {  	v60 =	vor.u32 $0xC, v1;
	v2 =	vadd.f32 v5, v2  }
0x109: {  	v5 =	vld.idx.msk [tilespmem:v6+s17+$0x0], $0xffff  }
0x10a: {  	v6 =	vor.u32 $0xD, v1;
	v2 =	vadd.f32 v3, v2  }
0x10b: {  	v3 =	vld.idx.msk [tilespmem:v7+s17+$0x0], $0xffff  }
0x10c: {  	v7 =	vor.u32 $0xE, v1;
	v2 =	vadd.f32 v4, v2  }
0x10d: {  	v4 =	vld.idx.msk [tilespmem:v60+s17+$0x0], $0xffff  }
0x10e: {  	v1 =	vor.u32 $0xF, v1;
	v2 =	vadd.f32 v5, v2  }
0x10f: {  	v5 =	vld.idx.msk [tilespmem:v6+s17+$0x0], $0xffff  }
0x110: {  	v2 =	vadd.f32 v3, v2  }
0x111: {  	v3 =	vld.idx.msk [tilespmem:v7+s17+$0x0], $0xffff  }
0x112: {  	v2 =	vadd.f32 v4, v2  }
0x113: {  	v1 =	vld.idx.msk [tilespmem:v1+s17+$0x0], $0xffff  }
0x114: {  	s22 =	simm.s32 $0x10400;
	v2 =	vadd.f32 v5, v2  }
0x115: {  	v4 =	vld [tilespmem:s22+$0x0]  }
0x116: {  	s23 =	simm.s32 $0x10600;
	s14 =	simm.s32 $0x10;
	v2 =	vadd.f32 v3, v2  }
0x117: {  	v5 =	vld [tilespmem:s23+$0x0];
	v3 =	vmov s14  }
0x118: {  	v3 =	vshll.u32 v3, $0x7;
	v1 =	vadd.f32 v1, v2  }
0x119: {  	v2 =	vor.u32 v0, v3  }
0x11a: {  	v3 =	vor.u32 $0x1, v2;
	v1 =	vadd.f32 v4, v1;
	_ =	sdelay $0x1  }
0x11b: {  	v1 =	vadd.f32 v5, v1  }
0x11c: {  	s14 =	simm.s32 $0x10800;
	v4 =	vor.u32 $0x2, v2  }
0x11d: {  	[tilespmem:s14+$0x0] =	vst v1  }
0x11e: {  	v1 =	vld.idx.msk [tilespmem:v3+s17+$0x0], $0xffff;
	v3 =	vor.u32 $0x3, v2  }
0x11f: {  	v5 =	vld.idx.msk [tilespmem:v2+s17+$0x0], $0xffff  }
0x120: {  	v6 =	vor.u32 $0x4, v2  }
0x121: {  	v4 =	vld.idx.msk [tilespmem:v4+s17+$0x0], $0xffff  }
0x122: {  	v7 =	vor.u32 $0x5, v2  }
0x123: {  	v3 =	vld.idx.msk [tilespmem:v3+s17+$0x0], $0xffff  }
0x124: {  	v61 =	vor.u32 $0x6, v2;
	v1 =	vadd.f32 v1, v5  }
0x125: {  	v5 =	vld.idx.msk [tilespmem:v6+s17+$0x0], $0xffff  }
0x126: {  	v6 =	vor.u32 $0x7, v2;
	v1 =	vadd.f32 v4, v1  }
0x127: {  	v4 =	vld.idx.msk [tilespmem:v7+s17+$0x0], $0xffff  }
0x128: {  	v7 =	vor.u32 $0x8, v2;
	v1 =	vadd.f32 v3, v1  }
0x129: {  	v3 =	vld.idx.msk [tilespmem:v61+s17+$0x0], $0xffff  }
0x12a: {  	v62 =	vor.u32 $0x9, v2;
	v1 =	vadd.f32 v5, v1  }
0x12b: {  	v5 =	vld.idx.msk [tilespmem:v6+s17+$0x0], $0xffff  }
0x12c: {  	v6 =	vor.u32 $0xA, v2;
	v1 =	vadd.f32 v4, v1  }
0x12d: {  	v4 =	vld.idx.msk [tilespmem:v7+s17+$0x0], $0xffff  }
0x12e: {  	v7 =	vor.u32 $0xB, v2;
	v1 =	vadd.f32 v3, v1  }
0x12f: {  	v3 =	vld.idx.msk [tilespmem:v62+s17+$0x0], $0xffff  }
0x130: {  	v63 =	vor.u32 $0xC, v2;
	v1 =	vadd.f32 v5, v1  }
0x131: {  	v5 =	vld.idx.msk [tilespmem:v6+s17+$0x0], $0xffff  }
0x132: {  	v6 =	vor.u32 $0xD, v2;
	v1 =	vadd.f32 v4, v1  }
0x133: {  	v4 =	vld.idx.msk [tilespmem:v7+s17+$0x0], $0xffff  }
0x134: {  	v7 =	vor.u32 $0xE, v2;
	v1 =	vadd.f32 v3, v1  }
0x135: {  	v3 =	vld.idx.msk [tilespmem:v63+s17+$0x0], $0xffff  }
0x136: {  	v1 =	vadd.f32 v5, v1  }
0x137: {  	v2 =	vor.u32 $0xF, v2;
	v5 =	vld.idx.msk [tilespmem:v6+s17+$0x0], $0xffff  }
0x138: {  	v1 =	vadd.f32 v4, v1  }
0x139: {  	v4 =	vld.idx.msk [tilespmem:v7+s17+$0x0], $0xffff  }
0x13a: {  	v1 =	vadd.f32 v3, v1;
	_ =	sdelay $0x1  }
0x13b: {  	v3 =	vld.idx.msk [tilespmem:v2+s17+$0x0], $0xffff;
	v1 =	vadd.f32 v5, v1  }
0x13c: {  	s15 =	simm.s32 $0x10410  }
0x13d: {  	v5 =	vadd.f32 v4, v1;
	v1 =	vld [tilespmem:s15+$0x0]  }
0x13e: {  	s19 =	simm.s32 $0x10610;
	s26 =	simm.s32 $0x20  }
0x13f: {  	v2 =	vld [tilespmem:s19+$0x0];
	v4 =	vmov s26  }
0x140: {  	s21 =	simm.s32 $0x30;
	v4 =	vshll.u32 v4, $0x7;
	v3 =	vadd.f32 v3, v5  }
.LBB2_4:
0x141: {  	p0 =	sne.s32 s21, $0x70;
	v4 =	vor.u32 v0, v4  }
0x142: {  	v5 =	vor.u32 $0x1, v4;
	v1 =	vadd.f32 v1, v3;
	_ =	sdelay $0x1  }
0x143: {  	v1 =	vadd.f32 v2, v1  }
0x144: {  	s14 =	sadd.s32 $0x10, s14;
	v2 =	vor.u32 $0x2, v4  }
0x145: {  	[tilespmem:s14+$0x0] =	vst v1  }
0x146: {  	v3 =	vor.u32 $0x3, v4;
	v1 =	vld.idx.msk [tilespmem:v5+s17+$0x0], $0xffff  }
0x147: {  	v5 =	vld.idx.msk [tilespmem:v4+s17+$0x0], $0xffff  }
0x148: {  	v6 =	vor.u32 $0x4, v4  }
0x149: {  	v2 =	vld.idx.msk [tilespmem:v2+s17+$0x0], $0xffff  }
0x14a: {  	v7 =	vor.u32 $0x5, v4  }
0x14b: {  	v3 =	vld.idx.msk [tilespmem:v3+s17+$0x0], $0xffff  }
0x14c: {  	v8 =	vor.u32 $0x6, v4  }
0x14d: {  	v1 =	vadd.f32 v1, v5;
	v5 =	vld.idx.msk [tilespmem:v6+s17+$0x0], $0xffff  }
0x14e: {  	v6 =	vor.u32 $0x7, v4  }
0x14f: {  	v1 =	vadd.f32 v2, v1;
	v2 =	vld.idx.msk [tilespmem:v7+s17+$0x0], $0xffff  }
0x150: {  	v7 =	vor.u32 $0x8, v4  }
0x151: {  	v1 =	vadd.f32 v3, v1;
	v3 =	vld.idx.msk [tilespmem:v8+s17+$0x0], $0xffff  }
0x152: {  	v8 =	vor.u32 $0x9, v4  }
0x153: {  	v1 =	vadd.f32 v5, v1;
	v5 =	vld.idx.msk [tilespmem:v6+s17+$0x0], $0xffff  }
0x154: {  	v6 =	vor.u32 $0xA, v4  }
0x155: {  	v1 =	vadd.f32 v2, v1;
	v2 =	vld.idx.msk [tilespmem:v7+s17+$0x0], $0xffff  }
0x156: {  	v7 =	vor.u32 $0xB, v4  }
0x157: {  	v1 =	vadd.f32 v3, v1;
	v3 =	vld.idx.msk [tilespmem:v8+s17+$0x0], $0xffff  }
0x158: {  	v8 =	vor.u32 $0xC, v4  }
0x159: {  	v1 =	vadd.f32 v5, v1;
	v5 =	vld.idx.msk [tilespmem:v6+s17+$0x0], $0xffff  }
0x15a: {  	v6 =	vor.u32 $0xD, v4  }
0x15b: {  	v1 =	vadd.f32 v2, v1;
	v2 =	vld.idx.msk [tilespmem:v7+s17+$0x0], $0xffff  }
0x15c: {  	v7 =	vor.u32 $0xE, v4  }
0x15d: {  	v1 =	vadd.f32 v3, v1;
	v3 =	vld.idx.msk [tilespmem:v8+s17+$0x0], $0xffff  }
0x15e: {  	v4 =	vor.u32 $0xF, v4  }
0x15f: {  	v1 =	vadd.f32 v5, v1;
	v5 =	vld.idx.msk [tilespmem:v6+s17+$0x0], $0xffff;
	_ =	sdelay $0x1  }
0x160: {  	v1 =	vadd.f32 v2, v1;
	v2 =	vld.idx.msk [tilespmem:v7+s17+$0x0], $0xffff;
	_ =	sdelay $0x1  }
0x161: {  	v1 =	vadd.f32 v3, v1;
	v3 =	vld.idx.msk [tilespmem:v4+s17+$0x0], $0xffff;
	_ =	sdelay $0x1  }
.Ltmp1:
0x162: {  	s15 =	sadd.s32 $0x10, s15;
	v4 =	vadd.f32 v5, v1;
	(pc) =	sbr.rel @p0 .LBB2_4-.Ltmp1, $4  }
0x163: {  	v1 =	vld [tilespmem:s15+$0x0]  }
0x164: {  	s19 =	sadd.s32 $0x10, s19;
	v5 =	vadd.f32 v2, v4  }
0x165: {  	v4 =	vmov s21;
	v2 =	vld [tilespmem:s19+$0x0]  }
0x166: {  	s21 =	sadd.s32 $0x10, s21;
	v4 =	vshll.u32 v4, $0x7;
	v3 =	vadd.f32 v3, v5  }
0x167: {  	v4 =	vor.u32 v0, v4  }
0x168: {  	v5 =	vor.u32 $0x1, v4;
	v1 =	vadd.f32 v1, v3;
	_ =	sdelay $0x1  }
0x169: {  	v1 =	vadd.f32 v2, v1  }
0x16a: {  	s0 =	sadd.s32 $0x10, s14;
	v2 =	vor.u32 $0x2, v4  }
0x16b: {  	[tilespmem:s0+$0x0] =	vst v1  }
0x16c: {  	v3 =	vor.u32 $0x3, v4;
	v1 =	vld.idx.msk [tilespmem:v5+s17+$0x0], $0xffff  }
0x16d: {  	v5 =	vld.idx.msk [tilespmem:v4+s17+$0x0], $0xffff  }
0x16e: {  	v6 =	vor.u32 $0x4, v4  }
0x16f: {  	v2 =	vld.idx.msk [tilespmem:v2+s17+$0x0], $0xffff  }
0x170: {  	v7 =	vor.u32 $0x5, v4  }
0x171: {  	v3 =	vld.idx.msk [tilespmem:v3+s17+$0x0], $0xffff  }
0x172: {  	v8 =	vor.u32 $0x6, v4;
	v1 =	vadd.f32 v1, v5  }
0x173: {  	v5 =	vld.idx.msk [tilespmem:v6+s17+$0x0], $0xffff  }
0x174: {  	v6 =	vor.u32 $0x7, v4;
	v1 =	vadd.f32 v2, v1  }
0x175: {  	v2 =	vld.idx.msk [tilespmem:v7+s17+$0x0], $0xffff  }
0x176: {  	v7 =	vor.u32 $0x8, v4;
	v1 =	vadd.f32 v3, v1  }
0x177: {  	v3 =	vld.idx.msk [tilespmem:v8+s17+$0x0], $0xffff  }
0x178: {  	v8 =	vor.u32 $0x9, v4;
	v1 =	vadd.f32 v5, v1  }
0x179: {  	v5 =	vld.idx.msk [tilespmem:v6+s17+$0x0], $0xffff  }
0x17a: {  	v6 =	vor.u32 $0xA, v4;
	v1 =	vadd.f32 v2, v1  }
0x17b: {  	v2 =	vld.idx.msk [tilespmem:v7+s17+$0x0], $0xffff  }
0x17c: {  	v7 =	vor.u32 $0xB, v4;
	v1 =	vadd.f32 v3, v1  }
0x17d: {  	v3 =	vld.idx.msk [tilespmem:v8+s17+$0x0], $0xffff  }
0x17e: {  	v8 =	vor.u32 $0xC, v4;
	v1 =	vadd.f32 v5, v1  }
0x17f: {  	v5 =	vld.idx.msk [tilespmem:v6+s17+$0x0], $0xffff  }
0x180: {  	v6 =	vor.u32 $0xD, v4;
	v1 =	vadd.f32 v2, v1  }
0x181: {  	v2 =	vld.idx.msk [tilespmem:v7+s17+$0x0], $0xffff  }
0x182: {  	v7 =	vor.u32 $0xE, v4;
	v1 =	vadd.f32 v3, v1  }
0x183: {  	v3 =	vld.idx.msk [tilespmem:v8+s17+$0x0], $0xffff  }
0x184: {  	v4 =	vor.u32 $0xF, v4;
	v1 =	vadd.f32 v5, v1  }
0x185: {  	v5 =	vld.idx.msk [tilespmem:v6+s17+$0x0], $0xffff  }
0x186: {  	v1 =	vadd.f32 v2, v1  }
0x187: {  	v2 =	vld.idx.msk [tilespmem:v7+s17+$0x0], $0xffff  }
0x188: {  	v1 =	vadd.f32 v3, v1  }
0x189: {  	v3 =	vld.idx.msk [tilespmem:v4+s17+$0x0], $0xffff  }
0x18a: {  	s23 =	sadd.s32 $0x10, s15;
	v1 =	vadd.f32 v5, v1  }
0x18b: {  	v4 =	vld [tilespmem:s23+$0x0]  }
0x18c: {  	s26 =	sadd.s32 $0x10, s19;
	v1 =	vadd.f32 v2, v1  }
0x18d: {  	v2 =	vld [tilespmem:s26+$0x0]  }
0x18e: {  	v1 =	vadd.f32 v3, v1;
	_ =	sdelay $0x1  }
0x18f: {  	v1 =	vadd.f32 v4, v1;
	_ =	sdelay $0x1  }
0x190: {  	v1 =	vadd.f32 v2, v1  }
0x191: {  	s0 =	sadd.s32 $0x10, s0  }
0x192: {  	[tilespmem:s0+$0x0] =	vst v1  }
0x193: {  	_ =	swait.ge [sflag:s18], $0x4000  }
0x194: {  	[sflag:s18] =	ssyncset.done $0x0  }
0x195: {  	[sflag:s18] =	ssyncadd.s32 $0xFFFFC000  }
0x196: {  	_ =	swait.ge [sflag:s20], $0x4000  }
0x197: {  	[sflag:s20] =	ssyncset.done $0x0  }
0x198: {  	[sflag:s20] =	ssyncadd.s32 $0xFFFFC000  }
0x199: {  	[tilespmem:s25], [sflag:$0x1] =	stream.indirect.gather [hbm4b:s1+s13], $0x80, s29, s13, $0xb8;
	[tilespmem:$0x14A00] =	vst v63  }
0x19a: {  	s22 =	simm.s32 $0x0;
	s29 =	simm.s32 $0x300  }
0x19b: {  	[tilespmem:s28], [sflag:$0x3] =	stream.indirect.gather [hbm4b:s2+s13], $0x80, s29, s13, $0xb8;
	[tilespmem:$0x14A00] =	vst v63  }
0x19c: {  	v1 =	vld [tilespmem:s22+$0x4580]  }
0x19d: {  	v2 =	vld [tilespmem:s22+$0xC580]  }
0x19e: {  	v3 =	vld [tilespmem:s22+$0x4590]  }
0x19f: {  	v4 =	vld [tilespmem:s22+$0xC590]  }
0x1a0: {  	v5 =	vld [tilespmem:s22+$0x45A0]  }
0x1a1: {  	v6 =	vld [tilespmem:s22+$0xC5A0]  }
0x1a2: {  	v7 =	vld [tilespmem:s22+$0x45B0]  }
0x1a3: {  	v8 =	vld [tilespmem:s22+$0xC5B0]  }
0x1a4: {  	v9 =	vld [tilespmem:s22+$0x45C0]  }
0x1a5: {  	v10 =	vld [tilespmem:s22+$0x4500]  }
0x1a6: {  	v11 =	vld [tilespmem:s22+$0x4510]  }
0x1a7: {  	v12 =	vld [tilespmem:s22+$0xC510]  }
0x1a8: {  	v13 =	vld [tilespmem:s22+$0x4420]  }
0x1a9: {  	v14 =	vld [tilespmem:s22+$0xC420]  }
0x1aa: {  	v15 =	vld [tilespmem:s22+$0x44A0]  }
0x1ab: {  	v16 =	vld [tilespmem:s22+$0xC4A0]  }
0x1ac: {  	v17 =	vld [tilespmem:s22+$0x4520]  }
0x1ad: {  	v18 =	vld [tilespmem:s22+$0xC520]  }
0x1ae: {  	v19 =	vld [tilespmem:s22+$0x4430]  }
0x1af: {  	v20 =	vld [tilespmem:s22+$0xC430]  }
0x1b0: {  	v21 =	vld [tilespmem:s22+$0x44B0]  }
0x1b1: {  	v22 =	vld [tilespmem:s22+$0xC4B0]  }
0x1b2: {  	v23 =	vld [tilespmem:s22+$0x4530]  }
0x1b3: {  	v24 =	vld [tilespmem:s22+$0xC530]  }
0x1b4: {  	v25 =	vld [tilespmem:s22+$0x4440]  }
0x1b5: {  	v26 =	vld [tilespmem:s22+$0xC440]  }
0x1b6: {  	v27 =	vld [tilespmem:s22+$0x44C0]  }
0x1b7: {  	v28 =	vld [tilespmem:s22+$0xC4C0]  }
0x1b8: {  	v29 =	vld [tilespmem:s22+$0x4540]  }
0x1b9: {  	v30 =	vld [tilespmem:s22+$0xC540];
	v1 =	vmul.f32 v2, v1;
	v2 =	vmul.f32 v4, v3  }
0x1ba: {  	v3 =	vld [tilespmem:s22+$0xC5C0]  }
0x1bb: {  	v4 =	vld [tilespmem:s22+$0x45D0];
	v1 =	vadd.f32 v2, v1;
	v2 =	vmul.f32 v6, v5  }
0x1bc: {  	v5 =	vld [tilespmem:s22+$0xC5D0]  }
0x1bd: {  	v6 =	vld [tilespmem:s22+$0x45E0];
	v1 =	vadd.f32 v2, v1;
	v2 =	vmul.f32 v8, v7  }
0x1be: {  	v7 =	vld [tilespmem:s22+$0xC5E0]  }
0x1bf: {  	v8 =	vld [tilespmem:s22+$0x45F0];
	v1 =	vadd.f32 v2, v1;
	v2 =	vmul.f32 v3, v9  }
0x1c0: {  	v3 =	vld [tilespmem:s22+$0xC5F0]  }
0x1c1: {  	v9 =	vld [tilespmem:s22+$0x4400];
	v1 =	vadd.f32 v2, v1;
	v2 =	vmul.f32 v5, v4  }
0x1c2: {  	v4 =	vld [tilespmem:s22+$0xC400]  }
0x1c3: {  	v5 =	vld [tilespmem:s22+$0x4410];
	v1 =	vadd.f32 v2, v1;
	v2 =	vmul.f32 v7, v6  }
0x1c4: {  	v6 =	vld [tilespmem:s22+$0xC410]  }
0x1c5: {  	v7 =	vld [tilespmem:s22+$0x4480];
	v1 =	vadd.f32 v2, v1;
	v2 =	vmul.f32 v3, v8  }
0x1c6: {  	v3 =	vld [tilespmem:s22+$0xC480]  }
0x1c7: {  	v8 =	vld [tilespmem:s22+$0x4490];
	v1 =	vadd.f32 v2, v1  }
0x1c8: {  	v2 =	vld [tilespmem:s22+$0xC490]  }
0x1c9: {  	[tilespmem:s22+$0x10B80] =	vst v1;
	v1 =	vld [tilespmem:s22+$0xC500]  }
0x1ca: {  	v31 =	vld [tilespmem:s22+$0x4450]  }
0x1cb: {  	v32 =	vld [tilespmem:s22+$0xC450]  }
0x1cc: {  	v59 =	vld [tilespmem:s22+$0x44E0];
	v4 =	vmul.f32 v4, v9;
	v5 =	vmul.f32 v6, v5  }
0x1cd: {  	v60 =	vld [tilespmem:s22+$0xC4E0];
	v3 =	vmul.f32 v3, v7;
	v2 =	vmul.f32 v2, v8  }
0x1ce: {  	v6 =	vld [tilespmem:s22+$0x44D0];
	v4 =	vadd.f32 v5, v4;
	v5 =	vmul.f32 v12, v11;
	v1 =	vmul.f32 v1, v10  }
0x1cf: {  	v7 =	vld [tilespmem:s22+$0xC4D0];
	v2 =	vadd.f32 v2, v3;
	v3 =	vmul.f32 v14, v13  }
0x1d0: {  	v9 =	vmul.f32 v16, v15;
	v11 =	vld [tilespmem:s22+$0x4460];
	v1 =	vadd.f32 v5, v1;
	v5 =	vmul.f32 v18, v17  }
0x1d1: {  	v58 =	vmul.f32 v24, v23;
	v8 =	vld [tilespmem:s22+$0x4550];
	v3 =	vadd.f32 v3, v4;
	v4 =	vmul.f32 v20, v19  }
0x1d2: {  	v10 =	vld [tilespmem:s22+$0xC550];
	v2 =	vadd.f32 v9, v2;
	v1 =	vadd.f32 v5, v1;
	v5 =	vmul.f32 v22, v21  }
0x1d3: {  	v9 =	vld [tilespmem:s22+$0xC460];
	v3 =	vadd.f32 v4, v3;
	v4 =	vmul.f32 v26, v25  }
0x1d4: {  	v61 =	vld [tilespmem:s22+$0x4560];
	v2 =	vadd.f32 v5, v2;
	v5 =	vadd.f32 v58, v1;
	v1 =	vmul.f32 v28, v27  }
0x1d5: {  	v63 =	vld [tilespmem:s22+$0xC560];
	v3 =	vadd.f32 v4, v3;
	v4 =	vmul.f32 v30, v29  }
0x1d6: {  	v62 =	vmul.f32 v32, v31;
	v6 =	vmul.f32 v7, v6;
	v2 =	vadd.f32 v1, v2;
	v1 =	vld [tilespmem:s22+$0x4470]  }
0x1d7: {  	v8 =	vmul.f32 v10, v8;
	v10 =	vmul.f32 v60, v59;
	v4 =	vadd.f32 v4, v5;
	v5 =	vld [tilespmem:s22+$0xC470]  }
0x1d8: {  	v9 =	vmul.f32 v9, v11;
	v7 =	vadd.f32 v62, v3;
	v3 =	vld [tilespmem:s22+$0x44F0];
	v2 =	vadd.f32 v6, v2  }
0x1d9: {  	s14 =	simm.s32 $0x0;
	v6 =	vadd.f32 v8, v4;
	v8 =	vld [tilespmem:s22+$0xC4F0]  }
0x1da: {  	s15 =	simm.s32 $0x0;
	s19 =	simm.s32 $0x800;
	s26 =	simm.s32 $0x10880;
	v4 =	vadd.f32 v9, v7;
	v9 =	vmul.f32 v63, v61;
	v7 =	vld [tilespmem:s22+$0x4570];
	v2 =	vadd.f32 v10, v2  }
.LBB2_6:
0x1db: {  	s0 =	sshra.s32 s19, $0x2;
	v10 =	vld [tilespmem:s22+$0xC570]  }
0x1dc: {  	v11 =	vld [tilespmem:s0+$0x4580];
	v1 =	vmul.f32 v5, v1;
	v5 =	vadd.f32 v9, v6  }
0x1dd: {  	v6 =	vld [tilespmem:s0+$0xC580]  }
0x1de: {  	s15 =	sadd.s32 $0x4, s15;
	v9 =	vld [tilespmem:s0+$0x4590];
	v1 =	vadd.f32 v1, v4;
	v3 =	vmul.f32 v8, v3  }
0x1df: {  	p0 =	slt.u32 s15, $0x7C;
	v4 =	vld [tilespmem:s0+$0xC590]  }
0x1e0: {  	v8 =	vld [tilespmem:s0+$0x45A0];
	[tilespmem:s22+$0x10A00] =	vst v1;
	v1 =	vadd.f32 v3, v2;
	v2 =	vmul.f32 v10, v7  }
0x1e1: {  	v3 =	vld [tilespmem:s0+$0xC5A0]  }
0x1e2: {  	v7 =	vld [tilespmem:s0+$0x45B0];
	[tilespmem:s22+$0x10A80] =	vst v1;
	v1 =	vadd.f32 v2, v5  }
0x1e3: {  	v2 =	vld [tilespmem:s0+$0xC5B0]  }
0x1e4: {  	v5 =	vmul.f32 v6, v11;
	v4 =	vmul.f32 v4, v9;
	v6 =	vld [tilespmem:s0+$0x45C0];
	[tilespmem:s22+$0x10B00] =	vst v1;
	s22 =	smov.u32 s0  }
0x1e5: {  	v1 =	vld [tilespmem:s22+$0xC5C0]  }
0x1e6: {  	v4 =	vadd.f32 v4, v5;
	v3 =	vmul.f32 v3, v8;
	v5 =	vld [tilespmem:s22+$0x45D0]  }
0x1e7: {  	v8 =	vld [tilespmem:s22+$0xC5D0]  }
0x1e8: {  	v3 =	vadd.f32 v3, v4;
	v2 =	vmul.f32 v2, v7;
	v4 =	vld [tilespmem:s22+$0x45E0]  }
0x1e9: {  	v7 =	vld [tilespmem:s22+$0xC5E0]  }
0x1ea: {  	v2 =	vadd.f32 v2, v3;
	v1 =	vmul.f32 v1, v6;
	v3 =	vld [tilespmem:s22+$0x45F0]  }
0x1eb: {  	v6 =	vld [tilespmem:s22+$0xC5F0]  }
0x1ec: {  	v9 =	vld [tilespmem:s22+$0x4400];
	v1 =	vadd.f32 v1, v2;
	v2 =	vmul.f32 v8, v5  }
0x1ed: {  	v5 =	vld [tilespmem:s22+$0xC400]  }
0x1ee: {  	v8 =	vld [tilespmem:s22+$0x4410];
	v1 =	vadd.f32 v2, v1;
	v2 =	vmul.f32 v7, v4  }
0x1ef: {  	v4 =	vld [tilespmem:s22+$0xC410]  }
0x1f0: {  	v7 =	vld [tilespmem:s22+$0x4480];
	v1 =	vadd.f32 v2, v1;
	v2 =	vmul.f32 v6, v3  }
0x1f1: {  	v3 =	vld [tilespmem:s22+$0xC480]  }
0x1f2: {  	v5 =	vmul.f32 v5, v9;
	v6 =	vld [tilespmem:s22+$0x4490];
	v1 =	vadd.f32 v2, v1  }
0x1f3: {  	v2 =	vld [tilespmem:s22+$0xC490]  }
0x1f4: {  	s23 =	simm.s32 $0x10480;
	s21 =	simm.s32 $0x10680;
	v4 =	vmul.f32 v4, v8;
	v8 =	vld [tilespmem:s22+$0x4500];
	[tilespmem:s22+$0x10B80] =	vst v1  }
0x1f5: {  	v1 =	vld [tilespmem:s22+$0xC500]  }
0x1f6: {  	v4 =	vadd.f32 v4, v5;
	v3 =	vmul.f32 v3, v7;
	v5 =	vld [tilespmem:s22+$0x4510]  }
0x1f7: {  	v7 =	vld [tilespmem:s22+$0xC510]  }
0x1f8: {  	v9 =	vld [tilespmem:s22+$0x4420];
	v2 =	vmul.f32 v2, v6  }
0x1f9: {  	v6 =	vld [tilespmem:s22+$0xC420]  }
0x1fa: {  	v2 =	vadd.f32 v2, v3;
	v3 =	vld [tilespmem:s22+$0x44A0];
	v1 =	vmul.f32 v1, v8  }
0x1fb: {  	v8 =	vld [tilespmem:s22+$0xC4A0]  }
0x1fc: {  	v5 =	vmul.f32 v7, v5;
	v7 =	vld [tilespmem:s22+$0x4520]  }
0x1fd: {  	v10 =	vld [tilespmem:s22+$0xC520]  }
0x1fe: {  	v6 =	vmul.f32 v6, v9;
	v9 =	vld [tilespmem:s22+$0x4430];
	v1 =	vadd.f32 v5, v1  }
0x1ff: {  	v5 =	vld [tilespmem:s22+$0xC430]  }
0x200: {  	v4 =	vadd.f32 v6, v4;
	v3 =	vmul.f32 v8, v3;
	v6 =	vld [tilespmem:s22+$0x44B0]  }
0x201: {  	v8 =	vld [tilespmem:s22+$0xC4B0]  }
0x202: {  	v2 =	vadd.f32 v3, v2;
	v3 =	vmul.f32 v10, v7;
	v7 =	vld [tilespmem:s22+$0x4530]  }
0x203: {  	v10 =	vld [tilespmem:s22+$0xC530]  }
0x204: {  	v5 =	vmul.f32 v5, v9;
	v9 =	vld [tilespmem:s22+$0x4440];
	v1 =	vadd.f32 v3, v1  }
0x205: {  	v3 =	vld [tilespmem:s22+$0xC440]  }
0x206: {  	v4 =	vadd.f32 v5, v4;
	v5 =	vmul.f32 v8, v6;
	v6 =	vld [tilespmem:s22+$0x44C0]  }
0x207: {  	v8 =	vld [tilespmem:s22+$0xC4C0]  }
0x208: {  	v2 =	vadd.f32 v5, v2;
	v5 =	vmul.f32 v10, v7;
	v7 =	vld [tilespmem:s22+$0x4540]  }
0x209: {  	v10 =	vld [tilespmem:s22+$0xC540]  }
0x20a: {  	v3 =	vmul.f32 v3, v9;
	v9 =	vld [tilespmem:s22+$0x4450];
	v1 =	vadd.f32 v5, v1  }
0x20b: {  	v5 =	vld [tilespmem:s22+$0xC450]  }
0x20c: {  	v3 =	vadd.f32 v3, v4;
	v4 =	vmul.f32 v8, v6;
	v6 =	vld [tilespmem:s22+$0x44D0]  }
0x20d: {  	v8 =	vld [tilespmem:s22+$0xC4D0]  }
0x20e: {  	v2 =	vadd.f32 v4, v2;
	v4 =	vmul.f32 v10, v7;
	v7 =	vld [tilespmem:s22+$0x4550]  }
0x20f: {  	v10 =	vld [tilespmem:s22+$0xC550]  }
0x210: {  	v5 =	vmul.f32 v5, v9;
	v9 =	vld [tilespmem:s22+$0x4460];
	v4 =	vadd.f32 v4, v1  }
0x211: {  	v1 =	vld [tilespmem:s22+$0xC460]  }
0x212: {  	v3 =	vadd.f32 v5, v3;
	v5 =	vmul.f32 v8, v6;
	v8 =	vld [tilespmem:s22+$0x44E0]  }
0x213: {  	v11 =	vld [tilespmem:s22+$0xC4E0]  }
0x214: {  	v2 =	vadd.f32 v5, v2;
	v5 =	vmul.f32 v10, v7;
	v7 =	vld [tilespmem:s22+$0x4560]  }
0x215: {  	v10 =	vld [tilespmem:s22+$0xC560]  }
.Ltmp2:
0x216: {  	v9 =	vmul.f32 v1, v9;
	v1 =	vld [tilespmem:s22+$0x4470];
	v6 =	vadd.f32 v5, v4;
	(pc) =	sbr.rel @p0 .LBB2_6-.Ltmp2, $4  }
0x217: {  	v5 =	vld [tilespmem:s22+$0xC470]  }
0x218: {  	v4 =	vadd.f32 v9, v3;
	v9 =	vmul.f32 v11, v8;
	v3 =	vld [tilespmem:s22+$0x44F0]  }
0x219: {  	v8 =	vld [tilespmem:s22+$0xC4F0]  }
0x21a: {  	s19 =	sadd.s32 $0x800, s19;
	v2 =	vadd.f32 v9, v2;
	v9 =	vmul.f32 v10, v7;
	v7 =	vld [tilespmem:s22+$0x4570]  }
0x21b: {  	v10 =	vld [tilespmem:s22+$0xC570];
	_ =	sdelay $0x1  }
0x21c: {  	v11 =	vmov s14  }
0x21d: {  	v1 =	vmul.f32 v5, v1;
	v5 =	vshll.u32 v11, $0x7  }
0x21e: {  	v6 =	vadd.f32 v9, v6;
	v5 =	vor.u32 v0, v5;
	v3 =	vmul.f32 v8, v3  }
0x21f: {  	v1 =	vadd.f32 v1, v4;
	v4 =	vmul.f32 v10, v7;
	v7 =	vor.u32 $0x1, v5  }
0x220: {  	v2 =	vadd.f32 v3, v2  }
0x221: {  	[tilespmem:s22+$0x10A00] =	vst v1;
	v1 =	vadd.f32 v4, v6  }
0x222: {  	[tilespmem:s22+$0x10A80] =	vst v2;
	v2 =	vor.u32 $0x2, v5  }
0x223: {  	[tilespmem:s22+$0x10B00] =	vst v1  }
0x224: {  	v3 =	vor.u32 $0x3, v5;
	v1 =	vld.idx.msk [tilespmem:v7+s17+$0x0], $0xffff  }
0x225: {  	v4 =	vld.idx.msk [tilespmem:v5+s17+$0x0], $0xffff  }
0x226: {  	v6 =	vor.u32 $0x4, v5  }
0x227: {  	v2 =	vld.idx.msk [tilespmem:v2+s17+$0x0], $0xffff  }
0x228: {  	v7 =	vor.u32 $0x5, v5  }
0x229: {  	v3 =	vld.idx.msk [tilespmem:v3+s17+$0x0], $0xffff  }
0x22a: {  	v58 =	vor.u32 $0x6, v5;
	v1 =	vadd.f32 v1, v4  }
0x22b: {  	v4 =	vld.idx.msk [tilespmem:v6+s17+$0x0], $0xffff  }
0x22c: {  	v6 =	vor.u32 $0x7, v5;
	v1 =	vadd.f32 v2, v1  }
0x22d: {  	v2 =	vld.idx.msk [tilespmem:v7+s17+$0x0], $0xffff  }
0x22e: {  	v7 =	vor.u32 $0x8, v5;
	v1 =	vadd.f32 v3, v1  }
0x22f: {  	v3 =	vld.idx.msk [tilespmem:v58+s17+$0x0], $0xffff  }
0x230: {  	v59 =	vor.u32 $0x9, v5;
	v1 =	vadd.f32 v4, v1  }
0x231: {  	v4 =	vld.idx.msk [tilespmem:v6+s17+$0x0], $0xffff  }
0x232: {  	v6 =	vor.u32 $0xA, v5;
	v1 =	vadd.f32 v2, v1  }
0x233: {  	v2 =	vld.idx.msk [tilespmem:v7+s17+$0x0], $0xffff  }
0x234: {  	v7 =	vor.u32 $0xB, v5;
	v1 =	vadd.f32 v3, v1  }
0x235: {  	v3 =	vld.idx.msk [tilespmem:v59+s17+$0x0], $0xffff  }
0x236: {  	v60 =	vor.u32 $0xC, v5;
	v1 =	vadd.f32 v4, v1  }
0x237: {  	v4 =	vld.idx.msk [tilespmem:v6+s17+$0x0], $0xffff  }
0x238: {  	v6 =	vor.u32 $0xD, v5;
	v1 =	vadd.f32 v2, v1  }
0x239: {  	v2 =	vld.idx.msk [tilespmem:v7+s17+$0x0], $0xffff  }
0x23a: {  	v7 =	vor.u32 $0xE, v5;
	v1 =	vadd.f32 v3, v1  }
0x23b: {  	v3 =	vld.idx.msk [tilespmem:v60+s17+$0x0], $0xffff  }
0x23c: {  	v5 =	vor.u32 $0xF, v5;
	v1 =	vadd.f32 v4, v1  }
0x23d: {  	v4 =	vld.idx.msk [tilespmem:v6+s17+$0x0], $0xffff  }
0x23e: {  	v1 =	vadd.f32 v2, v1  }
0x23f: {  	v2 =	vld.idx.msk [tilespmem:v7+s17+$0x0], $0xffff  }
0x240: {  	v1 =	vadd.f32 v3, v1  }
0x241: {  	v3 =	vld.idx.msk [tilespmem:v5+s17+$0x0], $0xffff  }
0x242: {  	v1 =	vadd.f32 v4, v1  }
0x243: {  	v4 =	vld [tilespmem:s23+$0x0]  }
0x244: {  	s0 =	simm.s32 $0x10;
	v1 =	vadd.f32 v2, v1  }
0x245: {  	v5 =	vld [tilespmem:s21+$0x0];
	v2 =	vmov s0  }
0x246: {  	v2 =	vshll.u32 v2, $0x7;
	v1 =	vadd.f32 v3, v1  }
0x247: {  	v2 =	vor.u32 v0, v2  }
0x248: {  	v3 =	vor.u32 $0x1, v2;
	v1 =	vadd.f32 v4, v1;
	_ =	sdelay $0x1  }
0x249: {  	v1 =	vadd.f32 v5, v1  }
0x24a: {  	v4 =	vor.u32 $0x2, v2  }
0x24b: {  	[tilespmem:s26+$0x0] =	vst v1  }
0x24c: {  	v1 =	vld.idx.msk [tilespmem:v3+s17+$0x0], $0xffff;
	v3 =	vor.u32 $0x3, v2  }
0x24d: {  	v5 =	vld.idx.msk [tilespmem:v2+s17+$0x0], $0xffff  }
0x24e: {  	v6 =	vor.u32 $0x4, v2  }
0x24f: {  	v4 =	vld.idx.msk [tilespmem:v4+s17+$0x0], $0xffff  }
0x250: {  	v7 =	vor.u32 $0x5, v2  }
0x251: {  	v3 =	vld.idx.msk [tilespmem:v3+s17+$0x0], $0xffff  }
0x252: {  	v61 =	vor.u32 $0x6, v2;
	v1 =	vadd.f32 v1, v5  }
0x253: {  	v5 =	vld.idx.msk [tilespmem:v6+s17+$0x0], $0xffff  }
0x254: {  	v6 =	vor.u32 $0x7, v2;
	v1 =	vadd.f32 v4, v1  }
0x255: {  	v4 =	vld.idx.msk [tilespmem:v7+s17+$0x0], $0xffff  }
0x256: {  	v7 =	vor.u32 $0x8, v2;
	v1 =	vadd.f32 v3, v1  }
0x257: {  	v3 =	vld.idx.msk [tilespmem:v61+s17+$0x0], $0xffff  }
0x258: {  	v62 =	vor.u32 $0x9, v2;
	v1 =	vadd.f32 v5, v1  }
0x259: {  	v5 =	vld.idx.msk [tilespmem:v6+s17+$0x0], $0xffff  }
0x25a: {  	v6 =	vor.u32 $0xA, v2;
	v1 =	vadd.f32 v4, v1  }
0x25b: {  	v4 =	vld.idx.msk [tilespmem:v7+s17+$0x0], $0xffff  }
0x25c: {  	v7 =	vor.u32 $0xB, v2;
	v1 =	vadd.f32 v3, v1  }
0x25d: {  	v3 =	vld.idx.msk [tilespmem:v62+s17+$0x0], $0xffff  }
0x25e: {  	v63 =	vor.u32 $0xC, v2;
	v1 =	vadd.f32 v5, v1  }
0x25f: {  	v5 =	vld.idx.msk [tilespmem:v6+s17+$0x0], $0xffff  }
0x260: {  	v6 =	vor.u32 $0xD, v2;
	v1 =	vadd.f32 v4, v1  }
0x261: {  	v4 =	vld.idx.msk [tilespmem:v7+s17+$0x0], $0xffff  }
0x262: {  	v7 =	vor.u32 $0xE, v2;
	v1 =	vadd.f32 v3, v1  }
0x263: {  	v3 =	vld.idx.msk [tilespmem:v63+s17+$0x0], $0xffff  }
0x264: {  	v1 =	vadd.f32 v5, v1  }
0x265: {  	v2 =	vor.u32 $0xF, v2;
	v5 =	vld.idx.msk [tilespmem:v6+s17+$0x0], $0xffff  }
0x266: {  	v1 =	vadd.f32 v4, v1  }
0x267: {  	v4 =	vld.idx.msk [tilespmem:v7+s17+$0x0], $0xffff  }
0x268: {  	v1 =	vadd.f32 v3, v1;
	_ =	sdelay $0x1  }
0x269: {  	v3 =	vld.idx.msk [tilespmem:v2+s17+$0x0], $0xffff;
	v1 =	vadd.f32 v5, v1  }
0x26a: {  	s14 =	simm.s32 $0x10490  }
0x26b: {  	v5 =	vadd.f32 v4, v1;
	v1 =	vld [tilespmem:s14+$0x0]  }
0x26c: {  	s29 =	simm.s32 $0x20;
	s15 =	simm.s32 $0x10690  }
0x26d: {  	v2 =	vld [tilespmem:s15+$0x0];
	v4 =	vmov s29  }
0x26e: {  	s19 =	simm.s32 $0x30;
	v4 =	vshll.u32 v4, $0x7;
	v3 =	vadd.f32 v3, v5  }
.LBB2_8:
0x26f: {  	p0 =	sne.s32 s19, $0x70;
	v4 =	vor.u32 v0, v4  }
0x270: {  	v5 =	vor.u32 $0x1, v4;
	v1 =	vadd.f32 v1, v3;
	_ =	sdelay $0x1  }
0x271: {  	v1 =	vadd.f32 v2, v1  }
0x272: {  	s26 =	sadd.s32 $0x10, s26;
	v2 =	vor.u32 $0x2, v4  }
0x273: {  	[tilespmem:s26+$0x0] =	vst v1  }
0x274: {  	v3 =	vor.u32 $0x3, v4;
	v1 =	vld.idx.msk [tilespmem:v5+s17+$0x0], $0xffff  }
0x275: {  	v5 =	vld.idx.msk [tilespmem:v4+s17+$0x0], $0xffff  }
0x276: {  	v6 =	vor.u32 $0x4, v4  }
0x277: {  	v2 =	vld.idx.msk [tilespmem:v2+s17+$0x0], $0xffff  }
0x278: {  	v7 =	vor.u32 $0x5, v4  }
0x279: {  	v3 =	vld.idx.msk [tilespmem:v3+s17+$0x0], $0xffff  }
0x27a: {  	v8 =	vor.u32 $0x6, v4  }
0x27b: {  	v1 =	vadd.f32 v1, v5;
	v5 =	vld.idx.msk [tilespmem:v6+s17+$0x0], $0xffff  }
0x27c: {  	v6 =	vor.u32 $0x7, v4  }
0x27d: {  	v1 =	vadd.f32 v2, v1;
	v2 =	vld.idx.msk [tilespmem:v7+s17+$0x0], $0xffff  }
0x27e: {  	v7 =	vor.u32 $0x8, v4  }
0x27f: {  	v1 =	vadd.f32 v3, v1;
	v3 =	vld.idx.msk [tilespmem:v8+s17+$0x0], $0xffff  }
0x280: {  	v8 =	vor.u32 $0x9, v4  }
0x281: {  	v1 =	vadd.f32 v5, v1;
	v5 =	vld.idx.msk [tilespmem:v6+s17+$0x0], $0xffff  }
0x282: {  	v6 =	vor.u32 $0xA, v4  }
0x283: {  	v1 =	vadd.f32 v2, v1;
	v2 =	vld.idx.msk [tilespmem:v7+s17+$0x0], $0xffff  }
0x284: {  	v7 =	vor.u32 $0xB, v4  }
0x285: {  	v1 =	vadd.f32 v3, v1;
	v3 =	vld.idx.msk [tilespmem:v8+s17+$0x0], $0xffff  }
0x286: {  	v8 =	vor.u32 $0xC, v4  }
0x287: {  	v1 =	vadd.f32 v5, v1;
	v5 =	vld.idx.msk [tilespmem:v6+s17+$0x0], $0xffff  }
0x288: {  	v6 =	vor.u32 $0xD, v4  }
0x289: {  	v1 =	vadd.f32 v2, v1;
	v2 =	vld.idx.msk [tilespmem:v7+s17+$0x0], $0xffff  }
0x28a: {  	v7 =	vor.u32 $0xE, v4  }
0x28b: {  	v1 =	vadd.f32 v3, v1;
	v3 =	vld.idx.msk [tilespmem:v8+s17+$0x0], $0xffff  }
0x28c: {  	v4 =	vor.u32 $0xF, v4  }
0x28d: {  	v1 =	vadd.f32 v5, v1;
	v5 =	vld.idx.msk [tilespmem:v6+s17+$0x0], $0xffff;
	_ =	sdelay $0x1  }
0x28e: {  	v1 =	vadd.f32 v2, v1;
	v2 =	vld.idx.msk [tilespmem:v7+s17+$0x0], $0xffff;
	_ =	sdelay $0x1  }
0x28f: {  	v1 =	vadd.f32 v3, v1;
	v3 =	vld.idx.msk [tilespmem:v4+s17+$0x0], $0xffff;
	_ =	sdelay $0x1  }
.Ltmp3:
0x290: {  	s14 =	sadd.s32 $0x10, s14;
	v4 =	vadd.f32 v5, v1;
	(pc) =	sbr.rel @p0 .LBB2_8-.Ltmp3, $4  }
0x291: {  	v1 =	vld [tilespmem:s14+$0x0]  }
0x292: {  	s15 =	sadd.s32 $0x10, s15;
	v5 =	vadd.f32 v2, v4  }
0x293: {  	v4 =	vmov s19;
	v2 =	vld [tilespmem:s15+$0x0]  }
0x294: {  	s19 =	sadd.s32 $0x10, s19;
	v4 =	vshll.u32 v4, $0x7;
	v3 =	vadd.f32 v3, v5  }
0x295: {  	v4 =	vor.u32 v0, v4  }
0x296: {  	v5 =	vor.u32 $0x1, v4;
	v1 =	vadd.f32 v1, v3;
	_ =	sdelay $0x1  }
0x297: {  	v1 =	vadd.f32 v2, v1  }
0x298: {  	s0 =	sadd.s32 $0x10, s26;
	v2 =	vor.u32 $0x2, v4  }
0x299: {  	[tilespmem:s0+$0x0] =	vst v1  }
0x29a: {  	v3 =	vor.u32 $0x3, v4;
	v1 =	vld.idx.msk [tilespmem:v5+s17+$0x0], $0xffff  }
0x29b: {  	v5 =	vld.idx.msk [tilespmem:v4+s17+$0x0], $0xffff  }
0x29c: {  	v6 =	vor.u32 $0x4, v4  }
0x29d: {  	v2 =	vld.idx.msk [tilespmem:v2+s17+$0x0], $0xffff  }
0x29e: {  	v7 =	vor.u32 $0x5, v4  }
0x29f: {  	v3 =	vld.idx.msk [tilespmem:v3+s17+$0x0], $0xffff  }
0x2a0: {  	v8 =	vor.u32 $0x6, v4;
	v1 =	vadd.f32 v1, v5  }
0x2a1: {  	v5 =	vld.idx.msk [tilespmem:v6+s17+$0x0], $0xffff  }
0x2a2: {  	v6 =	vor.u32 $0x7, v4;
	v1 =	vadd.f32 v2, v1  }
0x2a3: {  	v2 =	vld.idx.msk [tilespmem:v7+s17+$0x0], $0xffff  }
0x2a4: {  	v7 =	vor.u32 $0x8, v4;
	v1 =	vadd.f32 v3, v1  }
0x2a5: {  	v3 =	vld.idx.msk [tilespmem:v8+s17+$0x0], $0xffff  }
0x2a6: {  	v8 =	vor.u32 $0x9, v4;
	v1 =	vadd.f32 v5, v1  }
0x2a7: {  	v5 =	vld.idx.msk [tilespmem:v6+s17+$0x0], $0xffff  }
0x2a8: {  	v6 =	vor.u32 $0xA, v4;
	v1 =	vadd.f32 v2, v1  }
0x2a9: {  	v2 =	vld.idx.msk [tilespmem:v7+s17+$0x0], $0xffff  }
0x2aa: {  	v7 =	vor.u32 $0xB, v4;
	v1 =	vadd.f32 v3, v1  }
0x2ab: {  	v3 =	vld.idx.msk [tilespmem:v8+s17+$0x0], $0xffff  }
0x2ac: {  	v8 =	vor.u32 $0xC, v4;
	v1 =	vadd.f32 v5, v1  }
0x2ad: {  	v5 =	vld.idx.msk [tilespmem:v6+s17+$0x0], $0xffff  }
0x2ae: {  	v6 =	vor.u32 $0xD, v4;
	v1 =	vadd.f32 v2, v1  }
0x2af: {  	v2 =	vld.idx.msk [tilespmem:v7+s17+$0x0], $0xffff  }
0x2b0: {  	v7 =	vor.u32 $0xE, v4;
	v1 =	vadd.f32 v3, v1  }
0x2b1: {  	v3 =	vld.idx.msk [tilespmem:v8+s17+$0x0], $0xffff  }
0x2b2: {  	v4 =	vor.u32 $0xF, v4;
	v1 =	vadd.f32 v5, v1  }
0x2b3: {  	v5 =	vld.idx.msk [tilespmem:v6+s17+$0x0], $0xffff  }
0x2b4: {  	v1 =	vadd.f32 v2, v1  }
0x2b5: {  	v2 =	vld.idx.msk [tilespmem:v7+s17+$0x0], $0xffff  }
0x2b6: {  	v1 =	vadd.f32 v3, v1  }
0x2b7: {  	v3 =	vld.idx.msk [tilespmem:v4+s17+$0x0], $0xffff  }
0x2b8: {  	s14 =	sadd.s32 $0x10, s14;
	v1 =	vadd.f32 v5, v1  }
0x2b9: {  	v4 =	vld [tilespmem:s14+$0x0]  }
0x2ba: {  	s23 =	sadd.s32 $0x10, s15;
	v1 =	vadd.f32 v2, v1  }
0x2bb: {  	v2 =	vld [tilespmem:s23+$0x0]  }
0x2bc: {  	v1 =	vadd.f32 v3, v1;
	_ =	sdelay $0x1  }
0x2bd: {  	v1 =	vadd.f32 v4, v1;
	_ =	sdelay $0x1  }
0x2be: {  	v1 =	vadd.f32 v2, v1  }
0x2bf: {  	s0 =	sadd.s32 $0x10, s0  }
0x2c0: {  	[tilespmem:s0+$0x0] =	vst v1  }
0x2c1: {  	_ =	swait.ge [sflag:s30], $0x4000  }
0x2c2: {  	[sflag:s30] =	ssyncset.done $0x0  }
0x2c3: {  	[sflag:s30] =	ssyncadd.s32 $0xFFFFC000  }
0x2c4: {  	_ =	swait.ge [sflag:s31], $0x4000  }
0x2c5: {  	[sflag:s31] =	ssyncset.done $0x0  }
0x2c6: {  	s25 =	simm.s32 $0x180;
	s26 =	simm.s32 $0x4400;
	[sflag:s31] =	ssyncadd.s32 $0xFFFFC000  }
0x2c7: {  	[tilespmem:s26], [sflag:$0x2] =	stream.indirect.gather [hbm4b:s1+s13], $0x80, s25, s13, $0xb8;
	[tilespmem:$0x14A00] =	vst v63  }
0x2c8: {  	s28 =	simm.s32 $0x380;
	s29 =	simm.s32 $0x500  }
0x2c9: {  	[tilespmem:s4], [sflag:$0x4] =	stream.indirect.gather [hbm4b:s2+s13], $0x80, s28, s13, $0xb8;
	[tilespmem:$0x14A00] =	vst v63  }
0x2ca: {  	s22 =	simm.s32 $0x8500;
	v1 =	vld [tilespmem:s29+$0xFFFFFF00]  }
0x2cb: {  	v2 =	vld [tilespmem:s22+$0xFFFFFF00]  }
0x2cc: {  	v3 =	vld [tilespmem:s29+$0xFFFFFF10]  }
0x2cd: {  	v4 =	vld [tilespmem:s22+$0xFFFFFF10]  }
0x2ce: {  	v5 =	vld [tilespmem:s22+$0xFFFFFF20]  }
0x2cf: {  	v6 =	vld [tilespmem:s29+$0xFFFFFF20]  }
0x2d0: {  	v7 =	vld [tilespmem:s22+$0xFFFFFF30]  }
0x2d1: {  	v8 =	vld [tilespmem:s29+$0xFFFFFF30]  }
0x2d2: {  	v1 =	vmul.f32 v2, v1;
	v2 =	vmul.f32 v4, v3;
	v3 =	vld [tilespmem:s22+$0xFFFFFF40]  }
0x2d3: {  	v4 =	vld [tilespmem:s29+$0xFFFFFF40]  }
0x2d4: {  	v1 =	vadd.f32 v2, v1;
	v2 =	vmul.f32 v5, v6;
	v5 =	vld [tilespmem:s22+$0xFFFFFF50]  }
0x2d5: {  	v6 =	vld [tilespmem:s29+$0xFFFFFF50]  }
0x2d6: {  	v1 =	vadd.f32 v2, v1;
	v2 =	vmul.f32 v7, v8;
	v7 =	vld [tilespmem:s22+$0xFFFFFF60]  }
0x2d7: {  	v8 =	vld [tilespmem:s29+$0xFFFFFF60]  }
0x2d8: {  	v1 =	vadd.f32 v2, v1;
	v2 =	vmul.f32 v3, v4;
	v3 =	vld [tilespmem:s22+$0xFFFFFF70]  }
0x2d9: {  	v4 =	vld [tilespmem:s29+$0xFFFFFF70]  }
0x2da: {  	v1 =	vadd.f32 v2, v1;
	v2 =	vmul.f32 v5, v6;
	_ =	sdelay $0x1  }
0x2db: {  	v1 =	vadd.f32 v2, v1;
	v2 =	vmul.f32 v7, v8;
	_ =	sdelay $0x1  }
0x2dc: {  	v1 =	vadd.f32 v2, v1;
	v2 =	vmul.f32 v3, v4;
	_ =	sdelay $0x1  }
0x2dd: {  	v1 =	vadd.f32 v2, v1  }
0x2de: {  	s14 =	simm.s32 $0x10B00  }
0x2df: {  	[tilespmem:s14+$0xFFFFFF00] =	vst v1  }
0x2e0: {  	v1 =	vld [tilespmem:s29+$0xFFFFFF80]  }
0x2e1: {  	v2 =	vld [tilespmem:s22+$0xFFFFFF80]  }
0x2e2: {  	v3 =	vld [tilespmem:s22+$0xFFFFFF90]  }
0x2e3: {  	v4 =	vld [tilespmem:s29+$0xFFFFFF90]  }
0x2e4: {  	v5 =	vld [tilespmem:s22+$0xFFFFFFA0]  }
0x2e5: {  	v6 =	vld [tilespmem:s29+$0xFFFFFFA0]  }
0x2e6: {  	v7 =	vld [tilespmem:s22+$0xFFFFFFB0]  }
0x2e7: {  	v8 =	vld [tilespmem:s29+$0xFFFFFFB0]  }
0x2e8: {  	v1 =	vmul.f32 v2, v1;
	v2 =	vmul.f32 v3, v4;
	v3 =	vld [tilespmem:s22+$0xFFFFFFC0]  }
0x2e9: {  	v4 =	vld [tilespmem:s29+$0xFFFFFFC0]  }
0x2ea: {  	v1 =	vadd.f32 v2, v1;
	v2 =	vmul.f32 v5, v6;
	v5 =	vld [tilespmem:s22+$0xFFFFFFD0]  }
0x2eb: {  	v6 =	vld [tilespmem:s29+$0xFFFFFFD0]  }
0x2ec: {  	v1 =	vadd.f32 v2, v1;
	v2 =	vmul.f32 v7, v8;
	v7 =	vld [tilespmem:s22+$0xFFFFFFE0]  }
0x2ed: {  	v8 =	vld [tilespmem:s29+$0xFFFFFFE0]  }
0x2ee: {  	v1 =	vadd.f32 v2, v1;
	v2 =	vmul.f32 v3, v4;
	v3 =	vld [tilespmem:s22+$0xFFFFFFF0]  }
0x2ef: {  	v4 =	vld [tilespmem:s29+$0xFFFFFFF0]  }
0x2f0: {  	v1 =	vadd.f32 v2, v1;
	v2 =	vmul.f32 v5, v6;
	_ =	sdelay $0x1  }
0x2f1: {  	v1 =	vadd.f32 v2, v1;
	v2 =	vmul.f32 v7, v8;
	_ =	sdelay $0x1  }
0x2f2: {  	v1 =	vadd.f32 v2, v1;
	v2 =	vmul.f32 v3, v4;
	_ =	sdelay $0x1  }
0x2f3: {  	v1 =	vadd.f32 v2, v1;
	_ =	sdelay $0x1  }
0x2f4: {  	[tilespmem:s14+$0xFFFFFF80] =	vst v1  }
0x2f5: {  	v1 =	vld [tilespmem:s29+$0x0]  }
0x2f6: {  	v2 =	vld [tilespmem:s22+$0x0]  }
0x2f7: {  	v3 =	vld [tilespmem:s22+$0x10]  }
0x2f8: {  	v4 =	vld [tilespmem:s29+$0x10]  }
0x2f9: {  	v5 =	vld [tilespmem:s22+$0x20]  }
0x2fa: {  	v6 =	vld [tilespmem:s29+$0x20]  }
0x2fb: {  	v7 =	vld [tilespmem:s22+$0x30]  }
0x2fc: {  	v8 =	vld [tilespmem:s29+$0x30]  }
0x2fd: {  	v1 =	vmul.f32 v2, v1;
	v2 =	vmul.f32 v3, v4;
	v3 =	vld [tilespmem:s22+$0x40]  }
0x2fe: {  	v4 =	vld [tilespmem:s29+$0x40]  }
0x2ff: {  	v1 =	vadd.f32 v2, v1;
	v2 =	vmul.f32 v5, v6;
	v5 =	vld [tilespmem:s22+$0x50]  }
0x300: {  	v6 =	vld [tilespmem:s29+$0x50]  }
0x301: {  	v1 =	vadd.f32 v2, v1;
	v2 =	vmul.f32 v7, v8;
	v7 =	vld [tilespmem:s22+$0x60]  }
0x302: {  	v8 =	vld [tilespmem:s29+$0x60]  }
0x303: {  	v1 =	vadd.f32 v2, v1;
	v2 =	vmul.f32 v3, v4;
	v3 =	vld [tilespmem:s22+$0x70]  }
0x304: {  	v4 =	vld [tilespmem:s29+$0x70]  }
0x305: {  	v1 =	vadd.f32 v2, v1;
	v2 =	vmul.f32 v5, v6;
	_ =	sdelay $0x1  }
0x306: {  	v1 =	vadd.f32 v2, v1;
	v2 =	vmul.f32 v7, v8;
	_ =	sdelay $0x1  }
0x307: {  	v1 =	vadd.f32 v2, v1;
	v2 =	vmul.f32 v3, v4;
	_ =	sdelay $0x1  }
0x308: {  	v1 =	vadd.f32 v2, v1;
	_ =	sdelay $0x1  }
0x309: {  	[tilespmem:s14+$0x0] =	vst v1  }
0x30a: {  	v1 =	vld [tilespmem:s29+$0x80]  }
0x30b: {  	v3 =	vld [tilespmem:s22+$0x80]  }
0x30c: {  	v5 =	vld [tilespmem:s29+$0x90]  }
0x30d: {  	v7 =	vld [tilespmem:s22+$0x90]  }
0x30e: {  	v8 =	vld [tilespmem:s29+$0xA0]  }
0x30f: {  	v9 =	vld [tilespmem:s22+$0xA0]  }
0x310: {  	v4 =	vld [tilespmem:s29+$0xB0]  }
0x311: {  	v6 =	vld [tilespmem:s22+$0xB0]  }
0x312: {  	v2 =	vld [tilespmem:s29+$0xC0];
	v10 =	vmul.f32 v3, v1;
	v5 =	vmul.f32 v7, v5  }
0x313: {  	v3 =	vld [tilespmem:s22+$0xC0]  }
0x314: {  	s19 =	simm.s32 $0x0;
	s21 =	simm.s32 $0x8700;
	v1 =	vld [tilespmem:s29+$0xD0];
	v8 =	vmul.f32 v9, v8;
	v7 =	vadd.f32 v5, v10  }
0x315: {  	s15 =	simm.s32 $0x10B00;
	s23 =	simm.s32 $0x500;
	s26 =	simm.s32 $0x10900;
	v5 =	vld [tilespmem:s22+$0xD0]  }
.LBB2_10:
0x316: {  	s19 =	sadd.s32 $0x4, s19;
	v7 =	vadd.f32 v8, v7;
	v4 =	vmul.f32 v6, v4;
	v6 =	vld [tilespmem:s29+$0xE0];
	s14 =	sadd.s32 $0x200, s14;
	s23 =	sadd.s32 $0x200, s23  }
0x317: {  	p0 =	slt.u32 s19, $0x7C;
	v8 =	vld [tilespmem:s22+$0xE0]  }
0x318: {  	v4 =	vadd.f32 v4, v7;
	v2 =	vmul.f32 v3, v2;
	v3 =	vld [tilespmem:s29+$0xF0];
	s29 =	smov.u32 s23  }
0x319: {  	v7 =	vld [tilespmem:s22+$0xF0];
	s22 =	smov.u32 s21  }
0x31a: {  	v2 =	vadd.f32 v2, v4;
	v1 =	vmul.f32 v5, v1;
	_ =	sdelay $0x1  }
0x31b: {  	v1 =	vadd.f32 v1, v2;
	v2 =	vmul.f32 v8, v6;
	_ =	sdelay $0x1  }
0x31c: {  	v1 =	vadd.f32 v2, v1;
	v2 =	vmul.f32 v7, v3;
	_ =	sdelay $0x1  }
0x31d: {  	v1 =	vadd.f32 v2, v1;
	_ =	sdelay $0x1  }
0x31e: {  	[tilespmem:s15+$0x80] =	vst v1;
	s15 =	smov.u32 s14  }
0x31f: {  	v1 =	vld [tilespmem:s23+$0xFFFFFF00]  }
0x320: {  	v2 =	vld [tilespmem:s21+$0xFFFFFF00]  }
0x321: {  	v3 =	vld [tilespmem:s23+$0xFFFFFF10]  }
0x322: {  	v4 =	vld [tilespmem:s21+$0xFFFFFF10]  }
0x323: {  	v5 =	vld [tilespmem:s21+$0xFFFFFF20]  }
0x324: {  	v6 =	vld [tilespmem:s23+$0xFFFFFF20]  }
0x325: {  	v7 =	vld [tilespmem:s21+$0xFFFFFF30]  }
0x326: {  	v8 =	vld [tilespmem:s23+$0xFFFFFF30]  }
0x327: {  	v1 =	vmul.f32 v2, v1;
	v2 =	vmul.f32 v4, v3;
	v3 =	vld [tilespmem:s21+$0xFFFFFF40]  }
0x328: {  	v4 =	vld [tilespmem:s23+$0xFFFFFF40]  }
0x329: {  	v1 =	vadd.f32 v2, v1;
	v2 =	vmul.f32 v5, v6;
	v5 =	vld [tilespmem:s21+$0xFFFFFF50]  }
0x32a: {  	v6 =	vld [tilespmem:s23+$0xFFFFFF50]  }
0x32b: {  	v1 =	vadd.f32 v2, v1;
	v2 =	vmul.f32 v7, v8;
	v7 =	vld [tilespmem:s21+$0xFFFFFF60]  }
0x32c: {  	v8 =	vld [tilespmem:s23+$0xFFFFFF60]  }
0x32d: {  	v1 =	vadd.f32 v2, v1;
	v2 =	vmul.f32 v3, v4;
	v3 =	vld [tilespmem:s21+$0xFFFFFF70]  }
0x32e: {  	v4 =	vld [tilespmem:s23+$0xFFFFFF70]  }
0x32f: {  	v1 =	vadd.f32 v2, v1;
	v2 =	vmul.f32 v5, v6;
	_ =	sdelay $0x1  }
0x330: {  	v1 =	vadd.f32 v2, v1;
	v2 =	vmul.f32 v7, v8;
	_ =	sdelay $0x1  }
0x331: {  	v1 =	vadd.f32 v2, v1;
	v2 =	vmul.f32 v3, v4;
	_ =	sdelay $0x1  }
0x332: {  	v1 =	vadd.f32 v2, v1;
	_ =	sdelay $0x1  }
0x333: {  	[tilespmem:s14+$0xFFFFFF00] =	vst v1  }
0x334: {  	v1 =	vld [tilespmem:s23+$0xFFFFFF80]  }
0x335: {  	v2 =	vld [tilespmem:s21+$0xFFFFFF80];
	_ =	sdelay $0x2  }
0x336: {  	v3 =	vld [tilespmem:s21+$0xFFFFFF90]  }
0x337: {  	v4 =	vld [tilespmem:s23+$0xFFFFFF90]  }
0x338: {  	v1 =	vmul.f32 v2, v1;
	v2 =	vld [tilespmem:s21+$0xFFFFFFA0]  }
0x339: {  	v5 =	vld [tilespmem:s23+$0xFFFFFFA0]  }
0x33a: {  	v6 =	vld [tilespmem:s21+$0xFFFFFFB0]  }
0x33b: {  	v7 =	vld [tilespmem:s23+$0xFFFFFFB0]  }
0x33c: {  	v3 =	vmul.f32 v3, v4;
	v4 =	vld [tilespmem:s21+$0xFFFFFFC0]  }
0x33d: {  	v8 =	vld [tilespmem:s23+$0xFFFFFFC0]  }
0x33e: {  	v1 =	vadd.f32 v3, v1;
	v2 =	vmul.f32 v2, v5;
	v3 =	vld [tilespmem:s21+$0xFFFFFFD0]  }
0x33f: {  	v5 =	vld [tilespmem:s23+$0xFFFFFFD0]  }
0x340: {  	v1 =	vadd.f32 v2, v1;
	v2 =	vmul.f32 v6, v7;
	v6 =	vld [tilespmem:s21+$0xFFFFFFE0]  }
0x341: {  	v7 =	vld [tilespmem:s23+$0xFFFFFFE0]  }
0x342: {  	v1 =	vadd.f32 v2, v1;
	v2 =	vmul.f32 v4, v8;
	v4 =	vld [tilespmem:s21+$0xFFFFFFF0]  }
0x343: {  	v8 =	vld [tilespmem:s23+$0xFFFFFFF0]  }
0x344: {  	v1 =	vadd.f32 v2, v1;
	v2 =	vmul.f32 v3, v5;
	_ =	sdelay $0x1  }
0x345: {  	v1 =	vadd.f32 v2, v1;
	v2 =	vmul.f32 v6, v7;
	_ =	sdelay $0x1  }
0x346: {  	v1 =	vadd.f32 v2, v1;
	v2 =	vmul.f32 v4, v8;
	_ =	sdelay $0x1  }
0x347: {  	v1 =	vadd.f32 v2, v1;
	_ =	sdelay $0x1  }
0x348: {  	[tilespmem:s14+$0xFFFFFF80] =	vst v1  }
0x349: {  	v1 =	vld [tilespmem:s23+$0x0]  }
0x34a: {  	v2 =	vld [tilespmem:s21+$0x0];
	_ =	sdelay $0x1  }
0x34b: {  	v3 =	vld [tilespmem:s21+$0x10]  }
0x34c: {  	v4 =	vld [tilespmem:s23+$0x10]  }
0x34d: {  	v5 =	vld [tilespmem:s21+$0x20]  }
0x34e: {  	v1 =	vmul.f32 v2, v1;
	v2 =	vld [tilespmem:s23+$0x20]  }
0x34f: {  	v6 =	vld [tilespmem:s21+$0x30]  }
0x350: {  	v7 =	vld [tilespmem:s23+$0x30]  }
0x351: {  	v3 =	vmul.f32 v3, v4;
	v4 =	vld [tilespmem:s21+$0x40]  }
0x352: {  	v8 =	vld [tilespmem:s23+$0x40]  }
0x353: {  	v1 =	vadd.f32 v3, v1;
	v2 =	vmul.f32 v5, v2;
	v3 =	vld [tilespmem:s21+$0x50]  }
0x354: {  	v5 =	vld [tilespmem:s23+$0x50]  }
0x355: {  	v1 =	vadd.f32 v2, v1;
	v2 =	vmul.f32 v6, v7;
	v6 =	vld [tilespmem:s21+$0x60]  }
0x356: {  	v7 =	vld [tilespmem:s23+$0x60]  }
0x357: {  	v1 =	vadd.f32 v2, v1;
	v2 =	vmul.f32 v4, v8;
	v4 =	vld [tilespmem:s21+$0x70]  }
0x358: {  	v8 =	vld [tilespmem:s23+$0x70]  }
0x359: {  	v1 =	vadd.f32 v2, v1;
	v2 =	vmul.f32 v3, v5;
	_ =	sdelay $0x1  }
0x35a: {  	v1 =	vadd.f32 v2, v1;
	v2 =	vmul.f32 v6, v7;
	_ =	sdelay $0x1  }
0x35b: {  	v1 =	vadd.f32 v2, v1;
	v2 =	vmul.f32 v4, v8;
	_ =	sdelay $0x1  }
0x35c: {  	v1 =	vadd.f32 v2, v1;
	_ =	sdelay $0x1  }
0x35d: {  	[tilespmem:s14+$0x0] =	vst v1  }
0x35e: {  	v1 =	vld [tilespmem:s23+$0x80]  }
0x35f: {  	v2 =	vld [tilespmem:s21+$0x80]  }
0x360: {  	v3 =	vld [tilespmem:s23+$0x90]  }
0x361: {  	v5 =	vld [tilespmem:s21+$0x90]  }
0x362: {  	v8 =	vld [tilespmem:s23+$0xA0]  }
0x363: {  	v9 =	vld [tilespmem:s21+$0xA0]  }
0x364: {  	v1 =	vmul.f32 v2, v1;
	v4 =	vld [tilespmem:s23+$0xB0]  }
.Ltmp4:
0x365: {  	v6 =	vld [tilespmem:s21+$0xB0];
	(pc) =	sbr.rel @p0 .LBB2_10-.Ltmp4, $4  }
0x366: {  	v5 =	vmul.f32 v5, v3;
	v2 =	vld [tilespmem:s23+$0xC0]  }
0x367: {  	v3 =	vld [tilespmem:s21+$0xC0]  }
0x368: {  	s25 =	simm.s32 $0x10700;
	v7 =	vadd.f32 v5, v1;
	v8 =	vmul.f32 v9, v8;
	v1 =	vld [tilespmem:s23+$0xD0]  }
0x369: {  	s0 =	simm.s32 $0x0;
	s28 =	simm.s32 $0x10500;
	s21 =	sadd.s32 $0x200, s21;
	v5 =	vld [tilespmem:s22+$0xD0]  }
0x36a: {  	v7 =	vadd.f32 v8, v7;
	v4 =	vmul.f32 v6, v4;
	v6 =	vld [tilespmem:s29+$0xE0]  }
0x36b: {  	v57 =	vld [tilespmem:s22+$0xE0]  }
0x36c: {  	v4 =	vadd.f32 v4, v7;
	v2 =	vmul.f32 v3, v2;
	v3 =	vld [tilespmem:s29+$0xF0]  }
0x36d: {  	v7 =	vld [tilespmem:s22+$0xF0]  }
0x36e: {  	v2 =	vadd.f32 v2, v4;
	v1 =	vmul.f32 v5, v1  }
0x36f: {  	v4 =	vmov s0  }
0x370: {  	v4 =	vshll.u32 v4, $0x7;
	v1 =	vadd.f32 v1, v2;
	v2 =	vmul.f32 v57, v6  }
0x371: {  	v4 =	vor.u32 v0, v4  }
0x372: {  	v1 =	vadd.f32 v2, v1;
	v2 =	vmul.f32 v7, v3;
	v3 =	vor.u32 $0x1, v4;
	_ =	sdelay $0x1  }
0x373: {  	v1 =	vadd.f32 v2, v1  }
0x374: {  	v2 =	vor.u32 $0x2, v4  }
0x375: {  	[tilespmem:s15+$0x80] =	vst v1  }
0x376: {  	v1 =	vld.idx.msk [tilespmem:v3+s17+$0x0], $0xffff;
	v3 =	vor.u32 $0x3, v4  }
0x377: {  	v5 =	vld.idx.msk [tilespmem:v4+s17+$0x0], $0xffff  }
0x378: {  	v6 =	vor.u32 $0x4, v4  }
0x379: {  	v2 =	vld.idx.msk [tilespmem:v2+s17+$0x0], $0xffff  }
0x37a: {  	v7 =	vor.u32 $0x5, v4  }
0x37b: {  	v3 =	vld.idx.msk [tilespmem:v3+s17+$0x0], $0xffff  }
0x37c: {  	v58 =	vor.u32 $0x6, v4;
	v1 =	vadd.f32 v1, v5  }
0x37d: {  	v5 =	vld.idx.msk [tilespmem:v6+s17+$0x0], $0xffff  }
0x37e: {  	v6 =	vor.u32 $0x7, v4;
	v1 =	vadd.f32 v2, v1  }
0x37f: {  	v2 =	vld.idx.msk [tilespmem:v7+s17+$0x0], $0xffff  }
0x380: {  	v7 =	vor.u32 $0x8, v4;
	v1 =	vadd.f32 v3, v1  }
0x381: {  	v3 =	vld.idx.msk [tilespmem:v58+s17+$0x0], $0xffff  }
0x382: {  	v59 =	vor.u32 $0x9, v4;
	v1 =	vadd.f32 v5, v1  }
0x383: {  	v5 =	vld.idx.msk [tilespmem:v6+s17+$0x0], $0xffff  }
0x384: {  	v6 =	vor.u32 $0xA, v4;
	v1 =	vadd.f32 v2, v1  }
0x385: {  	v2 =	vld.idx.msk [tilespmem:v7+s17+$0x0], $0xffff  }
0x386: {  	v7 =	vor.u32 $0xB, v4;
	v1 =	vadd.f32 v3, v1  }
0x387: {  	v3 =	vld.idx.msk [tilespmem:v59+s17+$0x0], $0xffff  }
0x388: {  	v60 =	vor.u32 $0xC, v4;
	v1 =	vadd.f32 v5, v1  }
0x389: {  	v5 =	vld.idx.msk [tilespmem:v6+s17+$0x0], $0xffff  }
0x38a: {  	v6 =	vor.u32 $0xD, v4;
	v1 =	vadd.f32 v2, v1  }
0x38b: {  	v2 =	vld.idx.msk [tilespmem:v7+s17+$0x0], $0xffff  }
0x38c: {  	v7 =	vor.u32 $0xE, v4;
	v1 =	vadd.f32 v3, v1  }
0x38d: {  	v3 =	vld.idx.msk [tilespmem:v60+s17+$0x0], $0xffff  }
0x38e: {  	v4 =	vor.u32 $0xF, v4;
	v1 =	vadd.f32 v5, v1  }
0x38f: {  	v5 =	vld.idx.msk [tilespmem:v6+s17+$0x0], $0xffff  }
0x390: {  	v1 =	vadd.f32 v2, v1  }
0x391: {  	v2 =	vld.idx.msk [tilespmem:v7+s17+$0x0], $0xffff  }
0x392: {  	v1 =	vadd.f32 v3, v1  }
0x393: {  	v3 =	vld.idx.msk [tilespmem:v4+s17+$0x0], $0xffff  }
0x394: {  	v1 =	vadd.f32 v5, v1  }
0x395: {  	v4 =	vld [tilespmem:s28+$0x0]  }
0x396: {  	s28 =	simm.s32 $0x10;
	v1 =	vadd.f32 v2, v1  }
0x397: {  	v5 =	vld [tilespmem:s25+$0x0];
	v2 =	vmov s28  }
0x398: {  	v2 =	vshll.u32 v2, $0x7;
	v1 =	vadd.f32 v3, v1  }
0x399: {  	v2 =	vor.u32 v0, v2  }
0x39a: {  	v3 =	vor.u32 $0x1, v2;
	v1 =	vadd.f32 v4, v1;
	_ =	sdelay $0x1  }
0x39b: {  	v1 =	vadd.f32 v5, v1  }
0x39c: {  	v4 =	vor.u32 $0x2, v2  }
0x39d: {  	[tilespmem:s26+$0x0] =	vst v1  }
0x39e: {  	v1 =	vld.idx.msk [tilespmem:v3+s17+$0x0], $0xffff;
	v3 =	vor.u32 $0x3, v2  }
0x39f: {  	v5 =	vld.idx.msk [tilespmem:v2+s17+$0x0], $0xffff  }
0x3a0: {  	v6 =	vor.u32 $0x4, v2  }
0x3a1: {  	v4 =	vld.idx.msk [tilespmem:v4+s17+$0x0], $0xffff  }
0x3a2: {  	v7 =	vor.u32 $0x5, v2  }
0x3a3: {  	v3 =	vld.idx.msk [tilespmem:v3+s17+$0x0], $0xffff  }
0x3a4: {  	v61 =	vor.u32 $0x6, v2;
	v1 =	vadd.f32 v1, v5  }
0x3a5: {  	v5 =	vld.idx.msk [tilespmem:v6+s17+$0x0], $0xffff  }
0x3a6: {  	v6 =	vor.u32 $0x7, v2;
	v1 =	vadd.f32 v4, v1  }
0x3a7: {  	v4 =	vld.idx.msk [tilespmem:v7+s17+$0x0], $0xffff  }
0x3a8: {  	v7 =	vor.u32 $0x8, v2;
	v1 =	vadd.f32 v3, v1  }
0x3a9: {  	v3 =	vld.idx.msk [tilespmem:v61+s17+$0x0], $0xffff  }
0x3aa: {  	v62 =	vor.u32 $0x9, v2;
	v1 =	vadd.f32 v5, v1  }
0x3ab: {  	v5 =	vld.idx.msk [tilespmem:v6+s17+$0x0], $0xffff  }
0x3ac: {  	v6 =	vor.u32 $0xA, v2;
	v1 =	vadd.f32 v4, v1  }
0x3ad: {  	v4 =	vld.idx.msk [tilespmem:v7+s17+$0x0], $0xffff  }
0x3ae: {  	v7 =	vor.u32 $0xB, v2;
	v1 =	vadd.f32 v3, v1  }
0x3af: {  	v3 =	vld.idx.msk [tilespmem:v62+s17+$0x0], $0xffff  }
0x3b0: {  	v63 =	vor.u32 $0xC, v2;
	v1 =	vadd.f32 v5, v1  }
0x3b1: {  	v5 =	vld.idx.msk [tilespmem:v6+s17+$0x0], $0xffff  }
0x3b2: {  	v6 =	vor.u32 $0xD, v2;
	v1 =	vadd.f32 v4, v1  }
0x3b3: {  	v4 =	vld.idx.msk [tilespmem:v7+s17+$0x0], $0xffff  }
0x3b4: {  	v7 =	vor.u32 $0xE, v2;
	v1 =	vadd.f32 v3, v1  }
0x3b5: {  	v3 =	vld.idx.msk [tilespmem:v63+s17+$0x0], $0xffff  }
0x3b6: {  	v1 =	vadd.f32 v5, v1  }
0x3b7: {  	v2 =	vor.u32 $0xF, v2;
	v5 =	vld.idx.msk [tilespmem:v6+s17+$0x0], $0xffff  }
0x3b8: {  	v1 =	vadd.f32 v4, v1  }
0x3b9: {  	v4 =	vld.idx.msk [tilespmem:v7+s17+$0x0], $0xffff  }
0x3ba: {  	v1 =	vadd.f32 v3, v1;
	_ =	sdelay $0x1  }
0x3bb: {  	v3 =	vld.idx.msk [tilespmem:v2+s17+$0x0], $0xffff;
	v1 =	vadd.f32 v5, v1  }
0x3bc: {  	s14 =	simm.s32 $0x10510  }
0x3bd: {  	v5 =	vadd.f32 v4, v1;
	v1 =	vld [tilespmem:s14+$0x0]  }
0x3be: {  	s29 =	simm.s32 $0x20;
	s15 =	simm.s32 $0x10710  }
0x3bf: {  	v2 =	vld [tilespmem:s15+$0x0];
	v4 =	vmov s29  }
0x3c0: {  	s19 =	simm.s32 $0x30;
	v4 =	vshll.u32 v4, $0x7;
	v3 =	vadd.f32 v3, v5  }
.LBB2_12:
0x3c1: {  	p0 =	sne.s32 s19, $0x70;
	v4 =	vor.u32 v0, v4  }
0x3c2: {  	v5 =	vor.u32 $0x1, v4;
	v1 =	vadd.f32 v1, v3;
	_ =	sdelay $0x1  }
0x3c3: {  	v1 =	vadd.f32 v2, v1  }
0x3c4: {  	s26 =	sadd.s32 $0x10, s26;
	v2 =	vor.u32 $0x2, v4  }
0x3c5: {  	[tilespmem:s26+$0x0] =	vst v1  }
0x3c6: {  	v3 =	vor.u32 $0x3, v4;
	v1 =	vld.idx.msk [tilespmem:v5+s17+$0x0], $0xffff  }
0x3c7: {  	v5 =	vld.idx.msk [tilespmem:v4+s17+$0x0], $0xffff  }
0x3c8: {  	v6 =	vor.u32 $0x4, v4  }
0x3c9: {  	v2 =	vld.idx.msk [tilespmem:v2+s17+$0x0], $0xffff  }
0x3ca: {  	v7 =	vor.u32 $0x5, v4  }
0x3cb: {  	v3 =	vld.idx.msk [tilespmem:v3+s17+$0x0], $0xffff  }
0x3cc: {  	v8 =	vor.u32 $0x6, v4  }
0x3cd: {  	v1 =	vadd.f32 v1, v5;
	v5 =	vld.idx.msk [tilespmem:v6+s17+$0x0], $0xffff  }
0x3ce: {  	v6 =	vor.u32 $0x7, v4  }
0x3cf: {  	v1 =	vadd.f32 v2, v1;
	v2 =	vld.idx.msk [tilespmem:v7+s17+$0x0], $0xffff  }
0x3d0: {  	v7 =	vor.u32 $0x8, v4  }
0x3d1: {  	v1 =	vadd.f32 v3, v1;
	v3 =	vld.idx.msk [tilespmem:v8+s17+$0x0], $0xffff  }
0x3d2: {  	v8 =	vor.u32 $0x9, v4  }
0x3d3: {  	v1 =	vadd.f32 v5, v1;
	v5 =	vld.idx.msk [tilespmem:v6+s17+$0x0], $0xffff  }
0x3d4: {  	v6 =	vor.u32 $0xA, v4  }
0x3d5: {  	v1 =	vadd.f32 v2, v1;
	v2 =	vld.idx.msk [tilespmem:v7+s17+$0x0], $0xffff  }
0x3d6: {  	v7 =	vor.u32 $0xB, v4  }
0x3d7: {  	v1 =	vadd.f32 v3, v1;
	v3 =	vld.idx.msk [tilespmem:v8+s17+$0x0], $0xffff  }
0x3d8: {  	v8 =	vor.u32 $0xC, v4  }
0x3d9: {  	v1 =	vadd.f32 v5, v1;
	v5 =	vld.idx.msk [tilespmem:v6+s17+$0x0], $0xffff  }
0x3da: {  	v6 =	vor.u32 $0xD, v4  }
0x3db: {  	v1 =	vadd.f32 v2, v1;
	v2 =	vld.idx.msk [tilespmem:v7+s17+$0x0], $0xffff  }
0x3dc: {  	v7 =	vor.u32 $0xE, v4  }
0x3dd: {  	v1 =	vadd.f32 v3, v1;
	v3 =	vld.idx.msk [tilespmem:v8+s17+$0x0], $0xffff  }
0x3de: {  	v4 =	vor.u32 $0xF, v4  }
0x3df: {  	v1 =	vadd.f32 v5, v1;
	v5 =	vld.idx.msk [tilespmem:v6+s17+$0x0], $0xffff;
	_ =	sdelay $0x1  }
0x3e0: {  	v1 =	vadd.f32 v2, v1;
	v2 =	vld.idx.msk [tilespmem:v7+s17+$0x0], $0xffff;
	_ =	sdelay $0x1  }
0x3e1: {  	v1 =	vadd.f32 v3, v1;
	v3 =	vld.idx.msk [tilespmem:v4+s17+$0x0], $0xffff;
	_ =	sdelay $0x1  }
.Ltmp5:
0x3e2: {  	s14 =	sadd.s32 $0x10, s14;
	v4 =	vadd.f32 v5, v1;
	(pc) =	sbr.rel @p0 .LBB2_12-.Ltmp5, $4  }
0x3e3: {  	v1 =	vld [tilespmem:s14+$0x0]  }
0x3e4: {  	s15 =	sadd.s32 $0x10, s15;
	v5 =	vadd.f32 v2, v4  }
0x3e5: {  	v4 =	vmov s19;
	v2 =	vld [tilespmem:s15+$0x0]  }
0x3e6: {  	s19 =	sadd.s32 $0x10, s19;
	v4 =	vshll.u32 v4, $0x7;
	v3 =	vadd.f32 v3, v5  }
0x3e7: {  	v4 =	vor.u32 v0, v4  }
0x3e8: {  	v5 =	vor.u32 $0x1, v4;
	v1 =	vadd.f32 v1, v3;
	_ =	sdelay $0x1  }
0x3e9: {  	v1 =	vadd.f32 v2, v1  }
0x3ea: {  	s0 =	sadd.s32 $0x10, s26;
	v2 =	vor.u32 $0x2, v4  }
0x3eb: {  	[tilespmem:s0+$0x0] =	vst v1  }
0x3ec: {  	v3 =	vor.u32 $0x3, v4;
	v1 =	vld.idx.msk [tilespmem:v5+s17+$0x0], $0xffff  }
0x3ed: {  	v5 =	vld.idx.msk [tilespmem:v4+s17+$0x0], $0xffff  }
0x3ee: {  	v6 =	vor.u32 $0x4, v4  }
0x3ef: {  	v2 =	vld.idx.msk [tilespmem:v2+s17+$0x0], $0xffff  }
0x3f0: {  	v7 =	vor.u32 $0x5, v4  }
0x3f1: {  	v3 =	vld.idx.msk [tilespmem:v3+s17+$0x0], $0xffff  }
0x3f2: {  	v8 =	vor.u32 $0x6, v4;
	v1 =	vadd.f32 v1, v5  }
0x3f3: {  	v5 =	vld.idx.msk [tilespmem:v6+s17+$0x0], $0xffff  }
0x3f4: {  	v6 =	vor.u32 $0x7, v4;
	v1 =	vadd.f32 v2, v1  }
0x3f5: {  	v2 =	vld.idx.msk [tilespmem:v7+s17+$0x0], $0xffff  }
0x3f6: {  	v7 =	vor.u32 $0x8, v4;
	v1 =	vadd.f32 v3, v1  }
0x3f7: {  	v3 =	vld.idx.msk [tilespmem:v8+s17+$0x0], $0xffff  }
0x3f8: {  	v8 =	vor.u32 $0x9, v4;
	v1 =	vadd.f32 v5, v1  }
0x3f9: {  	v5 =	vld.idx.msk [tilespmem:v6+s17+$0x0], $0xffff  }
0x3fa: {  	v6 =	vor.u32 $0xA, v4;
	v1 =	vadd.f32 v2, v1  }
0x3fb: {  	v2 =	vld.idx.msk [tilespmem:v7+s17+$0x0], $0xffff  }
0x3fc: {  	v7 =	vor.u32 $0xB, v4;
	v1 =	vadd.f32 v3, v1  }
0x3fd: {  	v3 =	vld.idx.msk [tilespmem:v8+s17+$0x0], $0xffff  }
0x3fe: {  	v8 =	vor.u32 $0xC, v4;
	v1 =	vadd.f32 v5, v1  }
0x3ff: {  	v5 =	vld.idx.msk [tilespmem:v6+s17+$0x0], $0xffff  }
0x400: {  	v6 =	vor.u32 $0xD, v4;
	v1 =	vadd.f32 v2, v1  }
0x401: {  	v2 =	vld.idx.msk [tilespmem:v7+s17+$0x0], $0xffff  }
0x402: {  	v7 =	vor.u32 $0xE, v4;
	v1 =	vadd.f32 v3, v1  }
0x403: {  	v3 =	vld.idx.msk [tilespmem:v8+s17+$0x0], $0xffff  }
0x404: {  	v4 =	vor.u32 $0xF, v4;
	v1 =	vadd.f32 v5, v1  }
0x405: {  	v5 =	vld.idx.msk [tilespmem:v6+s17+$0x0], $0xffff  }
0x406: {  	v1 =	vadd.f32 v2, v1  }
0x407: {  	v2 =	vld.idx.msk [tilespmem:v7+s17+$0x0], $0xffff  }
0x408: {  	v1 =	vadd.f32 v3, v1  }
0x409: {  	v3 =	vld.idx.msk [tilespmem:v4+s17+$0x0], $0xffff  }
0x40a: {  	s14 =	sadd.s32 $0x10, s14;
	v1 =	vadd.f32 v5, v1  }
0x40b: {  	v4 =	vld [tilespmem:s14+$0x0]  }
0x40c: {  	s26 =	sadd.s32 $0x10, s15;
	v1 =	vadd.f32 v2, v1  }
0x40d: {  	v2 =	vld [tilespmem:s26+$0x0]  }
0x40e: {  	v1 =	vadd.f32 v3, v1;
	_ =	sdelay $0x1  }
0x40f: {  	v1 =	vadd.f32 v4, v1;
	_ =	sdelay $0x1  }
0x410: {  	v1 =	vadd.f32 v2, v1  }
0x411: {  	s0 =	sadd.s32 $0x10, s0  }
0x412: {  	[tilespmem:s0+$0x0] =	vst v1  }
0x413: {  	_ =	swait.ge [sflag:s18], $0x4000  }
0x414: {  	[sflag:s18] =	ssyncset.done $0x0  }
0x415: {  	[sflag:s18] =	ssyncadd.s32 $0xFFFFC000  }
0x416: {  	_ =	swait.ge [sflag:s20], $0x4000  }
0x417: {  	[sflag:s20] =	ssyncset.done $0x0  }
0x418: {  	s22 =	simm.s32 $0x0;
	[sflag:s20] =	ssyncadd.s32 $0xFFFFC000  }
0x419: {  	v1 =	vld [tilespmem:s22+$0x4580]  }
0x41a: {  	v2 =	vld [tilespmem:s22+$0xC580]  }
0x41b: {  	v3 =	vld [tilespmem:s22+$0x4590]  }
0x41c: {  	v4 =	vld [tilespmem:s22+$0xC590]  }
0x41d: {  	v5 =	vld [tilespmem:s22+$0x45A0]  }
0x41e: {  	v6 =	vld [tilespmem:s22+$0xC5A0]  }
0x41f: {  	v7 =	vld [tilespmem:s22+$0x45B0]  }
0x420: {  	v8 =	vld [tilespmem:s22+$0xC5B0]  }
0x421: {  	v9 =	vld [tilespmem:s22+$0x45C0]  }
0x422: {  	v10 =	vld [tilespmem:s22+$0x4500]  }
0x423: {  	v11 =	vld [tilespmem:s22+$0x4510]  }
0x424: {  	v12 =	vld [tilespmem:s22+$0xC510]  }
0x425: {  	v13 =	vld [tilespmem:s22+$0x4420]  }
0x426: {  	v14 =	vld [tilespmem:s22+$0xC420]  }
0x427: {  	v15 =	vld [tilespmem:s22+$0x44A0]  }
0x428: {  	v16 =	vld [tilespmem:s22+$0xC4A0]  }
0x429: {  	v17 =	vld [tilespmem:s22+$0x4520]  }
0x42a: {  	v18 =	vld [tilespmem:s22+$0xC520]  }
0x42b: {  	v19 =	vld [tilespmem:s22+$0x4430]  }
0x42c: {  	v20 =	vld [tilespmem:s22+$0xC430]  }
0x42d: {  	v21 =	vld [tilespmem:s22+$0x44B0]  }
0x42e: {  	v22 =	vld [tilespmem:s22+$0xC4B0]  }
0x42f: {  	v23 =	vld [tilespmem:s22+$0x4530]  }
0x430: {  	v24 =	vld [tilespmem:s22+$0xC530]  }
0x431: {  	v25 =	vld [tilespmem:s22+$0x4440]  }
0x432: {  	v26 =	vld [tilespmem:s22+$0xC440]  }
0x433: {  	v27 =	vld [tilespmem:s22+$0x44C0]  }
0x434: {  	v28 =	vld [tilespmem:s22+$0xC4C0]  }
0x435: {  	v29 =	vld [tilespmem:s22+$0x4540]  }
0x436: {  	v30 =	vld [tilespmem:s22+$0xC540];
	v1 =	vmul.f32 v2, v1;
	v2 =	vmul.f32 v4, v3  }
0x437: {  	v3 =	vld [tilespmem:s22+$0xC5C0]  }
0x438: {  	v4 =	vld [tilespmem:s22+$0x45D0];
	v1 =	vadd.f32 v2, v1;
	v2 =	vmul.f32 v6, v5  }
0x439: {  	v5 =	vld [tilespmem:s22+$0xC5D0]  }
0x43a: {  	v6 =	vld [tilespmem:s22+$0x45E0];
	v1 =	vadd.f32 v2, v1;
	v2 =	vmul.f32 v8, v7  }
0x43b: {  	v7 =	vld [tilespmem:s22+$0xC5E0]  }
0x43c: {  	v8 =	vld [tilespmem:s22+$0x45F0];
	v1 =	vadd.f32 v2, v1;
	v2 =	vmul.f32 v3, v9  }
0x43d: {  	v3 =	vld [tilespmem:s22+$0xC5F0]  }
0x43e: {  	v9 =	vld [tilespmem:s22+$0x4400];
	v1 =	vadd.f32 v2, v1;
	v2 =	vmul.f32 v5, v4  }
0x43f: {  	v4 =	vld [tilespmem:s22+$0xC400]  }
0x440: {  	v5 =	vld [tilespmem:s22+$0x4410];
	v1 =	vadd.f32 v2, v1;
	v2 =	vmul.f32 v7, v6  }
0x441: {  	v6 =	vld [tilespmem:s22+$0xC410]  }
0x442: {  	v7 =	vld [tilespmem:s22+$0x4480];
	v1 =	vadd.f32 v2, v1;
	v2 =	vmul.f32 v3, v8  }
0x443: {  	v3 =	vld [tilespmem:s22+$0xC480]  }
0x444: {  	v8 =	vld [tilespmem:s22+$0x4490];
	v1 =	vadd.f32 v2, v1  }
0x445: {  	v2 =	vld [tilespmem:s22+$0xC490]  }
0x446: {  	[tilespmem:s22+$0x10B80] =	vst v1;
	v1 =	vld [tilespmem:s22+$0xC500]  }
0x447: {  	v31 =	vld [tilespmem:s22+$0x4450]  }
0x448: {  	v32 =	vld [tilespmem:s22+$0xC450]  }
0x449: {  	v59 =	vld [tilespmem:s22+$0x44E0];
	v4 =	vmul.f32 v4, v9;
	v5 =	vmul.f32 v6, v5  }
0x44a: {  	v60 =	vld [tilespmem:s22+$0xC4E0];
	v3 =	vmul.f32 v3, v7;
	v2 =	vmul.f32 v2, v8  }
0x44b: {  	v6 =	vld [tilespmem:s22+$0x44D0];
	v4 =	vadd.f32 v5, v4;
	v5 =	vmul.f32 v12, v11;
	v1 =	vmul.f32 v1, v10  }
0x44c: {  	v7 =	vld [tilespmem:s22+$0xC4D0];
	v2 =	vadd.f32 v2, v3;
	v3 =	vmul.f32 v14, v13  }
0x44d: {  	v9 =	vmul.f32 v16, v15;
	v11 =	vld [tilespmem:s22+$0x4460];
	v1 =	vadd.f32 v5, v1;
	v5 =	vmul.f32 v18, v17  }
0x44e: {  	v58 =	vmul.f32 v24, v23;
	v8 =	vld [tilespmem:s22+$0x4550];
	v3 =	vadd.f32 v3, v4;
	v4 =	vmul.f32 v20, v19  }
0x44f: {  	v10 =	vld [tilespmem:s22+$0xC550];
	v2 =	vadd.f32 v9, v2;
	v1 =	vadd.f32 v5, v1;
	v5 =	vmul.f32 v22, v21  }
0x450: {  	v9 =	vld [tilespmem:s22+$0xC460];
	v3 =	vadd.f32 v4, v3;
	v4 =	vmul.f32 v26, v25  }
0x451: {  	v61 =	vld [tilespmem:s22+$0x4560];
	v2 =	vadd.f32 v5, v2;
	v5 =	vadd.f32 v58, v1;
	v1 =	vmul.f32 v28, v27  }
0x452: {  	v63 =	vld [tilespmem:s22+$0xC560];
	v3 =	vadd.f32 v4, v3;
	v4 =	vmul.f32 v30, v29  }
0x453: {  	v62 =	vmul.f32 v32, v31;
	v6 =	vmul.f32 v7, v6;
	v2 =	vadd.f32 v1, v2;
	v1 =	vld [tilespmem:s22+$0x4470]  }
0x454: {  	v8 =	vmul.f32 v10, v8;
	v10 =	vmul.f32 v60, v59;
	v4 =	vadd.f32 v4, v5;
	v5 =	vld [tilespmem:s22+$0xC470]  }
0x455: {  	s15 =	simm.s32 $0x0;
	v9 =	vmul.f32 v9, v11;
	v7 =	vadd.f32 v62, v3;
	v3 =	vld [tilespmem:s22+$0x44F0];
	v2 =	vadd.f32 v6, v2  }
0x456: {  	s19 =	simm.s32 $0x800;
	s25 =	simm.s32 $0x400;
	s28 =	simm.s32 $0x8400;
	v6 =	vadd.f32 v8, v4;
	v8 =	vld [tilespmem:s22+$0xC4F0]  }
0x457: {  	s29 =	simm.s32 $0x100;
	s14 =	simm.s32 $0x0;
	s26 =	simm.s32 $0x10980;
	v4 =	vadd.f32 v9, v7;
	v9 =	vmul.f32 v63, v61;
	v7 =	vld [tilespmem:s22+$0x4570];
	v2 =	vadd.f32 v10, v2  }
.LBB2_14:
0x458: {  	s0 =	sshra.s32 s19, $0x2;
	v10 =	vld [tilespmem:s22+$0xC570]  }
0x459: {  	v11 =	vld [tilespmem:s0+$0x4580];
	v1 =	vmul.f32 v5, v1;
	v5 =	vadd.f32 v9, v6  }
0x45a: {  	v6 =	vld [tilespmem:s0+$0xC580]  }
0x45b: {  	s15 =	sadd.s32 $0x4, s15;
	v9 =	vld [tilespmem:s0+$0x4590];
	v1 =	vadd.f32 v1, v4;
	v3 =	vmul.f32 v8, v3  }
0x45c: {  	p0 =	slt.u32 s15, $0x7C;
	v4 =	vld [tilespmem:s0+$0xC590]  }
0x45d: {  	v8 =	vld [tilespmem:s0+$0x45A0];
	[tilespmem:s22+$0x10A00] =	vst v1;
	v1 =	vadd.f32 v3, v2;
	v2 =	vmul.f32 v10, v7  }
0x45e: {  	v3 =	vld [tilespmem:s0+$0xC5A0]  }
0x45f: {  	v7 =	vld [tilespmem:s0+$0x45B0];
	[tilespmem:s22+$0x10A80] =	vst v1;
	v1 =	vadd.f32 v2, v5  }
0x460: {  	v2 =	vld [tilespmem:s0+$0xC5B0]  }
0x461: {  	v5 =	vmul.f32 v6, v11;
	v4 =	vmul.f32 v4, v9;
	v6 =	vld [tilespmem:s0+$0x45C0];
	[tilespmem:s22+$0x10B00] =	vst v1;
	s22 =	smov.u32 s0  }
0x462: {  	v1 =	vld [tilespmem:s22+$0xC5C0]  }
0x463: {  	v4 =	vadd.f32 v4, v5;
	v3 =	vmul.f32 v3, v8;
	v5 =	vld [tilespmem:s22+$0x45D0]  }
0x464: {  	v8 =	vld [tilespmem:s22+$0xC5D0]  }
0x465: {  	v3 =	vadd.f32 v3, v4;
	v2 =	vmul.f32 v2, v7;
	v4 =	vld [tilespmem:s22+$0x45E0]  }
0x466: {  	v7 =	vld [tilespmem:s22+$0xC5E0]  }
0x467: {  	v2 =	vadd.f32 v2, v3;
	v1 =	vmul.f32 v1, v6;
	v3 =	vld [tilespmem:s22+$0x45F0]  }
0x468: {  	v6 =	vld [tilespmem:s22+$0xC5F0]  }
0x469: {  	v9 =	vld [tilespmem:s22+$0x4400];
	v1 =	vadd.f32 v1, v2;
	v2 =	vmul.f32 v8, v5  }
0x46a: {  	v5 =	vld [tilespmem:s22+$0xC400]  }
0x46b: {  	v8 =	vld [tilespmem:s22+$0x4410];
	v1 =	vadd.f32 v2, v1;
	v2 =	vmul.f32 v7, v4  }
0x46c: {  	v4 =	vld [tilespmem:s22+$0xC410]  }
0x46d: {  	v7 =	vld [tilespmem:s22+$0x4480];
	v1 =	vadd.f32 v2, v1;
	v2 =	vmul.f32 v6, v3  }
0x46e: {  	v3 =	vld [tilespmem:s22+$0xC480]  }
0x46f: {  	v5 =	vmul.f32 v5, v9;
	v6 =	vld [tilespmem:s22+$0x4490];
	v1 =	vadd.f32 v2, v1  }
0x470: {  	v2 =	vld [tilespmem:s22+$0xC490]  }
0x471: {  	s23 =	simm.s32 $0x10580;
	s21 =	simm.s32 $0x10780;
	v4 =	vmul.f32 v4, v8;
	v8 =	vld [tilespmem:s22+$0x4500];
	[tilespmem:s22+$0x10B80] =	vst v1  }
0x472: {  	v1 =	vld [tilespmem:s22+$0xC500]  }
0x473: {  	v4 =	vadd.f32 v4, v5;
	v3 =	vmul.f32 v3, v7;
	v5 =	vld [tilespmem:s22+$0x4510]  }
0x474: {  	v7 =	vld [tilespmem:s22+$0xC510]  }
0x475: {  	v9 =	vld [tilespmem:s22+$0x4420];
	v2 =	vmul.f32 v2, v6  }
0x476: {  	v6 =	vld [tilespmem:s22+$0xC420]  }
0x477: {  	v2 =	vadd.f32 v2, v3;
	v3 =	vld [tilespmem:s22+$0x44A0];
	v1 =	vmul.f32 v1, v8  }
0x478: {  	v8 =	vld [tilespmem:s22+$0xC4A0]  }
0x479: {  	v5 =	vmul.f32 v7, v5;
	v7 =	vld [tilespmem:s22+$0x4520]  }
0x47a: {  	v10 =	vld [tilespmem:s22+$0xC520]  }
0x47b: {  	v6 =	vmul.f32 v6, v9;
	v9 =	vld [tilespmem:s22+$0x4430];
	v1 =	vadd.f32 v5, v1  }
0x47c: {  	v5 =	vld [tilespmem:s22+$0xC430]  }
0x47d: {  	v4 =	vadd.f32 v6, v4;
	v3 =	vmul.f32 v8, v3;
	v6 =	vld [tilespmem:s22+$0x44B0]  }
0x47e: {  	v8 =	vld [tilespmem:s22+$0xC4B0]  }
0x47f: {  	v2 =	vadd.f32 v3, v2;
	v3 =	vmul.f32 v10, v7;
	v7 =	vld [tilespmem:s22+$0x4530]  }
0x480: {  	v10 =	vld [tilespmem:s22+$0xC530]  }
0x481: {  	v5 =	vmul.f32 v5, v9;
	v9 =	vld [tilespmem:s22+$0x4440];
	v1 =	vadd.f32 v3, v1  }
0x482: {  	v3 =	vld [tilespmem:s22+$0xC440]  }
0x483: {  	v4 =	vadd.f32 v5, v4;
	v5 =	vmul.f32 v8, v6;
	v6 =	vld [tilespmem:s22+$0x44C0]  }
0x484: {  	v8 =	vld [tilespmem:s22+$0xC4C0]  }
0x485: {  	v2 =	vadd.f32 v5, v2;
	v5 =	vmul.f32 v10, v7;
	v7 =	vld [tilespmem:s22+$0x4540]  }
0x486: {  	v10 =	vld [tilespmem:s22+$0xC540]  }
0x487: {  	v3 =	vmul.f32 v3, v9;
	v9 =	vld [tilespmem:s22+$0x4450];
	v1 =	vadd.f32 v5, v1  }
0x488: {  	v5 =	vld [tilespmem:s22+$0xC450]  }
0x489: {  	v3 =	vadd.f32 v3, v4;
	v4 =	vmul.f32 v8, v6;
	v6 =	vld [tilespmem:s22+$0x44D0]  }
0x48a: {  	v8 =	vld [tilespmem:s22+$0xC4D0]  }
0x48b: {  	v2 =	vadd.f32 v4, v2;
	v4 =	vmul.f32 v10, v7;
	v7 =	vld [tilespmem:s22+$0x4550]  }
0x48c: {  	v10 =	vld [tilespmem:s22+$0xC550]  }
0x48d: {  	v5 =	vmul.f32 v5, v9;
	v9 =	vld [tilespmem:s22+$0x4460];
	v4 =	vadd.f32 v4, v1  }
0x48e: {  	v1 =	vld [tilespmem:s22+$0xC460]  }
0x48f: {  	v3 =	vadd.f32 v5, v3;
	v5 =	vmul.f32 v8, v6;
	v8 =	vld [tilespmem:s22+$0x44E0]  }
0x490: {  	v11 =	vld [tilespmem:s22+$0xC4E0]  }
0x491: {  	v2 =	vadd.f32 v5, v2;
	v5 =	vmul.f32 v10, v7;
	v7 =	vld [tilespmem:s22+$0x4560]  }
0x492: {  	v10 =	vld [tilespmem:s22+$0xC560]  }
.Ltmp6:
0x493: {  	v9 =	vmul.f32 v1, v9;
	v1 =	vld [tilespmem:s22+$0x4470];
	v6 =	vadd.f32 v5, v4;
	(pc) =	sbr.rel @p0 .LBB2_14-.Ltmp6, $4  }
0x494: {  	v5 =	vld [tilespmem:s22+$0xC470]  }
0x495: {  	v4 =	vadd.f32 v9, v3;
	v9 =	vmul.f32 v11, v8;
	v3 =	vld [tilespmem:s22+$0x44F0]  }
0x496: {  	v8 =	vld [tilespmem:s22+$0xC4F0]  }
0x497: {  	s19 =	sadd.s32 $0x800, s19;
	v2 =	vadd.f32 v9, v2;
	v9 =	vmul.f32 v10, v7;
	v7 =	vld [tilespmem:s22+$0x4570]  }
0x498: {  	v10 =	vld [tilespmem:s22+$0xC570];
	_ =	sdelay $0x1  }
0x499: {  	v11 =	vmov s14  }
0x49a: {  	v1 =	vmul.f32 v5, v1;
	v5 =	vshll.u32 v11, $0x7  }
0x49b: {  	v6 =	vadd.f32 v9, v6;
	v5 =	vor.u32 v0, v5;
	v3 =	vmul.f32 v8, v3  }
0x49c: {  	v1 =	vadd.f32 v1, v4;
	v4 =	vmul.f32 v10, v7;
	v7 =	vor.u32 $0x1, v5  }
0x49d: {  	v2 =	vadd.f32 v3, v2  }
0x49e: {  	[tilespmem:s22+$0x10A00] =	vst v1;
	v1 =	vadd.f32 v4, v6  }
0x49f: {  	[tilespmem:s22+$0x10A80] =	vst v2;
	v2 =	vor.u32 $0x2, v5  }
0x4a0: {  	[tilespmem:s22+$0x10B00] =	vst v1  }
0x4a1: {  	v3 =	vor.u32 $0x3, v5;
	v1 =	vld.idx.msk [tilespmem:v7+s17+$0x0], $0xffff  }
0x4a2: {  	v4 =	vld.idx.msk [tilespmem:v5+s17+$0x0], $0xffff  }
0x4a3: {  	v6 =	vor.u32 $0x4, v5  }
0x4a4: {  	v2 =	vld.idx.msk [tilespmem:v2+s17+$0x0], $0xffff  }
0x4a5: {  	v7 =	vor.u32 $0x5, v5  }
0x4a6: {  	v3 =	vld.idx.msk [tilespmem:v3+s17+$0x0], $0xffff  }
0x4a7: {  	v58 =	vor.u32 $0x6, v5;
	v1 =	vadd.f32 v1, v4  }
0x4a8: {  	v4 =	vld.idx.msk [tilespmem:v6+s17+$0x0], $0xffff  }
0x4a9: {  	v6 =	vor.u32 $0x7, v5;
	v1 =	vadd.f32 v2, v1  }
0x4aa: {  	v2 =	vld.idx.msk [tilespmem:v7+s17+$0x0], $0xffff  }
0x4ab: {  	v7 =	vor.u32 $0x8, v5;
	v1 =	vadd.f32 v3, v1  }
0x4ac: {  	v3 =	vld.idx.msk [tilespmem:v58+s17+$0x0], $0xffff  }
0x4ad: {  	v59 =	vor.u32 $0x9, v5;
	v1 =	vadd.f32 v4, v1  }
0x4ae: {  	v4 =	vld.idx.msk [tilespmem:v6+s17+$0x0], $0xffff  }
0x4af: {  	v6 =	vor.u32 $0xA, v5;
	v1 =	vadd.f32 v2, v1  }
0x4b0: {  	v2 =	vld.idx.msk [tilespmem:v7+s17+$0x0], $0xffff  }
0x4b1: {  	v7 =	vor.u32 $0xB, v5;
	v1 =	vadd.f32 v3, v1  }
0x4b2: {  	v3 =	vld.idx.msk [tilespmem:v59+s17+$0x0], $0xffff  }
0x4b3: {  	v60 =	vor.u32 $0xC, v5;
	v1 =	vadd.f32 v4, v1  }
0x4b4: {  	v4 =	vld.idx.msk [tilespmem:v6+s17+$0x0], $0xffff  }
0x4b5: {  	v6 =	vor.u32 $0xD, v5;
	v1 =	vadd.f32 v2, v1  }
0x4b6: {  	v2 =	vld.idx.msk [tilespmem:v7+s17+$0x0], $0xffff  }
0x4b7: {  	v7 =	vor.u32 $0xE, v5;
	v1 =	vadd.f32 v3, v1  }
0x4b8: {  	v3 =	vld.idx.msk [tilespmem:v60+s17+$0x0], $0xffff  }
0x4b9: {  	v5 =	vor.u32 $0xF, v5;
	v1 =	vadd.f32 v4, v1  }
0x4ba: {  	v4 =	vld.idx.msk [tilespmem:v6+s17+$0x0], $0xffff  }
0x4bb: {  	v1 =	vadd.f32 v2, v1  }
0x4bc: {  	v2 =	vld.idx.msk [tilespmem:v7+s17+$0x0], $0xffff  }
0x4bd: {  	v1 =	vadd.f32 v3, v1  }
0x4be: {  	v3 =	vld.idx.msk [tilespmem:v5+s17+$0x0], $0xffff  }
0x4bf: {  	v1 =	vadd.f32 v4, v1  }
0x4c0: {  	v4 =	vld [tilespmem:s23+$0x0]  }
0x4c1: {  	s0 =	simm.s32 $0x10;
	v1 =	vadd.f32 v2, v1  }
0x4c2: {  	v5 =	vld [tilespmem:s21+$0x0];
	v2 =	vmov s0  }
0x4c3: {  	v2 =	vshll.u32 v2, $0x7;
	v1 =	vadd.f32 v3, v1  }
0x4c4: {  	v2 =	vor.u32 v0, v2  }
0x4c5: {  	v3 =	vor.u32 $0x1, v2;
	v1 =	vadd.f32 v4, v1;
	_ =	sdelay $0x1  }
0x4c6: {  	v1 =	vadd.f32 v5, v1  }
0x4c7: {  	v4 =	vor.u32 $0x2, v2  }
0x4c8: {  	[tilespmem:s26+$0x0] =	vst v1  }
0x4c9: {  	v1 =	vld.idx.msk [tilespmem:v3+s17+$0x0], $0xffff;
	v3 =	vor.u32 $0x3, v2  }
0x4ca: {  	v5 =	vld.idx.msk [tilespmem:v2+s17+$0x0], $0xffff  }
0x4cb: {  	v6 =	vor.u32 $0x4, v2  }
0x4cc: {  	v4 =	vld.idx.msk [tilespmem:v4+s17+$0x0], $0xffff  }
0x4cd: {  	v7 =	vor.u32 $0x5, v2  }
0x4ce: {  	v3 =	vld.idx.msk [tilespmem:v3+s17+$0x0], $0xffff  }
0x4cf: {  	v61 =	vor.u32 $0x6, v2;
	v1 =	vadd.f32 v1, v5  }
0x4d0: {  	v5 =	vld.idx.msk [tilespmem:v6+s17+$0x0], $0xffff  }
0x4d1: {  	v6 =	vor.u32 $0x7, v2;
	v1 =	vadd.f32 v4, v1  }
0x4d2: {  	v4 =	vld.idx.msk [tilespmem:v7+s17+$0x0], $0xffff  }
0x4d3: {  	v7 =	vor.u32 $0x8, v2;
	v1 =	vadd.f32 v3, v1  }
0x4d4: {  	v3 =	vld.idx.msk [tilespmem:v61+s17+$0x0], $0xffff  }
0x4d5: {  	v62 =	vor.u32 $0x9, v2;
	v1 =	vadd.f32 v5, v1  }
0x4d6: {  	v5 =	vld.idx.msk [tilespmem:v6+s17+$0x0], $0xffff  }
0x4d7: {  	v6 =	vor.u32 $0xA, v2;
	v1 =	vadd.f32 v4, v1  }
0x4d8: {  	v4 =	vld.idx.msk [tilespmem:v7+s17+$0x0], $0xffff  }
0x4d9: {  	v7 =	vor.u32 $0xB, v2;
	v1 =	vadd.f32 v3, v1  }
0x4da: {  	v3 =	vld.idx.msk [tilespmem:v62+s17+$0x0], $0xffff  }
0x4db: {  	v63 =	vor.u32 $0xC, v2;
	v1 =	vadd.f32 v5, v1  }
0x4dc: {  	v5 =	vld.idx.msk [tilespmem:v6+s17+$0x0], $0xffff  }
0x4dd: {  	v6 =	vor.u32 $0xD, v2;
	v1 =	vadd.f32 v4, v1  }
0x4de: {  	v4 =	vld.idx.msk [tilespmem:v7+s17+$0x0], $0xffff  }
0x4df: {  	v7 =	vor.u32 $0xE, v2;
	v1 =	vadd.f32 v3, v1  }
0x4e0: {  	v3 =	vld.idx.msk [tilespmem:v63+s17+$0x0], $0xffff  }
0x4e1: {  	v1 =	vadd.f32 v5, v1  }
0x4e2: {  	v2 =	vor.u32 $0xF, v2;
	v5 =	vld.idx.msk [tilespmem:v6+s17+$0x0], $0xffff  }
0x4e3: {  	v1 =	vadd.f32 v4, v1  }
0x4e4: {  	v4 =	vld.idx.msk [tilespmem:v7+s17+$0x0], $0xffff  }
0x4e5: {  	v1 =	vadd.f32 v3, v1;
	_ =	sdelay $0x1  }
0x4e6: {  	v3 =	vld.idx.msk [tilespmem:v2+s17+$0x0], $0xffff;
	v1 =	vadd.f32 v5, v1  }
0x4e7: {  	s14 =	simm.s32 $0x10590  }
0x4e8: {  	v5 =	vadd.f32 v4, v1;
	v1 =	vld [tilespmem:s14+$0x0]  }
0x4e9: {  	s15 =	simm.s32 $0x10790;
	s23 =	simm.s32 $0x20  }
0x4ea: {  	v2 =	vld [tilespmem:s15+$0x0];
	v4 =	vmov s23  }
0x4eb: {  	s19 =	simm.s32 $0x30;
	v4 =	vshll.u32 v4, $0x7;
	v3 =	vadd.f32 v3, v5  }
.LBB2_16:
0x4ec: {  	p0 =	sne.s32 s19, $0x70;
	v4 =	vor.u32 v0, v4  }
0x4ed: {  	v5 =	vor.u32 $0x1, v4;
	v1 =	vadd.f32 v1, v3;
	_ =	sdelay $0x1  }
0x4ee: {  	v1 =	vadd.f32 v2, v1  }
0x4ef: {  	s26 =	sadd.s32 $0x10, s26;
	v2 =	vor.u32 $0x2, v4  }
0x4f0: {  	[tilespmem:s26+$0x0] =	vst v1  }
0x4f1: {  	v3 =	vor.u32 $0x3, v4;
	v1 =	vld.idx.msk [tilespmem:v5+s17+$0x0], $0xffff  }
0x4f2: {  	v5 =	vld.idx.msk [tilespmem:v4+s17+$0x0], $0xffff  }
0x4f3: {  	v6 =	vor.u32 $0x4, v4  }
0x4f4: {  	v2 =	vld.idx.msk [tilespmem:v2+s17+$0x0], $0xffff  }
0x4f5: {  	v7 =	vor.u32 $0x5, v4  }
0x4f6: {  	v3 =	vld.idx.msk [tilespmem:v3+s17+$0x0], $0xffff  }
0x4f7: {  	v8 =	vor.u32 $0x6, v4  }
0x4f8: {  	v1 =	vadd.f32 v1, v5;
	v5 =	vld.idx.msk [tilespmem:v6+s17+$0x0], $0xffff  }
0x4f9: {  	v6 =	vor.u32 $0x7, v4  }
0x4fa: {  	v1 =	vadd.f32 v2, v1;
	v2 =	vld.idx.msk [tilespmem:v7+s17+$0x0], $0xffff  }
0x4fb: {  	v7 =	vor.u32 $0x8, v4  }
0x4fc: {  	v1 =	vadd.f32 v3, v1;
	v3 =	vld.idx.msk [tilespmem:v8+s17+$0x0], $0xffff  }
0x4fd: {  	v8 =	vor.u32 $0x9, v4  }
0x4fe: {  	v1 =	vadd.f32 v5, v1;
	v5 =	vld.idx.msk [tilespmem:v6+s17+$0x0], $0xffff  }
0x4ff: {  	v6 =	vor.u32 $0xA, v4  }
0x500: {  	v1 =	vadd.f32 v2, v1;
	v2 =	vld.idx.msk [tilespmem:v7+s17+$0x0], $0xffff  }
0x501: {  	v7 =	vor.u32 $0xB, v4  }
0x502: {  	v1 =	vadd.f32 v3, v1;
	v3 =	vld.idx.msk [tilespmem:v8+s17+$0x0], $0xffff  }
0x503: {  	v8 =	vor.u32 $0xC, v4  }
0x504: {  	v1 =	vadd.f32 v5, v1;
	v5 =	vld.idx.msk [tilespmem:v6+s17+$0x0], $0xffff  }
0x505: {  	v6 =	vor.u32 $0xD, v4  }
0x506: {  	v1 =	vadd.f32 v2, v1;
	v2 =	vld.idx.msk [tilespmem:v7+s17+$0x0], $0xffff  }
0x507: {  	v7 =	vor.u32 $0xE, v4  }
0x508: {  	v1 =	vadd.f32 v3, v1;
	v3 =	vld.idx.msk [tilespmem:v8+s17+$0x0], $0xffff  }
0x509: {  	v4 =	vor.u32 $0xF, v4  }
0x50a: {  	v1 =	vadd.f32 v5, v1;
	v5 =	vld.idx.msk [tilespmem:v6+s17+$0x0], $0xffff;
	_ =	sdelay $0x1  }
0x50b: {  	v1 =	vadd.f32 v2, v1;
	v2 =	vld.idx.msk [tilespmem:v7+s17+$0x0], $0xffff;
	_ =	sdelay $0x1  }
0x50c: {  	v1 =	vadd.f32 v3, v1;
	v3 =	vld.idx.msk [tilespmem:v4+s17+$0x0], $0xffff;
	_ =	sdelay $0x1  }
.Ltmp7:
0x50d: {  	s14 =	sadd.s32 $0x10, s14;
	v4 =	vadd.f32 v5, v1;
	(pc) =	sbr.rel @p0 .LBB2_16-.Ltmp7, $4  }
0x50e: {  	v1 =	vld [tilespmem:s14+$0x0]  }
0x50f: {  	s15 =	sadd.s32 $0x10, s15;
	v5 =	vadd.f32 v2, v4  }
0x510: {  	v4 =	vmov s19;
	v2 =	vld [tilespmem:s15+$0x0]  }
0x511: {  	s19 =	sadd.s32 $0x10, s19;
	v4 =	vshll.u32 v4, $0x7;
	v3 =	vadd.f32 v3, v5  }
0x512: {  	v4 =	vor.u32 v0, v4  }
0x513: {  	v5 =	vor.u32 $0x1, v4;
	v1 =	vadd.f32 v1, v3;
	_ =	sdelay $0x1  }
0x514: {  	v1 =	vadd.f32 v2, v1  }
0x515: {  	s0 =	sadd.s32 $0x10, s26;
	v2 =	vor.u32 $0x2, v4  }
0x516: {  	[tilespmem:s0+$0x0] =	vst v1  }
0x517: {  	v3 =	vor.u32 $0x3, v4;
	v1 =	vld.idx.msk [tilespmem:v5+s17+$0x0], $0xffff  }
0x518: {  	v50 =	vld.idx.msk [tilespmem:v4+s17+$0x0], $0xffff  }
0x519: {  	v6 =	vor.u32 $0x4, v4  }
0x51a: {  	v2 =	vld.idx.msk [tilespmem:v2+s17+$0x0], $0xffff  }
0x51b: {  	v7 =	vor.u32 $0x5, v4  }
0x51c: {  	v3 =	vld.idx.msk [tilespmem:v3+s17+$0x0], $0xffff  }
0x51d: {  	v8 =	vor.u32 $0x6, v4;
	v1 =	vadd.f32 v1, v50  }
0x51e: {  	v51 =	vld.idx.msk [tilespmem:v6+s17+$0x0], $0xffff  }
0x51f: {  	v52 =	vor.u32 $0x7, v4;
	v1 =	vadd.f32 v2, v1  }
0x520: {  	v2 =	vld.idx.msk [tilespmem:v7+s17+$0x0], $0xffff  }
0x521: {  	v53 =	vor.u32 $0x8, v4;
	v1 =	vadd.f32 v3, v1  }
0x522: {  	v3 =	vld.idx.msk [tilespmem:v8+s17+$0x0], $0xffff  }
0x523: {  	v54 =	vor.u32 $0x9, v4;
	v1 =	vadd.f32 v51, v1  }
0x524: {  	v55 =	vld.idx.msk [tilespmem:v52+s17+$0x0], $0xffff  }
0x525: {  	v56 =	vor.u32 $0xA, v4;
	v1 =	vadd.f32 v2, v1  }
0x526: {  	v2 =	vld.idx.msk [tilespmem:v53+s17+$0x0], $0xffff  }
0x527: {  	v57 =	vor.u32 $0xB, v4;
	v1 =	vadd.f32 v3, v1  }
0x528: {  	v3 =	vld.idx.msk [tilespmem:v54+s17+$0x0], $0xffff  }
0x529: {  	v58 =	vor.u32 $0xC, v4;
	v1 =	vadd.f32 v55, v1  }
0x52a: {  	v59 =	vld.idx.msk [tilespmem:v56+s17+$0x0], $0xffff  }
0x52b: {  	v60 =	vor.u32 $0xD, v4;
	v1 =	vadd.f32 v2, v1  }
0x52c: {  	v2 =	vld.idx.msk [tilespmem:v57+s17+$0x0], $0xffff  }
0x52d: {  	v61 =	vor.u32 $0xE, v4;
	v1 =	vadd.f32 v3, v1  }
0x52e: {  	v3 =	vld.idx.msk [tilespmem:v58+s17+$0x0], $0xffff  }
0x52f: {  	v4 =	vor.u32 $0xF, v4;
	v1 =	vadd.f32 v59, v1  }
0x530: {  	v62 =	vld.idx.msk [tilespmem:v60+s17+$0x0], $0xffff  }
0x531: {  	v1 =	vadd.f32 v2, v1  }
0x532: {  	v2 =	vld.idx.msk [tilespmem:v61+s17+$0x0], $0xffff  }
0x533: {  	v1 =	vadd.f32 v3, v1  }
0x534: {  	v3 =	vld.idx.msk [tilespmem:v4+s17+$0x0], $0xffff  }
0x535: {  	s14 =	sadd.s32 $0x10, s14;
	v1 =	vadd.f32 v62, v1  }
0x536: {  	v63 =	vld [tilespmem:s14+$0x0]  }
0x537: {  	s23 =	sadd.s32 $0x10, s15;
	v1 =	vadd.f32 v2, v1  }
0x538: {  	v2 =	vld [tilespmem:s23+$0x0]  }
0x539: {  	v1 =	vadd.f32 v3, v1;
	_ =	sdelay $0x1  }
0x53a: {  	v1 =	vadd.f32 v63, v1;
	_ =	sdelay $0x1  }
0x53b: {  	s24 =	sadd.s32 $0x1, s24;
	v1 =	vadd.f32 v2, v1  }
0x53c: {  	p0 =	sne.s32 s24, s10;
	s0 =	sadd.s32 $0x10, s0  }
.Ltmp8:
0x53d: {  	s26 =	simm.s32 $0x10800;
	[tilespmem:s0+$0x0] =	vst v1;
	(pc) =	sbr.rel @p0 .LBB2_1-.Ltmp8, $4  }
0x53e: {  	[hbm4b:s9+s5] =	stream.linear.scatter [tilespmem:s26], [sflag:$0x6], $0x200, $0x38;
	[tilespmem:$0x14A00] =	vst v63  }
0x53f: {  	_ =	swait.ge [sflag:s11], $0x200  }
0x540: {  	[sflag:s11] =	ssyncset.done $0x0  }
0x541: {  	[sflag:s11] =	ssyncadd.s32 $0xFFFFFE00  }
0x542: {  	_ =	sfence.sel $0x180000  }
0x543: {  	[bflag:$0x0] =	sbarrier.arrive $0xFFFF  }
0x544: {  	_ =	strace $0x90000047  }
0x545: {  	s0 =	stileid.u32;
	[bflag:$0x2] =	sbarrier.arrive $0xFFFF  }
0x546: {  	p0 =	sne.s32 s0, $0x0;
	s0 =	rddreg [dreg:$0x6]  }
0x547: {  	s0 =	sadd.s32 @!p0 $0x100000, s0  }
0x548: {  	[sflag:s0] =	ssyncadd.tile.s32 @!p0 $0x1;
	_ =	shalt  }
.Lfunc_end2:
_tile_overlayer_lowered:
.L_overlay_start_2:
0x549: {  	(tag) =	ssettag $0x2  }
0x54a: {  	s0 =	rddreg [dreg:$0x0];
	s2 =	stileid.u32  }
0x54b: {  	s1 =	rddreg [dreg:$0x1];
	p0 =	sne.s32 s2, $0x0  }
0x54c: {  	s3 =	rddreg [dreg:$0x2];
	[bflag:$0x3] =	sbarrier.arrive $0xFFFF;
	s2 =	simm.s32 @!p0 $0x1C06  }
0x54d: {  	[timem:s3], [sflag:s2] =	dma.local @!p0 [hbm:s0], s1  }
0x54e: {  	s0 =	simm.s32 @!p0 $0x6  }
0x54f: {  	_ =	swait.ge @!p0 [sflag:s0], s1  }
0x550: {  	s1 =	ssub.s32 @!p0 $0x0, s1;
	[sflag:s0] =	ssyncset.done @!p0 $0x0  }
0x551: {  	[sflag:s0] =	ssyncadd.s32 @!p0 s1  }
0x552: {  	[bflag:$0x3] =	sbarrier.arrive $0xFFFF  }
0x553: {  	_ =	shalt  }

</sc_bundles>
